<compile_context>
chip_gen: v7x
topology: tpu7x:2x2x1
jax: 0.10.2.dev20260603
libtpu: 0.0.44.dev20260713+nightly
codegen_flags: <defaults>
</compile_context>

<pallas_src>
import functools

import jax
import jax.numpy as jnp
from jax import lax
from jax.experimental import pallas as pl
from jax.experimental.pallas import tpu as pltpu
from jax.experimental.pallas import tpu_sc as plsc

N = 10000
E = 320000
D = 128
H = 128
EPS = 1e-5

NC = 2
NS = 16
HH = H // NC
NP = 10240
K = 128
NCH = E // K
CPT = 156
IDXB = 12
NBLK = CPT // IDXB
RPT = NP // NS
ZR = 32
ZR4 = 128
DW = 16

ROWBLK = 2048


def _zero_fill(ref, rows, width):
  z = jnp.zeros((16,), jnp.float32)
  def body(i, _):
    for j in range(width // 16):
      ref[i, pl.ds(j * 16, 16)] = z
    return 0
  lax.fori_loop(0, rows, body, 0)


def _fill_ones(ref, rows):
  o = jnp.ones((16,), jnp.float32)
  def body(i, _):
    ref[i, :] = o
    return 0
  lax.fori_loop(0, rows, body, 0)


def _sc_agg_body(with_deg, *refs):
  if with_deg:
    (h_hbm, e_hbm, agg_out, deg_out,
     h_sh, agg_sh, deg_sh, src_v, dst_v, rows_v, zbuf, zdeg, ones_v,
     gsem, ssem, isem, dsem) = refs
    NB = 3
  else:
    (h_hbm, e_hbm, agg_out,
     h_sh, agg_sh, src_v, dst_v, rows_v, zbuf,
     gsem, ssem, isem) = refs
    NB = 4

  cid = lax.axis_index("c")
  sid = lax.axis_index("s")
  row0 = sid * RPT
  col0 = cid * HH
  base = sid * CPT

  pltpu.sync_copy(h_hbm.at[pl.ds(row0, RPT), pl.ds(col0, HH)],
                  h_sh.at[pl.ds(row0, RPT)])

  _zero_fill(zbuf, ZR, HH)
  for i in range(RPT // ZR):
    pltpu.sync_copy(zbuf, agg_sh.at[pl.ds(row0 + i * ZR, ZR)])
  if with_deg:
    _zero_fill(zdeg, ZR4, DW)
    _fill_ones(ones_v, K)
    for i in range(RPT // ZR4):
      pltpu.sync_copy(zdeg, deg_sh.at[pl.ds(row0 + i * ZR4, ZR4)])

  plsc.subcore_barrier()

  def gather_start(pb, q):
    b = q % NB
    pltpu.async_copy(h_sh.at[src_v.at[pb, q]], rows_v.at[b], gsem.at[b])

  def gather_wait(pb, q):
    b = q % NB
    pltpu.make_async_copy(h_sh.at[src_v.at[pb, q]], rows_v.at[b],
                          gsem.at[b]).wait()

  def scatter_start(pb, q):
    b = q % NB
    pltpu.async_copy(rows_v.at[b], agg_sh.at[dst_v.at[pb, q]], ssem.at[b],
                     add=True)

  def scatter_wait(pb, q):
    b = q % NB
    pltpu.make_async_copy(rows_v.at[b], agg_sh.at[dst_v.at[pb, q]],
                          ssem.at[b]).wait()

  def idx_start(ib, pb):
    pltpu.async_copy(e_hbm.at[0, pl.ds(base + ib * IDXB, IDXB)],
                     src_v.at[pb], isem.at[pb])
    pltpu.async_copy(e_hbm.at[1, pl.ds(base + ib * IDXB, IDXB)],
                     dst_v.at[pb], isem.at[pb])

  def idx_wait(ib, pb):
    pltpu.make_async_copy(e_hbm.at[0, pl.ds(base + ib * IDXB, IDXB)],
                          src_v.at[pb], isem.at[pb]).wait()
    pltpu.make_async_copy(e_hbm.at[1, pl.ds(base + ib * IDXB, IDXB)],
                          dst_v.at[pb], isem.at[pb]).wait()

  def g_gather_start(g):
    gather_start((g // IDXB) % 2, g % IDXB)

  def g_gather_wait(g):
    gather_wait((g // IDXB) % 2, g % IDXB)

  def g_scatter_start(g):
    scatter_start((g // IDXB) % 2, g % IDXB)

  def g_scatter_wait(g):
    scatter_wait((g // IDXB) % 2, g % IDXB)

  def g_deg_ref(g):
    return deg_sh.at[dst_v.at[(g // IDXB) % 2, g % IDXB]]

  idx_start(0, 0)
  idx_wait(0, 0)
  g_gather_start(0)

  def step(g, _):
    ib = g // IDXB
    qq = g % IDXB
    @pl.when((qq == NB) & (ib + 1 < NBLK))
    def _():
      idx_start(ib + 1, (ib + 1) % 2)
    @pl.when(g + 1 < CPT)
    def _():
      @pl.when(g + 1 >= NB)
      def _():
        g_scatter_wait(g + 1 - NB)
      @pl.when((g + 1) % IDXB == 0)
      def _():
        idx_wait(ib + 1, (ib + 1) % 2)
      g_gather_start(g + 1)
    g_gather_wait(g)
    g_scatter_start(g)
    if with_deg:
      @pl.when(g % 2 == cid)
      def _():
        @pl.when(g >= 2)
        def _():
          pltpu.make_async_copy(ones_v, g_deg_ref(g - 2), dsem.at[0]).wait()
        pltpu.async_copy(ones_v, g_deg_ref(g), dsem.at[0], add=True)
    return 0
  lax.fori_loop(0, CPT, step, 0)

  for g in range(CPT - NB, CPT):
    g_scatter_wait(g)
  if with_deg:
    pltpu.make_async_copy(ones_v, g_deg_ref(CPT - 2 + cid),
                          dsem.at[0]).wait()

  @pl.when(sid < NCH - NS * CPT)
  def _():
    xc = NS * CPT + sid
    pltpu.sync_copy(e_hbm.at[0, pl.ds(xc, 1)], src_v.at[0, pl.ds(0, 1)])
    pltpu.sync_copy(e_hbm.at[1, pl.ds(xc, 1)], dst_v.at[0, pl.ds(0, 1)])
    pltpu.async_copy(h_sh.at[src_v.at[0, 0]], rows_v.at[0],
                     gsem.at[0]).wait()
    pltpu.sync_copy(rows_v.at[0], agg_sh.at[dst_v.at[0, 0]], add=True)
    if with_deg:
      @pl.when(cid == 0)
      def _():
        pltpu.sync_copy(ones_v, deg_sh.at[dst_v.at[0, 0]], add=True)

  plsc.subcore_barrier()

  pltpu.sync_copy(agg_sh.at[pl.ds(row0, RPT)],
                  agg_out.at[pl.ds(row0, RPT), pl.ds(col0, HH)])
  if with_deg:
    pltpu.sync_copy(deg_sh.at[pl.ds(row0, RPT)],
                    deg_out.at[cid, pl.ds(row0, RPT)])


def _make_sc_agg(with_deg):
  mesh = plsc.VectorSubcoreMesh(core_axis_name="c", subcore_axis_name="s")
  out_type = [jax.ShapeDtypeStruct((NP, H), jnp.float32)]
  scratch = [
      pltpu.VMEM_SHARED((NP, HH), jnp.float32),
      pltpu.VMEM_SHARED((NP, HH), jnp.float32),
  ]
  if with_deg:
    out_type.append(jax.ShapeDtypeStruct((NC, NP, DW), jnp.float32))
    scratch.append(pltpu.VMEM_SHARED((NP, DW), jnp.float32))
  nb = 3 if with_deg else 4
  scratch += [
      pltpu.VMEM((2, IDXB, K), jnp.int32),
      pltpu.VMEM((2, IDXB, K), jnp.int32),
      pltpu.VMEM((nb, K, HH), jnp.float32),
      pltpu.VMEM((ZR, HH), jnp.float32),
  ]
  if with_deg:
    scratch += [
        pltpu.VMEM((ZR4, DW), jnp.float32),
        pltpu.VMEM((K, DW), jnp.float32),
    ]
  scratch.append(pltpu.SemaphoreType.DMA((nb,)))
  scratch.append(pltpu.SemaphoreType.DMA((nb,)))
  scratch.append(pltpu.SemaphoreType.DMA((2,)))
  if with_deg:
    scratch.append(pltpu.SemaphoreType.DMA((2,)))
  return pl.kernel(
      functools.partial(_sc_agg_body, with_deg),
      out_type=tuple(out_type),
      mesh=mesh,
      scratch_types=tuple(scratch),
      compiler_params=pltpu.CompilerParams(use_tc_tiling_on_sc=False),
  )


def _pre_body(x_ref, w_ref, b_ref, hf_ref):
  h = jnp.dot(x_ref[...], w_ref[...], preferred_element_type=jnp.float32)
  hf_ref[...] = jnp.maximum(h + b_ref[...], 0.0)


def _conv_body(head, *refs):
  if head:
    (agg_ref, deg_ref, h_ref, llw_ref, llb_ref, lrw_ref, g_ref, b_ref,
     hw_ref, hb_ref, hf_ref, y_ref) = refs
  else:
    (agg_ref, deg_ref, h_ref, llw_ref, llb_ref, lrw_ref, g_ref, b_ref,
     hf_ref) = refs
  deg = deg_ref[0][:, 0:1] + deg_ref[1][:, 0:1]
  inv = 1.0 / jnp.maximum(deg, 1.0)
  z = jnp.dot(agg_ref[...] * inv, llw_ref[...],
              preferred_element_type=jnp.float32)
  z = z + jnp.dot(h_ref[...], lrw_ref[...], preferred_element_type=jnp.float32)
  z = z + llb_ref[...]
  bn_scale = g_ref[...] * (1.0 / jnp.sqrt(1.0 + EPS))
  h = jnp.maximum(z * bn_scale + b_ref[...], 0.0)
  hf_ref[...] = h
  if head:
    y_ref[...] = lax.dot_general(
        hw_ref[...], h, (((1,), (1,)), ((), ())),
        preferred_element_type=jnp.float32) + hb_ref[...]


_row_spec = pl.BlockSpec((ROWBLK, H), lambda i: (i, 0))
_deg_spec = pl.BlockSpec((NC, ROWBLK, DW), lambda i: (0, i, 0))
_full_spec = pl.BlockSpec((H, H), lambda i: (0, 0))
_vec_spec = pl.BlockSpec((1, H), lambda i: (0, 0))


def _tc_pre(x, w, b):
  return pl.pallas_call(
      _pre_body,
      grid=(NP // ROWBLK,),
      in_specs=[_row_spec, _full_spec, _vec_spec],
      out_specs=_row_spec,
      out_shape=jax.ShapeDtypeStruct((NP, H), jnp.float32),
  )(x, w, b)


def _tc_conv(agg, deg, h, llw, llb, lrw, g, b):
  return pl.pallas_call(
      functools.partial(_conv_body, False),
      grid=(NP // ROWBLK,),
      in_specs=[
          _row_spec, _deg_spec,
          _row_spec, _full_spec, _vec_spec, _full_spec, _vec_spec, _vec_spec,
      ],
      out_specs=_row_spec,
      out_shape=jax.ShapeDtypeStruct((NP, H), jnp.float32),
  )(agg, deg, h, llw, llb, lrw, g, b)


def _tc_conv_head(agg, deg, h, llw, llb, lrw, g, b, hw, hb):
  return pl.pallas_call(
      functools.partial(_conv_body, True),
      grid=(NP // ROWBLK,),
      in_specs=[
          _row_spec, _deg_spec,
          _row_spec, _full_spec, _vec_spec, _full_spec, _vec_spec, _vec_spec,
          pl.BlockSpec((1, H), lambda i: (0, 0)),
          pl.BlockSpec((1, 1), lambda i: (0, 0)),
      ],
      out_specs=[_row_spec, pl.BlockSpec((1, ROWBLK), lambda i: (0, i))],
      out_shape=[
          jax.ShapeDtypeStruct((N, H), jnp.float32),
          jax.ShapeDtypeStruct((1, N), jnp.float32),
      ],
  )(agg, deg, h, llw, llb, lrw, g, b, hw, hb)


def kernel(x, edge_index, pre_w, pre_b, c0_ll_w, c0_ll_b, c0_lr_w,
           c1_ll_w, c1_ll_b, c1_lr_w, n0_g, n0_b, n1_g, n1_b,
           head_w, head_b):
  e3 = edge_index.reshape(2, NCH, K)

  h0 = _tc_pre(x, pre_w, pre_b.reshape(1, H))

  agg0, deg = _make_sc_agg(True)(h0, e3)
  h1 = _tc_conv(agg0, deg, h0, c0_ll_w, c0_ll_b.reshape(1, H),
                c0_lr_w, n0_g.reshape(1, H), n0_b.reshape(1, H))

  (agg1,) = _make_sc_agg(False)(h1, e3)
  h2, y = _tc_conv_head(agg1, deg, h1, c1_ll_w, c1_ll_b.reshape(1, H),
                        c1_lr_w, n1_g.reshape(1, H), n1_b.reshape(1, H),
                        head_w.reshape(1, H), head_b.reshape(1, 1))
  return (y[0], h2)

# --- scband reference (transcript-rebuilt; emitter-appended) ---
"""Pipeline reference for scband-graph-sageprod-18562848654083 (READ-ONLY COPY).

The authoritative reference and input builder live on the scoring server;
editing this copy changes nothing except your own understanding.
"""

import jax, jax.numpy as jnp
import numpy as np

N = 10000
E = 320000
D = 128
H = 128
EPS = 1e-5

def _glorot(key, shape):
    lim = np.sqrt(6.0 / (shape[0] + shape[1]))
    return jax.random.uniform(key, shape, dtype=jnp.float32, minval=-lim, maxval=lim)

def setup_inputs(seed: int = 0):
    key = jax.random.key(seed)
    ks = jax.random.split(key, 12)
    inp = {}
    inp["x"] = jax.random.normal(ks[0], (N, D), dtype=jnp.float32)
    inp["edge_index"] = jax.random.randint(ks[1], (2, E), 0, N, dtype=jnp.int32)
    inp["pre_w"] = _glorot(ks[2], (D, H))
    inp["pre_b"] = jnp.zeros((H,), jnp.float32)
    inp["c0_ll_w"] = _glorot(ks[3], (H, H))
    inp["c0_ll_b"] = jnp.zeros((H,), jnp.float32)
    inp["c0_lr_w"] = _glorot(ks[4], (H, H))
    inp["c1_ll_w"] = _glorot(ks[5], (H, H))
    inp["c1_ll_b"] = jnp.zeros((H,), jnp.float32)
    inp["c1_lr_w"] = _glorot(ks[6], (H, H))
    inp["n0_g"] = jnp.ones((H,), jnp.float32)
    inp["n0_b"] = jnp.zeros((H,), jnp.float32)
    inp["n1_g"] = jnp.ones((H,), jnp.float32)
    inp["n1_b"] = jnp.zeros((H,), jnp.float32)
    inp["head_w"] = _glorot(ks[7], (H, 1))
    inp["head_b"] = jnp.zeros((1,), jnp.float32)
    return inp

def _sage_conv(h, src, dst, ll_w, ll_b, lr_w):
    # PyG SAGEConv (mean aggr): out = lin_l(mean_j x_j) + lin_r(x_i); lin_l has bias, lin_r does not
    msgs = h[src]  # gather source-node features per edge
    agg = jax.ops.segment_sum(msgs, dst, num_segments=N)
    deg = jax.ops.segment_sum(jnp.ones((src.shape[0],), h.dtype), dst, num_segments=N)
    mean = agg / jnp.clip(deg, 1.0, None)[:, None]
    return mean @ ll_w + ll_b + h @ lr_w

def _bn_eval(h, g, b):
    # BatchNorm in eval mode: running_mean=0, running_var=1
    inv = 1.0 / jnp.sqrt(1.0 + EPS)
    return h * inv * g + b

def reference(x, edge_index, pre_w, pre_b, c0_ll_w, c0_ll_b, c0_lr_w, c1_ll_w, c1_ll_b, c1_lr_w, n0_g, n0_b, n1_g, n1_b, head_w, head_b):
    src = edge_index[0]
    dst = edge_index[1]
    h = jax.nn.relu(x @ pre_w + pre_b)
    h = _sage_conv(h, src, dst, c0_ll_w, c0_ll_b, c0_lr_w)
    h = jax.nn.relu(_bn_eval(h, n0_g, n0_b))
    # dropout is identity in eval mode
    h = _sage_conv(h, src, dst, c1_ll_w, c1_ll_b, c1_lr_w)
    h = jax.nn.relu(_bn_eval(h, n1_g, n1_b))
    y = (h @ head_w + head_b)[:, 0]
    return (y, h)

if __name__ == "__main__":
    import jax
    _d = setup_inputs()
    print(jax.jit(kernel)(*tuple(_d.values())))

</pallas_src>

<mosaic_0001>
#map = affine_map<(d0, d1) -> (0, 0)>
#map1 = affine_map<(d0, d1) -> (0, 0, 0)>
module attributes {stable_mosaic.version = 14 : i64} {
  func.func @_sc_agg_body(%arg0: i32, %arg1: i32, %arg2: memref<10240x128xf32, #tpu.memory_space<hbm>>, %arg3: memref<2x2500x128xi32, #tpu.memory_space<hbm>>, %arg4: memref<10240x128xf32, #tpu.memory_space<hbm>>, %arg5: memref<2x10240x16xf32, #tpu.memory_space<hbm>>, %arg6: memref<10240x64xf32, #tpu.memory_space<vmem_shared>>, %arg7: memref<10240x64xf32, #tpu.memory_space<vmem_shared>>, %arg8: memref<10240x16xf32, #tpu.memory_space<vmem_shared>>, %arg9: memref<2x12x128xi32, #tpu.memory_space<vmem>>, %arg10: memref<2x12x128xi32, #tpu.memory_space<vmem>>, %arg11: memref<3x128x64xf32, #tpu.memory_space<vmem>>, %arg12: memref<32x64xf32, #tpu.memory_space<vmem>>, %arg13: memref<128x16xf32, #tpu.memory_space<vmem>>, %arg14: memref<128x16xf32, #tpu.memory_space<vmem>>, %arg15: memref<3x!tpu.dma_semaphore, #tpu.memory_space<semaphore_mem>>, %arg16: memref<3x!tpu.dma_semaphore, #tpu.memory_space<semaphore_mem>>, %arg17: memref<2x!tpu.dma_semaphore, #tpu.memory_space<semaphore_mem>>, %arg18: memref<2x!tpu.dma_semaphore, #tpu.memory_space<semaphore_mem>>) attributes {dimension_semantics = [#tpu.dimension_semantics<core_parallel>, #tpu.dimension_semantics<subcore_parallel>], iteration_bounds = array<i64: 2, 16>, scalar_prefetch = 0 : i64, scratch_operands = 13 : i64, tpu.core_type = #tpu.core_type<sc_vector_subcore>, window_params = [{transform_indices = #map}, {transform_indices = #map1}, {transform_indices = #map}, {transform_indices = #map1}]} {
    %mul3A = arith.constant 640 : i32
    %mul3A_0 = arith.muli %arg1, %mul3A : i32
    %mul3A_1 = arith.constant 64 : i32
    %mul3A_2 = arith.muli %arg0, %mul3A_1 : i32
    %mul3A_3 = arith.constant 156 : i32
    %mul3A_4 = arith.muli %arg1, %mul3A_3 : i32
    "tpu.region"() ({
      %run_scoped3A = tpu.sem_alloc : memref<!tpu.dma_semaphore, #tpu.memory_space<semaphore_mem>>
      %dma_start3A_293 = arith.constant 0 : i32
      %dma_start3A_294 = tpu.memref_slice %arg6[%mul3A_0, %dma_start3A_293] : memref<10240x64xf32, #tpu.memory_space<vmem_shared>> -> memref<640x64xf32, #tpu.memory_space<vmem_shared>>
      %dma_start3A_295 = tpu.memref_slice %arg2[%mul3A_0, %mul3A_2] : memref<10240x128xf32, #tpu.memory_space<hbm>> -> memref<640x64xf32, #tpu.memory_space<hbm>>
      tpu.enqueue_dma source(%dma_start3A_295 : memref<640x64xf32, #tpu.memory_space<hbm>>) target(%dma_start3A_294 : memref<640x64xf32, #tpu.memory_space<vmem_shared>>) target_semaphore(%run_scoped3A : memref<!tpu.dma_semaphore, #tpu.memory_space<semaphore_mem>>)
      %dma_wait3A_296 = arith.constant 0 : i32
      %dma_wait3A_297 = tpu.memref_slice %arg6[%mul3A_0, %dma_wait3A_296] : memref<10240x64xf32, #tpu.memory_space<vmem_shared>> -> memref<640x64xf32, #tpu.memory_space<vmem_shared>>
      %dma_wait3A_298 = tpu.memref_slice %arg2[%mul3A_0, %mul3A_2] : memref<10240x128xf32, #tpu.memory_space<hbm>> -> memref<640x64xf32, #tpu.memory_space<hbm>>
      tpu.wait_dma2 semaphore(%run_scoped3A : memref<!tpu.dma_semaphore, #tpu.memory_space<semaphore_mem>>) src(%dma_wait3A_298 : memref<640x64xf32, #tpu.memory_space<hbm>>) dst(%dma_wait3A_297 : memref<640x64xf32, #tpu.memory_space<vmem_shared>>)
      tpu.yield
    }) : () -> ()
    %broadcast_in_dim3A = arith.constant 0.000000e+00 : f32
    %broadcast_in_dim3A_5 = vector.broadcast %broadcast_in_dim3A : f32 to vector<16xf32>
    %scan3A = arith.constant 0 : i32
    %scan3A_6 = arith.constant 0 : i32
    %scan3A_7 = arith.constant 32 : i32
    %scan3A_8 = arith.addi %scan3A_6, %scan3A_7 : i32
    %scan3A_9 = arith.constant 1 : i32
    %scan3A_10 = scf.for %scan3A_293 = %scan3A_6 to %scan3A_8 step %scan3A_9 iter_args(%scan3A_294 = %scan3A) -> (i32)  : i32 {
      %swap3A = arith.index_cast %scan3A_293 : i32 to index
      %swap3A_295 = arith.constant 0 : index
      %swap3A_296 = tpu.vector_load %arg12[%swap3A, %swap3A_295] {strides = array<i32>} : memref<32x64xf32, #tpu.memory_space<vmem>>, vector<1x16xf32>,
      %swap3A_297 = vector.shape_cast %swap3A_296 : vector<1x16xf32> to vector<16xf32>
      %swap3A_298 = vector.shape_cast %broadcast_in_dim3A_5 : vector<16xf32> to vector<1x16xf32>
      tpu.vector_store %arg12[%swap3A, %swap3A_295], %swap3A_298 {strides = array<i32>} : memref<32x64xf32, #tpu.memory_space<vmem>>, vector<1x16xf32>,
      %swap3A_299 = arith.index_cast %scan3A_293 : i32 to index
      %swap3A_300 = arith.constant 16 : index
      %swap3A_301 = tpu.vector_load %arg12[%swap3A_299, %swap3A_300] {strides = array<i32>} : memref<32x64xf32, #tpu.memory_space<vmem>>, vector<1x16xf32>,
      %swap3A_302 = vector.shape_cast %swap3A_301 : vector<1x16xf32> to vector<16xf32>
      %swap3A_303 = vector.shape_cast %broadcast_in_dim3A_5 : vector<16xf32> to vector<1x16xf32>
      tpu.vector_store %arg12[%swap3A_299, %swap3A_300], %swap3A_303 {strides = array<i32>} : memref<32x64xf32, #tpu.memory_space<vmem>>, vector<1x16xf32>,
      %swap3A_304 = arith.index_cast %scan3A_293 : i32 to index
      %swap3A_305 = arith.constant 32 : index
      %swap3A_306 = tpu.vector_load %arg12[%swap3A_304, %swap3A_305] {strides = array<i32>} : memref<32x64xf32, #tpu.memory_space<vmem>>, vector<1x16xf32>,
      %swap3A_307 = vector.shape_cast %swap3A_306 : vector<1x16xf32> to vector<16xf32>
      %swap3A_308 = vector.shape_cast %broadcast_in_dim3A_5 : vector<16xf32> to vector<1x16xf32>
      tpu.vector_store %arg12[%swap3A_304, %swap3A_305], %swap3A_308 {strides = array<i32>} : memref<32x64xf32, #tpu.memory_space<vmem>>, vector<1x16xf32>,
      %swap3A_309 = arith.index_cast %scan3A_293 : i32 to index
      %swap3A_310 = arith.constant 48 : index
      %swap3A_311 = tpu.vector_load %arg12[%swap3A_309, %swap3A_310] {strides = array<i32>} : memref<32x64xf32, #tpu.memory_space<vmem>>, vector<1x16xf32>,
      %swap3A_312 = vector.shape_cast %swap3A_311 : vector<1x16xf32> to vector<16xf32>
      %swap3A_313 = vector.shape_cast %broadcast_in_dim3A_5 : vector<16xf32> to vector<1x16xf32>
      tpu.vector_store %arg12[%swap3A_309, %swap3A_310], %swap3A_313 {strides = array<i32>} : memref<32x64xf32, #tpu.memory_space<vmem>>, vector<1x16xf32>,
      %scan3A_314 = arith.constant 0 : i32
      scf.yield %scan3A_314 : i32
    }
    %scan3A_11 = arith.constant 32 : i32
    %add3A = arith.constant 0 : i32
    %add3A_12 = arith.addi %mul3A_0, %add3A : i32
    "tpu.region"() ({
      %run_scoped3A = tpu.sem_alloc : memref<!tpu.dma_semaphore, #tpu.memory_space<semaphore_mem>>
      %dma_start3A_293 = arith.constant 0 : i32
      %dma_start3A_294 = tpu.memref_slice %arg7[%add3A_12, %dma_start3A_293] : memref<10240x64xf32, #tpu.memory_space<vmem_shared>> -> memref<32x64xf32, #tpu.memory_space<vmem_shared>>
      %dma_start3A_295 = arith.constant 0 : i32
      %dma_start3A_296 = tpu.memref_slice %arg7[%add3A_12, %dma_start3A_295] : memref<10240x64xf32, #tpu.memory_space<vmem_shared>> -> memref<32x64xf32, #tpu.memory_space<vmem_shared>>
      tpu.enqueue_dma source(%arg12 : memref<32x64xf32, #tpu.memory_space<vmem>>) target(%dma_start3A_296 : memref<32x64xf32, #tpu.memory_space<vmem_shared>>) target_semaphore(%run_scoped3A : memref<!tpu.dma_semaphore, #tpu.memory_space<semaphore_mem>>)
      %dma_wait3A_297 = arith.constant 0 : i32
      %dma_wait3A_298 = tpu.memref_slice %arg7[%add3A_12, %dma_wait3A_297] : memref<10240x64xf32, #tpu.memory_space<vmem_shared>> -> memref<32x64xf32, #tpu.memory_space<vmem_shared>>
      %dma_wait3A_299 = arith.constant 0 : i32
      %dma_wait3A_300 = tpu.memref_slice %arg7[%add3A_12, %dma_wait3A_299] : memref<10240x64xf32, #tpu.memory_space<vmem_shared>> -> memref<32x64xf32, #tpu.memory_space<vmem_shared>>
      tpu.wait_dma2 semaphore(%run_scoped3A : memref<!tpu.dma_semaphore, #tpu.memory_space<semaphore_mem>>) src(%arg12 : memref<32x64xf32, #tpu.memory_space<vmem>>) dst(%dma_wait3A_300 : memref<32x64xf32, #tpu.memory_space<vmem_shared>>)
      tpu.yield
    }) : () -> ()
    %add3A_13 = arith.constant 32 : i32
    %add3A_14 = arith.addi %mul3A_0, %add3A_13 : i32
    "tpu.region"() ({
      %run_scoped3A = tpu.sem_alloc : memref<!tpu.dma_semaphore, #tpu.memory_space<semaphore_mem>>
      %dma_start3A_293 = arith.constant 0 : i32
      %dma_start3A_294 = tpu.memref_slice %arg7[%add3A_14, %dma_start3A_293] : memref<10240x64xf32, #tpu.memory_space<vmem_shared>> -> memref<32x64xf32, #tpu.memory_space<vmem_shared>>
      %dma_start3A_295 = arith.constant 0 : i32
      %dma_start3A_296 = tpu.memref_slice %arg7[%add3A_14, %dma_start3A_295] : memref<10240x64xf32, #tpu.memory_space<vmem_shared>> -> memref<32x64xf32, #tpu.memory_space<vmem_shared>>
      tpu.enqueue_dma source(%arg12 : memref<32x64xf32, #tpu.memory_space<vmem>>) target(%dma_start3A_296 : memref<32x64xf32, #tpu.memory_space<vmem_shared>>) target_semaphore(%run_scoped3A : memref<!tpu.dma_semaphore, #tpu.memory_space<semaphore_mem>>)
      %dma_wait3A_297 = arith.constant 0 : i32
      %dma_wait3A_298 = tpu.memref_slice %arg7[%add3A_14, %dma_wait3A_297] : memref<10240x64xf32, #tpu.memory_space<vmem_shared>> -> memref<32x64xf32, #tpu.memory_space<vmem_shared>>
      %dma_wait3A_299 = arith.constant 0 : i32
      %dma_wait3A_300 = tpu.memref_slice %arg7[%add3A_14, %dma_wait3A_299] : memref<10240x64xf32, #tpu.memory_space<vmem_shared>> -> memref<32x64xf32, #tpu.memory_space<vmem_shared>>
      tpu.wait_dma2 semaphore(%run_scoped3A : memref<!tpu.dma_semaphore, #tpu.memory_space<semaphore_mem>>) src(%arg12 : memref<32x64xf32, #tpu.memory_space<vmem>>) dst(%dma_wait3A_300 : memref<32x64xf32, #tpu.memory_space<vmem_shared>>)
      tpu.yield
    }) : () -> ()
    %add3A_15 = arith.constant 64 : i32
    %add3A_16 = arith.addi %mul3A_0, %add3A_15 : i32
    "tpu.region"() ({
      %run_scoped3A = tpu.sem_alloc : memref<!tpu.dma_semaphore, #tpu.memory_space<semaphore_mem>>
      %dma_start3A_293 = arith.constant 0 : i32
      %dma_start3A_294 = tpu.memref_slice %arg7[%add3A_16, %dma_start3A_293] : memref<10240x64xf32, #tpu.memory_space<vmem_shared>> -> memref<32x64xf32, #tpu.memory_space<vmem_shared>>
      %dma_start3A_295 = arith.constant 0 : i32
      %dma_start3A_296 = tpu.memref_slice %arg7[%add3A_16, %dma_start3A_295] : memref<10240x64xf32, #tpu.memory_space<vmem_shared>> -> memref<32x64xf32, #tpu.memory_space<vmem_shared>>
      tpu.enqueue_dma source(%arg12 : memref<32x64xf32, #tpu.memory_space<vmem>>) target(%dma_start3A_296 : memref<32x64xf32, #tpu.memory_space<vmem_shared>>) target_semaphore(%run_scoped3A : memref<!tpu.dma_semaphore, #tpu.memory_space<semaphore_mem>>)
      %dma_wait3A_297 = arith.constant 0 : i32
      %dma_wait3A_298 = tpu.memref_slice %arg7[%add3A_16, %dma_wait3A_297] : memref<10240x64xf32, #tpu.memory_space<vmem_shared>> -> memref<32x64xf32, #tpu.memory_space<vmem_shared>>
      %dma_wait3A_299 = arith.constant 0 : i32
      %dma_wait3A_300 = tpu.memref_slice %arg7[%add3A_16, %dma_wait3A_299] : memref<10240x64xf32, #tpu.memory_space<vmem_shared>> -> memref<32x64xf32, #tpu.memory_space<vmem_shared>>
      tpu.wait_dma2 semaphore(%run_scoped3A : memref<!tpu.dma_semaphore, #tpu.memory_space<semaphore_mem>>) src(%arg12 : memref<32x64xf32, #tpu.memory_space<vmem>>) dst(%dma_wait3A_300 : memref<32x64xf32, #tpu.memory_space<vmem_shared>>)
      tpu.yield
    }) : () -> ()
    %add3A_17 = arith.constant 96 : i32
    %add3A_18 = arith.addi %mul3A_0, %add3A_17 : i32
    "tpu.region"() ({
      %run_scoped3A = tpu.sem_alloc : memref<!tpu.dma_semaphore, #tpu.memory_space<semaphore_mem>>
      %dma_start3A_293 = arith.constant 0 : i32
      %dma_start3A_294 = tpu.memref_slice %arg7[%add3A_18, %dma_start3A_293] : memref<10240x64xf32, #tpu.memory_space<vmem_shared>> -> memref<32x64xf32, #tpu.memory_space<vmem_shared>>
      %dma_start3A_295 = arith.constant 0 : i32
      %dma_start3A_296 = tpu.memref_slice %arg7[%add3A_18, %dma_start3A_295] : memref<10240x64xf32, #tpu.memory_space<vmem_shared>> -> memref<32x64xf32, #tpu.memory_space<vmem_shared>>
      tpu.enqueue_dma source(%arg12 : memref<32x64xf32, #tpu.memory_space<vmem>>) target(%dma_start3A_296 : memref<32x64xf32, #tpu.memory_space<vmem_shared>>) target_semaphore(%run_scoped3A : memref<!tpu.dma_semaphore, #tpu.memory_space<semaphore_mem>>)
      %dma_wait3A_297 = arith.constant 0 : i32
      %dma_wait3A_298 = tpu.memref_slice %arg7[%add3A_18, %dma_wait3A_297] : memref<10240x64xf32, #tpu.memory_space<vmem_shared>> -> memref<32x64xf32, #tpu.memory_space<vmem_shared>>
      %dma_wait3A_299 = arith.constant 0 : i32
      %dma_wait3A_300 = tpu.memref_slice %arg7[%add3A_18, %dma_wait3A_299] : memref<10240x64xf32, #tpu.memory_space<vmem_shared>> -> memref<32x64xf32, #tpu.memory_space<vmem_shared>>
      tpu.wait_dma2 semaphore(%run_scoped3A : memref<!tpu.dma_semaphore, #tpu.memory_space<semaphore_mem>>) src(%arg12 : memref<32x64xf32, #tpu.memory_space<vmem>>) dst(%dma_wait3A_300 : memref<32x64xf32, #tpu.memory_space<vmem_shared>>)
      tpu.yield
    }) : () -> ()
    %add3A_19 = arith.constant 128 : i32
    %add3A_20 = arith.addi %mul3A_0, %add3A_19 : i32
    "tpu.region"() ({
      %run_scoped3A = tpu.sem_alloc : memref<!tpu.dma_semaphore, #tpu.memory_space<semaphore_mem>>
      %dma_start3A_293 = arith.constant 0 : i32
      %dma_start3A_294 = tpu.memref_slice %arg7[%add3A_20, %dma_start3A_293] : memref<10240x64xf32, #tpu.memory_space<vmem_shared>> -> memref<32x64xf32, #tpu.memory_space<vmem_shared>>
      %dma_start3A_295 = arith.constant 0 : i32
      %dma_start3A_296 = tpu.memref_slice %arg7[%add3A_20, %dma_start3A_295] : memref<10240x64xf32, #tpu.memory_space<vmem_shared>> -> memref<32x64xf32, #tpu.memory_space<vmem_shared>>
      tpu.enqueue_dma source(%arg12 : memref<32x64xf32, #tpu.memory_space<vmem>>) target(%dma_start3A_296 : memref<32x64xf32, #tpu.memory_space<vmem_shared>>) target_semaphore(%run_scoped3A : memref<!tpu.dma_semaphore, #tpu.memory_space<semaphore_mem>>)
      %dma_wait3A_297 = arith.constant 0 : i32
      %dma_wait3A_298 = tpu.memref_slice %arg7[%add3A_20, %dma_wait3A_297] : memref<10240x64xf32, #tpu.memory_space<vmem_shared>> -> memref<32x64xf32, #tpu.memory_space<vmem_shared>>
      %dma_wait3A_299 = arith.constant 0 : i32
      %dma_wait3A_300 = tpu.memref_slice %arg7[%add3A_20, %dma_wait3A_299] : memref<10240x64xf32, #tpu.memory_space<vmem_shared>> -> memref<32x64xf32, #tpu.memory_space<vmem_shared>>
      tpu.wait_dma2 semaphore(%run_scoped3A : memref<!tpu.dma_semaphore, #tpu.memory_space<semaphore_mem>>) src(%arg12 : memref<32x64xf32, #tpu.memory_space<vmem>>) dst(%dma_wait3A_300 : memref<32x64xf32, #tpu.memory_space<vmem_shared>>)
      tpu.yield
    }) : () -> ()
    %add3A_21 = arith.constant 160 : i32
    %add3A_22 = arith.addi %mul3A_0, %add3A_21 : i32
    "tpu.region"() ({
      %run_scoped3A = tpu.sem_alloc : memref<!tpu.dma_semaphore, #tpu.memory_space<semaphore_mem>>
      %dma_start3A_293 = arith.constant 0 : i32
      %dma_start3A_294 = tpu.memref_slice %arg7[%add3A_22, %dma_start3A_293] : memref<10240x64xf32, #tpu.memory_space<vmem_shared>> -> memref<32x64xf32, #tpu.memory_space<vmem_shared>>
      %dma_start3A_295 = arith.constant 0 : i32
      %dma_start3A_296 = tpu.memref_slice %arg7[%add3A_22, %dma_start3A_295] : memref<10240x64xf32, #tpu.memory_space<vmem_shared>> -> memref<32x64xf32, #tpu.memory_space<vmem_shared>>
      tpu.enqueue_dma source(%arg12 : memref<32x64xf32, #tpu.memory_space<vmem>>) target(%dma_start3A_296 : memref<32x64xf32, #tpu.memory_space<vmem_shared>>) target_semaphore(%run_scoped3A : memref<!tpu.dma_semaphore, #tpu.memory_space<semaphore_mem>>)
      %dma_wait3A_297 = arith.constant 0 : i32
      %dma_wait3A_298 = tpu.memref_slice %arg7[%add3A_22, %dma_wait3A_297] : memref<10240x64xf32, #tpu.memory_space<vmem_shared>> -> memref<32x64xf32, #tpu.memory_space<vmem_shared>>
      %dma_wait3A_299 = arith.constant 0 : i32
      %dma_wait3A_300 = tpu.memref_slice %arg7[%add3A_22, %dma_wait3A_299] : memref<10240x64xf32, #tpu.memory_space<vmem_shared>> -> memref<32x64xf32, #tpu.memory_space<vmem_shared>>
      tpu.wait_dma2 semaphore(%run_scoped3A : memref<!tpu.dma_semaphore, #tpu.memory_space<semaphore_mem>>) src(%arg12 : memref<32x64xf32, #tpu.memory_space<vmem>>) dst(%dma_wait3A_300 : memref<32x64xf32, #tpu.memory_space<vmem_shared>>)
      tpu.yield
    }) : () -> ()
    %add3A_23 = arith.constant 192 : i32
    %add3A_24 = arith.addi %mul3A_0, %add3A_23 : i32
    "tpu.region"() ({
      %run_scoped3A = tpu.sem_alloc : memref<!tpu.dma_semaphore, #tpu.memory_space<semaphore_mem>>
      %dma_start3A_293 = arith.constant 0 : i32
      %dma_start3A_294 = tpu.memref_slice %arg7[%add3A_24, %dma_start3A_293] : memref<10240x64xf32, #tpu.memory_space<vmem_shared>> -> memref<32x64xf32, #tpu.memory_space<vmem_shared>>
      %dma_start3A_295 = arith.constant 0 : i32
      %dma_start3A_296 = tpu.memref_slice %arg7[%add3A_24, %dma_start3A_295] : memref<10240x64xf32, #tpu.memory_space<vmem_shared>> -> memref<32x64xf32, #tpu.memory_space<vmem_shared>>
      tpu.enqueue_dma source(%arg12 : memref<32x64xf32, #tpu.memory_space<vmem>>) target(%dma_start3A_296 : memref<32x64xf32, #tpu.memory_space<vmem_shared>>) target_semaphore(%run_scoped3A : memref<!tpu.dma_semaphore, #tpu.memory_space<semaphore_mem>>)
      %dma_wait3A_297 = arith.constant 0 : i32
      %dma_wait3A_298 = tpu.memref_slice %arg7[%add3A_24, %dma_wait3A_297] : memref<10240x64xf32, #tpu.memory_space<vmem_shared>> -> memref<32x64xf32, #tpu.memory_space<vmem_shared>>
      %dma_wait3A_299 = arith.constant 0 : i32
      %dma_wait3A_300 = tpu.memref_slice %arg7[%add3A_24, %dma_wait3A_299] : memref<10240x64xf32, #tpu.memory_space<vmem_shared>> -> memref<32x64xf32, #tpu.memory_space<vmem_shared>>
      tpu.wait_dma2 semaphore(%run_scoped3A : memref<!tpu.dma_semaphore, #tpu.memory_space<semaphore_mem>>) src(%arg12 : memref<32x64xf32, #tpu.memory_space<vmem>>) dst(%dma_wait3A_300 : memref<32x64xf32, #tpu.memory_space<vmem_shared>>)
      tpu.yield
    }) : () -> ()
    %add3A_25 = arith.constant 224 : i32
    %add3A_26 = arith.addi %mul3A_0, %add3A_25 : i32
    "tpu.region"() ({
      %run_scoped3A = tpu.sem_alloc : memref<!tpu.dma_semaphore, #tpu.memory_space<semaphore_mem>>
      %dma_start3A_293 = arith.constant 0 : i32
      %dma_start3A_294 = tpu.memref_slice %arg7[%add3A_26, %dma_start3A_293] : memref<10240x64xf32, #tpu.memory_space<vmem_shared>> -> memref<32x64xf32, #tpu.memory_space<vmem_shared>>
      %dma_start3A_295 = arith.constant 0 : i32
      %dma_start3A_296 = tpu.memref_slice %arg7[%add3A_26, %dma_start3A_295] : memref<10240x64xf32, #tpu.memory_space<vmem_shared>> -> memref<32x64xf32, #tpu.memory_space<vmem_shared>>
      tpu.enqueue_dma source(%arg12 : memref<32x64xf32, #tpu.memory_space<vmem>>) target(%dma_start3A_296 : memref<32x64xf32, #tpu.memory_space<vmem_shared>>) target_semaphore(%run_scoped3A : memref<!tpu.dma_semaphore, #tpu.memory_space<semaphore_mem>>)
      %dma_wait3A_297 = arith.constant 0 : i32
      %dma_wait3A_298 = tpu.memref_slice %arg7[%add3A_26, %dma_wait3A_297] : memref<10240x64xf32, #tpu.memory_space<vmem_shared>> -> memref<32x64xf32, #tpu.memory_space<vmem_shared>>
      %dma_wait3A_299 = arith.constant 0 : i32
      %dma_wait3A_300 = tpu.memref_slice %arg7[%add3A_26, %dma_wait3A_299] : memref<10240x64xf32, #tpu.memory_space<vmem_shared>> -> memref<32x64xf32, #tpu.memory_space<vmem_shared>>
      tpu.wait_dma2 semaphore(%run_scoped3A : memref<!tpu.dma_semaphore, #tpu.memory_space<semaphore_mem>>) src(%arg12 : memref<32x64xf32, #tpu.memory_space<vmem>>) dst(%dma_wait3A_300 : memref<32x64xf32, #tpu.memory_space<vmem_shared>>)
      tpu.yield
    }) : () -> ()
    %add3A_27 = arith.constant 256 : i32
    %add3A_28 = arith.addi %mul3A_0, %add3A_27 : i32
    "tpu.region"() ({
      %run_scoped3A = tpu.sem_alloc : memref<!tpu.dma_semaphore, #tpu.memory_space<semaphore_mem>>
      %dma_start3A_293 = arith.constant 0 : i32
      %dma_start3A_294 = tpu.memref_slice %arg7[%add3A_28, %dma_start3A_293] : memref<10240x64xf32, #tpu.memory_space<vmem_shared>> -> memref<32x64xf32, #tpu.memory_space<vmem_shared>>
      %dma_start3A_295 = arith.constant 0 : i32
      %dma_start3A_296 = tpu.memref_slice %arg7[%add3A_28, %dma_start3A_295] : memref<10240x64xf32, #tpu.memory_space<vmem_shared>> -> memref<32x64xf32, #tpu.memory_space<vmem_shared>>
      tpu.enqueue_dma source(%arg12 : memref<32x64xf32, #tpu.memory_space<vmem>>) target(%dma_start3A_296 : memref<32x64xf32, #tpu.memory_space<vmem_shared>>) target_semaphore(%run_scoped3A : memref<!tpu.dma_semaphore, #tpu.memory_space<semaphore_mem>>)
      %dma_wait3A_297 = arith.constant 0 : i32
      %dma_wait3A_298 = tpu.memref_slice %arg7[%add3A_28, %dma_wait3A_297] : memref<10240x64xf32, #tpu.memory_space<vmem_shared>> -> memref<32x64xf32, #tpu.memory_space<vmem_shared>>
      %dma_wait3A_299 = arith.constant 0 : i32
      %dma_wait3A_300 = tpu.memref_slice %arg7[%add3A_28, %dma_wait3A_299] : memref<10240x64xf32, #tpu.memory_space<vmem_shared>> -> memref<32x64xf32, #tpu.memory_space<vmem_shared>>
      tpu.wait_dma2 semaphore(%run_scoped3A : memref<!tpu.dma_semaphore, #tpu.memory_space<semaphore_mem>>) src(%arg12 : memref<32x64xf32, #tpu.memory_space<vmem>>) dst(%dma_wait3A_300 : memref<32x64xf32, #tpu.memory_space<vmem_shared>>)
      tpu.yield
    }) : () -> ()
    %add3A_29 = arith.constant 288 : i32
    %add3A_30 = arith.addi %mul3A_0, %add3A_29 : i32
    "tpu.region"() ({
      %run_scoped3A = tpu.sem_alloc : memref<!tpu.dma_semaphore, #tpu.memory_space<semaphore_mem>>
      %dma_start3A_293 = arith.constant 0 : i32
      %dma_start3A_294 = tpu.memref_slice %arg7[%add3A_30, %dma_start3A_293] : memref<10240x64xf32, #tpu.memory_space<vmem_shared>> -> memref<32x64xf32, #tpu.memory_space<vmem_shared>>
      %dma_start3A_295 = arith.constant 0 : i32
      %dma_start3A_296 = tpu.memref_slice %arg7[%add3A_30, %dma_start3A_295] : memref<10240x64xf32, #tpu.memory_space<vmem_shared>> -> memref<32x64xf32, #tpu.memory_space<vmem_shared>>
      tpu.enqueue_dma source(%arg12 : memref<32x64xf32, #tpu.memory_space<vmem>>) target(%dma_start3A_296 : memref<32x64xf32, #tpu.memory_space<vmem_shared>>) target_semaphore(%run_scoped3A : memref<!tpu.dma_semaphore, #tpu.memory_space<semaphore_mem>>)
      %dma_wait3A_297 = arith.constant 0 : i32
      %dma_wait3A_298 = tpu.memref_slice %arg7[%add3A_30, %dma_wait3A_297] : memref<10240x64xf32, #tpu.memory_space<vmem_shared>> -> memref<32x64xf32, #tpu.memory_space<vmem_shared>>
      %dma_wait3A_299 = arith.constant 0 : i32
      %dma_wait3A_300 = tpu.memref_slice %arg7[%add3A_30, %dma_wait3A_299] : memref<10240x64xf32, #tpu.memory_space<vmem_shared>> -> memref<32x64xf32, #tpu.memory_space<vmem_shared>>
      tpu.wait_dma2 semaphore(%run_scoped3A : memref<!tpu.dma_semaphore, #tpu.memory_space<semaphore_mem>>) src(%arg12 : memref<32x64xf32, #tpu.memory_space<vmem>>) dst(%dma_wait3A_300 : memref<32x64xf32, #tpu.memory_space<vmem_shared>>)
      tpu.yield
    }) : () -> ()
    %add3A_31 = arith.constant 320 : i32
    %add3A_32 = arith.addi %mul3A_0, %add3A_31 : i32
    "tpu.region"() ({
      %run_scoped3A = tpu.sem_alloc : memref<!tpu.dma_semaphore, #tpu.memory_space<semaphore_mem>>
      %dma_start3A_293 = arith.constant 0 : i32
      %dma_start3A_294 = tpu.memref_slice %arg7[%add3A_32, %dma_start3A_293] : memref<10240x64xf32, #tpu.memory_space<vmem_shared>> -> memref<32x64xf32, #tpu.memory_space<vmem_shared>>
      %dma_start3A_295 = arith.constant 0 : i32
      %dma_start3A_296 = tpu.memref_slice %arg7[%add3A_32, %dma_start3A_295] : memref<10240x64xf32, #tpu.memory_space<vmem_shared>> -> memref<32x64xf32, #tpu.memory_space<vmem_shared>>
      tpu.enqueue_dma source(%arg12 : memref<32x64xf32, #tpu.memory_space<vmem>>) target(%dma_start3A_296 : memref<32x64xf32, #tpu.memory_space<vmem_shared>>) target_semaphore(%run_scoped3A : memref<!tpu.dma_semaphore, #tpu.memory_space<semaphore_mem>>)
      %dma_wait3A_297 = arith.constant 0 : i32
      %dma_wait3A_298 = tpu.memref_slice %arg7[%add3A_32, %dma_wait3A_297] : memref<10240x64xf32, #tpu.memory_space<vmem_shared>> -> memref<32x64xf32, #tpu.memory_space<vmem_shared>>
      %dma_wait3A_299 = arith.constant 0 : i32
      %dma_wait3A_300 = tpu.memref_slice %arg7[%add3A_32, %dma_wait3A_299] : memref<10240x64xf32, #tpu.memory_space<vmem_shared>> -> memref<32x64xf32, #tpu.memory_space<vmem_shared>>
      tpu.wait_dma2 semaphore(%run_scoped3A : memref<!tpu.dma_semaphore, #tpu.memory_space<semaphore_mem>>) src(%arg12 : memref<32x64xf32, #tpu.memory_space<vmem>>) dst(%dma_wait3A_300 : memref<32x64xf32, #tpu.memory_space<vmem_shared>>)
      tpu.yield
    }) : () -> ()
    %add3A_33 = arith.constant 352 : i32
    %add3A_34 = arith.addi %mul3A_0, %add3A_33 : i32
    "tpu.region"() ({
      %run_scoped3A = tpu.sem_alloc : memref<!tpu.dma_semaphore, #tpu.memory_space<semaphore_mem>>
      %dma_start3A_293 = arith.constant 0 : i32
      %dma_start3A_294 = tpu.memref_slice %arg7[%add3A_34, %dma_start3A_293] : memref<10240x64xf32, #tpu.memory_space<vmem_shared>> -> memref<32x64xf32, #tpu.memory_space<vmem_shared>>
      %dma_start3A_295 = arith.constant 0 : i32
      %dma_start3A_296 = tpu.memref_slice %arg7[%add3A_34, %dma_start3A_295] : memref<10240x64xf32, #tpu.memory_space<vmem_shared>> -> memref<32x64xf32, #tpu.memory_space<vmem_shared>>
      tpu.enqueue_dma source(%arg12 : memref<32x64xf32, #tpu.memory_space<vmem>>) target(%dma_start3A_296 : memref<32x64xf32, #tpu.memory_space<vmem_shared>>) target_semaphore(%run_scoped3A : memref<!tpu.dma_semaphore, #tpu.memory_space<semaphore_mem>>)
      %dma_wait3A_297 = arith.constant 0 : i32
      %dma_wait3A_298 = tpu.memref_slice %arg7[%add3A_34, %dma_wait3A_297] : memref<10240x64xf32, #tpu.memory_space<vmem_shared>> -> memref<32x64xf32, #tpu.memory_space<vmem_shared>>
      %dma_wait3A_299 = arith.constant 0 : i32
      %dma_wait3A_300 = tpu.memref_slice %arg7[%add3A_34, %dma_wait3A_299] : memref<10240x64xf32, #tpu.memory_space<vmem_shared>> -> memref<32x64xf32, #tpu.memory_space<vmem_shared>>
      tpu.wait_dma2 semaphore(%run_scoped3A : memref<!tpu.dma_semaphore, #tpu.memory_space<semaphore_mem>>) src(%arg12 : memref<32x64xf32, #tpu.memory_space<vmem>>) dst(%dma_wait3A_300 : memref<32x64xf32, #tpu.memory_space<vmem_shared>>)
      tpu.yield
    }) : () -> ()
    %add3A_35 = arith.constant 384 : i32
    %add3A_36 = arith.addi %mul3A_0, %add3A_35 : i32
    "tpu.region"() ({
      %run_scoped3A = tpu.sem_alloc : memref<!tpu.dma_semaphore, #tpu.memory_space<semaphore_mem>>
      %dma_start3A_293 = arith.constant 0 : i32
      %dma_start3A_294 = tpu.memref_slice %arg7[%add3A_36, %dma_start3A_293] : memref<10240x64xf32, #tpu.memory_space<vmem_shared>> -> memref<32x64xf32, #tpu.memory_space<vmem_shared>>
      %dma_start3A_295 = arith.constant 0 : i32
      %dma_start3A_296 = tpu.memref_slice %arg7[%add3A_36, %dma_start3A_295] : memref<10240x64xf32, #tpu.memory_space<vmem_shared>> -> memref<32x64xf32, #tpu.memory_space<vmem_shared>>
      tpu.enqueue_dma source(%arg12 : memref<32x64xf32, #tpu.memory_space<vmem>>) target(%dma_start3A_296 : memref<32x64xf32, #tpu.memory_space<vmem_shared>>) target_semaphore(%run_scoped3A : memref<!tpu.dma_semaphore, #tpu.memory_space<semaphore_mem>>)
      %dma_wait3A_297 = arith.constant 0 : i32
      %dma_wait3A_298 = tpu.memref_slice %arg7[%add3A_36, %dma_wait3A_297] : memref<10240x64xf32, #tpu.memory_space<vmem_shared>> -> memref<32x64xf32, #tpu.memory_space<vmem_shared>>
      %dma_wait3A_299 = arith.constant 0 : i32
      %dma_wait3A_300 = tpu.memref_slice %arg7[%add3A_36, %dma_wait3A_299] : memref<10240x64xf32, #tpu.memory_space<vmem_shared>> -> memref<32x64xf32, #tpu.memory_space<vmem_shared>>
      tpu.wait_dma2 semaphore(%run_scoped3A : memref<!tpu.dma_semaphore, #tpu.memory_space<semaphore_mem>>) src(%arg12 : memref<32x64xf32, #tpu.memory_space<vmem>>) dst(%dma_wait3A_300 : memref<32x64xf32, #tpu.memory_space<vmem_shared>>)
      tpu.yield
    }) : () -> ()
    %add3A_37 = arith.constant 416 : i32
    %add3A_38 = arith.addi %mul3A_0, %add3A_37 : i32
    "tpu.region"() ({
      %run_scoped3A = tpu.sem_alloc : memref<!tpu.dma_semaphore, #tpu.memory_space<semaphore_mem>>
      %dma_start3A_293 = arith.constant 0 : i32
      %dma_start3A_294 = tpu.memref_slice %arg7[%add3A_38, %dma_start3A_293] : memref<10240x64xf32, #tpu.memory_space<vmem_shared>> -> memref<32x64xf32, #tpu.memory_space<vmem_shared>>
      %dma_start3A_295 = arith.constant 0 : i32
      %dma_start3A_296 = tpu.memref_slice %arg7[%add3A_38, %dma_start3A_295] : memref<10240x64xf32, #tpu.memory_space<vmem_shared>> -> memref<32x64xf32, #tpu.memory_space<vmem_shared>>
      tpu.enqueue_dma source(%arg12 : memref<32x64xf32, #tpu.memory_space<vmem>>) target(%dma_start3A_296 : memref<32x64xf32, #tpu.memory_space<vmem_shared>>) target_semaphore(%run_scoped3A : memref<!tpu.dma_semaphore, #tpu.memory_space<semaphore_mem>>)
      %dma_wait3A_297 = arith.constant 0 : i32
      %dma_wait3A_298 = tpu.memref_slice %arg7[%add3A_38, %dma_wait3A_297] : memref<10240x64xf32, #tpu.memory_space<vmem_shared>> -> memref<32x64xf32, #tpu.memory_space<vmem_shared>>
      %dma_wait3A_299 = arith.constant 0 : i32
      %dma_wait3A_300 = tpu.memref_slice %arg7[%add3A_38, %dma_wait3A_299] : memref<10240x64xf32, #tpu.memory_space<vmem_shared>> -> memref<32x64xf32, #tpu.memory_space<vmem_shared>>
      tpu.wait_dma2 semaphore(%run_scoped3A : memref<!tpu.dma_semaphore, #tpu.memory_space<semaphore_mem>>) src(%arg12 : memref<32x64xf32, #tpu.memory_space<vmem>>) dst(%dma_wait3A_300 : memref<32x64xf32, #tpu.memory_space<vmem_shared>>)
      tpu.yield
    }) : () -> ()
    %add3A_39 = arith.constant 448 : i32
    %add3A_40 = arith.addi %mul3A_0, %add3A_39 : i32
    "tpu.region"() ({
      %run_scoped3A = tpu.sem_alloc : memref<!tpu.dma_semaphore, #tpu.memory_space<semaphore_mem>>
      %dma_start3A_293 = arith.constant 0 : i32
      %dma_start3A_294 = tpu.memref_slice %arg7[%add3A_40, %dma_start3A_293] : memref<10240x64xf32, #tpu.memory_space<vmem_shared>> -> memref<32x64xf32, #tpu.memory_space<vmem_shared>>
      %dma_start3A_295 = arith.constant 0 : i32
      %dma_start3A_296 = tpu.memref_slice %arg7[%add3A_40, %dma_start3A_295] : memref<10240x64xf32, #tpu.memory_space<vmem_shared>> -> memref<32x64xf32, #tpu.memory_space<vmem_shared>>
      tpu.enqueue_dma source(%arg12 : memref<32x64xf32, #tpu.memory_space<vmem>>) target(%dma_start3A_296 : memref<32x64xf32, #tpu.memory_space<vmem_shared>>) target_semaphore(%run_scoped3A : memref<!tpu.dma_semaphore, #tpu.memory_space<semaphore_mem>>)
      %dma_wait3A_297 = arith.constant 0 : i32
      %dma_wait3A_298 = tpu.memref_slice %arg7[%add3A_40, %dma_wait3A_297] : memref<10240x64xf32, #tpu.memory_space<vmem_shared>> -> memref<32x64xf32, #tpu.memory_space<vmem_shared>>
      %dma_wait3A_299 = arith.constant 0 : i32
      %dma_wait3A_300 = tpu.memref_slice %arg7[%add3A_40, %dma_wait3A_299] : memref<10240x64xf32, #tpu.memory_space<vmem_shared>> -> memref<32x64xf32, #tpu.memory_space<vmem_shared>>
      tpu.wait_dma2 semaphore(%run_scoped3A : memref<!tpu.dma_semaphore, #tpu.memory_space<semaphore_mem>>) src(%arg12 : memref<32x64xf32, #tpu.memory_space<vmem>>) dst(%dma_wait3A_300 : memref<32x64xf32, #tpu.memory_space<vmem_shared>>)
      tpu.yield
    }) : () -> ()
    %add3A_41 = arith.constant 480 : i32
    %add3A_42 = arith.addi %mul3A_0, %add3A_41 : i32
    "tpu.region"() ({
      %run_scoped3A = tpu.sem_alloc : memref<!tpu.dma_semaphore, #tpu.memory_space<semaphore_mem>>
      %dma_start3A_293 = arith.constant 0 : i32
      %dma_start3A_294 = tpu.memref_slice %arg7[%add3A_42, %dma_start3A_293] : memref<10240x64xf32, #tpu.memory_space<vmem_shared>> -> memref<32x64xf32, #tpu.memory_space<vmem_shared>>
      %dma_start3A_295 = arith.constant 0 : i32
      %dma_start3A_296 = tpu.memref_slice %arg7[%add3A_42, %dma_start3A_295] : memref<10240x64xf32, #tpu.memory_space<vmem_shared>> -> memref<32x64xf32, #tpu.memory_space<vmem_shared>>
      tpu.enqueue_dma source(%arg12 : memref<32x64xf32, #tpu.memory_space<vmem>>) target(%dma_start3A_296 : memref<32x64xf32, #tpu.memory_space<vmem_shared>>) target_semaphore(%run_scoped3A : memref<!tpu.dma_semaphore, #tpu.memory_space<semaphore_mem>>)
      %dma_wait3A_297 = arith.constant 0 : i32
      %dma_wait3A_298 = tpu.memref_slice %arg7[%add3A_42, %dma_wait3A_297] : memref<10240x64xf32, #tpu.memory_space<vmem_shared>> -> memref<32x64xf32, #tpu.memory_space<vmem_shared>>
      %dma_wait3A_299 = arith.constant 0 : i32
      %dma_wait3A_300 = tpu.memref_slice %arg7[%add3A_42, %dma_wait3A_299] : memref<10240x64xf32, #tpu.memory_space<vmem_shared>> -> memref<32x64xf32, #tpu.memory_space<vmem_shared>>
      tpu.wait_dma2 semaphore(%run_scoped3A : memref<!tpu.dma_semaphore, #tpu.memory_space<semaphore_mem>>) src(%arg12 : memref<32x64xf32, #tpu.memory_space<vmem>>) dst(%dma_wait3A_300 : memref<32x64xf32, #tpu.memory_space<vmem_shared>>)
      tpu.yield
    }) : () -> ()
    %add3A_43 = arith.constant 512 : i32
    %add3A_44 = arith.addi %mul3A_0, %add3A_43 : i32
    "tpu.region"() ({
      %run_scoped3A = tpu.sem_alloc : memref<!tpu.dma_semaphore, #tpu.memory_space<semaphore_mem>>
      %dma_start3A_293 = arith.constant 0 : i32
      %dma_start3A_294 = tpu.memref_slice %arg7[%add3A_44, %dma_start3A_293] : memref<10240x64xf32, #tpu.memory_space<vmem_shared>> -> memref<32x64xf32, #tpu.memory_space<vmem_shared>>
      %dma_start3A_295 = arith.constant 0 : i32
      %dma_start3A_296 = tpu.memref_slice %arg7[%add3A_44, %dma_start3A_295] : memref<10240x64xf32, #tpu.memory_space<vmem_shared>> -> memref<32x64xf32, #tpu.memory_space<vmem_shared>>
      tpu.enqueue_dma source(%arg12 : memref<32x64xf32, #tpu.memory_space<vmem>>) target(%dma_start3A_296 : memref<32x64xf32, #tpu.memory_space<vmem_shared>>) target_semaphore(%run_scoped3A : memref<!tpu.dma_semaphore, #tpu.memory_space<semaphore_mem>>)
      %dma_wait3A_297 = arith.constant 0 : i32
      %dma_wait3A_298 = tpu.memref_slice %arg7[%add3A_44, %dma_wait3A_297] : memref<10240x64xf32, #tpu.memory_space<vmem_shared>> -> memref<32x64xf32, #tpu.memory_space<vmem_shared>>
      %dma_wait3A_299 = arith.constant 0 : i32
      %dma_wait3A_300 = tpu.memref_slice %arg7[%add3A_44, %dma_wait3A_299] : memref<10240x64xf32, #tpu.memory_space<vmem_shared>> -> memref<32x64xf32, #tpu.memory_space<vmem_shared>>
      tpu.wait_dma2 semaphore(%run_scoped3A : memref<!tpu.dma_semaphore, #tpu.memory_space<semaphore_mem>>) src(%arg12 : memref<32x64xf32, #tpu.memory_space<vmem>>) dst(%dma_wait3A_300 : memref<32x64xf32, #tpu.memory_space<vmem_shared>>)
      tpu.yield
    }) : () -> ()
    %add3A_45 = arith.constant 544 : i32
    %add3A_46 = arith.addi %mul3A_0, %add3A_45 : i32
    "tpu.region"() ({
      %run_scoped3A = tpu.sem_alloc : memref<!tpu.dma_semaphore, #tpu.memory_space<semaphore_mem>>
      %dma_start3A_293 = arith.constant 0 : i32
      %dma_start3A_294 = tpu.memref_slice %arg7[%add3A_46, %dma_start3A_293] : memref<10240x64xf32, #tpu.memory_space<vmem_shared>> -> memref<32x64xf32, #tpu.memory_space<vmem_shared>>
      %dma_start3A_295 = arith.constant 0 : i32
      %dma_start3A_296 = tpu.memref_slice %arg7[%add3A_46, %dma_start3A_295] : memref<10240x64xf32, #tpu.memory_space<vmem_shared>> -> memref<32x64xf32, #tpu.memory_space<vmem_shared>>
      tpu.enqueue_dma source(%arg12 : memref<32x64xf32, #tpu.memory_space<vmem>>) target(%dma_start3A_296 : memref<32x64xf32, #tpu.memory_space<vmem_shared>>) target_semaphore(%run_scoped3A : memref<!tpu.dma_semaphore, #tpu.memory_space<semaphore_mem>>)
      %dma_wait3A_297 = arith.constant 0 : i32
      %dma_wait3A_298 = tpu.memref_slice %arg7[%add3A_46, %dma_wait3A_297] : memref<10240x64xf32, #tpu.memory_space<vmem_shared>> -> memref<32x64xf32, #tpu.memory_space<vmem_shared>>
      %dma_wait3A_299 = arith.constant 0 : i32
      %dma_wait3A_300 = tpu.memref_slice %arg7[%add3A_46, %dma_wait3A_299] : memref<10240x64xf32, #tpu.memory_space<vmem_shared>> -> memref<32x64xf32, #tpu.memory_space<vmem_shared>>
      tpu.wait_dma2 semaphore(%run_scoped3A : memref<!tpu.dma_semaphore, #tpu.memory_space<semaphore_mem>>) src(%arg12 : memref<32x64xf32, #tpu.memory_space<vmem>>) dst(%dma_wait3A_300 : memref<32x64xf32, #tpu.memory_space<vmem_shared>>)
      tpu.yield
    }) : () -> ()
    %add3A_47 = arith.constant 576 : i32
    %add3A_48 = arith.addi %mul3A_0, %add3A_47 : i32
    "tpu.region"() ({
      %run_scoped3A = tpu.sem_alloc : memref<!tpu.dma_semaphore, #tpu.memory_space<semaphore_mem>>
      %dma_start3A_293 = arith.constant 0 : i32
      %dma_start3A_294 = tpu.memref_slice %arg7[%add3A_48, %dma_start3A_293] : memref<10240x64xf32, #tpu.memory_space<vmem_shared>> -> memref<32x64xf32, #tpu.memory_space<vmem_shared>>
      %dma_start3A_295 = arith.constant 0 : i32
      %dma_start3A_296 = tpu.memref_slice %arg7[%add3A_48, %dma_start3A_295] : memref<10240x64xf32, #tpu.memory_space<vmem_shared>> -> memref<32x64xf32, #tpu.memory_space<vmem_shared>>
      tpu.enqueue_dma source(%arg12 : memref<32x64xf32, #tpu.memory_space<vmem>>) target(%dma_start3A_296 : memref<32x64xf32, #tpu.memory_space<vmem_shared>>) target_semaphore(%run_scoped3A : memref<!tpu.dma_semaphore, #tpu.memory_space<semaphore_mem>>)
      %dma_wait3A_297 = arith.constant 0 : i32
      %dma_wait3A_298 = tpu.memref_slice %arg7[%add3A_48, %dma_wait3A_297] : memref<10240x64xf32, #tpu.memory_space<vmem_shared>> -> memref<32x64xf32, #tpu.memory_space<vmem_shared>>
      %dma_wait3A_299 = arith.constant 0 : i32
      %dma_wait3A_300 = tpu.memref_slice %arg7[%add3A_48, %dma_wait3A_299] : memref<10240x64xf32, #tpu.memory_space<vmem_shared>> -> memref<32x64xf32, #tpu.memory_space<vmem_shared>>
      tpu.wait_dma2 semaphore(%run_scoped3A : memref<!tpu.dma_semaphore, #tpu.memory_space<semaphore_mem>>) src(%arg12 : memref<32x64xf32, #tpu.memory_space<vmem>>) dst(%dma_wait3A_300 : memref<32x64xf32, #tpu.memory_space<vmem_shared>>)
      tpu.yield
    }) : () -> ()
    %add3A_49 = arith.constant 608 : i32
    %add3A_50 = arith.addi %mul3A_0, %add3A_49 : i32
    "tpu.region"() ({
      %run_scoped3A = tpu.sem_alloc : memref<!tpu.dma_semaphore, #tpu.memory_space<semaphore_mem>>
      %dma_start3A_293 = arith.constant 0 : i32
      %dma_start3A_294 = tpu.memref_slice %arg7[%add3A_50, %dma_start3A_293] : memref<10240x64xf32, #tpu.memory_space<vmem_shared>> -> memref<32x64xf32, #tpu.memory_space<vmem_shared>>
      %dma_start3A_295 = arith.constant 0 : i32
      %dma_start3A_296 = tpu.memref_slice %arg7[%add3A_50, %dma_start3A_295] : memref<10240x64xf32, #tpu.memory_space<vmem_shared>> -> memref<32x64xf32, #tpu.memory_space<vmem_shared>>
      tpu.enqueue_dma source(%arg12 : memref<32x64xf32, #tpu.memory_space<vmem>>) target(%dma_start3A_296 : memref<32x64xf32, #tpu.memory_space<vmem_shared>>) target_semaphore(%run_scoped3A : memref<!tpu.dma_semaphore, #tpu.memory_space<semaphore_mem>>)
      %dma_wait3A_297 = arith.constant 0 : i32
      %dma_wait3A_298 = tpu.memref_slice %arg7[%add3A_50, %dma_wait3A_297] : memref<10240x64xf32, #tpu.memory_space<vmem_shared>> -> memref<32x64xf32, #tpu.memory_space<vmem_shared>>
      %dma_wait3A_299 = arith.constant 0 : i32
      %dma_wait3A_300 = tpu.memref_slice %arg7[%add3A_50, %dma_wait3A_299] : memref<10240x64xf32, #tpu.memory_space<vmem_shared>> -> memref<32x64xf32, #tpu.memory_space<vmem_shared>>
      tpu.wait_dma2 semaphore(%run_scoped3A : memref<!tpu.dma_semaphore, #tpu.memory_space<semaphore_mem>>) src(%arg12 : memref<32x64xf32, #tpu.memory_space<vmem>>) dst(%dma_wait3A_300 : memref<32x64xf32, #tpu.memory_space<vmem_shared>>)
      tpu.yield
    }) : () -> ()
    %broadcast_in_dim3A_51 = arith.constant 0.000000e+00 : f32
    %broadcast_in_dim3A_52 = vector.broadcast %broadcast_in_dim3A_51 : f32 to vector<16xf32>
    %scan3A_53 = arith.constant 0 : i32
    %scan3A_54 = arith.constant 0 : i32
    %scan3A_55 = arith.constant 128 : i32
    %scan3A_56 = arith.addi %scan3A_54, %scan3A_55 : i32
    %scan3A_57 = arith.constant 1 : i32
    %scan3A_58 = scf.for %scan3A_293 = %scan3A_54 to %scan3A_56 step %scan3A_57 iter_args(%scan3A_294 = %scan3A_53) -> (i32)  : i32 {
      %swap3A = arith.index_cast %scan3A_293 : i32 to index
      %swap3A_295 = arith.constant 0 : index
      %swap3A_296 = tpu.vector_load %arg13[%swap3A, %swap3A_295] {strides = array<i32>} : memref<128x16xf32, #tpu.memory_space<vmem>>, vector<1x16xf32>,
      %swap3A_297 = vector.shape_cast %swap3A_296 : vector<1x16xf32> to vector<16xf32>
      %swap3A_298 = vector.shape_cast %broadcast_in_dim3A_52 : vector<16xf32> to vector<1x16xf32>
      tpu.vector_store %arg13[%swap3A, %swap3A_295], %swap3A_298 {strides = array<i32>} : memref<128x16xf32, #tpu.memory_space<vmem>>, vector<1x16xf32>,
      %scan3A_299 = arith.constant 0 : i32
      scf.yield %scan3A_299 : i32
    }
    %scan3A_59 = arith.constant 128 : i32
    %broadcast_in_dim3A_60 = arith.constant 1.000000e+00 : f32
    %broadcast_in_dim3A_61 = vector.broadcast %broadcast_in_dim3A_60 : f32 to vector<16xf32>
    %scan3A_62 = arith.constant 0 : i32
    %scan3A_63 = arith.constant 0 : i32
    %scan3A_64 = arith.constant 128 : i32
    %scan3A_65 = arith.addi %scan3A_63, %scan3A_64 : i32
    %scan3A_66 = arith.constant 1 : i32
    %scan3A_67 = scf.for %scan3A_293 = %scan3A_63 to %scan3A_65 step %scan3A_66 iter_args(%scan3A_294 = %scan3A_62) -> (i32)  : i32 {
      %swap3A = arith.index_cast %scan3A_293 : i32 to index
      %swap3A_295 = arith.constant 0 : index
      %swap3A_296 = tpu.vector_load %arg14[%swap3A, %swap3A_295] {strides = array<i32>} : memref<128x16xf32, #tpu.memory_space<vmem>>, vector<1x16xf32>,
      %swap3A_297 = vector.shape_cast %swap3A_296 : vector<1x16xf32> to vector<16xf32>
      %swap3A_298 = vector.shape_cast %broadcast_in_dim3A_61 : vector<16xf32> to vector<1x16xf32>
      tpu.vector_store %arg14[%swap3A, %swap3A_295], %swap3A_298 {strides = array<i32>} : memref<128x16xf32, #tpu.memory_space<vmem>>, vector<1x16xf32>,
      %scan3A_299 = arith.constant 0 : i32
      scf.yield %scan3A_299 : i32
    }
    %scan3A_68 = arith.constant 128 : i32
    %add3A_69 = arith.constant 0 : i32
    %add3A_70 = arith.addi %mul3A_0, %add3A_69 : i32
    "tpu.region"() ({
      %run_scoped3A = tpu.sem_alloc : memref<!tpu.dma_semaphore, #tpu.memory_space<semaphore_mem>>
      %dma_start3A_293 = arith.constant 0 : i32
      %dma_start3A_294 = tpu.memref_slice %arg8[%add3A_70, %dma_start3A_293] : memref<10240x16xf32, #tpu.memory_space<vmem_shared>> -> memref<128x16xf32, #tpu.memory_space<vmem_shared>>
      %dma_start3A_295 = arith.constant 0 : i32
      %dma_start3A_296 = tpu.memref_slice %arg8[%add3A_70, %dma_start3A_295] : memref<10240x16xf32, #tpu.memory_space<vmem_shared>> -> memref<128x16xf32, #tpu.memory_space<vmem_shared>>
      tpu.enqueue_dma source(%arg13 : memref<128x16xf32, #tpu.memory_space<vmem>>) target(%dma_start3A_296 : memref<128x16xf32, #tpu.memory_space<vmem_shared>>) target_semaphore(%run_scoped3A : memref<!tpu.dma_semaphore, #tpu.memory_space<semaphore_mem>>)
      %dma_wait3A_297 = arith.constant 0 : i32
      %dma_wait3A_298 = tpu.memref_slice %arg8[%add3A_70, %dma_wait3A_297] : memref<10240x16xf32, #tpu.memory_space<vmem_shared>> -> memref<128x16xf32, #tpu.memory_space<vmem_shared>>
      %dma_wait3A_299 = arith.constant 0 : i32
      %dma_wait3A_300 = tpu.memref_slice %arg8[%add3A_70, %dma_wait3A_299] : memref<10240x16xf32, #tpu.memory_space<vmem_shared>> -> memref<128x16xf32, #tpu.memory_space<vmem_shared>>
      tpu.wait_dma2 semaphore(%run_scoped3A : memref<!tpu.dma_semaphore, #tpu.memory_space<semaphore_mem>>) src(%arg13 : memref<128x16xf32, #tpu.memory_space<vmem>>) dst(%dma_wait3A_300 : memref<128x16xf32, #tpu.memory_space<vmem_shared>>)
      tpu.yield
    }) : () -> ()
    %add3A_71 = arith.constant 128 : i32
    %add3A_72 = arith.addi %mul3A_0, %add3A_71 : i32
    "tpu.region"() ({
      %run_scoped3A = tpu.sem_alloc : memref<!tpu.dma_semaphore, #tpu.memory_space<semaphore_mem>>
      %dma_start3A_293 = arith.constant 0 : i32
      %dma_start3A_294 = tpu.memref_slice %arg8[%add3A_72, %dma_start3A_293] : memref<10240x16xf32, #tpu.memory_space<vmem_shared>> -> memref<128x16xf32, #tpu.memory_space<vmem_shared>>
      %dma_start3A_295 = arith.constant 0 : i32
      %dma_start3A_296 = tpu.memref_slice %arg8[%add3A_72, %dma_start3A_295] : memref<10240x16xf32, #tpu.memory_space<vmem_shared>> -> memref<128x16xf32, #tpu.memory_space<vmem_shared>>
      tpu.enqueue_dma source(%arg13 : memref<128x16xf32, #tpu.memory_space<vmem>>) target(%dma_start3A_296 : memref<128x16xf32, #tpu.memory_space<vmem_shared>>) target_semaphore(%run_scoped3A : memref<!tpu.dma_semaphore, #tpu.memory_space<semaphore_mem>>)
      %dma_wait3A_297 = arith.constant 0 : i32
      %dma_wait3A_298 = tpu.memref_slice %arg8[%add3A_72, %dma_wait3A_297] : memref<10240x16xf32, #tpu.memory_space<vmem_shared>> -> memref<128x16xf32, #tpu.memory_space<vmem_shared>>
      %dma_wait3A_299 = arith.constant 0 : i32
      %dma_wait3A_300 = tpu.memref_slice %arg8[%add3A_72, %dma_wait3A_299] : memref<10240x16xf32, #tpu.memory_space<vmem_shared>> -> memref<128x16xf32, #tpu.memory_space<vmem_shared>>
      tpu.wait_dma2 semaphore(%run_scoped3A : memref<!tpu.dma_semaphore, #tpu.memory_space<semaphore_mem>>) src(%arg13 : memref<128x16xf32, #tpu.memory_space<vmem>>) dst(%dma_wait3A_300 : memref<128x16xf32, #tpu.memory_space<vmem_shared>>)
      tpu.yield
    }) : () -> ()
    %add3A_73 = arith.constant 256 : i32
    %add3A_74 = arith.addi %mul3A_0, %add3A_73 : i32
    "tpu.region"() ({
      %run_scoped3A = tpu.sem_alloc : memref<!tpu.dma_semaphore, #tpu.memory_space<semaphore_mem>>
      %dma_start3A_293 = arith.constant 0 : i32
      %dma_start3A_294 = tpu.memref_slice %arg8[%add3A_74, %dma_start3A_293] : memref<10240x16xf32, #tpu.memory_space<vmem_shared>> -> memref<128x16xf32, #tpu.memory_space<vmem_shared>>
      %dma_start3A_295 = arith.constant 0 : i32
      %dma_start3A_296 = tpu.memref_slice %arg8[%add3A_74, %dma_start3A_295] : memref<10240x16xf32, #tpu.memory_space<vmem_shared>> -> memref<128x16xf32, #tpu.memory_space<vmem_shared>>
      tpu.enqueue_dma source(%arg13 : memref<128x16xf32, #tpu.memory_space<vmem>>) target(%dma_start3A_296 : memref<128x16xf32, #tpu.memory_space<vmem_shared>>) target_semaphore(%run_scoped3A : memref<!tpu.dma_semaphore, #tpu.memory_space<semaphore_mem>>)
      %dma_wait3A_297 = arith.constant 0 : i32
      %dma_wait3A_298 = tpu.memref_slice %arg8[%add3A_74, %dma_wait3A_297] : memref<10240x16xf32, #tpu.memory_space<vmem_shared>> -> memref<128x16xf32, #tpu.memory_space<vmem_shared>>
      %dma_wait3A_299 = arith.constant 0 : i32
      %dma_wait3A_300 = tpu.memref_slice %arg8[%add3A_74, %dma_wait3A_299] : memref<10240x16xf32, #tpu.memory_space<vmem_shared>> -> memref<128x16xf32, #tpu.memory_space<vmem_shared>>
      tpu.wait_dma2 semaphore(%run_scoped3A : memref<!tpu.dma_semaphore, #tpu.memory_space<semaphore_mem>>) src(%arg13 : memref<128x16xf32, #tpu.memory_space<vmem>>) dst(%dma_wait3A_300 : memref<128x16xf32, #tpu.memory_space<vmem_shared>>)
      tpu.yield
    }) : () -> ()
    %add3A_75 = arith.constant 384 : i32
    %add3A_76 = arith.addi %mul3A_0, %add3A_75 : i32
    "tpu.region"() ({
      %run_scoped3A = tpu.sem_alloc : memref<!tpu.dma_semaphore, #tpu.memory_space<semaphore_mem>>
      %dma_start3A_293 = arith.constant 0 : i32
      %dma_start3A_294 = tpu.memref_slice %arg8[%add3A_76, %dma_start3A_293] : memref<10240x16xf32, #tpu.memory_space<vmem_shared>> -> memref<128x16xf32, #tpu.memory_space<vmem_shared>>
      %dma_start3A_295 = arith.constant 0 : i32
      %dma_start3A_296 = tpu.memref_slice %arg8[%add3A_76, %dma_start3A_295] : memref<10240x16xf32, #tpu.memory_space<vmem_shared>> -> memref<128x16xf32, #tpu.memory_space<vmem_shared>>
      tpu.enqueue_dma source(%arg13 : memref<128x16xf32, #tpu.memory_space<vmem>>) target(%dma_start3A_296 : memref<128x16xf32, #tpu.memory_space<vmem_shared>>) target_semaphore(%run_scoped3A : memref<!tpu.dma_semaphore, #tpu.memory_space<semaphore_mem>>)
      %dma_wait3A_297 = arith.constant 0 : i32
      %dma_wait3A_298 = tpu.memref_slice %arg8[%add3A_76, %dma_wait3A_297] : memref<10240x16xf32, #tpu.memory_space<vmem_shared>> -> memref<128x16xf32, #tpu.memory_space<vmem_shared>>
      %dma_wait3A_299 = arith.constant 0 : i32
      %dma_wait3A_300 = tpu.memref_slice %arg8[%add3A_76, %dma_wait3A_299] : memref<10240x16xf32, #tpu.memory_space<vmem_shared>> -> memref<128x16xf32, #tpu.memory_space<vmem_shared>>
      tpu.wait_dma2 semaphore(%run_scoped3A : memref<!tpu.dma_semaphore, #tpu.memory_space<semaphore_mem>>) src(%arg13 : memref<128x16xf32, #tpu.memory_space<vmem>>) dst(%dma_wait3A_300 : memref<128x16xf32, #tpu.memory_space<vmem_shared>>)
      tpu.yield
    }) : () -> ()
    %add3A_77 = arith.constant 512 : i32
    %add3A_78 = arith.addi %mul3A_0, %add3A_77 : i32
    "tpu.region"() ({
      %run_scoped3A = tpu.sem_alloc : memref<!tpu.dma_semaphore, #tpu.memory_space<semaphore_mem>>
      %dma_start3A_293 = arith.constant 0 : i32
      %dma_start3A_294 = tpu.memref_slice %arg8[%add3A_78, %dma_start3A_293] : memref<10240x16xf32, #tpu.memory_space<vmem_shared>> -> memref<128x16xf32, #tpu.memory_space<vmem_shared>>
      %dma_start3A_295 = arith.constant 0 : i32
      %dma_start3A_296 = tpu.memref_slice %arg8[%add3A_78, %dma_start3A_295] : memref<10240x16xf32, #tpu.memory_space<vmem_shared>> -> memref<128x16xf32, #tpu.memory_space<vmem_shared>>
      tpu.enqueue_dma source(%arg13 : memref<128x16xf32, #tpu.memory_space<vmem>>) target(%dma_start3A_296 : memref<128x16xf32, #tpu.memory_space<vmem_shared>>) target_semaphore(%run_scoped3A : memref<!tpu.dma_semaphore, #tpu.memory_space<semaphore_mem>>)
      %dma_wait3A_297 = arith.constant 0 : i32
      %dma_wait3A_298 = tpu.memref_slice %arg8[%add3A_78, %dma_wait3A_297] : memref<10240x16xf32, #tpu.memory_space<vmem_shared>> -> memref<128x16xf32, #tpu.memory_space<vmem_shared>>
      %dma_wait3A_299 = arith.constant 0 : i32
      %dma_wait3A_300 = tpu.memref_slice %arg8[%add3A_78, %dma_wait3A_299] : memref<10240x16xf32, #tpu.memory_space<vmem_shared>> -> memref<128x16xf32, #tpu.memory_space<vmem_shared>>
      tpu.wait_dma2 semaphore(%run_scoped3A : memref<!tpu.dma_semaphore, #tpu.memory_space<semaphore_mem>>) src(%arg13 : memref<128x16xf32, #tpu.memory_space<vmem>>) dst(%dma_wait3A_300 : memref<128x16xf32, #tpu.memory_space<vmem_shared>>)
      tpu.yield
    }) : () -> ()
    %barrier3A = arith.constant 0 : index
    tpu.barrier barrier_id(%barrier3A)
    %add3A_79 = arith.constant 0 : i32
    %add3A_80 = arith.addi %mul3A_4, %add3A_79 : i32
    %dma_start3A = arith.constant 0 : i32
    %dma_start3A_81 = arith.constant 0 : i32
    %dma_start3A_82 = arith.constant 0 : i32
    %dma_start3A_83 = arith.constant 0 : i32
    %dma_start3A_84 = arith.constant 0 : i32
    %dma_start3A_85 = tpu.memref_slice %arg9[%dma_start3A_81, %dma_start3A_83, %dma_start3A_84] : memref<2x12x128xi32, #tpu.memory_space<vmem>> -> memref<1x12x128xi32, #tpu.memory_space<vmem>>
    %dma_start3A_86 = tpu.memref_squeeze %dma_start3A_85 : memref<1x12x128xi32, #tpu.memory_space<vmem>> -> memref<12x128xi32, #tpu.memory_space<vmem>>
    %dma_start3A_87 = arith.constant 0 : i32
    %dma_start3A_88 = tpu.memref_slice %arg3[%dma_start3A, %add3A_80, %dma_start3A_87] : memref<2x2500x128xi32, #tpu.memory_space<hbm>> -> memref<1x12x128xi32, #tpu.memory_space<hbm>>
    %dma_start3A_89 = tpu.memref_squeeze %dma_start3A_88 : memref<1x12x128xi32, #tpu.memory_space<hbm>> -> memref<12x128xi32, #tpu.memory_space<hbm>>
    %dma_start3A_90 = tpu.memref_slice %arg17[%dma_start3A_82] : memref<2x!tpu.dma_semaphore, #tpu.memory_space<semaphore_mem>> -> memref<1x!tpu.dma_semaphore, #tpu.memory_space<semaphore_mem>>
    %dma_start3A_91 = tpu.memref_squeeze %dma_start3A_90 : memref<1x!tpu.dma_semaphore, #tpu.memory_space<semaphore_mem>> -> memref<!tpu.dma_semaphore, #tpu.memory_space<semaphore_mem>>
    %dma_start3A_92 = arith.constant 0 : i32
    %dma_start3A_93 = arith.constant 0 : i32
    %dma_start3A_94 = tpu.memref_slice %arg9[%dma_start3A_81, %dma_start3A_92, %dma_start3A_93] : memref<2x12x128xi32, #tpu.memory_space<vmem>> -> memref<1x12x128xi32, #tpu.memory_space<vmem>>
    %dma_start3A_95 = tpu.memref_squeeze %dma_start3A_94 : memref<1x12x128xi32, #tpu.memory_space<vmem>> -> memref<12x128xi32, #tpu.memory_space<vmem>>
    %dma_start3A_96 = arith.constant 0 : i32
    %dma_start3A_97 = tpu.memref_slice %arg3[%dma_start3A, %add3A_80, %dma_start3A_96] : memref<2x2500x128xi32, #tpu.memory_space<hbm>> -> memref<1x12x128xi32, #tpu.memory_space<hbm>>
    %dma_start3A_98 = tpu.memref_squeeze %dma_start3A_97 : memref<1x12x128xi32, #tpu.memory_space<hbm>> -> memref<12x128xi32, #tpu.memory_space<hbm>>
    tpu.enqueue_dma source(%dma_start3A_98 : memref<12x128xi32, #tpu.memory_space<hbm>>) target(%dma_start3A_95 : memref<12x128xi32, #tpu.memory_space<vmem>>) target_semaphore(%dma_start3A_91 : memref<!tpu.dma_semaphore, #tpu.memory_space<semaphore_mem>>)
    %add3A_99 = arith.constant 0 : i32
    %add3A_100 = arith.addi %mul3A_4, %add3A_99 : i32
    %dma_start3A_101 = arith.constant 1 : i32
    %dma_start3A_102 = arith.constant 0 : i32
    %dma_start3A_103 = arith.constant 0 : i32
    %dma_start3A_104 = arith.constant 0 : i32
    %dma_start3A_105 = arith.constant 0 : i32
    %dma_start3A_106 = tpu.memref_slice %arg10[%dma_start3A_102, %dma_start3A_104, %dma_start3A_105] : memref<2x12x128xi32, #tpu.memory_space<vmem>> -> memref<1x12x128xi32, #tpu.memory_space<vmem>>
    %dma_start3A_107 = tpu.memref_squeeze %dma_start3A_106 : memref<1x12x128xi32, #tpu.memory_space<vmem>> -> memref<12x128xi32, #tpu.memory_space<vmem>>
    %dma_start3A_108 = arith.constant 0 : i32
    %dma_start3A_109 = tpu.memref_slice %arg3[%dma_start3A_101, %add3A_100, %dma_start3A_108] : memref<2x2500x128xi32, #tpu.memory_space<hbm>> -> memref<1x12x128xi32, #tpu.memory_space<hbm>>
    %dma_start3A_110 = tpu.memref_squeeze %dma_start3A_109 : memref<1x12x128xi32, #tpu.memory_space<hbm>> -> memref<12x128xi32, #tpu.memory_space<hbm>>
    %dma_start3A_111 = tpu.memref_slice %arg17[%dma_start3A_103] : memref<2x!tpu.dma_semaphore, #tpu.memory_space<semaphore_mem>> -> memref<1x!tpu.dma_semaphore, #tpu.memory_space<semaphore_mem>>
    %dma_start3A_112 = tpu.memref_squeeze %dma_start3A_111 : memref<1x!tpu.dma_semaphore, #tpu.memory_space<semaphore_mem>> -> memref<!tpu.dma_semaphore, #tpu.memory_space<semaphore_mem>>
    %dma_start3A_113 = arith.constant 0 : i32
    %dma_start3A_114 = arith.constant 0 : i32
    %dma_start3A_115 = tpu.memref_slice %arg10[%dma_start3A_102, %dma_start3A_113, %dma_start3A_114] : memref<2x12x128xi32, #tpu.memory_space<vmem>> -> memref<1x12x128xi32, #tpu.memory_space<vmem>>
    %dma_start3A_116 = tpu.memref_squeeze %dma_start3A_115 : memref<1x12x128xi32, #tpu.memory_space<vmem>> -> memref<12x128xi32, #tpu.memory_space<vmem>>
    %dma_start3A_117 = arith.constant 0 : i32
    %dma_start3A_118 = tpu.memref_slice %arg3[%dma_start3A_101, %add3A_100, %dma_start3A_117] : memref<2x2500x128xi32, #tpu.memory_space<hbm>> -> memref<1x12x128xi32, #tpu.memory_space<hbm>>
    %dma_start3A_119 = tpu.memref_squeeze %dma_start3A_118 : memref<1x12x128xi32, #tpu.memory_space<hbm>> -> memref<12x128xi32, #tpu.memory_space<hbm>>
    tpu.enqueue_dma source(%dma_start3A_119 : memref<12x128xi32, #tpu.memory_space<hbm>>) target(%dma_start3A_116 : memref<12x128xi32, #tpu.memory_space<vmem>>) target_semaphore(%dma_start3A_112 : memref<!tpu.dma_semaphore, #tpu.memory_space<semaphore_mem>>)
    %add3A_120 = arith.constant 0 : i32
    %add3A_121 = arith.addi %mul3A_4, %add3A_120 : i32
    %dma_wait3A = arith.constant 0 : i32
    %dma_wait3A_122 = arith.constant 0 : i32
    %dma_wait3A_123 = arith.constant 0 : i32
    %dma_wait3A_124 = arith.constant 0 : i32
    %dma_wait3A_125 = arith.constant 0 : i32
    %dma_wait3A_126 = tpu.memref_slice %arg9[%dma_wait3A_122, %dma_wait3A_124, %dma_wait3A_125] : memref<2x12x128xi32, #tpu.memory_space<vmem>> -> memref<1x12x128xi32, #tpu.memory_space<vmem>>
    %dma_wait3A_127 = tpu.memref_squeeze %dma_wait3A_126 : memref<1x12x128xi32, #tpu.memory_space<vmem>> -> memref<12x128xi32, #tpu.memory_space<vmem>>
    %dma_wait3A_128 = arith.constant 0 : i32
    %dma_wait3A_129 = tpu.memref_slice %arg3[%dma_wait3A, %add3A_121, %dma_wait3A_128] : memref<2x2500x128xi32, #tpu.memory_space<hbm>> -> memref<1x12x128xi32, #tpu.memory_space<hbm>>
    %dma_wait3A_130 = tpu.memref_squeeze %dma_wait3A_129 : memref<1x12x128xi32, #tpu.memory_space<hbm>> -> memref<12x128xi32, #tpu.memory_space<hbm>>
    %dma_wait3A_131 = tpu.memref_slice %arg17[%dma_wait3A_123] : memref<2x!tpu.dma_semaphore, #tpu.memory_space<semaphore_mem>> -> memref<1x!tpu.dma_semaphore, #tpu.memory_space<semaphore_mem>>
    %dma_wait3A_132 = tpu.memref_squeeze %dma_wait3A_131 : memref<1x!tpu.dma_semaphore, #tpu.memory_space<semaphore_mem>> -> memref<!tpu.dma_semaphore, #tpu.memory_space<semaphore_mem>>
    %dma_wait3A_133 = arith.constant 0 : i32
    %dma_wait3A_134 = arith.constant 0 : i32
    %dma_wait3A_135 = tpu.memref_slice %arg9[%dma_wait3A_122, %dma_wait3A_133, %dma_wait3A_134] : memref<2x12x128xi32, #tpu.memory_space<vmem>> -> memref<1x12x128xi32, #tpu.memory_space<vmem>>
    %dma_wait3A_136 = tpu.memref_squeeze %dma_wait3A_135 : memref<1x12x128xi32, #tpu.memory_space<vmem>> -> memref<12x128xi32, #tpu.memory_space<vmem>>
    %dma_wait3A_137 = arith.constant 0 : i32
    %dma_wait3A_138 = tpu.memref_slice %arg3[%dma_wait3A, %add3A_121, %dma_wait3A_137] : memref<2x2500x128xi32, #tpu.memory_space<hbm>> -> memref<1x12x128xi32, #tpu.memory_space<hbm>>
    %dma_wait3A_139 = tpu.memref_squeeze %dma_wait3A_138 : memref<1x12x128xi32, #tpu.memory_space<hbm>> -> memref<12x128xi32, #tpu.memory_space<hbm>>
    tpu.wait_dma2 semaphore(%dma_wait3A_132 : memref<!tpu.dma_semaphore, #tpu.memory_space<semaphore_mem>>) src(%dma_wait3A_139 : memref<12x128xi32, #tpu.memory_space<hbm>>) dst(%dma_wait3A_136 : memref<12x128xi32, #tpu.memory_space<vmem>>)
    %add3A_140 = arith.constant 0 : i32
    %add3A_141 = arith.addi %mul3A_4, %add3A_140 : i32
    %dma_wait3A_142 = arith.constant 1 : i32
    %dma_wait3A_143 = arith.constant 0 : i32
    %dma_wait3A_144 = arith.constant 0 : i32
    %dma_wait3A_145 = arith.constant 0 : i32
    %dma_wait3A_146 = arith.constant 0 : i32
    %dma_wait3A_147 = tpu.memref_slice %arg10[%dma_wait3A_143, %dma_wait3A_145, %dma_wait3A_146] : memref<2x12x128xi32, #tpu.memory_space<vmem>> -> memref<1x12x128xi32, #tpu.memory_space<vmem>>
    %dma_wait3A_148 = tpu.memref_squeeze %dma_wait3A_147 : memref<1x12x128xi32, #tpu.memory_space<vmem>> -> memref<12x128xi32, #tpu.memory_space<vmem>>
    %dma_wait3A_149 = arith.constant 0 : i32
    %dma_wait3A_150 = tpu.memref_slice %arg3[%dma_wait3A_142, %add3A_141, %dma_wait3A_149] : memref<2x2500x128xi32, #tpu.memory_space<hbm>> -> memref<1x12x128xi32, #tpu.memory_space<hbm>>
    %dma_wait3A_151 = tpu.memref_squeeze %dma_wait3A_150 : memref<1x12x128xi32, #tpu.memory_space<hbm>> -> memref<12x128xi32, #tpu.memory_space<hbm>>
    %dma_wait3A_152 = tpu.memref_slice %arg17[%dma_wait3A_144] : memref<2x!tpu.dma_semaphore, #tpu.memory_space<semaphore_mem>> -> memref<1x!tpu.dma_semaphore, #tpu.memory_space<semaphore_mem>>
    %dma_wait3A_153 = tpu.memref_squeeze %dma_wait3A_152 : memref<1x!tpu.dma_semaphore, #tpu.memory_space<semaphore_mem>> -> memref<!tpu.dma_semaphore, #tpu.memory_space<semaphore_mem>>
    %dma_wait3A_154 = arith.constant 0 : i32
    %dma_wait3A_155 = arith.constant 0 : i32
    %dma_wait3A_156 = tpu.memref_slice %arg10[%dma_wait3A_143, %dma_wait3A_154, %dma_wait3A_155] : memref<2x12x128xi32, #tpu.memory_space<vmem>> -> memref<1x12x128xi32, #tpu.memory_space<vmem>>
    %dma_wait3A_157 = tpu.memref_squeeze %dma_wait3A_156 : memref<1x12x128xi32, #tpu.memory_space<vmem>> -> memref<12x128xi32, #tpu.memory_space<vmem>>
    %dma_wait3A_158 = arith.constant 0 : i32
    %dma_wait3A_159 = tpu.memref_slice %arg3[%dma_wait3A_142, %add3A_141, %dma_wait3A_158] : memref<2x2500x128xi32, #tpu.memory_space<hbm>> -> memref<1x12x128xi32, #tpu.memory_space<hbm>>
    %dma_wait3A_160 = tpu.memref_squeeze %dma_wait3A_159 : memref<1x12x128xi32, #tpu.memory_space<hbm>> -> memref<12x128xi32, #tpu.memory_space<hbm>>
    tpu.wait_dma2 semaphore(%dma_wait3A_153 : memref<!tpu.dma_semaphore, #tpu.memory_space<semaphore_mem>>) src(%dma_wait3A_160 : memref<12x128xi32, #tpu.memory_space<hbm>>) dst(%dma_wait3A_157 : memref<12x128xi32, #tpu.memory_space<vmem>>)
    %dma_start3A_161 = arith.constant 0 : i32
    %dma_start3A_162 = arith.constant 0 : i32
    %dma_start3A_163 = arith.constant 0 : i32
    %dma_start3A_164 = arith.constant 0 : i32
    %dma_start3A_165 = arith.constant 0 : i32
    %dma_start3A_166 = arith.constant 0 : i32
    %dma_start3A_167 = tpu.memref_slice %arg11[%dma_start3A_163, %dma_start3A_165, %dma_start3A_166] : memref<3x128x64xf32, #tpu.memory_space<vmem>> -> memref<1x128x64xf32, #tpu.memory_space<vmem>>
    %dma_start3A_168 = tpu.memref_squeeze %dma_start3A_167 : memref<1x128x64xf32, #tpu.memory_space<vmem>> -> memref<128x64xf32, #tpu.memory_space<vmem>>
    %dma_start3A_169 = arith.constant 0 : i32
    %dma_start3A_170 = tpu.memref_slice %arg9[%dma_start3A_161, %dma_start3A_162, %dma_start3A_169] : memref<2x12x128xi32, #tpu.memory_space<vmem>> -> memref<1x1x128xi32, #tpu.memory_space<vmem>>
    %dma_start3A_171 = tpu.memref_squeeze %dma_start3A_170 : memref<1x1x128xi32, #tpu.memory_space<vmem>> -> memref<128xi32, #tpu.memory_space<vmem>>
    %dma_start3A_172 = arith.constant 0 : i32
    %dma_start3A_173 = arith.constant 0 : i32
    %dma_start3A_174 = tpu.memref_slice %arg6[%dma_start3A_172, %dma_start3A_173] : memref<10240x64xf32, #tpu.memory_space<vmem_shared>> -> memref<10240x64xf32, #tpu.memory_space<vmem_shared>>
    %dma_start3A_175 = tpu.memref_slice %arg15[%dma_start3A_164] : memref<3x!tpu.dma_semaphore, #tpu.memory_space<semaphore_mem>> -> memref<1x!tpu.dma_semaphore, #tpu.memory_space<semaphore_mem>>
    %dma_start3A_176 = tpu.memref_squeeze %dma_start3A_175 : memref<1x!tpu.dma_semaphore, #tpu.memory_space<semaphore_mem>> -> memref<!tpu.dma_semaphore, #tpu.memory_space<semaphore_mem>>
    tpu.enqueue_indirect_dma source(%dma_start3A_174 : memref<10240x64xf32, #tpu.memory_space<vmem_shared>>) target(%dma_start3A_168 : memref<128x64xf32, #tpu.memory_space<vmem>>) offsets(%dma_start3A_171 : memref<128xi32, #tpu.memory_space<vmem>>) semaphore(%dma_start3A_176 : memref<!tpu.dma_semaphore, #tpu.memory_space<semaphore_mem>>)
    %scan3A_177 = arith.constant 0 : i32
    %scan3A_178 = arith.constant 0 : i32
    %scan3A_179 = arith.constant 156 : i32
    %scan3A_180 = arith.addi %scan3A_178, %scan3A_179 : i32
    %scan3A_181 = arith.constant 1 : i32
    %scan3A_182 = scf.for %scan3A_293 = %scan3A_178 to %scan3A_180 step %scan3A_181 iter_args(%scan3A_294 = %scan3A_177) -> (i32)  : i32 {
      %jit3A_295 = arith.constant 12 : i32
      %div3A_296 = arith.divsi %scan3A_293, %jit3A_295 : i32
      %sign3A_297 = arith.constant 0 : i32
      %sign3A_298 = arith.cmpi sgt, %scan3A_293, %sign3A_297 : i32
      %sign3A_299 = arith.extui %sign3A_298 : i1 to i32
      %sign3A_300 = arith.constant 0 : i32
      %sign3A_301 = arith.cmpi slt, %scan3A_293, %sign3A_300 : i32
      %sign3A_302 = arith.extui %sign3A_301 : i1 to i32
      %sign3A_303 = arith.subi %sign3A_299, %sign3A_302 : i32
      %sign3A_304 = arith.constant 0 : i32
      %sign3A_305 = arith.cmpi sgt, %jit3A_295, %sign3A_304 : i32
      %sign3A_306 = arith.extui %sign3A_305 : i1 to i32
      %sign3A_307 = arith.constant 0 : i32
      %sign3A_308 = arith.cmpi slt, %jit3A_295, %sign3A_307 : i32
      %sign3A_309 = arith.extui %sign3A_308 : i1 to i32
      %sign3A_310 = arith.subi %sign3A_306, %sign3A_309 : i32
      %ne3A_311 = arith.cmpi ne, %sign3A_303, %sign3A_310 : i32
      %rem3A_312 = arith.remsi %scan3A_293, %jit3A_295 : i32
      %ne3A_313 = arith.constant 0 : i32
      %ne3A_314 = arith.cmpi ne, %rem3A_312, %ne3A_313 : i32
      %and3A_315 = arith.andi %ne3A_311, %ne3A_314 : i1
      %sub3A_316 = arith.constant 1 : i32
      %sub3A_317 = arith.subi %div3A_296, %sub3A_316 : i32
      %select_n3A_318 = arith.select %and3A_315, %sub3A_317, %div3A_296 : i32
      %jit3A_319 = arith.constant 12 : i32
      %eq3A_320 = arith.constant 0 : i32
      %eq3A_321 = arith.cmpi eq, %jit3A_319, %eq3A_320 : i32
      %jit3A_322 = arith.constant 1 : i32
      %select_n3A_323 = arith.select %eq3A_321, %jit3A_322, %jit3A_319 : i32
      %rem3A_324 = arith.remsi %scan3A_293, %select_n3A_323 : i32
      %ne3A_325 = arith.constant 0 : i32
      %ne3A_326 = arith.cmpi ne, %rem3A_324, %ne3A_325 : i32
      %lt3A_327 = arith.constant 0 : i32
      %lt3A_328 = arith.cmpi slt, %rem3A_324, %lt3A_327 : i32
      %lt3A_329 = arith.constant 0 : i32
      %lt3A_330 = arith.cmpi slt, %select_n3A_323, %lt3A_329 : i32
      %ne3A_331 = arith.xori %lt3A_328, %lt3A_330 : i1
      %and3A_332 = arith.andi %ne3A_331, %ne3A_326 : i1
      %add3A_333 = arith.addi %rem3A_324, %select_n3A_323 : i32
      %select_n3A_334 = arith.select %and3A_332, %add3A_333, %rem3A_324 : i32
      %eq3A_335 = arith.constant 3 : i32
      %eq3A_336 = arith.cmpi eq, %select_n3A_334, %eq3A_335 : i32
      %add3A_337 = arith.constant 1 : i32
      %add3A_338 = arith.addi %select_n3A_318, %add3A_337 : i32
      %lt3A_339 = arith.constant 13 : i32
      %lt3A_340 = arith.cmpi slt, %add3A_338, %lt3A_339 : i32
      %and3A_341 = arith.andi %eq3A_336, %lt3A_340 : i1
      %convert_element_type3A_342 = arith.extui %and3A_341 : i1 to i32
      %cond3A_343 = arith.constant 0 : i32
      %cond3A_344 = arith.cmpi ne, %convert_element_type3A_342, %cond3A_343 : i32
      scf.if %cond3A_344 {
        %add3A_541 = arith.constant 1 : i32
        %add3A_542 = arith.addi %select_n3A_318, %add3A_541 : i32
        %add3A_543 = arith.constant 1 : i32
        %add3A_544 = arith.addi %select_n3A_318, %add3A_543 : i32
        %jit3A_545 = arith.constant 2 : i32
        %eq3A_546 = arith.constant 0 : i32
        %eq3A_547 = arith.cmpi eq, %jit3A_545, %eq3A_546 : i32
        %jit3A_548 = arith.constant 1 : i32
        %select_n3A_549 = arith.select %eq3A_547, %jit3A_548, %jit3A_545 : i32
        %rem3A_550 = arith.remsi %add3A_544, %select_n3A_549 : i32
        %ne3A_551 = arith.constant 0 : i32
        %ne3A_552 = arith.cmpi ne, %rem3A_550, %ne3A_551 : i32
        %lt3A_553 = arith.constant 0 : i32
        %lt3A_554 = arith.cmpi slt, %rem3A_550, %lt3A_553 : i32
        %lt3A_555 = arith.constant 0 : i32
        %lt3A_556 = arith.cmpi slt, %select_n3A_549, %lt3A_555 : i32
        %ne3A_557 = arith.xori %lt3A_554, %lt3A_556 : i1
        %and3A_558 = arith.andi %ne3A_557, %ne3A_552 : i1
        %add3A_559 = arith.addi %rem3A_550, %select_n3A_549 : i32
        %select_n3A_560 = arith.select %and3A_558, %add3A_559, %rem3A_550 : i32
        %mul3A_561 = arith.constant 12 : i32
        %mul3A_562 = arith.muli %add3A_542, %mul3A_561 : i32
        %add3A_563 = arith.addi %mul3A_4, %mul3A_562 : i32
        %dma_start3A_564 = arith.constant 0 : i32
        %dma_start3A_565 = arith.constant 0 : i32
        %dma_start3A_566 = arith.constant 0 : i32
        %dma_start3A_567 = tpu.memref_slice %arg9[%select_n3A_560, %dma_start3A_565, %dma_start3A_566] : memref<2x12x128xi32, #tpu.memory_space<vmem>> -> memref<1x12x128xi32, #tpu.memory_space<vmem>>
        %dma_start3A_568 = tpu.memref_squeeze %dma_start3A_567 : memref<1x12x128xi32, #tpu.memory_space<vmem>> -> memref<12x128xi32, #tpu.memory_space<vmem>>
        %dma_start3A_569 = arith.constant 0 : i32
        %dma_start3A_570 = tpu.memref_slice %arg3[%dma_start3A_564, %add3A_563, %dma_start3A_569] : memref<2x2500x128xi32, #tpu.memory_space<hbm>> -> memref<1x12x128xi32, #tpu.memory_space<hbm>>
        %dma_start3A_571 = tpu.memref_squeeze %dma_start3A_570 : memref<1x12x128xi32, #tpu.memory_space<hbm>> -> memref<12x128xi32, #tpu.memory_space<hbm>>
        %dma_start3A_572 = tpu.memref_slice %arg17[%select_n3A_560] : memref<2x!tpu.dma_semaphore, #tpu.memory_space<semaphore_mem>> -> memref<1x!tpu.dma_semaphore, #tpu.memory_space<semaphore_mem>>
        %dma_start3A_573 = tpu.memref_squeeze %dma_start3A_572 : memref<1x!tpu.dma_semaphore, #tpu.memory_space<semaphore_mem>> -> memref<!tpu.dma_semaphore, #tpu.memory_space<semaphore_mem>>
        %dma_start3A_574 = arith.constant 0 : i32
        %dma_start3A_575 = arith.constant 0 : i32
        %dma_start3A_576 = tpu.memref_slice %arg9[%select_n3A_560, %dma_start3A_574, %dma_start3A_575] : memref<2x12x128xi32, #tpu.memory_space<vmem>> -> memref<1x12x128xi32, #tpu.memory_space<vmem>>
        %dma_start3A_577 = tpu.memref_squeeze %dma_start3A_576 : memref<1x12x128xi32, #tpu.memory_space<vmem>> -> memref<12x128xi32, #tpu.memory_space<vmem>>
        %dma_start3A_578 = arith.constant 0 : i32
        %dma_start3A_579 = tpu.memref_slice %arg3[%dma_start3A_564, %add3A_563, %dma_start3A_578] : memref<2x2500x128xi32, #tpu.memory_space<hbm>> -> memref<1x12x128xi32, #tpu.memory_space<hbm>>
        %dma_start3A_580 = tpu.memref_squeeze %dma_start3A_579 : memref<1x12x128xi32, #tpu.memory_space<hbm>> -> memref<12x128xi32, #tpu.memory_space<hbm>>
        tpu.enqueue_dma source(%dma_start3A_580 : memref<12x128xi32, #tpu.memory_space<hbm>>) target(%dma_start3A_577 : memref<12x128xi32, #tpu.memory_space<vmem>>) target_semaphore(%dma_start3A_573 : memref<!tpu.dma_semaphore, #tpu.memory_space<semaphore_mem>>)
        %mul3A_581 = arith.constant 12 : i32
        %mul3A_582 = arith.muli %add3A_542, %mul3A_581 : i32
        %add3A_583 = arith.addi %mul3A_4, %mul3A_582 : i32
        %dma_start3A_584 = arith.constant 1 : i32
        %dma_start3A_585 = arith.constant 0 : i32
        %dma_start3A_586 = arith.constant 0 : i32
        %dma_start3A_587 = tpu.memref_slice %arg10[%select_n3A_560, %dma_start3A_585, %dma_start3A_586] : memref<2x12x128xi32, #tpu.memory_space<vmem>> -> memref<1x12x128xi32, #tpu.memory_space<vmem>>
        %dma_start3A_588 = tpu.memref_squeeze %dma_start3A_587 : memref<1x12x128xi32, #tpu.memory_space<vmem>> -> memref<12x128xi32, #tpu.memory_space<vmem>>
        %dma_start3A_589 = arith.constant 0 : i32
        %dma_start3A_590 = tpu.memref_slice %arg3[%dma_start3A_584, %add3A_583, %dma_start3A_589] : memref<2x2500x128xi32, #tpu.memory_space<hbm>> -> memref<1x12x128xi32, #tpu.memory_space<hbm>>
        %dma_start3A_591 = tpu.memref_squeeze %dma_start3A_590 : memref<1x12x128xi32, #tpu.memory_space<hbm>> -> memref<12x128xi32, #tpu.memory_space<hbm>>
        %dma_start3A_592 = tpu.memref_slice %arg17[%select_n3A_560] : memref<2x!tpu.dma_semaphore, #tpu.memory_space<semaphore_mem>> -> memref<1x!tpu.dma_semaphore, #tpu.memory_space<semaphore_mem>>
        %dma_start3A_593 = tpu.memref_squeeze %dma_start3A_592 : memref<1x!tpu.dma_semaphore, #tpu.memory_space<semaphore_mem>> -> memref<!tpu.dma_semaphore, #tpu.memory_space<semaphore_mem>>
        %dma_start3A_594 = arith.constant 0 : i32
        %dma_start3A_595 = arith.constant 0 : i32
        %dma_start3A_596 = tpu.memref_slice %arg10[%select_n3A_560, %dma_start3A_594, %dma_start3A_595] : memref<2x12x128xi32, #tpu.memory_space<vmem>> -> memref<1x12x128xi32, #tpu.memory_space<vmem>>
        %dma_start3A_597 = tpu.memref_squeeze %dma_start3A_596 : memref<1x12x128xi32, #tpu.memory_space<vmem>> -> memref<12x128xi32, #tpu.memory_space<vmem>>
        %dma_start3A_598 = arith.constant 0 : i32
        %dma_start3A_599 = tpu.memref_slice %arg3[%dma_start3A_584, %add3A_583, %dma_start3A_598] : memref<2x2500x128xi32, #tpu.memory_space<hbm>> -> memref<1x12x128xi32, #tpu.memory_space<hbm>>
        %dma_start3A_600 = tpu.memref_squeeze %dma_start3A_599 : memref<1x12x128xi32, #tpu.memory_space<hbm>> -> memref<12x128xi32, #tpu.memory_space<hbm>>
        tpu.enqueue_dma source(%dma_start3A_600 : memref<12x128xi32, #tpu.memory_space<hbm>>) target(%dma_start3A_597 : memref<12x128xi32, #tpu.memory_space<vmem>>) target_semaphore(%dma_start3A_593 : memref<!tpu.dma_semaphore, #tpu.memory_space<semaphore_mem>>)
      } else {
      }
      %add3A_345 = arith.constant 1 : i32
      %add3A_346 = arith.addi %scan3A_293, %add3A_345 : i32
      %lt3A_347 = arith.constant 156 : i32
      %lt3A_348 = arith.cmpi slt, %add3A_346, %lt3A_347 : i32
      %convert_element_type3A_349 = arith.extui %lt3A_348 : i1 to i32
      %cond3A_350 = arith.constant 0 : i32
      %cond3A_351 = arith.cmpi ne, %convert_element_type3A_349, %cond3A_350 : i32
      scf.if %cond3A_351 {
        %add3A_541 = arith.constant 1 : i32
        %add3A_542 = arith.addi %scan3A_293, %add3A_541 : i32
        %ge3A = arith.constant 3 : i32
        %ge3A_543 = arith.cmpi sge, %add3A_542, %ge3A : i32
        %convert_element_type3A_544 = arith.extui %ge3A_543 : i1 to i32
        %cond3A_545 = arith.constant 0 : i32
        %cond3A_546 = arith.cmpi ne, %convert_element_type3A_544, %cond3A_545 : i32
        scf.if %cond3A_546 {
          %add3A_656 = arith.constant 1 : i32
          %add3A_657 = arith.addi %scan3A_293, %add3A_656 : i32
          %sub3A_658 = arith.constant 3 : i32
          %sub3A_659 = arith.subi %add3A_657, %sub3A_658 : i32
          %jit3A_660 = arith.constant 12 : i32
          %div3A_661 = arith.divsi %sub3A_659, %jit3A_660 : i32
          %sign3A_662 = arith.constant 0 : i32
          %sign3A_663 = arith.cmpi sgt, %sub3A_659, %sign3A_662 : i32
          %sign3A_664 = arith.extui %sign3A_663 : i1 to i32
          %sign3A_665 = arith.constant 0 : i32
          %sign3A_666 = arith.cmpi slt, %sub3A_659, %sign3A_665 : i32
          %sign3A_667 = arith.extui %sign3A_666 : i1 to i32
          %sign3A_668 = arith.subi %sign3A_664, %sign3A_667 : i32
          %sign3A_669 = arith.constant 0 : i32
          %sign3A_670 = arith.cmpi sgt, %jit3A_660, %sign3A_669 : i32
          %sign3A_671 = arith.extui %sign3A_670 : i1 to i32
          %sign3A_672 = arith.constant 0 : i32
          %sign3A_673 = arith.cmpi slt, %jit3A_660, %sign3A_672 : i32
          %sign3A_674 = arith.extui %sign3A_673 : i1 to i32
          %sign3A_675 = arith.subi %sign3A_671, %sign3A_674 : i32
          %ne3A_676 = arith.cmpi ne, %sign3A_668, %sign3A_675 : i32
          %rem3A_677 = arith.remsi %sub3A_659, %jit3A_660 : i32
          %ne3A_678 = arith.constant 0 : i32
          %ne3A_679 = arith.cmpi ne, %rem3A_677, %ne3A_678 : i32
          %and3A_680 = arith.andi %ne3A_676, %ne3A_679 : i1
          %sub3A_681 = arith.constant 1 : i32
          %sub3A_682 = arith.subi %div3A_661, %sub3A_681 : i32
          %select_n3A_683 = arith.select %and3A_680, %sub3A_682, %div3A_661 : i32
          %jit3A_684 = arith.constant 2 : i32
          %eq3A_685 = arith.constant 0 : i32
          %eq3A_686 = arith.cmpi eq, %jit3A_684, %eq3A_685 : i32
          %jit3A_687 = arith.constant 1 : i32
          %select_n3A_688 = arith.select %eq3A_686, %jit3A_687, %jit3A_684 : i32
          %rem3A_689 = arith.remsi %select_n3A_683, %select_n3A_688 : i32
          %ne3A_690 = arith.constant 0 : i32
          %ne3A_691 = arith.cmpi ne, %rem3A_689, %ne3A_690 : i32
          %lt3A_692 = arith.constant 0 : i32
          %lt3A_693 = arith.cmpi slt, %rem3A_689, %lt3A_692 : i32
          %lt3A_694 = arith.constant 0 : i32
          %lt3A_695 = arith.cmpi slt, %select_n3A_688, %lt3A_694 : i32
          %ne3A_696 = arith.xori %lt3A_693, %lt3A_695 : i1
          %and3A_697 = arith.andi %ne3A_696, %ne3A_691 : i1
          %add3A_698 = arith.addi %rem3A_689, %select_n3A_688 : i32
          %select_n3A_699 = arith.select %and3A_697, %add3A_698, %rem3A_689 : i32
          %jit3A_700 = arith.constant 12 : i32
          %eq3A_701 = arith.constant 0 : i32
          %eq3A_702 = arith.cmpi eq, %jit3A_700, %eq3A_701 : i32
          %jit3A_703 = arith.constant 1 : i32
          %select_n3A_704 = arith.select %eq3A_702, %jit3A_703, %jit3A_700 : i32
          %rem3A_705 = arith.remsi %sub3A_659, %select_n3A_704 : i32
          %ne3A_706 = arith.constant 0 : i32
          %ne3A_707 = arith.cmpi ne, %rem3A_705, %ne3A_706 : i32
          %lt3A_708 = arith.constant 0 : i32
          %lt3A_709 = arith.cmpi slt, %rem3A_705, %lt3A_708 : i32
          %lt3A_710 = arith.constant 0 : i32
          %lt3A_711 = arith.cmpi slt, %select_n3A_704, %lt3A_710 : i32
          %ne3A_712 = arith.xori %lt3A_709, %lt3A_711 : i1
          %and3A_713 = arith.andi %ne3A_712, %ne3A_707 : i1
          %add3A_714 = arith.addi %rem3A_705, %select_n3A_704 : i32
          %select_n3A_715 = arith.select %and3A_713, %add3A_714, %rem3A_705 : i32
          %jit3A_716 = arith.constant 3 : i32
          %eq3A_717 = arith.constant 0 : i32
          %eq3A_718 = arith.cmpi eq, %jit3A_716, %eq3A_717 : i32
          %jit3A_719 = arith.constant 1 : i32
          %select_n3A_720 = arith.select %eq3A_718, %jit3A_719, %jit3A_716 : i32
          %rem3A_721 = arith.remsi %select_n3A_715, %select_n3A_720 : i32
          %ne3A_722 = arith.constant 0 : i32
          %ne3A_723 = arith.cmpi ne, %rem3A_721, %ne3A_722 : i32
          %lt3A_724 = arith.constant 0 : i32
          %lt3A_725 = arith.cmpi slt, %rem3A_721, %lt3A_724 : i32
          %lt3A_726 = arith.constant 0 : i32
          %lt3A_727 = arith.cmpi slt, %select_n3A_720, %lt3A_726 : i32
          %ne3A_728 = arith.xori %lt3A_725, %lt3A_727 : i1
          %and3A_729 = arith.andi %ne3A_728, %ne3A_723 : i1
          %add3A_730 = arith.addi %rem3A_721, %select_n3A_720 : i32
          %select_n3A_731 = arith.select %and3A_729, %add3A_730, %rem3A_721 : i32
          %dma_wait3A_732 = arith.constant 0 : i32
          %dma_wait3A_733 = arith.constant 0 : i32
          %dma_wait3A_734 = tpu.memref_slice %arg11[%select_n3A_731, %dma_wait3A_732, %dma_wait3A_733] : memref<3x128x64xf32, #tpu.memory_space<vmem>> -> memref<1x128x64xf32, #tpu.memory_space<vmem>>
          %dma_wait3A_735 = tpu.memref_squeeze %dma_wait3A_734 : memref<1x128x64xf32, #tpu.memory_space<vmem>> -> memref<128x64xf32, #tpu.memory_space<vmem>>
          %dma_wait3A_736 = arith.constant 0 : i32
          %dma_wait3A_737 = tpu.memref_slice %arg10[%select_n3A_699, %select_n3A_715, %dma_wait3A_736] : memref<2x12x128xi32, #tpu.memory_space<vmem>> -> memref<1x1x128xi32, #tpu.memory_space<vmem>>
          %dma_wait3A_738 = tpu.memref_squeeze %dma_wait3A_737 : memref<1x1x128xi32, #tpu.memory_space<vmem>> -> memref<128xi32, #tpu.memory_space<vmem>>
          %dma_wait3A_739 = arith.constant 0 : i32
          %dma_wait3A_740 = arith.constant 0 : i32
          %dma_wait3A_741 = tpu.memref_slice %arg7[%dma_wait3A_739, %dma_wait3A_740] : memref<10240x64xf32, #tpu.memory_space<vmem_shared>> -> memref<10240x64xf32, #tpu.memory_space<vmem_shared>>
          %dma_wait3A_742 = tpu.memref_slice %arg16[%select_n3A_731] : memref<3x!tpu.dma_semaphore, #tpu.memory_space<semaphore_mem>> -> memref<1x!tpu.dma_semaphore, #tpu.memory_space<semaphore_mem>>
          %dma_wait3A_743 = tpu.memref_squeeze %dma_wait3A_742 : memref<1x!tpu.dma_semaphore, #tpu.memory_space<semaphore_mem>> -> memref<!tpu.dma_semaphore, #tpu.memory_space<semaphore_mem>>
          tpu.wait_indirect_dma semaphore(%dma_wait3A_743 : memref<!tpu.dma_semaphore, #tpu.memory_space<semaphore_mem>>) src(%dma_wait3A_735 : memref<128x64xf32, #tpu.memory_space<vmem>>) dst(%dma_wait3A_741 : memref<10240x64xf32, #tpu.memory_space<vmem_shared>>)
        } else {
        }
        %add3A_547 = arith.constant 1 : i32
        %add3A_548 = arith.addi %scan3A_293, %add3A_547 : i32
        %jit3A_549 = arith.constant 12 : i32
        %eq3A_550 = arith.constant 0 : i32
        %eq3A_551 = arith.cmpi eq, %jit3A_549, %eq3A_550 : i32
        %jit3A_552 = arith.constant 1 : i32
        %select_n3A_553 = arith.select %eq3A_551, %jit3A_552, %jit3A_549 : i32
        %rem3A_554 = arith.remsi %add3A_548, %select_n3A_553 : i32
        %ne3A_555 = arith.constant 0 : i32
        %ne3A_556 = arith.cmpi ne, %rem3A_554, %ne3A_555 : i32
        %lt3A_557 = arith.constant 0 : i32
        %lt3A_558 = arith.cmpi slt, %rem3A_554, %lt3A_557 : i32
        %lt3A_559 = arith.constant 0 : i32
        %lt3A_560 = arith.cmpi slt, %select_n3A_553, %lt3A_559 : i32
        %ne3A_561 = arith.xori %lt3A_558, %lt3A_560 : i1
        %and3A_562 = arith.andi %ne3A_561, %ne3A_556 : i1
        %add3A_563 = arith.addi %rem3A_554, %select_n3A_553 : i32
        %select_n3A_564 = arith.select %and3A_562, %add3A_563, %rem3A_554 : i32
        %eq3A_565 = arith.constant 0 : i32
        %eq3A_566 = arith.cmpi eq, %select_n3A_564, %eq3A_565 : i32
        %convert_element_type3A_567 = arith.extui %eq3A_566 : i1 to i32
        %cond3A_568 = arith.constant 0 : i32
        %cond3A_569 = arith.cmpi ne, %convert_element_type3A_567, %cond3A_568 : i32
        scf.if %cond3A_569 {
          %add3A_656 = arith.constant 1 : i32
          %add3A_657 = arith.addi %select_n3A_318, %add3A_656 : i32
          %add3A_658 = arith.constant 1 : i32
          %add3A_659 = arith.addi %select_n3A_318, %add3A_658 : i32
          %jit3A_660 = arith.constant 2 : i32
          %eq3A_661 = arith.constant 0 : i32
          %eq3A_662 = arith.cmpi eq, %jit3A_660, %eq3A_661 : i32
          %jit3A_663 = arith.constant 1 : i32
          %select_n3A_664 = arith.select %eq3A_662, %jit3A_663, %jit3A_660 : i32
          %rem3A_665 = arith.remsi %add3A_659, %select_n3A_664 : i32
          %ne3A_666 = arith.constant 0 : i32
          %ne3A_667 = arith.cmpi ne, %rem3A_665, %ne3A_666 : i32
          %lt3A_668 = arith.constant 0 : i32
          %lt3A_669 = arith.cmpi slt, %rem3A_665, %lt3A_668 : i32
          %lt3A_670 = arith.constant 0 : i32
          %lt3A_671 = arith.cmpi slt, %select_n3A_664, %lt3A_670 : i32
          %ne3A_672 = arith.xori %lt3A_669, %lt3A_671 : i1
          %and3A_673 = arith.andi %ne3A_672, %ne3A_667 : i1
          %add3A_674 = arith.addi %rem3A_665, %select_n3A_664 : i32
          %select_n3A_675 = arith.select %and3A_673, %add3A_674, %rem3A_665 : i32
          %mul3A_676 = arith.constant 12 : i32
          %mul3A_677 = arith.muli %add3A_657, %mul3A_676 : i32
          %add3A_678 = arith.addi %mul3A_4, %mul3A_677 : i32
          %dma_wait3A_679 = arith.constant 0 : i32
          %dma_wait3A_680 = arith.constant 0 : i32
          %dma_wait3A_681 = arith.constant 0 : i32
          %dma_wait3A_682 = tpu.memref_slice %arg9[%select_n3A_675, %dma_wait3A_680, %dma_wait3A_681] : memref<2x12x128xi32, #tpu.memory_space<vmem>> -> memref<1x12x128xi32, #tpu.memory_space<vmem>>
          %dma_wait3A_683 = tpu.memref_squeeze %dma_wait3A_682 : memref<1x12x128xi32, #tpu.memory_space<vmem>> -> memref<12x128xi32, #tpu.memory_space<vmem>>
          %dma_wait3A_684 = arith.constant 0 : i32
          %dma_wait3A_685 = tpu.memref_slice %arg3[%dma_wait3A_679, %add3A_678, %dma_wait3A_684] : memref<2x2500x128xi32, #tpu.memory_space<hbm>> -> memref<1x12x128xi32, #tpu.memory_space<hbm>>
          %dma_wait3A_686 = tpu.memref_squeeze %dma_wait3A_685 : memref<1x12x128xi32, #tpu.memory_space<hbm>> -> memref<12x128xi32, #tpu.memory_space<hbm>>
          %dma_wait3A_687 = tpu.memref_slice %arg17[%select_n3A_675] : memref<2x!tpu.dma_semaphore, #tpu.memory_space<semaphore_mem>> -> memref<1x!tpu.dma_semaphore, #tpu.memory_space<semaphore_mem>>
          %dma_wait3A_688 = tpu.memref_squeeze %dma_wait3A_687 : memref<1x!tpu.dma_semaphore, #tpu.memory_space<semaphore_mem>> -> memref<!tpu.dma_semaphore, #tpu.memory_space<semaphore_mem>>
          %dma_wait3A_689 = arith.constant 0 : i32
          %dma_wait3A_690 = arith.constant 0 : i32
          %dma_wait3A_691 = tpu.memref_slice %arg9[%select_n3A_675, %dma_wait3A_689, %dma_wait3A_690] : memref<2x12x128xi32, #tpu.memory_space<vmem>> -> memref<1x12x128xi32, #tpu.memory_space<vmem>>
          %dma_wait3A_692 = tpu.memref_squeeze %dma_wait3A_691 : memref<1x12x128xi32, #tpu.memory_space<vmem>> -> memref<12x128xi32, #tpu.memory_space<vmem>>
          %dma_wait3A_693 = arith.constant 0 : i32
          %dma_wait3A_694 = tpu.memref_slice %arg3[%dma_wait3A_679, %add3A_678, %dma_wait3A_693] : memref<2x2500x128xi32, #tpu.memory_space<hbm>> -> memref<1x12x128xi32, #tpu.memory_space<hbm>>
          %dma_wait3A_695 = tpu.memref_squeeze %dma_wait3A_694 : memref<1x12x128xi32, #tpu.memory_space<hbm>> -> memref<12x128xi32, #tpu.memory_space<hbm>>
          tpu.wait_dma2 semaphore(%dma_wait3A_688 : memref<!tpu.dma_semaphore, #tpu.memory_space<semaphore_mem>>) src(%dma_wait3A_695 : memref<12x128xi32, #tpu.memory_space<hbm>>) dst(%dma_wait3A_692 : memref<12x128xi32, #tpu.memory_space<vmem>>)
          %mul3A_696 = arith.constant 12 : i32
          %mul3A_697 = arith.muli %add3A_657, %mul3A_696 : i32
          %add3A_698 = arith.addi %mul3A_4, %mul3A_697 : i32
          %dma_wait3A_699 = arith.constant 1 : i32
          %dma_wait3A_700 = arith.constant 0 : i32
          %dma_wait3A_701 = arith.constant 0 : i32
          %dma_wait3A_702 = tpu.memref_slice %arg10[%select_n3A_675, %dma_wait3A_700, %dma_wait3A_701] : memref<2x12x128xi32, #tpu.memory_space<vmem>> -> memref<1x12x128xi32, #tpu.memory_space<vmem>>
          %dma_wait3A_703 = tpu.memref_squeeze %dma_wait3A_702 : memref<1x12x128xi32, #tpu.memory_space<vmem>> -> memref<12x128xi32, #tpu.memory_space<vmem>>
          %dma_wait3A_704 = arith.constant 0 : i32
          %dma_wait3A_705 = tpu.memref_slice %arg3[%dma_wait3A_699, %add3A_698, %dma_wait3A_704] : memref<2x2500x128xi32, #tpu.memory_space<hbm>> -> memref<1x12x128xi32, #tpu.memory_space<hbm>>
          %dma_wait3A_706 = tpu.memref_squeeze %dma_wait3A_705 : memref<1x12x128xi32, #tpu.memory_space<hbm>> -> memref<12x128xi32, #tpu.memory_space<hbm>>
          %dma_wait3A_707 = tpu.memref_slice %arg17[%select_n3A_675] : memref<2x!tpu.dma_semaphore, #tpu.memory_space<semaphore_mem>> -> memref<1x!tpu.dma_semaphore, #tpu.memory_space<semaphore_mem>>
          %dma_wait3A_708 = tpu.memref_squeeze %dma_wait3A_707 : memref<1x!tpu.dma_semaphore, #tpu.memory_space<semaphore_mem>> -> memref<!tpu.dma_semaphore, #tpu.memory_space<semaphore_mem>>
          %dma_wait3A_709 = arith.constant 0 : i32
          %dma_wait3A_710 = arith.constant 0 : i32
          %dma_wait3A_711 = tpu.memref_slice %arg10[%select_n3A_675, %dma_wait3A_709, %dma_wait3A_710] : memref<2x12x128xi32, #tpu.memory_space<vmem>> -> memref<1x12x128xi32, #tpu.memory_space<vmem>>
          %dma_wait3A_712 = tpu.memref_squeeze %dma_wait3A_711 : memref<1x12x128xi32, #tpu.memory_space<vmem>> -> memref<12x128xi32, #tpu.memory_space<vmem>>
          %dma_wait3A_713 = arith.constant 0 : i32
          %dma_wait3A_714 = tpu.memref_slice %arg3[%dma_wait3A_699, %add3A_698, %dma_wait3A_713] : memref<2x2500x128xi32, #tpu.memory_space<hbm>> -> memref<1x12x128xi32, #tpu.memory_space<hbm>>
          %dma_wait3A_715 = tpu.memref_squeeze %dma_wait3A_714 : memref<1x12x128xi32, #tpu.memory_space<hbm>> -> memref<12x128xi32, #tpu.memory_space<hbm>>
          tpu.wait_dma2 semaphore(%dma_wait3A_708 : memref<!tpu.dma_semaphore, #tpu.memory_space<semaphore_mem>>) src(%dma_wait3A_715 : memref<12x128xi32, #tpu.memory_space<hbm>>) dst(%dma_wait3A_712 : memref<12x128xi32, #tpu.memory_space<vmem>>)
        } else {
        }
        %add3A_570 = arith.constant 1 : i32
        %add3A_571 = arith.addi %scan3A_293, %add3A_570 : i32
        %jit3A_572 = arith.constant 12 : i32
        %div3A_573 = arith.divsi %add3A_571, %jit3A_572 : i32
        %sign3A_574 = arith.constant 0 : i32
        %sign3A_575 = arith.cmpi sgt, %add3A_571, %sign3A_574 : i32
        %sign3A_576 = arith.extui %sign3A_575 : i1 to i32
        %sign3A_577 = arith.constant 0 : i32
        %sign3A_578 = arith.cmpi slt, %add3A_571, %sign3A_577 : i32
        %sign3A_579 = arith.extui %sign3A_578 : i1 to i32
        %sign3A_580 = arith.subi %sign3A_576, %sign3A_579 : i32
        %sign3A_581 = arith.constant 0 : i32
        %sign3A_582 = arith.cmpi sgt, %jit3A_572, %sign3A_581 : i32
        %sign3A_583 = arith.extui %sign3A_582 : i1 to i32
        %sign3A_584 = arith.constant 0 : i32
        %sign3A_585 = arith.cmpi slt, %jit3A_572, %sign3A_584 : i32
        %sign3A_586 = arith.extui %sign3A_585 : i1 to i32
        %sign3A_587 = arith.subi %sign3A_583, %sign3A_586 : i32
        %ne3A_588 = arith.cmpi ne, %sign3A_580, %sign3A_587 : i32
        %rem3A_589 = arith.remsi %add3A_571, %jit3A_572 : i32
        %ne3A_590 = arith.constant 0 : i32
        %ne3A_591 = arith.cmpi ne, %rem3A_589, %ne3A_590 : i32
        %and3A_592 = arith.andi %ne3A_588, %ne3A_591 : i1
        %sub3A_593 = arith.constant 1 : i32
        %sub3A_594 = arith.subi %div3A_573, %sub3A_593 : i32
        %select_n3A_595 = arith.select %and3A_592, %sub3A_594, %div3A_573 : i32
        %jit3A_596 = arith.constant 2 : i32
        %eq3A_597 = arith.constant 0 : i32
        %eq3A_598 = arith.cmpi eq, %jit3A_596, %eq3A_597 : i32
        %jit3A_599 = arith.constant 1 : i32
        %select_n3A_600 = arith.select %eq3A_598, %jit3A_599, %jit3A_596 : i32
        %rem3A_601 = arith.remsi %select_n3A_595, %select_n3A_600 : i32
        %ne3A_602 = arith.constant 0 : i32
        %ne3A_603 = arith.cmpi ne, %rem3A_601, %ne3A_602 : i32
        %lt3A_604 = arith.constant 0 : i32
        %lt3A_605 = arith.cmpi slt, %rem3A_601, %lt3A_604 : i32
        %lt3A_606 = arith.constant 0 : i32
        %lt3A_607 = arith.cmpi slt, %select_n3A_600, %lt3A_606 : i32
        %ne3A_608 = arith.xori %lt3A_605, %lt3A_607 : i1
        %and3A_609 = arith.andi %ne3A_608, %ne3A_603 : i1
        %add3A_610 = arith.addi %rem3A_601, %select_n3A_600 : i32
        %select_n3A_611 = arith.select %and3A_609, %add3A_610, %rem3A_601 : i32
        %jit3A_612 = arith.constant 12 : i32
        %eq3A_613 = arith.constant 0 : i32
        %eq3A_614 = arith.cmpi eq, %jit3A_612, %eq3A_613 : i32
        %jit3A_615 = arith.constant 1 : i32
        %select_n3A_616 = arith.select %eq3A_614, %jit3A_615, %jit3A_612 : i32
        %rem3A_617 = arith.remsi %add3A_571, %select_n3A_616 : i32
        %ne3A_618 = arith.constant 0 : i32
        %ne3A_619 = arith.cmpi ne, %rem3A_617, %ne3A_618 : i32
        %lt3A_620 = arith.constant 0 : i32
        %lt3A_621 = arith.cmpi slt, %rem3A_617, %lt3A_620 : i32
        %lt3A_622 = arith.constant 0 : i32
        %lt3A_623 = arith.cmpi slt, %select_n3A_616, %lt3A_622 : i32
        %ne3A_624 = arith.xori %lt3A_621, %lt3A_623 : i1
        %and3A_625 = arith.andi %ne3A_624, %ne3A_619 : i1
        %add3A_626 = arith.addi %rem3A_617, %select_n3A_616 : i32
        %select_n3A_627 = arith.select %and3A_625, %add3A_626, %rem3A_617 : i32
        %jit3A_628 = arith.constant 3 : i32
        %eq3A_629 = arith.constant 0 : i32
        %eq3A_630 = arith.cmpi eq, %jit3A_628, %eq3A_629 : i32
        %jit3A_631 = arith.constant 1 : i32
        %select_n3A_632 = arith.select %eq3A_630, %jit3A_631, %jit3A_628 : i32
        %rem3A_633 = arith.remsi %select_n3A_627, %select_n3A_632 : i32
        %ne3A_634 = arith.constant 0 : i32
        %ne3A_635 = arith.cmpi ne, %rem3A_633, %ne3A_634 : i32
        %lt3A_636 = arith.constant 0 : i32
        %lt3A_637 = arith.cmpi slt, %rem3A_633, %lt3A_636 : i32
        %lt3A_638 = arith.constant 0 : i32
        %lt3A_639 = arith.cmpi slt, %select_n3A_632, %lt3A_638 : i32
        %ne3A_640 = arith.xori %lt3A_637, %lt3A_639 : i1
        %and3A_641 = arith.andi %ne3A_640, %ne3A_635 : i1
        %add3A_642 = arith.addi %rem3A_633, %select_n3A_632 : i32
        %select_n3A_643 = arith.select %and3A_641, %add3A_642, %rem3A_633 : i32
        %dma_start3A_644 = arith.constant 0 : i32
        %dma_start3A_645 = arith.constant 0 : i32
        %dma_start3A_646 = tpu.memref_slice %arg11[%select_n3A_643, %dma_start3A_644, %dma_start3A_645] : memref<3x128x64xf32, #tpu.memory_space<vmem>> -> memref<1x128x64xf32, #tpu.memory_space<vmem>>
        %dma_start3A_647 = tpu.memref_squeeze %dma_start3A_646 : memref<1x128x64xf32, #tpu.memory_space<vmem>> -> memref<128x64xf32, #tpu.memory_space<vmem>>
        %dma_start3A_648 = arith.constant 0 : i32
        %dma_start3A_649 = tpu.memref_slice %arg9[%select_n3A_611, %select_n3A_627, %dma_start3A_648] : memref<2x12x128xi32, #tpu.memory_space<vmem>> -> memref<1x1x128xi32, #tpu.memory_space<vmem>>
        %dma_start3A_650 = tpu.memref_squeeze %dma_start3A_649 : memref<1x1x128xi32, #tpu.memory_space<vmem>> -> memref<128xi32, #tpu.memory_space<vmem>>
        %dma_start3A_651 = arith.constant 0 : i32
        %dma_start3A_652 = arith.constant 0 : i32
        %dma_start3A_653 = tpu.memref_slice %arg6[%dma_start3A_651, %dma_start3A_652] : memref<10240x64xf32, #tpu.memory_space<vmem_shared>> -> memref<10240x64xf32, #tpu.memory_space<vmem_shared>>
        %dma_start3A_654 = tpu.memref_slice %arg15[%select_n3A_643] : memref<3x!tpu.dma_semaphore, #tpu.memory_space<semaphore_mem>> -> memref<1x!tpu.dma_semaphore, #tpu.memory_space<semaphore_mem>>
        %dma_start3A_655 = tpu.memref_squeeze %dma_start3A_654 : memref<1x!tpu.dma_semaphore, #tpu.memory_space<semaphore_mem>> -> memref<!tpu.dma_semaphore, #tpu.memory_space<semaphore_mem>>
        tpu.enqueue_indirect_dma source(%dma_start3A_653 : memref<10240x64xf32, #tpu.memory_space<vmem_shared>>) target(%dma_start3A_647 : memref<128x64xf32, #tpu.memory_space<vmem>>) offsets(%dma_start3A_650 : memref<128xi32, #tpu.memory_space<vmem>>) semaphore(%dma_start3A_655 : memref<!tpu.dma_semaphore, #tpu.memory_space<semaphore_mem>>)
      } else {
      }
      %jit3A_352 = arith.constant 12 : i32
      %div3A_353 = arith.divsi %scan3A_293, %jit3A_352 : i32
      %sign3A_354 = arith.constant 0 : i32
      %sign3A_355 = arith.cmpi sgt, %scan3A_293, %sign3A_354 : i32
      %sign3A_356 = arith.extui %sign3A_355 : i1 to i32
      %sign3A_357 = arith.constant 0 : i32
      %sign3A_358 = arith.cmpi slt, %scan3A_293, %sign3A_357 : i32
      %sign3A_359 = arith.extui %sign3A_358 : i1 to i32
      %sign3A_360 = arith.subi %sign3A_356, %sign3A_359 : i32
      %sign3A_361 = arith.constant 0 : i32
      %sign3A_362 = arith.cmpi sgt, %jit3A_352, %sign3A_361 : i32
      %sign3A_363 = arith.extui %sign3A_362 : i1 to i32
      %sign3A_364 = arith.constant 0 : i32
      %sign3A_365 = arith.cmpi slt, %jit3A_352, %sign3A_364 : i32
      %sign3A_366 = arith.extui %sign3A_365 : i1 to i32
      %sign3A_367 = arith.subi %sign3A_363, %sign3A_366 : i32
      %ne3A_368 = arith.cmpi ne, %sign3A_360, %sign3A_367 : i32
      %rem3A_369 = arith.remsi %scan3A_293, %jit3A_352 : i32
      %ne3A_370 = arith.constant 0 : i32
      %ne3A_371 = arith.cmpi ne, %rem3A_369, %ne3A_370 : i32
      %and3A_372 = arith.andi %ne3A_368, %ne3A_371 : i1
      %sub3A_373 = arith.constant 1 : i32
      %sub3A_374 = arith.subi %div3A_353, %sub3A_373 : i32
      %select_n3A_375 = arith.select %and3A_372, %sub3A_374, %div3A_353 : i32
      %jit3A_376 = arith.constant 2 : i32
      %eq3A_377 = arith.constant 0 : i32
      %eq3A_378 = arith.cmpi eq, %jit3A_376, %eq3A_377 : i32
      %jit3A_379 = arith.constant 1 : i32
      %select_n3A_380 = arith.select %eq3A_378, %jit3A_379, %jit3A_376 : i32
      %rem3A_381 = arith.remsi %select_n3A_375, %select_n3A_380 : i32
      %ne3A_382 = arith.constant 0 : i32
      %ne3A_383 = arith.cmpi ne, %rem3A_381, %ne3A_382 : i32
      %lt3A_384 = arith.constant 0 : i32
      %lt3A_385 = arith.cmpi slt, %rem3A_381, %lt3A_384 : i32
      %lt3A_386 = arith.constant 0 : i32
      %lt3A_387 = arith.cmpi slt, %select_n3A_380, %lt3A_386 : i32
      %ne3A_388 = arith.xori %lt3A_385, %lt3A_387 : i1
      %and3A_389 = arith.andi %ne3A_388, %ne3A_383 : i1
      %add3A_390 = arith.addi %rem3A_381, %select_n3A_380 : i32
      %select_n3A_391 = arith.select %and3A_389, %add3A_390, %rem3A_381 : i32
      %jit3A_392 = arith.constant 12 : i32
      %eq3A_393 = arith.constant 0 : i32
      %eq3A_394 = arith.cmpi eq, %jit3A_392, %eq3A_393 : i32
      %jit3A_395 = arith.constant 1 : i32
      %select_n3A_396 = arith.select %eq3A_394, %jit3A_395, %jit3A_392 : i32
      %rem3A_397 = arith.remsi %scan3A_293, %select_n3A_396 : i32
      %ne3A_398 = arith.constant 0 : i32
      %ne3A_399 = arith.cmpi ne, %rem3A_397, %ne3A_398 : i32
      %lt3A_400 = arith.constant 0 : i32
      %lt3A_401 = arith.cmpi slt, %rem3A_397, %lt3A_400 : i32
      %lt3A_402 = arith.constant 0 : i32
      %lt3A_403 = arith.cmpi slt, %select_n3A_396, %lt3A_402 : i32
      %ne3A_404 = arith.xori %lt3A_401, %lt3A_403 : i1
      %and3A_405 = arith.andi %ne3A_404, %ne3A_399 : i1
      %add3A_406 = arith.addi %rem3A_397, %select_n3A_396 : i32
      %select_n3A_407 = arith.select %and3A_405, %add3A_406, %rem3A_397 : i32
      %jit3A_408 = arith.constant 3 : i32
      %eq3A_409 = arith.constant 0 : i32
      %eq3A_410 = arith.cmpi eq, %jit3A_408, %eq3A_409 : i32
      %jit3A_411 = arith.constant 1 : i32
      %select_n3A_412 = arith.select %eq3A_410, %jit3A_411, %jit3A_408 : i32
      %rem3A_413 = arith.remsi %select_n3A_407, %select_n3A_412 : i32
      %ne3A_414 = arith.constant 0 : i32
      %ne3A_415 = arith.cmpi ne, %rem3A_413, %ne3A_414 : i32
      %lt3A_416 = arith.constant 0 : i32
      %lt3A_417 = arith.cmpi slt, %rem3A_413, %lt3A_416 : i32
      %lt3A_418 = arith.constant 0 : i32
      %lt3A_419 = arith.cmpi slt, %select_n3A_412, %lt3A_418 : i32
      %ne3A_420 = arith.xori %lt3A_417, %lt3A_419 : i1
      %and3A_421 = arith.andi %ne3A_420, %ne3A_415 : i1
      %add3A_422 = arith.addi %rem3A_413, %select_n3A_412 : i32
      %select_n3A_423 = arith.select %and3A_421, %add3A_422, %rem3A_413 : i32
      %dma_wait3A_424 = arith.constant 0 : i32
      %dma_wait3A_425 = arith.constant 0 : i32
      %dma_wait3A_426 = tpu.memref_slice %arg11[%select_n3A_423, %dma_wait3A_424, %dma_wait3A_425] : memref<3x128x64xf32, #tpu.memory_space<vmem>> -> memref<1x128x64xf32, #tpu.memory_space<vmem>>
      %dma_wait3A_427 = tpu.memref_squeeze %dma_wait3A_426 : memref<1x128x64xf32, #tpu.memory_space<vmem>> -> memref<128x64xf32, #tpu.memory_space<vmem>>
      %dma_wait3A_428 = arith.constant 0 : i32
      %dma_wait3A_429 = tpu.memref_slice %arg9[%select_n3A_391, %select_n3A_407, %dma_wait3A_428] : memref<2x12x128xi32, #tpu.memory_space<vmem>> -> memref<1x1x128xi32, #tpu.memory_space<vmem>>
      %dma_wait3A_430 = tpu.memref_squeeze %dma_wait3A_429 : memref<1x1x128xi32, #tpu.memory_space<vmem>> -> memref<128xi32, #tpu.memory_space<vmem>>
      %dma_wait3A_431 = arith.constant 0 : i32
      %dma_wait3A_432 = arith.constant 0 : i32
      %dma_wait3A_433 = tpu.memref_slice %arg6[%dma_wait3A_431, %dma_wait3A_432] : memref<10240x64xf32, #tpu.memory_space<vmem_shared>> -> memref<10240x64xf32, #tpu.memory_space<vmem_shared>>
      %dma_wait3A_434 = tpu.memref_slice %arg15[%select_n3A_423] : memref<3x!tpu.dma_semaphore, #tpu.memory_space<semaphore_mem>> -> memref<1x!tpu.dma_semaphore, #tpu.memory_space<semaphore_mem>>
      %dma_wait3A_435 = tpu.memref_squeeze %dma_wait3A_434 : memref<1x!tpu.dma_semaphore, #tpu.memory_space<semaphore_mem>> -> memref<!tpu.dma_semaphore, #tpu.memory_space<semaphore_mem>>
      tpu.wait_indirect_dma semaphore(%dma_wait3A_435 : memref<!tpu.dma_semaphore, #tpu.memory_space<semaphore_mem>>) src(%dma_wait3A_433 : memref<10240x64xf32, #tpu.memory_space<vmem_shared>>) dst(%dma_wait3A_427 : memref<128x64xf32, #tpu.memory_space<vmem>>)
      %jit3A_436 = arith.constant 12 : i32
      %div3A_437 = arith.divsi %scan3A_293, %jit3A_436 : i32
      %sign3A_438 = arith.constant 0 : i32
      %sign3A_439 = arith.cmpi sgt, %scan3A_293, %sign3A_438 : i32
      %sign3A_440 = arith.extui %sign3A_439 : i1 to i32
      %sign3A_441 = arith.constant 0 : i32
      %sign3A_442 = arith.cmpi slt, %scan3A_293, %sign3A_441 : i32
      %sign3A_443 = arith.extui %sign3A_442 : i1 to i32
      %sign3A_444 = arith.subi %sign3A_440, %sign3A_443 : i32
      %sign3A_445 = arith.constant 0 : i32
      %sign3A_446 = arith.cmpi sgt, %jit3A_436, %sign3A_445 : i32
      %sign3A_447 = arith.extui %sign3A_446 : i1 to i32
      %sign3A_448 = arith.constant 0 : i32
      %sign3A_449 = arith.cmpi slt, %jit3A_436, %sign3A_448 : i32
      %sign3A_450 = arith.extui %sign3A_449 : i1 to i32
      %sign3A_451 = arith.subi %sign3A_447, %sign3A_450 : i32
      %ne3A_452 = arith.cmpi ne, %sign3A_444, %sign3A_451 : i32
      %rem3A_453 = arith.remsi %scan3A_293, %jit3A_436 : i32
      %ne3A_454 = arith.constant 0 : i32
      %ne3A_455 = arith.cmpi ne, %rem3A_453, %ne3A_454 : i32
      %and3A_456 = arith.andi %ne3A_452, %ne3A_455 : i1
      %sub3A_457 = arith.constant 1 : i32
      %sub3A_458 = arith.subi %div3A_437, %sub3A_457 : i32
      %select_n3A_459 = arith.select %and3A_456, %sub3A_458, %div3A_437 : i32
      %jit3A_460 = arith.constant 2 : i32
      %eq3A_461 = arith.constant 0 : i32
      %eq3A_462 = arith.cmpi eq, %jit3A_460, %eq3A_461 : i32
      %jit3A_463 = arith.constant 1 : i32
      %select_n3A_464 = arith.select %eq3A_462, %jit3A_463, %jit3A_460 : i32
      %rem3A_465 = arith.remsi %select_n3A_459, %select_n3A_464 : i32
      %ne3A_466 = arith.constant 0 : i32
      %ne3A_467 = arith.cmpi ne, %rem3A_465, %ne3A_466 : i32
      %lt3A_468 = arith.constant 0 : i32
      %lt3A_469 = arith.cmpi slt, %rem3A_465, %lt3A_468 : i32
      %lt3A_470 = arith.constant 0 : i32
      %lt3A_471 = arith.cmpi slt, %select_n3A_464, %lt3A_470 : i32
      %ne3A_472 = arith.xori %lt3A_469, %lt3A_471 : i1
      %and3A_473 = arith.andi %ne3A_472, %ne3A_467 : i1
      %add3A_474 = arith.addi %rem3A_465, %select_n3A_464 : i32
      %select_n3A_475 = arith.select %and3A_473, %add3A_474, %rem3A_465 : i32
      %jit3A_476 = arith.constant 12 : i32
      %eq3A_477 = arith.constant 0 : i32
      %eq3A_478 = arith.cmpi eq, %jit3A_476, %eq3A_477 : i32
      %jit3A_479 = arith.constant 1 : i32
      %select_n3A_480 = arith.select %eq3A_478, %jit3A_479, %jit3A_476 : i32
      %rem3A_481 = arith.remsi %scan3A_293, %select_n3A_480 : i32
      %ne3A_482 = arith.constant 0 : i32
      %ne3A_483 = arith.cmpi ne, %rem3A_481, %ne3A_482 : i32
      %lt3A_484 = arith.constant 0 : i32
      %lt3A_485 = arith.cmpi slt, %rem3A_481, %lt3A_484 : i32
      %lt3A_486 = arith.constant 0 : i32
      %lt3A_487 = arith.cmpi slt, %select_n3A_480, %lt3A_486 : i32
      %ne3A_488 = arith.xori %lt3A_485, %lt3A_487 : i1
      %and3A_489 = arith.andi %ne3A_488, %ne3A_483 : i1
      %add3A_490 = arith.addi %rem3A_481, %select_n3A_480 : i32
      %select_n3A_491 = arith.select %and3A_489, %add3A_490, %rem3A_481 : i32
      %jit3A_492 = arith.constant 3 : i32
      %eq3A_493 = arith.constant 0 : i32
      %eq3A_494 = arith.cmpi eq, %jit3A_492, %eq3A_493 : i32
      %jit3A_495 = arith.constant 1 : i32
      %select_n3A_496 = arith.select %eq3A_494, %jit3A_495, %jit3A_492 : i32
      %rem3A_497 = arith.remsi %select_n3A_491, %select_n3A_496 : i32
      %ne3A_498 = arith.constant 0 : i32
      %ne3A_499 = arith.cmpi ne, %rem3A_497, %ne3A_498 : i32
      %lt3A_500 = arith.constant 0 : i32
      %lt3A_501 = arith.cmpi slt, %rem3A_497, %lt3A_500 : i32
      %lt3A_502 = arith.constant 0 : i32
      %lt3A_503 = arith.cmpi slt, %select_n3A_496, %lt3A_502 : i32
      %ne3A_504 = arith.xori %lt3A_501, %lt3A_503 : i1
      %and3A_505 = arith.andi %ne3A_504, %ne3A_499 : i1
      %add3A_506 = arith.addi %rem3A_497, %select_n3A_496 : i32
      %select_n3A_507 = arith.select %and3A_505, %add3A_506, %rem3A_497 : i32
      %dma_start3A_508 = arith.constant 0 : i32
      %dma_start3A_509 = arith.constant 0 : i32
      %dma_start3A_510 = tpu.memref_slice %arg11[%select_n3A_507, %dma_start3A_508, %dma_start3A_509] : memref<3x128x64xf32, #tpu.memory_space<vmem>> -> memref<1x128x64xf32, #tpu.memory_space<vmem>>
      %dma_start3A_511 = tpu.memref_squeeze %dma_start3A_510 : memref<1x128x64xf32, #tpu.memory_space<vmem>> -> memref<128x64xf32, #tpu.memory_space<vmem>>
      %dma_start3A_512 = arith.constant 0 : i32
      %dma_start3A_513 = tpu.memref_slice %arg10[%select_n3A_475, %select_n3A_491, %dma_start3A_512] : memref<2x12x128xi32, #tpu.memory_space<vmem>> -> memref<1x1x128xi32, #tpu.memory_space<vmem>>
      %dma_start3A_514 = tpu.memref_squeeze %dma_start3A_513 : memref<1x1x128xi32, #tpu.memory_space<vmem>> -> memref<128xi32, #tpu.memory_space<vmem>>
      %dma_start3A_515 = arith.constant 0 : i32
      %dma_start3A_516 = arith.constant 0 : i32
      %dma_start3A_517 = tpu.memref_slice %arg7[%dma_start3A_515, %dma_start3A_516] : memref<10240x64xf32, #tpu.memory_space<vmem_shared>> -> memref<10240x64xf32, #tpu.memory_space<vmem_shared>>
      %dma_start3A_518 = tpu.memref_slice %arg16[%select_n3A_507] : memref<3x!tpu.dma_semaphore, #tpu.memory_space<semaphore_mem>> -> memref<1x!tpu.dma_semaphore, #tpu.memory_space<semaphore_mem>>
      %dma_start3A_519 = tpu.memref_squeeze %dma_start3A_518 : memref<1x!tpu.dma_semaphore, #tpu.memory_space<semaphore_mem>> -> memref<!tpu.dma_semaphore, #tpu.memory_space<semaphore_mem>>
      tpu.enqueue_indirect_dma source(%dma_start3A_511 : memref<128x64xf32, #tpu.memory_space<vmem>>) target(%dma_start3A_517 : memref<10240x64xf32, #tpu.memory_space<vmem_shared>>) offsets(%dma_start3A_514 : memref<128xi32, #tpu.memory_space<vmem>>) semaphore(%dma_start3A_519 : memref<!tpu.dma_semaphore, #tpu.memory_space<semaphore_mem>>) {add = true}
      %jit3A_520 = arith.constant 2 : i32
      %eq3A_521 = arith.constant 0 : i32
      %eq3A_522 = arith.cmpi eq, %jit3A_520, %eq3A_521 : i32
      %jit3A_523 = arith.constant 1 : i32
      %select_n3A_524 = arith.select %eq3A_522, %jit3A_523, %jit3A_520 : i32
      %rem3A_525 = arith.remsi %scan3A_293, %select_n3A_524 : i32
      %ne3A_526 = arith.constant 0 : i32
      %ne3A_527 = arith.cmpi ne, %rem3A_525, %ne3A_526 : i32
      %lt3A_528 = arith.constant 0 : i32
      %lt3A_529 = arith.cmpi slt, %rem3A_525, %lt3A_528 : i32
      %lt3A_530 = arith.constant 0 : i32
      %lt3A_531 = arith.cmpi slt, %select_n3A_524, %lt3A_530 : i32
      %ne3A_532 = arith.xori %lt3A_529, %lt3A_531 : i1
      %and3A_533 = arith.andi %ne3A_532, %ne3A_527 : i1
      %add3A_534 = arith.addi %rem3A_525, %select_n3A_524 : i32
      %select_n3A_535 = arith.select %and3A_533, %add3A_534, %rem3A_525 : i32
      %eq3A_536 = arith.cmpi eq, %select_n3A_535, %arg0 : i32
      %convert_element_type3A_537 = arith.extui %eq3A_536 : i1 to i32
      %cond3A_538 = arith.constant 0 : i32
      %cond3A_539 = arith.cmpi ne, %convert_element_type3A_537, %cond3A_538 : i32
      scf.if %cond3A_539 {
        %ge3A = arith.constant 2 : i32
        %ge3A_541 = arith.cmpi sge, %scan3A_293, %ge3A : i32
        %convert_element_type3A_542 = arith.extui %ge3A_541 : i1 to i32
        %cond3A_543 = arith.constant 0 : i32
        %cond3A_544 = arith.cmpi ne, %convert_element_type3A_542, %cond3A_543 : i32
        scf.if %cond3A_544 {
          %sub3A_610 = arith.constant 2 : i32
          %sub3A_611 = arith.subi %scan3A_293, %sub3A_610 : i32
          %jit3A_612 = arith.constant 12 : i32
          %div3A_613 = arith.divsi %sub3A_611, %jit3A_612 : i32
          %sign3A_614 = arith.constant 0 : i32
          %sign3A_615 = arith.cmpi sgt, %sub3A_611, %sign3A_614 : i32
          %sign3A_616 = arith.extui %sign3A_615 : i1 to i32
          %sign3A_617 = arith.constant 0 : i32
          %sign3A_618 = arith.cmpi slt, %sub3A_611, %sign3A_617 : i32
          %sign3A_619 = arith.extui %sign3A_618 : i1 to i32
          %sign3A_620 = arith.subi %sign3A_616, %sign3A_619 : i32
          %sign3A_621 = arith.constant 0 : i32
          %sign3A_622 = arith.cmpi sgt, %jit3A_612, %sign3A_621 : i32
          %sign3A_623 = arith.extui %sign3A_622 : i1 to i32
          %sign3A_624 = arith.constant 0 : i32
          %sign3A_625 = arith.cmpi slt, %jit3A_612, %sign3A_624 : i32
          %sign3A_626 = arith.extui %sign3A_625 : i1 to i32
          %sign3A_627 = arith.subi %sign3A_623, %sign3A_626 : i32
          %ne3A_628 = arith.cmpi ne, %sign3A_620, %sign3A_627 : i32
          %rem3A_629 = arith.remsi %sub3A_611, %jit3A_612 : i32
          %ne3A_630 = arith.constant 0 : i32
          %ne3A_631 = arith.cmpi ne, %rem3A_629, %ne3A_630 : i32
          %and3A_632 = arith.andi %ne3A_628, %ne3A_631 : i1
          %sub3A_633 = arith.constant 1 : i32
          %sub3A_634 = arith.subi %div3A_613, %sub3A_633 : i32
          %select_n3A_635 = arith.select %and3A_632, %sub3A_634, %div3A_613 : i32
          %jit3A_636 = arith.constant 2 : i32
          %eq3A_637 = arith.constant 0 : i32
          %eq3A_638 = arith.cmpi eq, %jit3A_636, %eq3A_637 : i32
          %jit3A_639 = arith.constant 1 : i32
          %select_n3A_640 = arith.select %eq3A_638, %jit3A_639, %jit3A_636 : i32
          %rem3A_641 = arith.remsi %select_n3A_635, %select_n3A_640 : i32
          %ne3A_642 = arith.constant 0 : i32
          %ne3A_643 = arith.cmpi ne, %rem3A_641, %ne3A_642 : i32
          %lt3A_644 = arith.constant 0 : i32
          %lt3A_645 = arith.cmpi slt, %rem3A_641, %lt3A_644 : i32
          %lt3A_646 = arith.constant 0 : i32
          %lt3A_647 = arith.cmpi slt, %select_n3A_640, %lt3A_646 : i32
          %ne3A_648 = arith.xori %lt3A_645, %lt3A_647 : i1
          %and3A_649 = arith.andi %ne3A_648, %ne3A_643 : i1
          %add3A_650 = arith.addi %rem3A_641, %select_n3A_640 : i32
          %select_n3A_651 = arith.select %and3A_649, %add3A_650, %rem3A_641 : i32
          %jit3A_652 = arith.constant 12 : i32
          %eq3A_653 = arith.constant 0 : i32
          %eq3A_654 = arith.cmpi eq, %jit3A_652, %eq3A_653 : i32
          %jit3A_655 = arith.constant 1 : i32
          %select_n3A_656 = arith.select %eq3A_654, %jit3A_655, %jit3A_652 : i32
          %rem3A_657 = arith.remsi %sub3A_611, %select_n3A_656 : i32
          %ne3A_658 = arith.constant 0 : i32
          %ne3A_659 = arith.cmpi ne, %rem3A_657, %ne3A_658 : i32
          %lt3A_660 = arith.constant 0 : i32
          %lt3A_661 = arith.cmpi slt, %rem3A_657, %lt3A_660 : i32
          %lt3A_662 = arith.constant 0 : i32
          %lt3A_663 = arith.cmpi slt, %select_n3A_656, %lt3A_662 : i32
          %ne3A_664 = arith.xori %lt3A_661, %lt3A_663 : i1
          %and3A_665 = arith.andi %ne3A_664, %ne3A_659 : i1
          %add3A_666 = arith.addi %rem3A_657, %select_n3A_656 : i32
          %select_n3A_667 = arith.select %and3A_665, %add3A_666, %rem3A_657 : i32
          %dma_wait3A_668 = arith.constant 0 : i32
          %dma_wait3A_669 = arith.constant 0 : i32
          %dma_wait3A_670 = tpu.memref_slice %arg10[%select_n3A_651, %select_n3A_667, %dma_wait3A_669] : memref<2x12x128xi32, #tpu.memory_space<vmem>> -> memref<1x1x128xi32, #tpu.memory_space<vmem>>
          %dma_wait3A_671 = tpu.memref_squeeze %dma_wait3A_670 : memref<1x1x128xi32, #tpu.memory_space<vmem>> -> memref<128xi32, #tpu.memory_space<vmem>>
          %dma_wait3A_672 = arith.constant 0 : i32
          %dma_wait3A_673 = arith.constant 0 : i32
          %dma_wait3A_674 = tpu.memref_slice %arg8[%dma_wait3A_672, %dma_wait3A_673] : memref<10240x16xf32, #tpu.memory_space<vmem_shared>> -> memref<10240x16xf32, #tpu.memory_space<vmem_shared>>
          %dma_wait3A_675 = tpu.memref_slice %arg18[%dma_wait3A_668] : memref<2x!tpu.dma_semaphore, #tpu.memory_space<semaphore_mem>> -> memref<1x!tpu.dma_semaphore, #tpu.memory_space<semaphore_mem>>
          %dma_wait3A_676 = tpu.memref_squeeze %dma_wait3A_675 : memref<1x!tpu.dma_semaphore, #tpu.memory_space<semaphore_mem>> -> memref<!tpu.dma_semaphore, #tpu.memory_space<semaphore_mem>>
          tpu.wait_indirect_dma semaphore(%dma_wait3A_676 : memref<!tpu.dma_semaphore, #tpu.memory_space<semaphore_mem>>) src(%arg14 : memref<128x16xf32, #tpu.memory_space<vmem>>) dst(%dma_wait3A_674 : memref<10240x16xf32, #tpu.memory_space<vmem_shared>>)
        } else {
        }
        %jit3A_545 = arith.constant 12 : i32
        %div3A_546 = arith.divsi %scan3A_293, %jit3A_545 : i32
        %sign3A_547 = arith.constant 0 : i32
        %sign3A_548 = arith.cmpi sgt, %scan3A_293, %sign3A_547 : i32
        %sign3A_549 = arith.extui %sign3A_548 : i1 to i32
        %sign3A_550 = arith.constant 0 : i32
        %sign3A_551 = arith.cmpi slt, %scan3A_293, %sign3A_550 : i32
        %sign3A_552 = arith.extui %sign3A_551 : i1 to i32
        %sign3A_553 = arith.subi %sign3A_549, %sign3A_552 : i32
        %sign3A_554 = arith.constant 0 : i32
        %sign3A_555 = arith.cmpi sgt, %jit3A_545, %sign3A_554 : i32
        %sign3A_556 = arith.extui %sign3A_555 : i1 to i32
        %sign3A_557 = arith.constant 0 : i32
        %sign3A_558 = arith.cmpi slt, %jit3A_545, %sign3A_557 : i32
        %sign3A_559 = arith.extui %sign3A_558 : i1 to i32
        %sign3A_560 = arith.subi %sign3A_556, %sign3A_559 : i32
        %ne3A_561 = arith.cmpi ne, %sign3A_553, %sign3A_560 : i32
        %rem3A_562 = arith.remsi %scan3A_293, %jit3A_545 : i32
        %ne3A_563 = arith.constant 0 : i32
        %ne3A_564 = arith.cmpi ne, %rem3A_562, %ne3A_563 : i32
        %and3A_565 = arith.andi %ne3A_561, %ne3A_564 : i1
        %sub3A_566 = arith.constant 1 : i32
        %sub3A_567 = arith.subi %div3A_546, %sub3A_566 : i32
        %select_n3A_568 = arith.select %and3A_565, %sub3A_567, %div3A_546 : i32
        %jit3A_569 = arith.constant 2 : i32
        %eq3A_570 = arith.constant 0 : i32
        %eq3A_571 = arith.cmpi eq, %jit3A_569, %eq3A_570 : i32
        %jit3A_572 = arith.constant 1 : i32
        %select_n3A_573 = arith.select %eq3A_571, %jit3A_572, %jit3A_569 : i32
        %rem3A_574 = arith.remsi %select_n3A_568, %select_n3A_573 : i32
        %ne3A_575 = arith.constant 0 : i32
        %ne3A_576 = arith.cmpi ne, %rem3A_574, %ne3A_575 : i32
        %lt3A_577 = arith.constant 0 : i32
        %lt3A_578 = arith.cmpi slt, %rem3A_574, %lt3A_577 : i32
        %lt3A_579 = arith.constant 0 : i32
        %lt3A_580 = arith.cmpi slt, %select_n3A_573, %lt3A_579 : i32
        %ne3A_581 = arith.xori %lt3A_578, %lt3A_580 : i1
        %and3A_582 = arith.andi %ne3A_581, %ne3A_576 : i1
        %add3A_583 = arith.addi %rem3A_574, %select_n3A_573 : i32
        %select_n3A_584 = arith.select %and3A_582, %add3A_583, %rem3A_574 : i32
        %jit3A_585 = arith.constant 12 : i32
        %eq3A_586 = arith.constant 0 : i32
        %eq3A_587 = arith.cmpi eq, %jit3A_585, %eq3A_586 : i32
        %jit3A_588 = arith.constant 1 : i32
        %select_n3A_589 = arith.select %eq3A_587, %jit3A_588, %jit3A_585 : i32
        %rem3A_590 = arith.remsi %scan3A_293, %select_n3A_589 : i32
        %ne3A_591 = arith.constant 0 : i32
        %ne3A_592 = arith.cmpi ne, %rem3A_590, %ne3A_591 : i32
        %lt3A_593 = arith.constant 0 : i32
        %lt3A_594 = arith.cmpi slt, %rem3A_590, %lt3A_593 : i32
        %lt3A_595 = arith.constant 0 : i32
        %lt3A_596 = arith.cmpi slt, %select_n3A_589, %lt3A_595 : i32
        %ne3A_597 = arith.xori %lt3A_594, %lt3A_596 : i1
        %and3A_598 = arith.andi %ne3A_597, %ne3A_592 : i1
        %add3A_599 = arith.addi %rem3A_590, %select_n3A_589 : i32
        %select_n3A_600 = arith.select %and3A_598, %add3A_599, %rem3A_590 : i32
        %dma_start3A_601 = arith.constant 0 : i32
        %dma_start3A_602 = arith.constant 0 : i32
        %dma_start3A_603 = tpu.memref_slice %arg10[%select_n3A_584, %select_n3A_600, %dma_start3A_602] : memref<2x12x128xi32, #tpu.memory_space<vmem>> -> memref<1x1x128xi32, #tpu.memory_space<vmem>>
        %dma_start3A_604 = tpu.memref_squeeze %dma_start3A_603 : memref<1x1x128xi32, #tpu.memory_space<vmem>> -> memref<128xi32, #tpu.memory_space<vmem>>
        %dma_start3A_605 = arith.constant 0 : i32
        %dma_start3A_606 = arith.constant 0 : i32
        %dma_start3A_607 = tpu.memref_slice %arg8[%dma_start3A_605, %dma_start3A_606] : memref<10240x16xf32, #tpu.memory_space<vmem_shared>> -> memref<10240x16xf32, #tpu.memory_space<vmem_shared>>
        %dma_start3A_608 = tpu.memref_slice %arg18[%dma_start3A_601] : memref<2x!tpu.dma_semaphore, #tpu.memory_space<semaphore_mem>> -> memref<1x!tpu.dma_semaphore, #tpu.memory_space<semaphore_mem>>
        %dma_start3A_609 = tpu.memref_squeeze %dma_start3A_608 : memref<1x!tpu.dma_semaphore, #tpu.memory_space<semaphore_mem>> -> memref<!tpu.dma_semaphore, #tpu.memory_space<semaphore_mem>>
        tpu.enqueue_indirect_dma source(%arg14 : memref<128x16xf32, #tpu.memory_space<vmem>>) target(%dma_start3A_607 : memref<10240x16xf32, #tpu.memory_space<vmem_shared>>) offsets(%dma_start3A_604 : memref<128xi32, #tpu.memory_space<vmem>>) semaphore(%dma_start3A_609 : memref<!tpu.dma_semaphore, #tpu.memory_space<semaphore_mem>>) {add = true}
      } else {
      }
      %scan3A_540 = arith.constant 0 : i32
      scf.yield %scan3A_540 : i32
    }
    %scan3A_183 = arith.constant 156 : i32
    %dma_wait3A_184 = arith.constant 0 : i32
    %dma_wait3A_185 = arith.constant 0 : i32
    %dma_wait3A_186 = arith.constant 9 : i32
    %dma_wait3A_187 = arith.constant 0 : i32
    %dma_wait3A_188 = arith.constant 0 : i32
    %dma_wait3A_189 = arith.constant 0 : i32
    %dma_wait3A_190 = tpu.memref_slice %arg11[%dma_wait3A_184, %dma_wait3A_188, %dma_wait3A_189] : memref<3x128x64xf32, #tpu.memory_space<vmem>> -> memref<1x128x64xf32, #tpu.memory_space<vmem>>
    %dma_wait3A_191 = tpu.memref_squeeze %dma_wait3A_190 : memref<1x128x64xf32, #tpu.memory_space<vmem>> -> memref<128x64xf32, #tpu.memory_space<vmem>>
    %dma_wait3A_192 = arith.constant 0 : i32
    %dma_wait3A_193 = tpu.memref_slice %arg10[%dma_wait3A_185, %dma_wait3A_186, %dma_wait3A_192] : memref<2x12x128xi32, #tpu.memory_space<vmem>> -> memref<1x1x128xi32, #tpu.memory_space<vmem>>
    %dma_wait3A_194 = tpu.memref_squeeze %dma_wait3A_193 : memref<1x1x128xi32, #tpu.memory_space<vmem>> -> memref<128xi32, #tpu.memory_space<vmem>>
    %dma_wait3A_195 = arith.constant 0 : i32
    %dma_wait3A_196 = arith.constant 0 : i32
    %dma_wait3A_197 = tpu.memref_slice %arg7[%dma_wait3A_195, %dma_wait3A_196] : memref<10240x64xf32, #tpu.memory_space<vmem_shared>> -> memref<10240x64xf32, #tpu.memory_space<vmem_shared>>
    %dma_wait3A_198 = tpu.memref_slice %arg16[%dma_wait3A_187] : memref<3x!tpu.dma_semaphore, #tpu.memory_space<semaphore_mem>> -> memref<1x!tpu.dma_semaphore, #tpu.memory_space<semaphore_mem>>
    %dma_wait3A_199 = tpu.memref_squeeze %dma_wait3A_198 : memref<1x!tpu.dma_semaphore, #tpu.memory_space<semaphore_mem>> -> memref<!tpu.dma_semaphore, #tpu.memory_space<semaphore_mem>>
    tpu.wait_indirect_dma semaphore(%dma_wait3A_199 : memref<!tpu.dma_semaphore, #tpu.memory_space<semaphore_mem>>) src(%dma_wait3A_191 : memref<128x64xf32, #tpu.memory_space<vmem>>) dst(%dma_wait3A_197 : memref<10240x64xf32, #tpu.memory_space<vmem_shared>>)
    %dma_wait3A_200 = arith.constant 1 : i32
    %dma_wait3A_201 = arith.constant 0 : i32
    %dma_wait3A_202 = arith.constant 10 : i32
    %dma_wait3A_203 = arith.constant 1 : i32
    %dma_wait3A_204 = arith.constant 0 : i32
    %dma_wait3A_205 = arith.constant 0 : i32
    %dma_wait3A_206 = tpu.memref_slice %arg11[%dma_wait3A_200, %dma_wait3A_204, %dma_wait3A_205] : memref<3x128x64xf32, #tpu.memory_space<vmem>> -> memref<1x128x64xf32, #tpu.memory_space<vmem>>
    %dma_wait3A_207 = tpu.memref_squeeze %dma_wait3A_206 : memref<1x128x64xf32, #tpu.memory_space<vmem>> -> memref<128x64xf32, #tpu.memory_space<vmem>>
    %dma_wait3A_208 = arith.constant 0 : i32
    %dma_wait3A_209 = tpu.memref_slice %arg10[%dma_wait3A_201, %dma_wait3A_202, %dma_wait3A_208] : memref<2x12x128xi32, #tpu.memory_space<vmem>> -> memref<1x1x128xi32, #tpu.memory_space<vmem>>
    %dma_wait3A_210 = tpu.memref_squeeze %dma_wait3A_209 : memref<1x1x128xi32, #tpu.memory_space<vmem>> -> memref<128xi32, #tpu.memory_space<vmem>>
    %dma_wait3A_211 = arith.constant 0 : i32
    %dma_wait3A_212 = arith.constant 0 : i32
    %dma_wait3A_213 = tpu.memref_slice %arg7[%dma_wait3A_211, %dma_wait3A_212] : memref<10240x64xf32, #tpu.memory_space<vmem_shared>> -> memref<10240x64xf32, #tpu.memory_space<vmem_shared>>
    %dma_wait3A_214 = tpu.memref_slice %arg16[%dma_wait3A_203] : memref<3x!tpu.dma_semaphore, #tpu.memory_space<semaphore_mem>> -> memref<1x!tpu.dma_semaphore, #tpu.memory_space<semaphore_mem>>
    %dma_wait3A_215 = tpu.memref_squeeze %dma_wait3A_214 : memref<1x!tpu.dma_semaphore, #tpu.memory_space<semaphore_mem>> -> memref<!tpu.dma_semaphore, #tpu.memory_space<semaphore_mem>>
    tpu.wait_indirect_dma semaphore(%dma_wait3A_215 : memref<!tpu.dma_semaphore, #tpu.memory_space<semaphore_mem>>) src(%dma_wait3A_207 : memref<128x64xf32, #tpu.memory_space<vmem>>) dst(%dma_wait3A_213 : memref<10240x64xf32, #tpu.memory_space<vmem_shared>>)
    %dma_wait3A_216 = arith.constant 2 : i32
    %dma_wait3A_217 = arith.constant 0 : i32
    %dma_wait3A_218 = arith.constant 11 : i32
    %dma_wait3A_219 = arith.constant 2 : i32
    %dma_wait3A_220 = arith.constant 0 : i32
    %dma_wait3A_221 = arith.constant 0 : i32
    %dma_wait3A_222 = tpu.memref_slice %arg11[%dma_wait3A_216, %dma_wait3A_220, %dma_wait3A_221] : memref<3x128x64xf32, #tpu.memory_space<vmem>> -> memref<1x128x64xf32, #tpu.memory_space<vmem>>
    %dma_wait3A_223 = tpu.memref_squeeze %dma_wait3A_222 : memref<1x128x64xf32, #tpu.memory_space<vmem>> -> memref<128x64xf32, #tpu.memory_space<vmem>>
    %dma_wait3A_224 = arith.constant 0 : i32
    %dma_wait3A_225 = tpu.memref_slice %arg10[%dma_wait3A_217, %dma_wait3A_218, %dma_wait3A_224] : memref<2x12x128xi32, #tpu.memory_space<vmem>> -> memref<1x1x128xi32, #tpu.memory_space<vmem>>
    %dma_wait3A_226 = tpu.memref_squeeze %dma_wait3A_225 : memref<1x1x128xi32, #tpu.memory_space<vmem>> -> memref<128xi32, #tpu.memory_space<vmem>>
    %dma_wait3A_227 = arith.constant 0 : i32
    %dma_wait3A_228 = arith.constant 0 : i32
    %dma_wait3A_229 = tpu.memref_slice %arg7[%dma_wait3A_227, %dma_wait3A_228] : memref<10240x64xf32, #tpu.memory_space<vmem_shared>> -> memref<10240x64xf32, #tpu.memory_space<vmem_shared>>
    %dma_wait3A_230 = tpu.memref_slice %arg16[%dma_wait3A_219] : memref<3x!tpu.dma_semaphore, #tpu.memory_space<semaphore_mem>> -> memref<1x!tpu.dma_semaphore, #tpu.memory_space<semaphore_mem>>
    %dma_wait3A_231 = tpu.memref_squeeze %dma_wait3A_230 : memref<1x!tpu.dma_semaphore, #tpu.memory_space<semaphore_mem>> -> memref<!tpu.dma_semaphore, #tpu.memory_space<semaphore_mem>>
    tpu.wait_indirect_dma semaphore(%dma_wait3A_231 : memref<!tpu.dma_semaphore, #tpu.memory_space<semaphore_mem>>) src(%dma_wait3A_223 : memref<128x64xf32, #tpu.memory_space<vmem>>) dst(%dma_wait3A_229 : memref<10240x64xf32, #tpu.memory_space<vmem_shared>>)
    %add3A_232 = arith.constant 154 : i32
    %add3A_233 = arith.addi %add3A_232, %arg0 : i32
    %jit3A = arith.constant 12 : i32
    %div3A = arith.divsi %add3A_233, %jit3A : i32
    %sign3A = arith.constant 0 : i32
    %sign3A_234 = arith.cmpi sgt, %add3A_233, %sign3A : i32
    %sign3A_235 = arith.extui %sign3A_234 : i1 to i32
    %sign3A_236 = arith.constant 0 : i32
    %sign3A_237 = arith.cmpi slt, %add3A_233, %sign3A_236 : i32
    %sign3A_238 = arith.extui %sign3A_237 : i1 to i32
    %sign3A_239 = arith.subi %sign3A_235, %sign3A_238 : i32
    %sign3A_240 = arith.constant 0 : i32
    %sign3A_241 = arith.cmpi sgt, %jit3A, %sign3A_240 : i32
    %sign3A_242 = arith.extui %sign3A_241 : i1 to i32
    %sign3A_243 = arith.constant 0 : i32
    %sign3A_244 = arith.cmpi slt, %jit3A, %sign3A_243 : i32
    %sign3A_245 = arith.extui %sign3A_244 : i1 to i32
    %sign3A_246 = arith.subi %sign3A_242, %sign3A_245 : i32
    %ne3A = arith.cmpi ne, %sign3A_239, %sign3A_246 : i32
    %rem3A = arith.remsi %add3A_233, %jit3A : i32
    %ne3A_247 = arith.constant 0 : i32
    %ne3A_248 = arith.cmpi ne, %rem3A, %ne3A_247 : i32
    %and3A = arith.andi %ne3A, %ne3A_248 : i1
    %sub3A = arith.constant 1 : i32
    %sub3A_249 = arith.subi %div3A, %sub3A : i32
    %select_n3A = arith.select %and3A, %sub3A_249, %div3A : i32
    %jit3A_250 = arith.constant 2 : i32
    %eq3A = arith.constant 0 : i32
    %eq3A_251 = arith.cmpi eq, %jit3A_250, %eq3A : i32
    %jit3A_252 = arith.constant 1 : i32
    %select_n3A_253 = arith.select %eq3A_251, %jit3A_252, %jit3A_250 : i32
    %rem3A_254 = arith.remsi %select_n3A, %select_n3A_253 : i32
    %ne3A_255 = arith.constant 0 : i32
    %ne3A_256 = arith.cmpi ne, %rem3A_254, %ne3A_255 : i32
    %lt3A = arith.constant 0 : i32
    %lt3A_257 = arith.cmpi slt, %rem3A_254, %lt3A : i32
    %lt3A_258 = arith.constant 0 : i32
    %lt3A_259 = arith.cmpi slt, %select_n3A_253, %lt3A_258 : i32
    %ne3A_260 = arith.xori %lt3A_257, %lt3A_259 : i1
    %and3A_261 = arith.andi %ne3A_260, %ne3A_256 : i1
    %add3A_262 = arith.addi %rem3A_254, %select_n3A_253 : i32
    %select_n3A_263 = arith.select %and3A_261, %add3A_262, %rem3A_254 : i32
    %jit3A_264 = arith.constant 12 : i32
    %eq3A_265 = arith.constant 0 : i32
    %eq3A_266 = arith.cmpi eq, %jit3A_264, %eq3A_265 : i32
    %jit3A_267 = arith.constant 1 : i32
    %select_n3A_268 = arith.select %eq3A_266, %jit3A_267, %jit3A_264 : i32
    %rem3A_269 = arith.remsi %add3A_233, %select_n3A_268 : i32
    %ne3A_270 = arith.constant 0 : i32
    %ne3A_271 = arith.cmpi ne, %rem3A_269, %ne3A_270 : i32
    %lt3A_272 = arith.constant 0 : i32
    %lt3A_273 = arith.cmpi slt, %rem3A_269, %lt3A_272 : i32
    %lt3A_274 = arith.constant 0 : i32
    %lt3A_275 = arith.cmpi slt, %select_n3A_268, %lt3A_274 : i32
    %ne3A_276 = arith.xori %lt3A_273, %lt3A_275 : i1
    %and3A_277 = arith.andi %ne3A_276, %ne3A_271 : i1
    %add3A_278 = arith.addi %rem3A_269, %select_n3A_268 : i32
    %select_n3A_279 = arith.select %and3A_277, %add3A_278, %rem3A_269 : i32
    %dma_wait3A_280 = arith.constant 0 : i32
    %dma_wait3A_281 = arith.constant 0 : i32
    %dma_wait3A_282 = tpu.memref_slice %arg10[%select_n3A_263, %select_n3A_279, %dma_wait3A_281] : memref<2x12x128xi32, #tpu.memory_space<vmem>> -> memref<1x1x128xi32, #tpu.memory_space<vmem>>
    %dma_wait3A_283 = tpu.memref_squeeze %dma_wait3A_282 : memref<1x1x128xi32, #tpu.memory_space<vmem>> -> memref<128xi32, #tpu.memory_space<vmem>>
    %dma_wait3A_284 = arith.constant 0 : i32
    %dma_wait3A_285 = arith.constant 0 : i32
    %dma_wait3A_286 = tpu.memref_slice %arg8[%dma_wait3A_284, %dma_wait3A_285] : memref<10240x16xf32, #tpu.memory_space<vmem_shared>> -> memref<10240x16xf32, #tpu.memory_space<vmem_shared>>
    %dma_wait3A_287 = tpu.memref_slice %arg18[%dma_wait3A_280] : memref<2x!tpu.dma_semaphore, #tpu.memory_space<semaphore_mem>> -> memref<1x!tpu.dma_semaphore, #tpu.memory_space<semaphore_mem>>
    %dma_wait3A_288 = tpu.memref_squeeze %dma_wait3A_287 : memref<1x!tpu.dma_semaphore, #tpu.memory_space<semaphore_mem>> -> memref<!tpu.dma_semaphore, #tpu.memory_space<semaphore_mem>>
    tpu.wait_indirect_dma semaphore(%dma_wait3A_288 : memref<!tpu.dma_semaphore, #tpu.memory_space<semaphore_mem>>) src(%arg14 : memref<128x16xf32, #tpu.memory_space<vmem>>) dst(%dma_wait3A_286 : memref<10240x16xf32, #tpu.memory_space<vmem_shared>>)
    %lt3A_289 = arith.constant 4 : i32
    %lt3A_290 = arith.cmpi slt, %arg1, %lt3A_289 : i32
    %convert_element_type3A = arith.extui %lt3A_290 : i1 to i32
    %cond3A = arith.constant 0 : i32
    %cond3A_291 = arith.cmpi ne, %convert_element_type3A, %cond3A : i32
    scf.if %cond3A_291 {
      %add3A_293 = arith.constant 2496 : i32
      %add3A_294 = arith.addi %add3A_293, %arg1 : i32
      %run_scoped3A = arith.constant 0 : i32
      %run_scoped3A_295 = arith.constant 0 : i32
      "tpu.region"() ({
        %run_scoped3A_338 = tpu.sem_alloc : memref<!tpu.dma_semaphore, #tpu.memory_space<semaphore_mem>>
        %dma_start3A_339 = arith.constant 0 : i32
        %dma_start3A_340 = arith.constant 0 : i32
        %dma_start3A_341 = tpu.memref_slice %arg9[%run_scoped3A_295, %dma_start3A_339, %dma_start3A_340] : memref<2x12x128xi32, #tpu.memory_space<vmem>> -> memref<1x1x128xi32, #tpu.memory_space<vmem>>
        %dma_start3A_342 = tpu.memref_squeeze %dma_start3A_341 : memref<1x1x128xi32, #tpu.memory_space<vmem>> -> memref<1x128xi32, #tpu.memory_space<vmem>>
        %dma_start3A_343 = arith.constant 0 : i32
        %dma_start3A_344 = tpu.memref_slice %arg3[%run_scoped3A, %add3A_294, %dma_start3A_343] : memref<2x2500x128xi32, #tpu.memory_space<hbm>> -> memref<1x1x128xi32, #tpu.memory_space<hbm>>
        %dma_start3A_345 = tpu.memref_squeeze %dma_start3A_344 : memref<1x1x128xi32, #tpu.memory_space<hbm>> -> memref<1x128xi32, #tpu.memory_space<hbm>>
        %dma_start3A_346 = arith.constant 0 : i32
        %dma_start3A_347 = arith.constant 0 : i32
        %dma_start3A_348 = tpu.memref_slice %arg9[%run_scoped3A_295, %dma_start3A_346, %dma_start3A_347] : memref<2x12x128xi32, #tpu.memory_space<vmem>> -> memref<1x1x128xi32, #tpu.memory_space<vmem>>
        %dma_start3A_349 = tpu.memref_squeeze %dma_start3A_348 : memref<1x1x128xi32, #tpu.memory_space<vmem>> -> memref<1x128xi32, #tpu.memory_space<vmem>>
        %dma_start3A_350 = arith.constant 0 : i32
        %dma_start3A_351 = tpu.memref_slice %arg3[%run_scoped3A, %add3A_294, %dma_start3A_350] : memref<2x2500x128xi32, #tpu.memory_space<hbm>> -> memref<1x1x128xi32, #tpu.memory_space<hbm>>
        %dma_start3A_352 = tpu.memref_squeeze %dma_start3A_351 : memref<1x1x128xi32, #tpu.memory_space<hbm>> -> memref<1x128xi32, #tpu.memory_space<hbm>>
        tpu.enqueue_dma source(%dma_start3A_352 : memref<1x128xi32, #tpu.memory_space<hbm>>) target(%dma_start3A_349 : memref<1x128xi32, #tpu.memory_space<vmem>>) target_semaphore(%run_scoped3A_338 : memref<!tpu.dma_semaphore, #tpu.memory_space<semaphore_mem>>)
        %dma_wait3A_353 = arith.constant 0 : i32
        %dma_wait3A_354 = arith.constant 0 : i32
        %dma_wait3A_355 = tpu.memref_slice %arg9[%run_scoped3A_295, %dma_wait3A_353, %dma_wait3A_354] : memref<2x12x128xi32, #tpu.memory_space<vmem>> -> memref<1x1x128xi32, #tpu.memory_space<vmem>>
        %dma_wait3A_356 = tpu.memref_squeeze %dma_wait3A_355 : memref<1x1x128xi32, #tpu.memory_space<vmem>> -> memref<1x128xi32, #tpu.memory_space<vmem>>
        %dma_wait3A_357 = arith.constant 0 : i32
        %dma_wait3A_358 = tpu.memref_slice %arg3[%run_scoped3A, %add3A_294, %dma_wait3A_357] : memref<2x2500x128xi32, #tpu.memory_space<hbm>> -> memref<1x1x128xi32, #tpu.memory_space<hbm>>
        %dma_wait3A_359 = tpu.memref_squeeze %dma_wait3A_358 : memref<1x1x128xi32, #tpu.memory_space<hbm>> -> memref<1x128xi32, #tpu.memory_space<hbm>>
        %dma_wait3A_360 = arith.constant 0 : i32
        %dma_wait3A_361 = arith.constant 0 : i32
        %dma_wait3A_362 = tpu.memref_slice %arg9[%run_scoped3A_295, %dma_wait3A_360, %dma_wait3A_361] : memref<2x12x128xi32, #tpu.memory_space<vmem>> -> memref<1x1x128xi32, #tpu.memory_space<vmem>>
        %dma_wait3A_363 = tpu.memref_squeeze %dma_wait3A_362 : memref<1x1x128xi32, #tpu.memory_space<vmem>> -> memref<1x128xi32, #tpu.memory_space<vmem>>
        %dma_wait3A_364 = arith.constant 0 : i32
        %dma_wait3A_365 = tpu.memref_slice %arg3[%run_scoped3A, %add3A_294, %dma_wait3A_364] : memref<2x2500x128xi32, #tpu.memory_space<hbm>> -> memref<1x1x128xi32, #tpu.memory_space<hbm>>
        %dma_wait3A_366 = tpu.memref_squeeze %dma_wait3A_365 : memref<1x1x128xi32, #tpu.memory_space<hbm>> -> memref<1x128xi32, #tpu.memory_space<hbm>>
        tpu.wait_dma2 semaphore(%run_scoped3A_338 : memref<!tpu.dma_semaphore, #tpu.memory_space<semaphore_mem>>) src(%dma_wait3A_366 : memref<1x128xi32, #tpu.memory_space<hbm>>) dst(%dma_wait3A_363 : memref<1x128xi32, #tpu.memory_space<vmem>>)
        tpu.yield
      }) : () -> ()
      %run_scoped3A_296 = arith.constant 1 : i32
      %run_scoped3A_297 = arith.constant 0 : i32
      "tpu.region"() ({
        %run_scoped3A_338 = tpu.sem_alloc : memref<!tpu.dma_semaphore, #tpu.memory_space<semaphore_mem>>
        %dma_start3A_339 = arith.constant 0 : i32
        %dma_start3A_340 = arith.constant 0 : i32
        %dma_start3A_341 = tpu.memref_slice %arg10[%run_scoped3A_297, %dma_start3A_339, %dma_start3A_340] : memref<2x12x128xi32, #tpu.memory_space<vmem>> -> memref<1x1x128xi32, #tpu.memory_space<vmem>>
        %dma_start3A_342 = tpu.memref_squeeze %dma_start3A_341 : memref<1x1x128xi32, #tpu.memory_space<vmem>> -> memref<1x128xi32, #tpu.memory_space<vmem>>
        %dma_start3A_343 = arith.constant 0 : i32
        %dma_start3A_344 = tpu.memref_slice %arg3[%run_scoped3A_296, %add3A_294, %dma_start3A_343] : memref<2x2500x128xi32, #tpu.memory_space<hbm>> -> memref<1x1x128xi32, #tpu.memory_space<hbm>>
        %dma_start3A_345 = tpu.memref_squeeze %dma_start3A_344 : memref<1x1x128xi32, #tpu.memory_space<hbm>> -> memref<1x128xi32, #tpu.memory_space<hbm>>
        %dma_start3A_346 = arith.constant 0 : i32
        %dma_start3A_347 = arith.constant 0 : i32
        %dma_start3A_348 = tpu.memref_slice %arg10[%run_scoped3A_297, %dma_start3A_346, %dma_start3A_347] : memref<2x12x128xi32, #tpu.memory_space<vmem>> -> memref<1x1x128xi32, #tpu.memory_space<vmem>>
        %dma_start3A_349 = tpu.memref_squeeze %dma_start3A_348 : memref<1x1x128xi32, #tpu.memory_space<vmem>> -> memref<1x128xi32, #tpu.memory_space<vmem>>
        %dma_start3A_350 = arith.constant 0 : i32
        %dma_start3A_351 = tpu.memref_slice %arg3[%run_scoped3A_296, %add3A_294, %dma_start3A_350] : memref<2x2500x128xi32, #tpu.memory_space<hbm>> -> memref<1x1x128xi32, #tpu.memory_space<hbm>>
        %dma_start3A_352 = tpu.memref_squeeze %dma_start3A_351 : memref<1x1x128xi32, #tpu.memory_space<hbm>> -> memref<1x128xi32, #tpu.memory_space<hbm>>
        tpu.enqueue_dma source(%dma_start3A_352 : memref<1x128xi32, #tpu.memory_space<hbm>>) target(%dma_start3A_349 : memref<1x128xi32, #tpu.memory_space<vmem>>) target_semaphore(%run_scoped3A_338 : memref<!tpu.dma_semaphore, #tpu.memory_space<semaphore_mem>>)
        %dma_wait3A_353 = arith.constant 0 : i32
        %dma_wait3A_354 = arith.constant 0 : i32
        %dma_wait3A_355 = tpu.memref_slice %arg10[%run_scoped3A_297, %dma_wait3A_353, %dma_wait3A_354] : memref<2x12x128xi32, #tpu.memory_space<vmem>> -> memref<1x1x128xi32, #tpu.memory_space<vmem>>
        %dma_wait3A_356 = tpu.memref_squeeze %dma_wait3A_355 : memref<1x1x128xi32, #tpu.memory_space<vmem>> -> memref<1x128xi32, #tpu.memory_space<vmem>>
        %dma_wait3A_357 = arith.constant 0 : i32
        %dma_wait3A_358 = tpu.memref_slice %arg3[%run_scoped3A_296, %add3A_294, %dma_wait3A_357] : memref<2x2500x128xi32, #tpu.memory_space<hbm>> -> memref<1x1x128xi32, #tpu.memory_space<hbm>>
        %dma_wait3A_359 = tpu.memref_squeeze %dma_wait3A_358 : memref<1x1x128xi32, #tpu.memory_space<hbm>> -> memref<1x128xi32, #tpu.memory_space<hbm>>
        %dma_wait3A_360 = arith.constant 0 : i32
        %dma_wait3A_361 = arith.constant 0 : i32
        %dma_wait3A_362 = tpu.memref_slice %arg10[%run_scoped3A_297, %dma_wait3A_360, %dma_wait3A_361] : memref<2x12x128xi32, #tpu.memory_space<vmem>> -> memref<1x1x128xi32, #tpu.memory_space<vmem>>
        %dma_wait3A_363 = tpu.memref_squeeze %dma_wait3A_362 : memref<1x1x128xi32, #tpu.memory_space<vmem>> -> memref<1x128xi32, #tpu.memory_space<vmem>>
        %dma_wait3A_364 = arith.constant 0 : i32
        %dma_wait3A_365 = tpu.memref_slice %arg3[%run_scoped3A_296, %add3A_294, %dma_wait3A_364] : memref<2x2500x128xi32, #tpu.memory_space<hbm>> -> memref<1x1x128xi32, #tpu.memory_space<hbm>>
        %dma_wait3A_366 = tpu.memref_squeeze %dma_wait3A_365 : memref<1x1x128xi32, #tpu.memory_space<hbm>> -> memref<1x128xi32, #tpu.memory_space<hbm>>
        tpu.wait_dma2 semaphore(%run_scoped3A_338 : memref<!tpu.dma_semaphore, #tpu.memory_space<semaphore_mem>>) src(%dma_wait3A_366 : memref<1x128xi32, #tpu.memory_space<hbm>>) dst(%dma_wait3A_363 : memref<1x128xi32, #tpu.memory_space<vmem>>)
        tpu.yield
      }) : () -> ()
      %dma_start3A_298 = arith.constant 0 : i32
      %dma_start3A_299 = arith.constant 0 : i32
      %dma_start3A_300 = arith.constant 0 : i32
      %dma_start3A_301 = arith.constant 0 : i32
      %dma_start3A_302 = arith.constant 0 : i32
      %dma_start3A_303 = arith.constant 0 : i32
      %dma_start3A_304 = tpu.memref_slice %arg11[%dma_start3A_300, %dma_start3A_302, %dma_start3A_303] : memref<3x128x64xf32, #tpu.memory_space<vmem>> -> memref<1x128x64xf32, #tpu.memory_space<vmem>>
      %dma_start3A_305 = tpu.memref_squeeze %dma_start3A_304 : memref<1x128x64xf32, #tpu.memory_space<vmem>> -> memref<128x64xf32, #tpu.memory_space<vmem>>
      %dma_start3A_306 = arith.constant 0 : i32
      %dma_start3A_307 = tpu.memref_slice %arg9[%dma_start3A_298, %dma_start3A_299, %dma_start3A_306] : memref<2x12x128xi32, #tpu.memory_space<vmem>> -> memref<1x1x128xi32, #tpu.memory_space<vmem>>
      %dma_start3A_308 = tpu.memref_squeeze %dma_start3A_307 : memref<1x1x128xi32, #tpu.memory_space<vmem>> -> memref<128xi32, #tpu.memory_space<vmem>>
      %dma_start3A_309 = arith.constant 0 : i32
      %dma_start3A_310 = arith.constant 0 : i32
      %dma_start3A_311 = tpu.memref_slice %arg6[%dma_start3A_309, %dma_start3A_310] : memref<10240x64xf32, #tpu.memory_space<vmem_shared>> -> memref<10240x64xf32, #tpu.memory_space<vmem_shared>>
      %dma_start3A_312 = tpu.memref_slice %arg15[%dma_start3A_301] : memref<3x!tpu.dma_semaphore, #tpu.memory_space<semaphore_mem>> -> memref<1x!tpu.dma_semaphore, #tpu.memory_space<semaphore_mem>>
      %dma_start3A_313 = tpu.memref_squeeze %dma_start3A_312 : memref<1x!tpu.dma_semaphore, #tpu.memory_space<semaphore_mem>> -> memref<!tpu.dma_semaphore, #tpu.memory_space<semaphore_mem>>
      tpu.enqueue_indirect_dma source(%dma_start3A_311 : memref<10240x64xf32, #tpu.memory_space<vmem_shared>>) target(%dma_start3A_305 : memref<128x64xf32, #tpu.memory_space<vmem>>) offsets(%dma_start3A_308 : memref<128xi32, #tpu.memory_space<vmem>>) semaphore(%dma_start3A_313 : memref<!tpu.dma_semaphore, #tpu.memory_space<semaphore_mem>>)
      %dma_wait3A_314 = arith.constant 0 : i32
      %dma_wait3A_315 = arith.constant 0 : i32
      %dma_wait3A_316 = arith.constant 0 : i32
      %dma_wait3A_317 = arith.constant 0 : i32
      %dma_wait3A_318 = arith.constant 0 : i32
      %dma_wait3A_319 = arith.constant 0 : i32
      %dma_wait3A_320 = tpu.memref_slice %arg11[%dma_wait3A_316, %dma_wait3A_318, %dma_wait3A_319] : memref<3x128x64xf32, #tpu.memory_space<vmem>> -> memref<1x128x64xf32, #tpu.memory_space<vmem>>
      %dma_wait3A_321 = tpu.memref_squeeze %dma_wait3A_320 : memref<1x128x64xf32, #tpu.memory_space<vmem>> -> memref<128x64xf32, #tpu.memory_space<vmem>>
      %dma_wait3A_322 = arith.constant 0 : i32
      %dma_wait3A_323 = tpu.memref_slice %arg9[%dma_wait3A_314, %dma_wait3A_315, %dma_wait3A_322] : memref<2x12x128xi32, #tpu.memory_space<vmem>> -> memref<1x1x128xi32, #tpu.memory_space<vmem>>
      %dma_wait3A_324 = tpu.memref_squeeze %dma_wait3A_323 : memref<1x1x128xi32, #tpu.memory_space<vmem>> -> memref<128xi32, #tpu.memory_space<vmem>>
      %dma_wait3A_325 = arith.constant 0 : i32
      %dma_wait3A_326 = arith.constant 0 : i32
      %dma_wait3A_327 = tpu.memref_slice %arg6[%dma_wait3A_325, %dma_wait3A_326] : memref<10240x64xf32, #tpu.memory_space<vmem_shared>> -> memref<10240x64xf32, #tpu.memory_space<vmem_shared>>
      %dma_wait3A_328 = tpu.memref_slice %arg15[%dma_wait3A_317] : memref<3x!tpu.dma_semaphore, #tpu.memory_space<semaphore_mem>> -> memref<1x!tpu.dma_semaphore, #tpu.memory_space<semaphore_mem>>
      %dma_wait3A_329 = tpu.memref_squeeze %dma_wait3A_328 : memref<1x!tpu.dma_semaphore, #tpu.memory_space<semaphore_mem>> -> memref<!tpu.dma_semaphore, #tpu.memory_space<semaphore_mem>>
      tpu.wait_indirect_dma semaphore(%dma_wait3A_329 : memref<!tpu.dma_semaphore, #tpu.memory_space<semaphore_mem>>) src(%dma_wait3A_327 : memref<10240x64xf32, #tpu.memory_space<vmem_shared>>) dst(%dma_wait3A_321 : memref<128x64xf32, #tpu.memory_space<vmem>>)
      %run_scoped3A_330 = arith.constant 0 : i32
      %run_scoped3A_331 = arith.constant 0 : i32
      %run_scoped3A_332 = arith.constant 0 : i32
      "tpu.region"() ({
        %run_scoped3A_338 = tpu.sem_alloc : memref<!tpu.dma_semaphore, #tpu.memory_space<semaphore_mem>>
        %dma_start3A_339 = arith.constant 0 : i32
        %dma_start3A_340 = arith.constant 0 : i32
        %dma_start3A_341 = tpu.memref_slice %arg11[%run_scoped3A_330, %dma_start3A_339, %dma_start3A_340] : memref<3x128x64xf32, #tpu.memory_space<vmem>> -> memref<1x128x64xf32, #tpu.memory_space<vmem>>
        %dma_start3A_342 = tpu.memref_squeeze %dma_start3A_341 : memref<1x128x64xf32, #tpu.memory_space<vmem>> -> memref<128x64xf32, #tpu.memory_space<vmem>>
        %dma_start3A_343 = arith.constant 0 : i32
        %dma_start3A_344 = tpu.memref_slice %arg10[%run_scoped3A_331, %run_scoped3A_332, %dma_start3A_343] : memref<2x12x128xi32, #tpu.memory_space<vmem>> -> memref<1x1x128xi32, #tpu.memory_space<vmem>>
        %dma_start3A_345 = tpu.memref_squeeze %dma_start3A_344 : memref<1x1x128xi32, #tpu.memory_space<vmem>> -> memref<128xi32, #tpu.memory_space<vmem>>
        %dma_start3A_346 = arith.constant 0 : i32
        %dma_start3A_347 = arith.constant 0 : i32
        %dma_start3A_348 = tpu.memref_slice %arg7[%dma_start3A_346, %dma_start3A_347] : memref<10240x64xf32, #tpu.memory_space<vmem_shared>> -> memref<10240x64xf32, #tpu.memory_space<vmem_shared>>
        tpu.enqueue_indirect_dma source(%dma_start3A_342 : memref<128x64xf32, #tpu.memory_space<vmem>>) target(%dma_start3A_348 : memref<10240x64xf32, #tpu.memory_space<vmem_shared>>) offsets(%dma_start3A_345 : memref<128xi32, #tpu.memory_space<vmem>>) semaphore(%run_scoped3A_338 : memref<!tpu.dma_semaphore, #tpu.memory_space<semaphore_mem>>) {add = true}
        %dma_wait3A_349 = arith.constant 0 : i32
        %dma_wait3A_350 = arith.constant 0 : i32
        %dma_wait3A_351 = tpu.memref_slice %arg11[%run_scoped3A_330, %dma_wait3A_349, %dma_wait3A_350] : memref<3x128x64xf32, #tpu.memory_space<vmem>> -> memref<1x128x64xf32, #tpu.memory_space<vmem>>
        %dma_wait3A_352 = tpu.memref_squeeze %dma_wait3A_351 : memref<1x128x64xf32, #tpu.memory_space<vmem>> -> memref<128x64xf32, #tpu.memory_space<vmem>>
        %dma_wait3A_353 = arith.constant 0 : i32
        %dma_wait3A_354 = tpu.memref_slice %arg10[%run_scoped3A_331, %run_scoped3A_332, %dma_wait3A_353] : memref<2x12x128xi32, #tpu.memory_space<vmem>> -> memref<1x1x128xi32, #tpu.memory_space<vmem>>
        %dma_wait3A_355 = tpu.memref_squeeze %dma_wait3A_354 : memref<1x1x128xi32, #tpu.memory_space<vmem>> -> memref<128xi32, #tpu.memory_space<vmem>>
        %dma_wait3A_356 = arith.constant 0 : i32
        %dma_wait3A_357 = arith.constant 0 : i32
        %dma_wait3A_358 = tpu.memref_slice %arg7[%dma_wait3A_356, %dma_wait3A_357] : memref<10240x64xf32, #tpu.memory_space<vmem_shared>> -> memref<10240x64xf32, #tpu.memory_space<vmem_shared>>
        tpu.wait_indirect_dma semaphore(%run_scoped3A_338 : memref<!tpu.dma_semaphore, #tpu.memory_space<semaphore_mem>>) src(%dma_wait3A_352 : memref<128x64xf32, #tpu.memory_space<vmem>>) dst(%dma_wait3A_358 : memref<10240x64xf32, #tpu.memory_space<vmem_shared>>)
        tpu.yield
      }) : () -> ()
      %eq3A_333 = arith.constant 0 : i32
      %eq3A_334 = arith.cmpi eq, %arg0, %eq3A_333 : i32
      %convert_element_type3A_335 = arith.extui %eq3A_334 : i1 to i32
      %cond3A_336 = arith.constant 0 : i32
      %cond3A_337 = arith.cmpi ne, %convert_element_type3A_335, %cond3A_336 : i32
      scf.if %cond3A_337 {
        %run_scoped3A_338 = arith.constant 0 : i32
        %run_scoped3A_339 = arith.constant 0 : i32
        "tpu.region"() ({
          %run_scoped3A_340 = tpu.sem_alloc : memref<!tpu.dma_semaphore, #tpu.memory_space<semaphore_mem>>
          %dma_start3A_341 = arith.constant 0 : i32
          %dma_start3A_342 = tpu.memref_slice %arg10[%run_scoped3A_338, %run_scoped3A_339, %dma_start3A_341] : memref<2x12x128xi32, #tpu.memory_space<vmem>> -> memref<1x1x128xi32, #tpu.memory_space<vmem>>
          %dma_start3A_343 = tpu.memref_squeeze %dma_start3A_342 : memref<1x1x128xi32, #tpu.memory_space<vmem>> -> memref<128xi32, #tpu.memory_space<vmem>>
          %dma_start3A_344 = arith.constant 0 : i32
          %dma_start3A_345 = arith.constant 0 : i32
          %dma_start3A_346 = tpu.memref_slice %arg8[%dma_start3A_344, %dma_start3A_345] : memref<10240x16xf32, #tpu.memory_space<vmem_shared>> -> memref<10240x16xf32, #tpu.memory_space<vmem_shared>>
          tpu.enqueue_indirect_dma source(%arg14 : memref<128x16xf32, #tpu.memory_space<vmem>>) target(%dma_start3A_346 : memref<10240x16xf32, #tpu.memory_space<vmem_shared>>) offsets(%dma_start3A_343 : memref<128xi32, #tpu.memory_space<vmem>>) semaphore(%run_scoped3A_340 : memref<!tpu.dma_semaphore, #tpu.memory_space<semaphore_mem>>) {add = true}
          %dma_wait3A_347 = arith.constant 0 : i32
          %dma_wait3A_348 = tpu.memref_slice %arg10[%run_scoped3A_338, %run_scoped3A_339, %dma_wait3A_347] : memref<2x12x128xi32, #tpu.memory_space<vmem>> -> memref<1x1x128xi32, #tpu.memory_space<vmem>>
          %dma_wait3A_349 = tpu.memref_squeeze %dma_wait3A_348 : memref<1x1x128xi32, #tpu.memory_space<vmem>> -> memref<128xi32, #tpu.memory_space<vmem>>
          %dma_wait3A_350 = arith.constant 0 : i32
          %dma_wait3A_351 = arith.constant 0 : i32
          %dma_wait3A_352 = tpu.memref_slice %arg8[%dma_wait3A_350, %dma_wait3A_351] : memref<10240x16xf32, #tpu.memory_space<vmem_shared>> -> memref<10240x16xf32, #tpu.memory_space<vmem_shared>>
          tpu.wait_indirect_dma semaphore(%run_scoped3A_340 : memref<!tpu.dma_semaphore, #tpu.memory_space<semaphore_mem>>) src(%arg14 : memref<128x16xf32, #tpu.memory_space<vmem>>) dst(%dma_wait3A_352 : memref<10240x16xf32, #tpu.memory_space<vmem_shared>>)
          tpu.yield
        }) : () -> ()
      } else {
      }
    } else {
    }
    %barrier3A_292 = arith.constant 0 : index
    tpu.barrier barrier_id(%barrier3A_292)
    "tpu.region"() ({
      %run_scoped3A = tpu.sem_alloc : memref<!tpu.dma_semaphore, #tpu.memory_space<semaphore_mem>>
      %dma_start3A_293 = tpu.memref_slice %arg4[%mul3A_0, %mul3A_2] : memref<10240x128xf32, #tpu.memory_space<hbm>> -> memref<640x64xf32, #tpu.memory_space<hbm>>
      %dma_start3A_294 = arith.constant 0 : i32
      %dma_start3A_295 = tpu.memref_slice %arg7[%mul3A_0, %dma_start3A_294] : memref<10240x64xf32, #tpu.memory_space<vmem_shared>> -> memref<640x64xf32, #tpu.memory_space<vmem_shared>>
      tpu.enqueue_dma source(%dma_start3A_295 : memref<640x64xf32, #tpu.memory_space<vmem_shared>>) target(%dma_start3A_293 : memref<640x64xf32, #tpu.memory_space<hbm>>) target_semaphore(%run_scoped3A : memref<!tpu.dma_semaphore, #tpu.memory_space<semaphore_mem>>)
      %dma_wait3A_296 = tpu.memref_slice %arg4[%mul3A_0, %mul3A_2] : memref<10240x128xf32, #tpu.memory_space<hbm>> -> memref<640x64xf32, #tpu.memory_space<hbm>>
      %dma_wait3A_297 = arith.constant 0 : i32
      %dma_wait3A_298 = tpu.memref_slice %arg7[%mul3A_0, %dma_wait3A_297] : memref<10240x64xf32, #tpu.memory_space<vmem_shared>> -> memref<640x64xf32, #tpu.memory_space<vmem_shared>>
      tpu.wait_dma2 semaphore(%run_scoped3A : memref<!tpu.dma_semaphore, #tpu.memory_space<semaphore_mem>>) src(%dma_wait3A_298 : memref<640x64xf32, #tpu.memory_space<vmem_shared>>) dst(%dma_wait3A_296 : memref<640x64xf32, #tpu.memory_space<hbm>>)
      tpu.yield
    }) : () -> ()
    "tpu.region"() ({
      %run_scoped3A = tpu.sem_alloc : memref<!tpu.dma_semaphore, #tpu.memory_space<semaphore_mem>>
      %dma_start3A_293 = arith.constant 0 : i32
      %dma_start3A_294 = tpu.memref_slice %arg5[%arg0, %mul3A_0, %dma_start3A_293] : memref<2x10240x16xf32, #tpu.memory_space<hbm>> -> memref<1x640x16xf32, #tpu.memory_space<hbm>>
      %dma_start3A_295 = tpu.memref_squeeze %dma_start3A_294 : memref<1x640x16xf32, #tpu.memory_space<hbm>> -> memref<640x16xf32, #tpu.memory_space<hbm>>
      %dma_start3A_296 = arith.constant 0 : i32
      %dma_start3A_297 = tpu.memref_slice %arg8[%mul3A_0, %dma_start3A_296] : memref<10240x16xf32, #tpu.memory_space<vmem_shared>> -> memref<640x16xf32, #tpu.memory_space<vmem_shared>>
      tpu.enqueue_dma source(%dma_start3A_297 : memref<640x16xf32, #tpu.memory_space<vmem_shared>>) target(%dma_start3A_295 : memref<640x16xf32, #tpu.memory_space<hbm>>) target_semaphore(%run_scoped3A : memref<!tpu.dma_semaphore, #tpu.memory_space<semaphore_mem>>)
      %dma_wait3A_298 = arith.constant 0 : i32
      %dma_wait3A_299 = tpu.memref_slice %arg5[%arg0, %mul3A_0, %dma_wait3A_298] : memref<2x10240x16xf32, #tpu.memory_space<hbm>> -> memref<1x640x16xf32, #tpu.memory_space<hbm>>
      %dma_wait3A_300 = tpu.memref_squeeze %dma_wait3A_299 : memref<1x640x16xf32, #tpu.memory_space<hbm>> -> memref<640x16xf32, #tpu.memory_space<hbm>>
      %dma_wait3A_301 = arith.constant 0 : i32
      %dma_wait3A_302 = tpu.memref_slice %arg8[%mul3A_0, %dma_wait3A_301] : memref<10240x16xf32, #tpu.memory_space<vmem_shared>> -> memref<640x16xf32, #tpu.memory_space<vmem_shared>>
      tpu.wait_dma2 semaphore(%run_scoped3A : memref<!tpu.dma_semaphore, #tpu.memory_space<semaphore_mem>>) src(%dma_wait3A_302 : memref<640x16xf32, #tpu.memory_space<vmem_shared>>) dst(%dma_wait3A_300 : memref<640x16xf32, #tpu.memory_space<hbm>>)
      tpu.yield
    }) : () -> ()
    return
  }
}

#map = affine_map<(d0, d1) -> (0, 0)>
#map1 = affine_map<(d0, d1) -> (0, 0, 0)>
module attributes {stable_mosaic.version = 14 : i64} {
  func.func @_sc_agg_body(%arg0: i32, %arg1: i32, %arg2: memref<10240x128xf32, #tpu.memory_space<hbm>>, %arg3: memref<2x2500x128xi32, #tpu.memory_space<hbm>>, %arg4: memref<10240x128xf32, #tpu.memory_space<hbm>>, %arg5: memref<10240x64xf32, #tpu.memory_space<vmem_shared>>, %arg6: memref<10240x64xf32, #tpu.memory_space<vmem_shared>>, %arg7: memref<2x12x128xi32, #tpu.memory_space<vmem>>, %arg8: memref<2x12x128xi32, #tpu.memory_space<vmem>>, %arg9: memref<4x128x64xf32, #tpu.memory_space<vmem>>, %arg10: memref<32x64xf32, #tpu.memory_space<vmem>>, %arg11: memref<4x!tpu.dma_semaphore, #tpu.memory_space<semaphore_mem>>, %arg12: memref<4x!tpu.dma_semaphore, #tpu.memory_space<semaphore_mem>>, %arg13: memref<2x!tpu.dma_semaphore, #tpu.memory_space<semaphore_mem>>) attributes {dimension_semantics = [#tpu.dimension_semantics<core_parallel>, #tpu.dimension_semantics<subcore_parallel>], iteration_bounds = array<i64: 2, 16>, scalar_prefetch = 0 : i64, scratch_operands = 9 : i64, tpu.core_type = #tpu.core_type<sc_vector_subcore>, window_params = [{transform_indices = #map}, {transform_indices = #map1}, {transform_indices = #map}]} {
    %mul3A = arith.constant 640 : i32
    %mul3A_0 = arith.muli %arg1, %mul3A : i32
    %mul3A_1 = arith.constant 64 : i32
    %mul3A_2 = arith.muli %arg0, %mul3A_1 : i32
    %mul3A_3 = arith.constant 156 : i32
    %mul3A_4 = arith.muli %arg1, %mul3A_3 : i32
    "tpu.region"() ({
      %run_scoped3A = tpu.sem_alloc : memref<!tpu.dma_semaphore, #tpu.memory_space<semaphore_mem>>
      %dma_start3A_223 = arith.constant 0 : i32
      %dma_start3A_224 = tpu.memref_slice %arg5[%mul3A_0, %dma_start3A_223] : memref<10240x64xf32, #tpu.memory_space<vmem_shared>> -> memref<640x64xf32, #tpu.memory_space<vmem_shared>>
      %dma_start3A_225 = tpu.memref_slice %arg2[%mul3A_0, %mul3A_2] : memref<10240x128xf32, #tpu.memory_space<hbm>> -> memref<640x64xf32, #tpu.memory_space<hbm>>
      tpu.enqueue_dma source(%dma_start3A_225 : memref<640x64xf32, #tpu.memory_space<hbm>>) target(%dma_start3A_224 : memref<640x64xf32, #tpu.memory_space<vmem_shared>>) target_semaphore(%run_scoped3A : memref<!tpu.dma_semaphore, #tpu.memory_space<semaphore_mem>>)
      %dma_wait3A_226 = arith.constant 0 : i32
      %dma_wait3A_227 = tpu.memref_slice %arg5[%mul3A_0, %dma_wait3A_226] : memref<10240x64xf32, #tpu.memory_space<vmem_shared>> -> memref<640x64xf32, #tpu.memory_space<vmem_shared>>
      %dma_wait3A_228 = tpu.memref_slice %arg2[%mul3A_0, %mul3A_2] : memref<10240x128xf32, #tpu.memory_space<hbm>> -> memref<640x64xf32, #tpu.memory_space<hbm>>
      tpu.wait_dma2 semaphore(%run_scoped3A : memref<!tpu.dma_semaphore, #tpu.memory_space<semaphore_mem>>) src(%dma_wait3A_228 : memref<640x64xf32, #tpu.memory_space<hbm>>) dst(%dma_wait3A_227 : memref<640x64xf32, #tpu.memory_space<vmem_shared>>)
      tpu.yield
    }) : () -> ()
    %broadcast_in_dim3A = arith.constant 0.000000e+00 : f32
    %broadcast_in_dim3A_5 = vector.broadcast %broadcast_in_dim3A : f32 to vector<16xf32>
    %scan3A = arith.constant 0 : i32
    %scan3A_6 = arith.constant 0 : i32
    %scan3A_7 = arith.constant 32 : i32
    %scan3A_8 = arith.addi %scan3A_6, %scan3A_7 : i32
    %scan3A_9 = arith.constant 1 : i32
    %scan3A_10 = scf.for %scan3A_223 = %scan3A_6 to %scan3A_8 step %scan3A_9 iter_args(%scan3A_224 = %scan3A) -> (i32)  : i32 {
      %swap3A = arith.index_cast %scan3A_223 : i32 to index
      %swap3A_225 = arith.constant 0 : index
      %swap3A_226 = tpu.vector_load %arg10[%swap3A, %swap3A_225] {strides = array<i32>} : memref<32x64xf32, #tpu.memory_space<vmem>>, vector<1x16xf32>,
      %swap3A_227 = vector.shape_cast %swap3A_226 : vector<1x16xf32> to vector<16xf32>
      %swap3A_228 = vector.shape_cast %broadcast_in_dim3A_5 : vector<16xf32> to vector<1x16xf32>
      tpu.vector_store %arg10[%swap3A, %swap3A_225], %swap3A_228 {strides = array<i32>} : memref<32x64xf32, #tpu.memory_space<vmem>>, vector<1x16xf32>,
      %swap3A_229 = arith.index_cast %scan3A_223 : i32 to index
      %swap3A_230 = arith.constant 16 : index
      %swap3A_231 = tpu.vector_load %arg10[%swap3A_229, %swap3A_230] {strides = array<i32>} : memref<32x64xf32, #tpu.memory_space<vmem>>, vector<1x16xf32>,
      %swap3A_232 = vector.shape_cast %swap3A_231 : vector<1x16xf32> to vector<16xf32>
      %swap3A_233 = vector.shape_cast %broadcast_in_dim3A_5 : vector<16xf32> to vector<1x16xf32>
      tpu.vector_store %arg10[%swap3A_229, %swap3A_230], %swap3A_233 {strides = array<i32>} : memref<32x64xf32, #tpu.memory_space<vmem>>, vector<1x16xf32>,
      %swap3A_234 = arith.index_cast %scan3A_223 : i32 to index
      %swap3A_235 = arith.constant 32 : index
      %swap3A_236 = tpu.vector_load %arg10[%swap3A_234, %swap3A_235] {strides = array<i32>} : memref<32x64xf32, #tpu.memory_space<vmem>>, vector<1x16xf32>,
      %swap3A_237 = vector.shape_cast %swap3A_236 : vector<1x16xf32> to vector<16xf32>
      %swap3A_238 = vector.shape_cast %broadcast_in_dim3A_5 : vector<16xf32> to vector<1x16xf32>
      tpu.vector_store %arg10[%swap3A_234, %swap3A_235], %swap3A_238 {strides = array<i32>} : memref<32x64xf32, #tpu.memory_space<vmem>>, vector<1x16xf32>,
      %swap3A_239 = arith.index_cast %scan3A_223 : i32 to index
      %swap3A_240 = arith.constant 48 : index
      %swap3A_241 = tpu.vector_load %arg10[%swap3A_239, %swap3A_240] {strides = array<i32>} : memref<32x64xf32, #tpu.memory_space<vmem>>, vector<1x16xf32>,
      %swap3A_242 = vector.shape_cast %swap3A_241 : vector<1x16xf32> to vector<16xf32>
      %swap3A_243 = vector.shape_cast %broadcast_in_dim3A_5 : vector<16xf32> to vector<1x16xf32>
      tpu.vector_store %arg10[%swap3A_239, %swap3A_240], %swap3A_243 {strides = array<i32>} : memref<32x64xf32, #tpu.memory_space<vmem>>, vector<1x16xf32>,
      %scan3A_244 = arith.constant 0 : i32
      scf.yield %scan3A_244 : i32
    }
    %scan3A_11 = arith.constant 32 : i32
    %add3A = arith.constant 0 : i32
    %add3A_12 = arith.addi %mul3A_0, %add3A : i32
    "tpu.region"() ({
      %run_scoped3A = tpu.sem_alloc : memref<!tpu.dma_semaphore, #tpu.memory_space<semaphore_mem>>
      %dma_start3A_223 = arith.constant 0 : i32
      %dma_start3A_224 = tpu.memref_slice %arg6[%add3A_12, %dma_start3A_223] : memref<10240x64xf32, #tpu.memory_space<vmem_shared>> -> memref<32x64xf32, #tpu.memory_space<vmem_shared>>
      %dma_start3A_225 = arith.constant 0 : i32
      %dma_start3A_226 = tpu.memref_slice %arg6[%add3A_12, %dma_start3A_225] : memref<10240x64xf32, #tpu.memory_space<vmem_shared>> -> memref<32x64xf32, #tpu.memory_space<vmem_shared>>
      tpu.enqueue_dma source(%arg10 : memref<32x64xf32, #tpu.memory_space<vmem>>) target(%dma_start3A_226 : memref<32x64xf32, #tpu.memory_space<vmem_shared>>) target_semaphore(%run_scoped3A : memref<!tpu.dma_semaphore, #tpu.memory_space<semaphore_mem>>)
      %dma_wait3A_227 = arith.constant 0 : i32
      %dma_wait3A_228 = tpu.memref_slice %arg6[%add3A_12, %dma_wait3A_227] : memref<10240x64xf32, #tpu.memory_space<vmem_shared>> -> memref<32x64xf32, #tpu.memory_space<vmem_shared>>
      %dma_wait3A_229 = arith.constant 0 : i32
      %dma_wait3A_230 = tpu.memref_slice %arg6[%add3A_12, %dma_wait3A_229] : memref<10240x64xf32, #tpu.memory_space<vmem_shared>> -> memref<32x64xf32, #tpu.memory_space<vmem_shared>>
      tpu.wait_dma2 semaphore(%run_scoped3A : memref<!tpu.dma_semaphore, #tpu.memory_space<semaphore_mem>>) src(%arg10 : memref<32x64xf32, #tpu.memory_space<vmem>>) dst(%dma_wait3A_230 : memref<32x64xf32, #tpu.memory_space<vmem_shared>>)
      tpu.yield
    }) : () -> ()
    %add3A_13 = arith.constant 32 : i32
    %add3A_14 = arith.addi %mul3A_0, %add3A_13 : i32
    "tpu.region"() ({
      %run_scoped3A = tpu.sem_alloc : memref<!tpu.dma_semaphore, #tpu.memory_space<semaphore_mem>>
      %dma_start3A_223 = arith.constant 0 : i32
      %dma_start3A_224 = tpu.memref_slice %arg6[%add3A_14, %dma_start3A_223] : memref<10240x64xf32, #tpu.memory_space<vmem_shared>> -> memref<32x64xf32, #tpu.memory_space<vmem_shared>>
      %dma_start3A_225 = arith.constant 0 : i32
      %dma_start3A_226 = tpu.memref_slice %arg6[%add3A_14, %dma_start3A_225] : memref<10240x64xf32, #tpu.memory_space<vmem_shared>> -> memref<32x64xf32, #tpu.memory_space<vmem_shared>>
      tpu.enqueue_dma source(%arg10 : memref<32x64xf32, #tpu.memory_space<vmem>>) target(%dma_start3A_226 : memref<32x64xf32, #tpu.memory_space<vmem_shared>>) target_semaphore(%run_scoped3A : memref<!tpu.dma_semaphore, #tpu.memory_space<semaphore_mem>>)
      %dma_wait3A_227 = arith.constant 0 : i32
      %dma_wait3A_228 = tpu.memref_slice %arg6[%add3A_14, %dma_wait3A_227] : memref<10240x64xf32, #tpu.memory_space<vmem_shared>> -> memref<32x64xf32, #tpu.memory_space<vmem_shared>>
      %dma_wait3A_229 = arith.constant 0 : i32
      %dma_wait3A_230 = tpu.memref_slice %arg6[%add3A_14, %dma_wait3A_229] : memref<10240x64xf32, #tpu.memory_space<vmem_shared>> -> memref<32x64xf32, #tpu.memory_space<vmem_shared>>
      tpu.wait_dma2 semaphore(%run_scoped3A : memref<!tpu.dma_semaphore, #tpu.memory_space<semaphore_mem>>) src(%arg10 : memref<32x64xf32, #tpu.memory_space<vmem>>) dst(%dma_wait3A_230 : memref<32x64xf32, #tpu.memory_space<vmem_shared>>)
      tpu.yield
    }) : () -> ()
    %add3A_15 = arith.constant 64 : i32
    %add3A_16 = arith.addi %mul3A_0, %add3A_15 : i32
    "tpu.region"() ({
      %run_scoped3A = tpu.sem_alloc : memref<!tpu.dma_semaphore, #tpu.memory_space<semaphore_mem>>
      %dma_start3A_223 = arith.constant 0 : i32
      %dma_start3A_224 = tpu.memref_slice %arg6[%add3A_16, %dma_start3A_223] : memref<10240x64xf32, #tpu.memory_space<vmem_shared>> -> memref<32x64xf32, #tpu.memory_space<vmem_shared>>
      %dma_start3A_225 = arith.constant 0 : i32
      %dma_start3A_226 = tpu.memref_slice %arg6[%add3A_16, %dma_start3A_225] : memref<10240x64xf32, #tpu.memory_space<vmem_shared>> -> memref<32x64xf32, #tpu.memory_space<vmem_shared>>
      tpu.enqueue_dma source(%arg10 : memref<32x64xf32, #tpu.memory_space<vmem>>) target(%dma_start3A_226 : memref<32x64xf32, #tpu.memory_space<vmem_shared>>) target_semaphore(%run_scoped3A : memref<!tpu.dma_semaphore, #tpu.memory_space<semaphore_mem>>)
      %dma_wait3A_227 = arith.constant 0 : i32
      %dma_wait3A_228 = tpu.memref_slice %arg6[%add3A_16, %dma_wait3A_227] : memref<10240x64xf32, #tpu.memory_space<vmem_shared>> -> memref<32x64xf32, #tpu.memory_space<vmem_shared>>
      %dma_wait3A_229 = arith.constant 0 : i32
      %dma_wait3A_230 = tpu.memref_slice %arg6[%add3A_16, %dma_wait3A_229] : memref<10240x64xf32, #tpu.memory_space<vmem_shared>> -> memref<32x64xf32, #tpu.memory_space<vmem_shared>>
      tpu.wait_dma2 semaphore(%run_scoped3A : memref<!tpu.dma_semaphore, #tpu.memory_space<semaphore_mem>>) src(%arg10 : memref<32x64xf32, #tpu.memory_space<vmem>>) dst(%dma_wait3A_230 : memref<32x64xf32, #tpu.memory_space<vmem_shared>>)
      tpu.yield
    }) : () -> ()
    %add3A_17 = arith.constant 96 : i32
    %add3A_18 = arith.addi %mul3A_0, %add3A_17 : i32
    "tpu.region"() ({
      %run_scoped3A = tpu.sem_alloc : memref<!tpu.dma_semaphore, #tpu.memory_space<semaphore_mem>>
      %dma_start3A_223 = arith.constant 0 : i32
      %dma_start3A_224 = tpu.memref_slice %arg6[%add3A_18, %dma_start3A_223] : memref<10240x64xf32, #tpu.memory_space<vmem_shared>> -> memref<32x64xf32, #tpu.memory_space<vmem_shared>>
      %dma_start3A_225 = arith.constant 0 : i32
      %dma_start3A_226 = tpu.memref_slice %arg6[%add3A_18, %dma_start3A_225] : memref<10240x64xf32, #tpu.memory_space<vmem_shared>> -> memref<32x64xf32, #tpu.memory_space<vmem_shared>>
      tpu.enqueue_dma source(%arg10 : memref<32x64xf32, #tpu.memory_space<vmem>>) target(%dma_start3A_226 : memref<32x64xf32, #tpu.memory_space<vmem_shared>>) target_semaphore(%run_scoped3A : memref<!tpu.dma_semaphore, #tpu.memory_space<semaphore_mem>>)
      %dma_wait3A_227 = arith.constant 0 : i32
      %dma_wait3A_228 = tpu.memref_slice %arg6[%add3A_18, %dma_wait3A_227] : memref<10240x64xf32, #tpu.memory_space<vmem_shared>> -> memref<32x64xf32, #tpu.memory_space<vmem_shared>>
      %dma_wait3A_229 = arith.constant 0 : i32
      %dma_wait3A_230 = tpu.memref_slice %arg6[%add3A_18, %dma_wait3A_229] : memref<10240x64xf32, #tpu.memory_space<vmem_shared>> -> memref<32x64xf32, #tpu.memory_space<vmem_shared>>
      tpu.wait_dma2 semaphore(%run_scoped3A : memref<!tpu.dma_semaphore, #tpu.memory_space<semaphore_mem>>) src(%arg10 : memref<32x64xf32, #tpu.memory_space<vmem>>) dst(%dma_wait3A_230 : memref<32x64xf32, #tpu.memory_space<vmem_shared>>)
      tpu.yield
    }) : () -> ()
    %add3A_19 = arith.constant 128 : i32
    %add3A_20 = arith.addi %mul3A_0, %add3A_19 : i32
    "tpu.region"() ({
      %run_scoped3A = tpu.sem_alloc : memref<!tpu.dma_semaphore, #tpu.memory_space<semaphore_mem>>
      %dma_start3A_223 = arith.constant 0 : i32
      %dma_start3A_224 = tpu.memref_slice %arg6[%add3A_20, %dma_start3A_223] : memref<10240x64xf32, #tpu.memory_space<vmem_shared>> -> memref<32x64xf32, #tpu.memory_space<vmem_shared>>
      %dma_start3A_225 = arith.constant 0 : i32
      %dma_start3A_226 = tpu.memref_slice %arg6[%add3A_20, %dma_start3A_225] : memref<10240x64xf32, #tpu.memory_space<vmem_shared>> -> memref<32x64xf32, #tpu.memory_space<vmem_shared>>
      tpu.enqueue_dma source(%arg10 : memref<32x64xf32, #tpu.memory_space<vmem>>) target(%dma_start3A_226 : memref<32x64xf32, #tpu.memory_space<vmem_shared>>) target_semaphore(%run_scoped3A : memref<!tpu.dma_semaphore, #tpu.memory_space<semaphore_mem>>)
      %dma_wait3A_227 = arith.constant 0 : i32
      %dma_wait3A_228 = tpu.memref_slice %arg6[%add3A_20, %dma_wait3A_227] : memref<10240x64xf32, #tpu.memory_space<vmem_shared>> -> memref<32x64xf32, #tpu.memory_space<vmem_shared>>
      %dma_wait3A_229 = arith.constant 0 : i32
      %dma_wait3A_230 = tpu.memref_slice %arg6[%add3A_20, %dma_wait3A_229] : memref<10240x64xf32, #tpu.memory_space<vmem_shared>> -> memref<32x64xf32, #tpu.memory_space<vmem_shared>>
      tpu.wait_dma2 semaphore(%run_scoped3A : memref<!tpu.dma_semaphore, #tpu.memory_space<semaphore_mem>>) src(%arg10 : memref<32x64xf32, #tpu.memory_space<vmem>>) dst(%dma_wait3A_230 : memref<32x64xf32, #tpu.memory_space<vmem_shared>>)
      tpu.yield
    }) : () -> ()
    %add3A_21 = arith.constant 160 : i32
    %add3A_22 = arith.addi %mul3A_0, %add3A_21 : i32
    "tpu.region"() ({
      %run_scoped3A = tpu.sem_alloc : memref<!tpu.dma_semaphore, #tpu.memory_space<semaphore_mem>>
      %dma_start3A_223 = arith.constant 0 : i32
      %dma_start3A_224 = tpu.memref_slice %arg6[%add3A_22, %dma_start3A_223] : memref<10240x64xf32, #tpu.memory_space<vmem_shared>> -> memref<32x64xf32, #tpu.memory_space<vmem_shared>>
      %dma_start3A_225 = arith.constant 0 : i32
      %dma_start3A_226 = tpu.memref_slice %arg6[%add3A_22, %dma_start3A_225] : memref<10240x64xf32, #tpu.memory_space<vmem_shared>> -> memref<32x64xf32, #tpu.memory_space<vmem_shared>>
      tpu.enqueue_dma source(%arg10 : memref<32x64xf32, #tpu.memory_space<vmem>>) target(%dma_start3A_226 : memref<32x64xf32, #tpu.memory_space<vmem_shared>>) target_semaphore(%run_scoped3A : memref<!tpu.dma_semaphore, #tpu.memory_space<semaphore_mem>>)
      %dma_wait3A_227 = arith.constant 0 : i32
      %dma_wait3A_228 = tpu.memref_slice %arg6[%add3A_22, %dma_wait3A_227] : memref<10240x64xf32, #tpu.memory_space<vmem_shared>> -> memref<32x64xf32, #tpu.memory_space<vmem_shared>>
      %dma_wait3A_229 = arith.constant 0 : i32
      %dma_wait3A_230 = tpu.memref_slice %arg6[%add3A_22, %dma_wait3A_229] : memref<10240x64xf32, #tpu.memory_space<vmem_shared>> -> memref<32x64xf32, #tpu.memory_space<vmem_shared>>
      tpu.wait_dma2 semaphore(%run_scoped3A : memref<!tpu.dma_semaphore, #tpu.memory_space<semaphore_mem>>) src(%arg10 : memref<32x64xf32, #tpu.memory_space<vmem>>) dst(%dma_wait3A_230 : memref<32x64xf32, #tpu.memory_space<vmem_shared>>)
      tpu.yield
    }) : () -> ()
    %add3A_23 = arith.constant 192 : i32
    %add3A_24 = arith.addi %mul3A_0, %add3A_23 : i32
    "tpu.region"() ({
      %run_scoped3A = tpu.sem_alloc : memref<!tpu.dma_semaphore, #tpu.memory_space<semaphore_mem>>
      %dma_start3A_223 = arith.constant 0 : i32
      %dma_start3A_224 = tpu.memref_slice %arg6[%add3A_24, %dma_start3A_223] : memref<10240x64xf32, #tpu.memory_space<vmem_shared>> -> memref<32x64xf32, #tpu.memory_space<vmem_shared>>
      %dma_start3A_225 = arith.constant 0 : i32
      %dma_start3A_226 = tpu.memref_slice %arg6[%add3A_24, %dma_start3A_225] : memref<10240x64xf32, #tpu.memory_space<vmem_shared>> -> memref<32x64xf32, #tpu.memory_space<vmem_shared>>
      tpu.enqueue_dma source(%arg10 : memref<32x64xf32, #tpu.memory_space<vmem>>) target(%dma_start3A_226 : memref<32x64xf32, #tpu.memory_space<vmem_shared>>) target_semaphore(%run_scoped3A : memref<!tpu.dma_semaphore, #tpu.memory_space<semaphore_mem>>)
      %dma_wait3A_227 = arith.constant 0 : i32
      %dma_wait3A_228 = tpu.memref_slice %arg6[%add3A_24, %dma_wait3A_227] : memref<10240x64xf32, #tpu.memory_space<vmem_shared>> -> memref<32x64xf32, #tpu.memory_space<vmem_shared>>
      %dma_wait3A_229 = arith.constant 0 : i32
      %dma_wait3A_230 = tpu.memref_slice %arg6[%add3A_24, %dma_wait3A_229] : memref<10240x64xf32, #tpu.memory_space<vmem_shared>> -> memref<32x64xf32, #tpu.memory_space<vmem_shared>>
      tpu.wait_dma2 semaphore(%run_scoped3A : memref<!tpu.dma_semaphore, #tpu.memory_space<semaphore_mem>>) src(%arg10 : memref<32x64xf32, #tpu.memory_space<vmem>>) dst(%dma_wait3A_230 : memref<32x64xf32, #tpu.memory_space<vmem_shared>>)
      tpu.yield
    }) : () -> ()
    %add3A_25 = arith.constant 224 : i32
    %add3A_26 = arith.addi %mul3A_0, %add3A_25 : i32
    "tpu.region"() ({
      %run_scoped3A = tpu.sem_alloc : memref<!tpu.dma_semaphore, #tpu.memory_space<semaphore_mem>>
      %dma_start3A_223 = arith.constant 0 : i32
      %dma_start3A_224 = tpu.memref_slice %arg6[%add3A_26, %dma_start3A_223] : memref<10240x64xf32, #tpu.memory_space<vmem_shared>> -> memref<32x64xf32, #tpu.memory_space<vmem_shared>>
      %dma_start3A_225 = arith.constant 0 : i32
      %dma_start3A_226 = tpu.memref_slice %arg6[%add3A_26, %dma_start3A_225] : memref<10240x64xf32, #tpu.memory_space<vmem_shared>> -> memref<32x64xf32, #tpu.memory_space<vmem_shared>>
      tpu.enqueue_dma source(%arg10 : memref<32x64xf32, #tpu.memory_space<vmem>>) target(%dma_start3A_226 : memref<32x64xf32, #tpu.memory_space<vmem_shared>>) target_semaphore(%run_scoped3A : memref<!tpu.dma_semaphore, #tpu.memory_space<semaphore_mem>>)
      %dma_wait3A_227 = arith.constant 0 : i32
      %dma_wait3A_228 = tpu.memref_slice %arg6[%add3A_26, %dma_wait3A_227] : memref<10240x64xf32, #tpu.memory_space<vmem_shared>> -> memref<32x64xf32, #tpu.memory_space<vmem_shared>>
      %dma_wait3A_229 = arith.constant 0 : i32
      %dma_wait3A_230 = tpu.memref_slice %arg6[%add3A_26, %dma_wait3A_229] : memref<10240x64xf32, #tpu.memory_space<vmem_shared>> -> memref<32x64xf32, #tpu.memory_space<vmem_shared>>
      tpu.wait_dma2 semaphore(%run_scoped3A : memref<!tpu.dma_semaphore, #tpu.memory_space<semaphore_mem>>) src(%arg10 : memref<32x64xf32, #tpu.memory_space<vmem>>) dst(%dma_wait3A_230 : memref<32x64xf32, #tpu.memory_space<vmem_shared>>)
      tpu.yield
    }) : () -> ()
    %add3A_27 = arith.constant 256 : i32
    %add3A_28 = arith.addi %mul3A_0, %add3A_27 : i32
    "tpu.region"() ({
      %run_scoped3A = tpu.sem_alloc : memref<!tpu.dma_semaphore, #tpu.memory_space<semaphore_mem>>
      %dma_start3A_223 = arith.constant 0 : i32
      %dma_start3A_224 = tpu.memref_slice %arg6[%add3A_28, %dma_start3A_223] : memref<10240x64xf32, #tpu.memory_space<vmem_shared>> -> memref<32x64xf32, #tpu.memory_space<vmem_shared>>
      %dma_start3A_225 = arith.constant 0 : i32
      %dma_start3A_226 = tpu.memref_slice %arg6[%add3A_28, %dma_start3A_225] : memref<10240x64xf32, #tpu.memory_space<vmem_shared>> -> memref<32x64xf32, #tpu.memory_space<vmem_shared>>
      tpu.enqueue_dma source(%arg10 : memref<32x64xf32, #tpu.memory_space<vmem>>) target(%dma_start3A_226 : memref<32x64xf32, #tpu.memory_space<vmem_shared>>) target_semaphore(%run_scoped3A : memref<!tpu.dma_semaphore, #tpu.memory_space<semaphore_mem>>)
      %dma_wait3A_227 = arith.constant 0 : i32
      %dma_wait3A_228 = tpu.memref_slice %arg6[%add3A_28, %dma_wait3A_227] : memref<10240x64xf32, #tpu.memory_space<vmem_shared>> -> memref<32x64xf32, #tpu.memory_space<vmem_shared>>
      %dma_wait3A_229 = arith.constant 0 : i32
      %dma_wait3A_230 = tpu.memref_slice %arg6[%add3A_28, %dma_wait3A_229] : memref<10240x64xf32, #tpu.memory_space<vmem_shared>> -> memref<32x64xf32, #tpu.memory_space<vmem_shared>>
      tpu.wait_dma2 semaphore(%run_scoped3A : memref<!tpu.dma_semaphore, #tpu.memory_space<semaphore_mem>>) src(%arg10 : memref<32x64xf32, #tpu.memory_space<vmem>>) dst(%dma_wait3A_230 : memref<32x64xf32, #tpu.memory_space<vmem_shared>>)
      tpu.yield
    }) : () -> ()
    %add3A_29 = arith.constant 288 : i32
    %add3A_30 = arith.addi %mul3A_0, %add3A_29 : i32
    "tpu.region"() ({
      %run_scoped3A = tpu.sem_alloc : memref<!tpu.dma_semaphore, #tpu.memory_space<semaphore_mem>>
      %dma_start3A_223 = arith.constant 0 : i32
      %dma_start3A_224 = tpu.memref_slice %arg6[%add3A_30, %dma_start3A_223] : memref<10240x64xf32, #tpu.memory_space<vmem_shared>> -> memref<32x64xf32, #tpu.memory_space<vmem_shared>>
      %dma_start3A_225 = arith.constant 0 : i32
      %dma_start3A_226 = tpu.memref_slice %arg6[%add3A_30, %dma_start3A_225] : memref<10240x64xf32, #tpu.memory_space<vmem_shared>> -> memref<32x64xf32, #tpu.memory_space<vmem_shared>>
      tpu.enqueue_dma source(%arg10 : memref<32x64xf32, #tpu.memory_space<vmem>>) target(%dma_start3A_226 : memref<32x64xf32, #tpu.memory_space<vmem_shared>>) target_semaphore(%run_scoped3A : memref<!tpu.dma_semaphore, #tpu.memory_space<semaphore_mem>>)
      %dma_wait3A_227 = arith.constant 0 : i32
      %dma_wait3A_228 = tpu.memref_slice %arg6[%add3A_30, %dma_wait3A_227] : memref<10240x64xf32, #tpu.memory_space<vmem_shared>> -> memref<32x64xf32, #tpu.memory_space<vmem_shared>>
      %dma_wait3A_229 = arith.constant 0 : i32
      %dma_wait3A_230 = tpu.memref_slice %arg6[%add3A_30, %dma_wait3A_229] : memref<10240x64xf32, #tpu.memory_space<vmem_shared>> -> memref<32x64xf32, #tpu.memory_space<vmem_shared>>
      tpu.wait_dma2 semaphore(%run_scoped3A : memref<!tpu.dma_semaphore, #tpu.memory_space<semaphore_mem>>) src(%arg10 : memref<32x64xf32, #tpu.memory_space<vmem>>) dst(%dma_wait3A_230 : memref<32x64xf32, #tpu.memory_space<vmem_shared>>)
      tpu.yield
    }) : () -> ()
    %add3A_31 = arith.constant 320 : i32
    %add3A_32 = arith.addi %mul3A_0, %add3A_31 : i32
    "tpu.region"() ({
      %run_scoped3A = tpu.sem_alloc : memref<!tpu.dma_semaphore, #tpu.memory_space<semaphore_mem>>
      %dma_start3A_223 = arith.constant 0 : i32
      %dma_start3A_224 = tpu.memref_slice %arg6[%add3A_32, %dma_start3A_223] : memref<10240x64xf32, #tpu.memory_space<vmem_shared>> -> memref<32x64xf32, #tpu.memory_space<vmem_shared>>
      %dma_start3A_225 = arith.constant 0 : i32
      %dma_start3A_226 = tpu.memref_slice %arg6[%add3A_32, %dma_start3A_225] : memref<10240x64xf32, #tpu.memory_space<vmem_shared>> -> memref<32x64xf32, #tpu.memory_space<vmem_shared>>
      tpu.enqueue_dma source(%arg10 : memref<32x64xf32, #tpu.memory_space<vmem>>) target(%dma_start3A_226 : memref<32x64xf32, #tpu.memory_space<vmem_shared>>) target_semaphore(%run_scoped3A : memref<!tpu.dma_semaphore, #tpu.memory_space<semaphore_mem>>)
      %dma_wait3A_227 = arith.constant 0 : i32
      %dma_wait3A_228 = tpu.memref_slice %arg6[%add3A_32, %dma_wait3A_227] : memref<10240x64xf32, #tpu.memory_space<vmem_shared>> -> memref<32x64xf32, #tpu.memory_space<vmem_shared>>
      %dma_wait3A_229 = arith.constant 0 : i32
      %dma_wait3A_230 = tpu.memref_slice %arg6[%add3A_32, %dma_wait3A_229] : memref<10240x64xf32, #tpu.memory_space<vmem_shared>> -> memref<32x64xf32, #tpu.memory_space<vmem_shared>>
      tpu.wait_dma2 semaphore(%run_scoped3A : memref<!tpu.dma_semaphore, #tpu.memory_space<semaphore_mem>>) src(%arg10 : memref<32x64xf32, #tpu.memory_space<vmem>>) dst(%dma_wait3A_230 : memref<32x64xf32, #tpu.memory_space<vmem_shared>>)
      tpu.yield
    }) : () -> ()
    %add3A_33 = arith.constant 352 : i32
    %add3A_34 = arith.addi %mul3A_0, %add3A_33 : i32
    "tpu.region"() ({
      %run_scoped3A = tpu.sem_alloc : memref<!tpu.dma_semaphore, #tpu.memory_space<semaphore_mem>>
      %dma_start3A_223 = arith.constant 0 : i32
      %dma_start3A_224 = tpu.memref_slice %arg6[%add3A_34, %dma_start3A_223] : memref<10240x64xf32, #tpu.memory_space<vmem_shared>> -> memref<32x64xf32, #tpu.memory_space<vmem_shared>>
      %dma_start3A_225 = arith.constant 0 : i32
      %dma_start3A_226 = tpu.memref_slice %arg6[%add3A_34, %dma_start3A_225] : memref<10240x64xf32, #tpu.memory_space<vmem_shared>> -> memref<32x64xf32, #tpu.memory_space<vmem_shared>>
      tpu.enqueue_dma source(%arg10 : memref<32x64xf32, #tpu.memory_space<vmem>>) target(%dma_start3A_226 : memref<32x64xf32, #tpu.memory_space<vmem_shared>>) target_semaphore(%run_scoped3A : memref<!tpu.dma_semaphore, #tpu.memory_space<semaphore_mem>>)
      %dma_wait3A_227 = arith.constant 0 : i32
      %dma_wait3A_228 = tpu.memref_slice %arg6[%add3A_34, %dma_wait3A_227] : memref<10240x64xf32, #tpu.memory_space<vmem_shared>> -> memref<32x64xf32, #tpu.memory_space<vmem_shared>>
      %dma_wait3A_229 = arith.constant 0 : i32
      %dma_wait3A_230 = tpu.memref_slice %arg6[%add3A_34, %dma_wait3A_229] : memref<10240x64xf32, #tpu.memory_space<vmem_shared>> -> memref<32x64xf32, #tpu.memory_space<vmem_shared>>
      tpu.wait_dma2 semaphore(%run_scoped3A : memref<!tpu.dma_semaphore, #tpu.memory_space<semaphore_mem>>) src(%arg10 : memref<32x64xf32, #tpu.memory_space<vmem>>) dst(%dma_wait3A_230 : memref<32x64xf32, #tpu.memory_space<vmem_shared>>)
      tpu.yield
    }) : () -> ()
    %add3A_35 = arith.constant 384 : i32
    %add3A_36 = arith.addi %mul3A_0, %add3A_35 : i32
    "tpu.region"() ({
      %run_scoped3A = tpu.sem_alloc : memref<!tpu.dma_semaphore, #tpu.memory_space<semaphore_mem>>
      %dma_start3A_223 = arith.constant 0 : i32
      %dma_start3A_224 = tpu.memref_slice %arg6[%add3A_36, %dma_start3A_223] : memref<10240x64xf32, #tpu.memory_space<vmem_shared>> -> memref<32x64xf32, #tpu.memory_space<vmem_shared>>
      %dma_start3A_225 = arith.constant 0 : i32
      %dma_start3A_226 = tpu.memref_slice %arg6[%add3A_36, %dma_start3A_225] : memref<10240x64xf32, #tpu.memory_space<vmem_shared>> -> memref<32x64xf32, #tpu.memory_space<vmem_shared>>
      tpu.enqueue_dma source(%arg10 : memref<32x64xf32, #tpu.memory_space<vmem>>) target(%dma_start3A_226 : memref<32x64xf32, #tpu.memory_space<vmem_shared>>) target_semaphore(%run_scoped3A : memref<!tpu.dma_semaphore, #tpu.memory_space<semaphore_mem>>)
      %dma_wait3A_227 = arith.constant 0 : i32
      %dma_wait3A_228 = tpu.memref_slice %arg6[%add3A_36, %dma_wait3A_227] : memref<10240x64xf32, #tpu.memory_space<vmem_shared>> -> memref<32x64xf32, #tpu.memory_space<vmem_shared>>
      %dma_wait3A_229 = arith.constant 0 : i32
      %dma_wait3A_230 = tpu.memref_slice %arg6[%add3A_36, %dma_wait3A_229] : memref<10240x64xf32, #tpu.memory_space<vmem_shared>> -> memref<32x64xf32, #tpu.memory_space<vmem_shared>>
      tpu.wait_dma2 semaphore(%run_scoped3A : memref<!tpu.dma_semaphore, #tpu.memory_space<semaphore_mem>>) src(%arg10 : memref<32x64xf32, #tpu.memory_space<vmem>>) dst(%dma_wait3A_230 : memref<32x64xf32, #tpu.memory_space<vmem_shared>>)
      tpu.yield
    }) : () -> ()
    %add3A_37 = arith.constant 416 : i32
    %add3A_38 = arith.addi %mul3A_0, %add3A_37 : i32
    "tpu.region"() ({
      %run_scoped3A = tpu.sem_alloc : memref<!tpu.dma_semaphore, #tpu.memory_space<semaphore_mem>>
      %dma_start3A_223 = arith.constant 0 : i32
      %dma_start3A_224 = tpu.memref_slice %arg6[%add3A_38, %dma_start3A_223] : memref<10240x64xf32, #tpu.memory_space<vmem_shared>> -> memref<32x64xf32, #tpu.memory_space<vmem_shared>>
      %dma_start3A_225 = arith.constant 0 : i32
      %dma_start3A_226 = tpu.memref_slice %arg6[%add3A_38, %dma_start3A_225] : memref<10240x64xf32, #tpu.memory_space<vmem_shared>> -> memref<32x64xf32, #tpu.memory_space<vmem_shared>>
      tpu.enqueue_dma source(%arg10 : memref<32x64xf32, #tpu.memory_space<vmem>>) target(%dma_start3A_226 : memref<32x64xf32, #tpu.memory_space<vmem_shared>>) target_semaphore(%run_scoped3A : memref<!tpu.dma_semaphore, #tpu.memory_space<semaphore_mem>>)
      %dma_wait3A_227 = arith.constant 0 : i32
      %dma_wait3A_228 = tpu.memref_slice %arg6[%add3A_38, %dma_wait3A_227] : memref<10240x64xf32, #tpu.memory_space<vmem_shared>> -> memref<32x64xf32, #tpu.memory_space<vmem_shared>>
      %dma_wait3A_229 = arith.constant 0 : i32
      %dma_wait3A_230 = tpu.memref_slice %arg6[%add3A_38, %dma_wait3A_229] : memref<10240x64xf32, #tpu.memory_space<vmem_shared>> -> memref<32x64xf32, #tpu.memory_space<vmem_shared>>
      tpu.wait_dma2 semaphore(%run_scoped3A : memref<!tpu.dma_semaphore, #tpu.memory_space<semaphore_mem>>) src(%arg10 : memref<32x64xf32, #tpu.memory_space<vmem>>) dst(%dma_wait3A_230 : memref<32x64xf32, #tpu.memory_space<vmem_shared>>)
      tpu.yield
    }) : () -> ()
    %add3A_39 = arith.constant 448 : i32
    %add3A_40 = arith.addi %mul3A_0, %add3A_39 : i32
    "tpu.region"() ({
      %run_scoped3A = tpu.sem_alloc : memref<!tpu.dma_semaphore, #tpu.memory_space<semaphore_mem>>
      %dma_start3A_223 = arith.constant 0 : i32
      %dma_start3A_224 = tpu.memref_slice %arg6[%add3A_40, %dma_start3A_223] : memref<10240x64xf32, #tpu.memory_space<vmem_shared>> -> memref<32x64xf32, #tpu.memory_space<vmem_shared>>
      %dma_start3A_225 = arith.constant 0 : i32
      %dma_start3A_226 = tpu.memref_slice %arg6[%add3A_40, %dma_start3A_225] : memref<10240x64xf32, #tpu.memory_space<vmem_shared>> -> memref<32x64xf32, #tpu.memory_space<vmem_shared>>
      tpu.enqueue_dma source(%arg10 : memref<32x64xf32, #tpu.memory_space<vmem>>) target(%dma_start3A_226 : memref<32x64xf32, #tpu.memory_space<vmem_shared>>) target_semaphore(%run_scoped3A : memref<!tpu.dma_semaphore, #tpu.memory_space<semaphore_mem>>)
      %dma_wait3A_227 = arith.constant 0 : i32
      %dma_wait3A_228 = tpu.memref_slice %arg6[%add3A_40, %dma_wait3A_227] : memref<10240x64xf32, #tpu.memory_space<vmem_shared>> -> memref<32x64xf32, #tpu.memory_space<vmem_shared>>
      %dma_wait3A_229 = arith.constant 0 : i32
      %dma_wait3A_230 = tpu.memref_slice %arg6[%add3A_40, %dma_wait3A_229] : memref<10240x64xf32, #tpu.memory_space<vmem_shared>> -> memref<32x64xf32, #tpu.memory_space<vmem_shared>>
      tpu.wait_dma2 semaphore(%run_scoped3A : memref<!tpu.dma_semaphore, #tpu.memory_space<semaphore_mem>>) src(%arg10 : memref<32x64xf32, #tpu.memory_space<vmem>>) dst(%dma_wait3A_230 : memref<32x64xf32, #tpu.memory_space<vmem_shared>>)
      tpu.yield
    }) : () -> ()
    %add3A_41 = arith.constant 480 : i32
    %add3A_42 = arith.addi %mul3A_0, %add3A_41 : i32
    "tpu.region"() ({
      %run_scoped3A = tpu.sem_alloc : memref<!tpu.dma_semaphore, #tpu.memory_space<semaphore_mem>>
      %dma_start3A_223 = arith.constant 0 : i32
      %dma_start3A_224 = tpu.memref_slice %arg6[%add3A_42, %dma_start3A_223] : memref<10240x64xf32, #tpu.memory_space<vmem_shared>> -> memref<32x64xf32, #tpu.memory_space<vmem_shared>>
      %dma_start3A_225 = arith.constant 0 : i32
      %dma_start3A_226 = tpu.memref_slice %arg6[%add3A_42, %dma_start3A_225] : memref<10240x64xf32, #tpu.memory_space<vmem_shared>> -> memref<32x64xf32, #tpu.memory_space<vmem_shared>>
      tpu.enqueue_dma source(%arg10 : memref<32x64xf32, #tpu.memory_space<vmem>>) target(%dma_start3A_226 : memref<32x64xf32, #tpu.memory_space<vmem_shared>>) target_semaphore(%run_scoped3A : memref<!tpu.dma_semaphore, #tpu.memory_space<semaphore_mem>>)
      %dma_wait3A_227 = arith.constant 0 : i32
      %dma_wait3A_228 = tpu.memref_slice %arg6[%add3A_42, %dma_wait3A_227] : memref<10240x64xf32, #tpu.memory_space<vmem_shared>> -> memref<32x64xf32, #tpu.memory_space<vmem_shared>>
      %dma_wait3A_229 = arith.constant 0 : i32
      %dma_wait3A_230 = tpu.memref_slice %arg6[%add3A_42, %dma_wait3A_229] : memref<10240x64xf32, #tpu.memory_space<vmem_shared>> -> memref<32x64xf32, #tpu.memory_space<vmem_shared>>
      tpu.wait_dma2 semaphore(%run_scoped3A : memref<!tpu.dma_semaphore, #tpu.memory_space<semaphore_mem>>) src(%arg10 : memref<32x64xf32, #tpu.memory_space<vmem>>) dst(%dma_wait3A_230 : memref<32x64xf32, #tpu.memory_space<vmem_shared>>)
      tpu.yield
    }) : () -> ()
    %add3A_43 = arith.constant 512 : i32
    %add3A_44 = arith.addi %mul3A_0, %add3A_43 : i32
    "tpu.region"() ({
      %run_scoped3A = tpu.sem_alloc : memref<!tpu.dma_semaphore, #tpu.memory_space<semaphore_mem>>
      %dma_start3A_223 = arith.constant 0 : i32
      %dma_start3A_224 = tpu.memref_slice %arg6[%add3A_44, %dma_start3A_223] : memref<10240x64xf32, #tpu.memory_space<vmem_shared>> -> memref<32x64xf32, #tpu.memory_space<vmem_shared>>
      %dma_start3A_225 = arith.constant 0 : i32
      %dma_start3A_226 = tpu.memref_slice %arg6[%add3A_44, %dma_start3A_225] : memref<10240x64xf32, #tpu.memory_space<vmem_shared>> -> memref<32x64xf32, #tpu.memory_space<vmem_shared>>
      tpu.enqueue_dma source(%arg10 : memref<32x64xf32, #tpu.memory_space<vmem>>) target(%dma_start3A_226 : memref<32x64xf32, #tpu.memory_space<vmem_shared>>) target_semaphore(%run_scoped3A : memref<!tpu.dma_semaphore, #tpu.memory_space<semaphore_mem>>)
      %dma_wait3A_227 = arith.constant 0 : i32
      %dma_wait3A_228 = tpu.memref_slice %arg6[%add3A_44, %dma_wait3A_227] : memref<10240x64xf32, #tpu.memory_space<vmem_shared>> -> memref<32x64xf32, #tpu.memory_space<vmem_shared>>
      %dma_wait3A_229 = arith.constant 0 : i32
      %dma_wait3A_230 = tpu.memref_slice %arg6[%add3A_44, %dma_wait3A_229] : memref<10240x64xf32, #tpu.memory_space<vmem_shared>> -> memref<32x64xf32, #tpu.memory_space<vmem_shared>>
      tpu.wait_dma2 semaphore(%run_scoped3A : memref<!tpu.dma_semaphore, #tpu.memory_space<semaphore_mem>>) src(%arg10 : memref<32x64xf32, #tpu.memory_space<vmem>>) dst(%dma_wait3A_230 : memref<32x64xf32, #tpu.memory_space<vmem_shared>>)
      tpu.yield
    }) : () -> ()
    %add3A_45 = arith.constant 544 : i32
    %add3A_46 = arith.addi %mul3A_0, %add3A_45 : i32
    "tpu.region"() ({
      %run_scoped3A = tpu.sem_alloc : memref<!tpu.dma_semaphore, #tpu.memory_space<semaphore_mem>>
      %dma_start3A_223 = arith.constant 0 : i32
      %dma_start3A_224 = tpu.memref_slice %arg6[%add3A_46, %dma_start3A_223] : memref<10240x64xf32, #tpu.memory_space<vmem_shared>> -> memref<32x64xf32, #tpu.memory_space<vmem_shared>>
      %dma_start3A_225 = arith.constant 0 : i32
      %dma_start3A_226 = tpu.memref_slice %arg6[%add3A_46, %dma_start3A_225] : memref<10240x64xf32, #tpu.memory_space<vmem_shared>> -> memref<32x64xf32, #tpu.memory_space<vmem_shared>>
      tpu.enqueue_dma source(%arg10 : memref<32x64xf32, #tpu.memory_space<vmem>>) target(%dma_start3A_226 : memref<32x64xf32, #tpu.memory_space<vmem_shared>>) target_semaphore(%run_scoped3A : memref<!tpu.dma_semaphore, #tpu.memory_space<semaphore_mem>>)
      %dma_wait3A_227 = arith.constant 0 : i32
      %dma_wait3A_228 = tpu.memref_slice %arg6[%add3A_46, %dma_wait3A_227] : memref<10240x64xf32, #tpu.memory_space<vmem_shared>> -> memref<32x64xf32, #tpu.memory_space<vmem_shared>>
      %dma_wait3A_229 = arith.constant 0 : i32
      %dma_wait3A_230 = tpu.memref_slice %arg6[%add3A_46, %dma_wait3A_229] : memref<10240x64xf32, #tpu.memory_space<vmem_shared>> -> memref<32x64xf32, #tpu.memory_space<vmem_shared>>
      tpu.wait_dma2 semaphore(%run_scoped3A : memref<!tpu.dma_semaphore, #tpu.memory_space<semaphore_mem>>) src(%arg10 : memref<32x64xf32, #tpu.memory_space<vmem>>) dst(%dma_wait3A_230 : memref<32x64xf32, #tpu.memory_space<vmem_shared>>)
      tpu.yield
    }) : () -> ()
    %add3A_47 = arith.constant 576 : i32
    %add3A_48 = arith.addi %mul3A_0, %add3A_47 : i32
    "tpu.region"() ({
      %run_scoped3A = tpu.sem_alloc : memref<!tpu.dma_semaphore, #tpu.memory_space<semaphore_mem>>
      %dma_start3A_223 = arith.constant 0 : i32
      %dma_start3A_224 = tpu.memref_slice %arg6[%add3A_48, %dma_start3A_223] : memref<10240x64xf32, #tpu.memory_space<vmem_shared>> -> memref<32x64xf32, #tpu.memory_space<vmem_shared>>
      %dma_start3A_225 = arith.constant 0 : i32
      %dma_start3A_226 = tpu.memref_slice %arg6[%add3A_48, %dma_start3A_225] : memref<10240x64xf32, #tpu.memory_space<vmem_shared>> -> memref<32x64xf32, #tpu.memory_space<vmem_shared>>
      tpu.enqueue_dma source(%arg10 : memref<32x64xf32, #tpu.memory_space<vmem>>) target(%dma_start3A_226 : memref<32x64xf32, #tpu.memory_space<vmem_shared>>) target_semaphore(%run_scoped3A : memref<!tpu.dma_semaphore, #tpu.memory_space<semaphore_mem>>)
      %dma_wait3A_227 = arith.constant 0 : i32
      %dma_wait3A_228 = tpu.memref_slice %arg6[%add3A_48, %dma_wait3A_227] : memref<10240x64xf32, #tpu.memory_space<vmem_shared>> -> memref<32x64xf32, #tpu.memory_space<vmem_shared>>
      %dma_wait3A_229 = arith.constant 0 : i32
      %dma_wait3A_230 = tpu.memref_slice %arg6[%add3A_48, %dma_wait3A_229] : memref<10240x64xf32, #tpu.memory_space<vmem_shared>> -> memref<32x64xf32, #tpu.memory_space<vmem_shared>>
      tpu.wait_dma2 semaphore(%run_scoped3A : memref<!tpu.dma_semaphore, #tpu.memory_space<semaphore_mem>>) src(%arg10 : memref<32x64xf32, #tpu.memory_space<vmem>>) dst(%dma_wait3A_230 : memref<32x64xf32, #tpu.memory_space<vmem_shared>>)
      tpu.yield
    }) : () -> ()
    %add3A_49 = arith.constant 608 : i32
    %add3A_50 = arith.addi %mul3A_0, %add3A_49 : i32
    "tpu.region"() ({
      %run_scoped3A = tpu.sem_alloc : memref<!tpu.dma_semaphore, #tpu.memory_space<semaphore_mem>>
      %dma_start3A_223 = arith.constant 0 : i32
      %dma_start3A_224 = tpu.memref_slice %arg6[%add3A_50, %dma_start3A_223] : memref<10240x64xf32, #tpu.memory_space<vmem_shared>> -> memref<32x64xf32, #tpu.memory_space<vmem_shared>>
      %dma_start3A_225 = arith.constant 0 : i32
      %dma_start3A_226 = tpu.memref_slice %arg6[%add3A_50, %dma_start3A_225] : memref<10240x64xf32, #tpu.memory_space<vmem_shared>> -> memref<32x64xf32, #tpu.memory_space<vmem_shared>>
      tpu.enqueue_dma source(%arg10 : memref<32x64xf32, #tpu.memory_space<vmem>>) target(%dma_start3A_226 : memref<32x64xf32, #tpu.memory_space<vmem_shared>>) target_semaphore(%run_scoped3A : memref<!tpu.dma_semaphore, #tpu.memory_space<semaphore_mem>>)
      %dma_wait3A_227 = arith.constant 0 : i32
      %dma_wait3A_228 = tpu.memref_slice %arg6[%add3A_50, %dma_wait3A_227] : memref<10240x64xf32, #tpu.memory_space<vmem_shared>> -> memref<32x64xf32, #tpu.memory_space<vmem_shared>>
      %dma_wait3A_229 = arith.constant 0 : i32
      %dma_wait3A_230 = tpu.memref_slice %arg6[%add3A_50, %dma_wait3A_229] : memref<10240x64xf32, #tpu.memory_space<vmem_shared>> -> memref<32x64xf32, #tpu.memory_space<vmem_shared>>
      tpu.wait_dma2 semaphore(%run_scoped3A : memref<!tpu.dma_semaphore, #tpu.memory_space<semaphore_mem>>) src(%arg10 : memref<32x64xf32, #tpu.memory_space<vmem>>) dst(%dma_wait3A_230 : memref<32x64xf32, #tpu.memory_space<vmem_shared>>)
      tpu.yield
    }) : () -> ()
    %barrier3A = arith.constant 0 : index
    tpu.barrier barrier_id(%barrier3A)
    %add3A_51 = arith.constant 0 : i32
    %add3A_52 = arith.addi %mul3A_4, %add3A_51 : i32
    %dma_start3A = arith.constant 0 : i32
    %dma_start3A_53 = arith.constant 0 : i32
    %dma_start3A_54 = arith.constant 0 : i32
    %dma_start3A_55 = arith.constant 0 : i32
    %dma_start3A_56 = arith.constant 0 : i32
    %dma_start3A_57 = tpu.memref_slice %arg7[%dma_start3A_53, %dma_start3A_55, %dma_start3A_56] : memref<2x12x128xi32, #tpu.memory_space<vmem>> -> memref<1x12x128xi32, #tpu.memory_space<vmem>>
    %dma_start3A_58 = tpu.memref_squeeze %dma_start3A_57 : memref<1x12x128xi32, #tpu.memory_space<vmem>> -> memref<12x128xi32, #tpu.memory_space<vmem>>
    %dma_start3A_59 = arith.constant 0 : i32
    %dma_start3A_60 = tpu.memref_slice %arg3[%dma_start3A, %add3A_52, %dma_start3A_59] : memref<2x2500x128xi32, #tpu.memory_space<hbm>> -> memref<1x12x128xi32, #tpu.memory_space<hbm>>
    %dma_start3A_61 = tpu.memref_squeeze %dma_start3A_60 : memref<1x12x128xi32, #tpu.memory_space<hbm>> -> memref<12x128xi32, #tpu.memory_space<hbm>>
    %dma_start3A_62 = tpu.memref_slice %arg13[%dma_start3A_54] : memref<2x!tpu.dma_semaphore, #tpu.memory_space<semaphore_mem>> -> memref<1x!tpu.dma_semaphore, #tpu.memory_space<semaphore_mem>>
    %dma_start3A_63 = tpu.memref_squeeze %dma_start3A_62 : memref<1x!tpu.dma_semaphore, #tpu.memory_space<semaphore_mem>> -> memref<!tpu.dma_semaphore, #tpu.memory_space<semaphore_mem>>
    %dma_start3A_64 = arith.constant 0 : i32
    %dma_start3A_65 = arith.constant 0 : i32
    %dma_start3A_66 = tpu.memref_slice %arg7[%dma_start3A_53, %dma_start3A_64, %dma_start3A_65] : memref<2x12x128xi32, #tpu.memory_space<vmem>> -> memref<1x12x128xi32, #tpu.memory_space<vmem>>
    %dma_start3A_67 = tpu.memref_squeeze %dma_start3A_66 : memref<1x12x128xi32, #tpu.memory_space<vmem>> -> memref<12x128xi32, #tpu.memory_space<vmem>>
    %dma_start3A_68 = arith.constant 0 : i32
    %dma_start3A_69 = tpu.memref_slice %arg3[%dma_start3A, %add3A_52, %dma_start3A_68] : memref<2x2500x128xi32, #tpu.memory_space<hbm>> -> memref<1x12x128xi32, #tpu.memory_space<hbm>>
    %dma_start3A_70 = tpu.memref_squeeze %dma_start3A_69 : memref<1x12x128xi32, #tpu.memory_space<hbm>> -> memref<12x128xi32, #tpu.memory_space<hbm>>
    tpu.enqueue_dma source(%dma_start3A_70 : memref<12x128xi32, #tpu.memory_space<hbm>>) target(%dma_start3A_67 : memref<12x128xi32, #tpu.memory_space<vmem>>) target_semaphore(%dma_start3A_63 : memref<!tpu.dma_semaphore, #tpu.memory_space<semaphore_mem>>)
    %add3A_71 = arith.constant 0 : i32
    %add3A_72 = arith.addi %mul3A_4, %add3A_71 : i32
    %dma_start3A_73 = arith.constant 1 : i32
    %dma_start3A_74 = arith.constant 0 : i32
    %dma_start3A_75 = arith.constant 0 : i32
    %dma_start3A_76 = arith.constant 0 : i32
    %dma_start3A_77 = arith.constant 0 : i32
    %dma_start3A_78 = tpu.memref_slice %arg8[%dma_start3A_74, %dma_start3A_76, %dma_start3A_77] : memref<2x12x128xi32, #tpu.memory_space<vmem>> -> memref<1x12x128xi32, #tpu.memory_space<vmem>>
    %dma_start3A_79 = tpu.memref_squeeze %dma_start3A_78 : memref<1x12x128xi32, #tpu.memory_space<vmem>> -> memref<12x128xi32, #tpu.memory_space<vmem>>
    %dma_start3A_80 = arith.constant 0 : i32
    %dma_start3A_81 = tpu.memref_slice %arg3[%dma_start3A_73, %add3A_72, %dma_start3A_80] : memref<2x2500x128xi32, #tpu.memory_space<hbm>> -> memref<1x12x128xi32, #tpu.memory_space<hbm>>
    %dma_start3A_82 = tpu.memref_squeeze %dma_start3A_81 : memref<1x12x128xi32, #tpu.memory_space<hbm>> -> memref<12x128xi32, #tpu.memory_space<hbm>>
    %dma_start3A_83 = tpu.memref_slice %arg13[%dma_start3A_75] : memref<2x!tpu.dma_semaphore, #tpu.memory_space<semaphore_mem>> -> memref<1x!tpu.dma_semaphore, #tpu.memory_space<semaphore_mem>>
    %dma_start3A_84 = tpu.memref_squeeze %dma_start3A_83 : memref<1x!tpu.dma_semaphore, #tpu.memory_space<semaphore_mem>> -> memref<!tpu.dma_semaphore, #tpu.memory_space<semaphore_mem>>
    %dma_start3A_85 = arith.constant 0 : i32
    %dma_start3A_86 = arith.constant 0 : i32
    %dma_start3A_87 = tpu.memref_slice %arg8[%dma_start3A_74, %dma_start3A_85, %dma_start3A_86] : memref<2x12x128xi32, #tpu.memory_space<vmem>> -> memref<1x12x128xi32, #tpu.memory_space<vmem>>
    %dma_start3A_88 = tpu.memref_squeeze %dma_start3A_87 : memref<1x12x128xi32, #tpu.memory_space<vmem>> -> memref<12x128xi32, #tpu.memory_space<vmem>>
    %dma_start3A_89 = arith.constant 0 : i32
    %dma_start3A_90 = tpu.memref_slice %arg3[%dma_start3A_73, %add3A_72, %dma_start3A_89] : memref<2x2500x128xi32, #tpu.memory_space<hbm>> -> memref<1x12x128xi32, #tpu.memory_space<hbm>>
    %dma_start3A_91 = tpu.memref_squeeze %dma_start3A_90 : memref<1x12x128xi32, #tpu.memory_space<hbm>> -> memref<12x128xi32, #tpu.memory_space<hbm>>
    tpu.enqueue_dma source(%dma_start3A_91 : memref<12x128xi32, #tpu.memory_space<hbm>>) target(%dma_start3A_88 : memref<12x128xi32, #tpu.memory_space<vmem>>) target_semaphore(%dma_start3A_84 : memref<!tpu.dma_semaphore, #tpu.memory_space<semaphore_mem>>)
    %add3A_92 = arith.constant 0 : i32
    %add3A_93 = arith.addi %mul3A_4, %add3A_92 : i32
    %dma_wait3A = arith.constant 0 : i32
    %dma_wait3A_94 = arith.constant 0 : i32
    %dma_wait3A_95 = arith.constant 0 : i32
    %dma_wait3A_96 = arith.constant 0 : i32
    %dma_wait3A_97 = arith.constant 0 : i32
    %dma_wait3A_98 = tpu.memref_slice %arg7[%dma_wait3A_94, %dma_wait3A_96, %dma_wait3A_97] : memref<2x12x128xi32, #tpu.memory_space<vmem>> -> memref<1x12x128xi32, #tpu.memory_space<vmem>>
    %dma_wait3A_99 = tpu.memref_squeeze %dma_wait3A_98 : memref<1x12x128xi32, #tpu.memory_space<vmem>> -> memref<12x128xi32, #tpu.memory_space<vmem>>
    %dma_wait3A_100 = arith.constant 0 : i32
    %dma_wait3A_101 = tpu.memref_slice %arg3[%dma_wait3A, %add3A_93, %dma_wait3A_100] : memref<2x2500x128xi32, #tpu.memory_space<hbm>> -> memref<1x12x128xi32, #tpu.memory_space<hbm>>
    %dma_wait3A_102 = tpu.memref_squeeze %dma_wait3A_101 : memref<1x12x128xi32, #tpu.memory_space<hbm>> -> memref<12x128xi32, #tpu.memory_space<hbm>>
    %dma_wait3A_103 = tpu.memref_slice %arg13[%dma_wait3A_95] : memref<2x!tpu.dma_semaphore, #tpu.memory_space<semaphore_mem>> -> memref<1x!tpu.dma_semaphore, #tpu.memory_space<semaphore_mem>>
    %dma_wait3A_104 = tpu.memref_squeeze %dma_wait3A_103 : memref<1x!tpu.dma_semaphore, #tpu.memory_space<semaphore_mem>> -> memref<!tpu.dma_semaphore, #tpu.memory_space<semaphore_mem>>
    %dma_wait3A_105 = arith.constant 0 : i32
    %dma_wait3A_106 = arith.constant 0 : i32
    %dma_wait3A_107 = tpu.memref_slice %arg7[%dma_wait3A_94, %dma_wait3A_105, %dma_wait3A_106] : memref<2x12x128xi32, #tpu.memory_space<vmem>> -> memref<1x12x128xi32, #tpu.memory_space<vmem>>
    %dma_wait3A_108 = tpu.memref_squeeze %dma_wait3A_107 : memref<1x12x128xi32, #tpu.memory_space<vmem>> -> memref<12x128xi32, #tpu.memory_space<vmem>>
    %dma_wait3A_109 = arith.constant 0 : i32
    %dma_wait3A_110 = tpu.memref_slice %arg3[%dma_wait3A, %add3A_93, %dma_wait3A_109] : memref<2x2500x128xi32, #tpu.memory_space<hbm>> -> memref<1x12x128xi32, #tpu.memory_space<hbm>>
    %dma_wait3A_111 = tpu.memref_squeeze %dma_wait3A_110 : memref<1x12x128xi32, #tpu.memory_space<hbm>> -> memref<12x128xi32, #tpu.memory_space<hbm>>
    tpu.wait_dma2 semaphore(%dma_wait3A_104 : memref<!tpu.dma_semaphore, #tpu.memory_space<semaphore_mem>>) src(%dma_wait3A_111 : memref<12x128xi32, #tpu.memory_space<hbm>>) dst(%dma_wait3A_108 : memref<12x128xi32, #tpu.memory_space<vmem>>)
    %add3A_112 = arith.constant 0 : i32
    %add3A_113 = arith.addi %mul3A_4, %add3A_112 : i32
    %dma_wait3A_114 = arith.constant 1 : i32
    %dma_wait3A_115 = arith.constant 0 : i32
    %dma_wait3A_116 = arith.constant 0 : i32
    %dma_wait3A_117 = arith.constant 0 : i32
    %dma_wait3A_118 = arith.constant 0 : i32
    %dma_wait3A_119 = tpu.memref_slice %arg8[%dma_wait3A_115, %dma_wait3A_117, %dma_wait3A_118] : memref<2x12x128xi32, #tpu.memory_space<vmem>> -> memref<1x12x128xi32, #tpu.memory_space<vmem>>
    %dma_wait3A_120 = tpu.memref_squeeze %dma_wait3A_119 : memref<1x12x128xi32, #tpu.memory_space<vmem>> -> memref<12x128xi32, #tpu.memory_space<vmem>>
    %dma_wait3A_121 = arith.constant 0 : i32
    %dma_wait3A_122 = tpu.memref_slice %arg3[%dma_wait3A_114, %add3A_113, %dma_wait3A_121] : memref<2x2500x128xi32, #tpu.memory_space<hbm>> -> memref<1x12x128xi32, #tpu.memory_space<hbm>>
    %dma_wait3A_123 = tpu.memref_squeeze %dma_wait3A_122 : memref<1x12x128xi32, #tpu.memory_space<hbm>> -> memref<12x128xi32, #tpu.memory_space<hbm>>
    %dma_wait3A_124 = tpu.memref_slice %arg13[%dma_wait3A_116] : memref<2x!tpu.dma_semaphore, #tpu.memory_space<semaphore_mem>> -> memref<1x!tpu.dma_semaphore, #tpu.memory_space<semaphore_mem>>
    %dma_wait3A_125 = tpu.memref_squeeze %dma_wait3A_124 : memref<1x!tpu.dma_semaphore, #tpu.memory_space<semaphore_mem>> -> memref<!tpu.dma_semaphore, #tpu.memory_space<semaphore_mem>>
    %dma_wait3A_126 = arith.constant 0 : i32
    %dma_wait3A_127 = arith.constant 0 : i32
    %dma_wait3A_128 = tpu.memref_slice %arg8[%dma_wait3A_115, %dma_wait3A_126, %dma_wait3A_127] : memref<2x12x128xi32, #tpu.memory_space<vmem>> -> memref<1x12x128xi32, #tpu.memory_space<vmem>>
    %dma_wait3A_129 = tpu.memref_squeeze %dma_wait3A_128 : memref<1x12x128xi32, #tpu.memory_space<vmem>> -> memref<12x128xi32, #tpu.memory_space<vmem>>
    %dma_wait3A_130 = arith.constant 0 : i32
    %dma_wait3A_131 = tpu.memref_slice %arg3[%dma_wait3A_114, %add3A_113, %dma_wait3A_130] : memref<2x2500x128xi32, #tpu.memory_space<hbm>> -> memref<1x12x128xi32, #tpu.memory_space<hbm>>
    %dma_wait3A_132 = tpu.memref_squeeze %dma_wait3A_131 : memref<1x12x128xi32, #tpu.memory_space<hbm>> -> memref<12x128xi32, #tpu.memory_space<hbm>>
    tpu.wait_dma2 semaphore(%dma_wait3A_125 : memref<!tpu.dma_semaphore, #tpu.memory_space<semaphore_mem>>) src(%dma_wait3A_132 : memref<12x128xi32, #tpu.memory_space<hbm>>) dst(%dma_wait3A_129 : memref<12x128xi32, #tpu.memory_space<vmem>>)
    %dma_start3A_133 = arith.constant 0 : i32
    %dma_start3A_134 = arith.constant 0 : i32
    %dma_start3A_135 = arith.constant 0 : i32
    %dma_start3A_136 = arith.constant 0 : i32
    %dma_start3A_137 = arith.constant 0 : i32
    %dma_start3A_138 = arith.constant 0 : i32
    %dma_start3A_139 = tpu.memref_slice %arg9[%dma_start3A_135, %dma_start3A_137, %dma_start3A_138] : memref<4x128x64xf32, #tpu.memory_space<vmem>> -> memref<1x128x64xf32, #tpu.memory_space<vmem>>
    %dma_start3A_140 = tpu.memref_squeeze %dma_start3A_139 : memref<1x128x64xf32, #tpu.memory_space<vmem>> -> memref<128x64xf32, #tpu.memory_space<vmem>>
    %dma_start3A_141 = arith.constant 0 : i32
    %dma_start3A_142 = tpu.memref_slice %arg7[%dma_start3A_133, %dma_start3A_134, %dma_start3A_141] : memref<2x12x128xi32, #tpu.memory_space<vmem>> -> memref<1x1x128xi32, #tpu.memory_space<vmem>>
    %dma_start3A_143 = tpu.memref_squeeze %dma_start3A_142 : memref<1x1x128xi32, #tpu.memory_space<vmem>> -> memref<128xi32, #tpu.memory_space<vmem>>
    %dma_start3A_144 = arith.constant 0 : i32
    %dma_start3A_145 = arith.constant 0 : i32
    %dma_start3A_146 = tpu.memref_slice %arg5[%dma_start3A_144, %dma_start3A_145] : memref<10240x64xf32, #tpu.memory_space<vmem_shared>> -> memref<10240x64xf32, #tpu.memory_space<vmem_shared>>
    %dma_start3A_147 = tpu.memref_slice %arg11[%dma_start3A_136] : memref<4x!tpu.dma_semaphore, #tpu.memory_space<semaphore_mem>> -> memref<1x!tpu.dma_semaphore, #tpu.memory_space<semaphore_mem>>
    %dma_start3A_148 = tpu.memref_squeeze %dma_start3A_147 : memref<1x!tpu.dma_semaphore, #tpu.memory_space<semaphore_mem>> -> memref<!tpu.dma_semaphore, #tpu.memory_space<semaphore_mem>>
    tpu.enqueue_indirect_dma source(%dma_start3A_146 : memref<10240x64xf32, #tpu.memory_space<vmem_shared>>) target(%dma_start3A_140 : memref<128x64xf32, #tpu.memory_space<vmem>>) offsets(%dma_start3A_143 : memref<128xi32, #tpu.memory_space<vmem>>) semaphore(%dma_start3A_148 : memref<!tpu.dma_semaphore, #tpu.memory_space<semaphore_mem>>)
    %scan3A_149 = arith.constant 0 : i32
    %scan3A_150 = arith.constant 0 : i32
    %scan3A_151 = arith.constant 156 : i32
    %scan3A_152 = arith.addi %scan3A_150, %scan3A_151 : i32
    %scan3A_153 = arith.constant 1 : i32
    %scan3A_154 = scf.for %scan3A_223 = %scan3A_150 to %scan3A_152 step %scan3A_153 iter_args(%scan3A_224 = %scan3A_149) -> (i32)  : i32 {
      %jit3A = arith.constant 12 : i32
      %div3A = arith.divsi %scan3A_223, %jit3A : i32
      %sign3A = arith.constant 0 : i32
      %sign3A_225 = arith.cmpi sgt, %scan3A_223, %sign3A : i32
      %sign3A_226 = arith.extui %sign3A_225 : i1 to i32
      %sign3A_227 = arith.constant 0 : i32
      %sign3A_228 = arith.cmpi slt, %scan3A_223, %sign3A_227 : i32
      %sign3A_229 = arith.extui %sign3A_228 : i1 to i32
      %sign3A_230 = arith.subi %sign3A_226, %sign3A_229 : i32
      %sign3A_231 = arith.constant 0 : i32
      %sign3A_232 = arith.cmpi sgt, %jit3A, %sign3A_231 : i32
      %sign3A_233 = arith.extui %sign3A_232 : i1 to i32
      %sign3A_234 = arith.constant 0 : i32
      %sign3A_235 = arith.cmpi slt, %jit3A, %sign3A_234 : i32
      %sign3A_236 = arith.extui %sign3A_235 : i1 to i32
      %sign3A_237 = arith.subi %sign3A_233, %sign3A_236 : i32
      %ne3A = arith.cmpi ne, %sign3A_230, %sign3A_237 : i32
      %rem3A = arith.remsi %scan3A_223, %jit3A : i32
      %ne3A_238 = arith.constant 0 : i32
      %ne3A_239 = arith.cmpi ne, %rem3A, %ne3A_238 : i32
      %and3A = arith.andi %ne3A, %ne3A_239 : i1
      %sub3A = arith.constant 1 : i32
      %sub3A_240 = arith.subi %div3A, %sub3A : i32
      %select_n3A = arith.select %and3A, %sub3A_240, %div3A : i32
      %jit3A_241 = arith.constant 12 : i32
      %eq3A = arith.constant 0 : i32
      %eq3A_242 = arith.cmpi eq, %jit3A_241, %eq3A : i32
      %jit3A_243 = arith.constant 1 : i32
      %select_n3A_244 = arith.select %eq3A_242, %jit3A_243, %jit3A_241 : i32
      %rem3A_245 = arith.remsi %scan3A_223, %select_n3A_244 : i32
      %ne3A_246 = arith.constant 0 : i32
      %ne3A_247 = arith.cmpi ne, %rem3A_245, %ne3A_246 : i32
      %lt3A_248 = arith.constant 0 : i32
      %lt3A_249 = arith.cmpi slt, %rem3A_245, %lt3A_248 : i32
      %lt3A_250 = arith.constant 0 : i32
      %lt3A_251 = arith.cmpi slt, %select_n3A_244, %lt3A_250 : i32
      %ne3A_252 = arith.xori %lt3A_249, %lt3A_251 : i1
      %and3A_253 = arith.andi %ne3A_252, %ne3A_247 : i1
      %add3A_254 = arith.addi %rem3A_245, %select_n3A_244 : i32
      %select_n3A_255 = arith.select %and3A_253, %add3A_254, %rem3A_245 : i32
      %eq3A_256 = arith.constant 4 : i32
      %eq3A_257 = arith.cmpi eq, %select_n3A_255, %eq3A_256 : i32
      %add3A_258 = arith.constant 1 : i32
      %add3A_259 = arith.addi %select_n3A, %add3A_258 : i32
      %lt3A_260 = arith.constant 13 : i32
      %lt3A_261 = arith.cmpi slt, %add3A_259, %lt3A_260 : i32
      %and3A_262 = arith.andi %eq3A_257, %lt3A_261 : i1
      %convert_element_type3A_263 = arith.extui %and3A_262 : i1 to i32
      %cond3A_264 = arith.constant 0 : i32
      %cond3A_265 = arith.cmpi ne, %convert_element_type3A_263, %cond3A_264 : i32
      scf.if %cond3A_265 {
        %add3A_442 = arith.constant 1 : i32
        %add3A_443 = arith.addi %select_n3A, %add3A_442 : i32
        %add3A_444 = arith.constant 1 : i32
        %add3A_445 = arith.addi %select_n3A, %add3A_444 : i32
        %jit3A_446 = arith.constant 2 : i32
        %eq3A_447 = arith.constant 0 : i32
        %eq3A_448 = arith.cmpi eq, %jit3A_446, %eq3A_447 : i32
        %jit3A_449 = arith.constant 1 : i32
        %select_n3A_450 = arith.select %eq3A_448, %jit3A_449, %jit3A_446 : i32
        %rem3A_451 = arith.remsi %add3A_445, %select_n3A_450 : i32
        %ne3A_452 = arith.constant 0 : i32
        %ne3A_453 = arith.cmpi ne, %rem3A_451, %ne3A_452 : i32
        %lt3A_454 = arith.constant 0 : i32
        %lt3A_455 = arith.cmpi slt, %rem3A_451, %lt3A_454 : i32
        %lt3A_456 = arith.constant 0 : i32
        %lt3A_457 = arith.cmpi slt, %select_n3A_450, %lt3A_456 : i32
        %ne3A_458 = arith.xori %lt3A_455, %lt3A_457 : i1
        %and3A_459 = arith.andi %ne3A_458, %ne3A_453 : i1
        %add3A_460 = arith.addi %rem3A_451, %select_n3A_450 : i32
        %select_n3A_461 = arith.select %and3A_459, %add3A_460, %rem3A_451 : i32
        %mul3A_462 = arith.constant 12 : i32
        %mul3A_463 = arith.muli %add3A_443, %mul3A_462 : i32
        %add3A_464 = arith.addi %mul3A_4, %mul3A_463 : i32
        %dma_start3A_465 = arith.constant 0 : i32
        %dma_start3A_466 = arith.constant 0 : i32
        %dma_start3A_467 = arith.constant 0 : i32
        %dma_start3A_468 = tpu.memref_slice %arg7[%select_n3A_461, %dma_start3A_466, %dma_start3A_467] : memref<2x12x128xi32, #tpu.memory_space<vmem>> -> memref<1x12x128xi32, #tpu.memory_space<vmem>>
        %dma_start3A_469 = tpu.memref_squeeze %dma_start3A_468 : memref<1x12x128xi32, #tpu.memory_space<vmem>> -> memref<12x128xi32, #tpu.memory_space<vmem>>
        %dma_start3A_470 = arith.constant 0 : i32
        %dma_start3A_471 = tpu.memref_slice %arg3[%dma_start3A_465, %add3A_464, %dma_start3A_470] : memref<2x2500x128xi32, #tpu.memory_space<hbm>> -> memref<1x12x128xi32, #tpu.memory_space<hbm>>
        %dma_start3A_472 = tpu.memref_squeeze %dma_start3A_471 : memref<1x12x128xi32, #tpu.memory_space<hbm>> -> memref<12x128xi32, #tpu.memory_space<hbm>>
        %dma_start3A_473 = tpu.memref_slice %arg13[%select_n3A_461] : memref<2x!tpu.dma_semaphore, #tpu.memory_space<semaphore_mem>> -> memref<1x!tpu.dma_semaphore, #tpu.memory_space<semaphore_mem>>
        %dma_start3A_474 = tpu.memref_squeeze %dma_start3A_473 : memref<1x!tpu.dma_semaphore, #tpu.memory_space<semaphore_mem>> -> memref<!tpu.dma_semaphore, #tpu.memory_space<semaphore_mem>>
        %dma_start3A_475 = arith.constant 0 : i32
        %dma_start3A_476 = arith.constant 0 : i32
        %dma_start3A_477 = tpu.memref_slice %arg7[%select_n3A_461, %dma_start3A_475, %dma_start3A_476] : memref<2x12x128xi32, #tpu.memory_space<vmem>> -> memref<1x12x128xi32, #tpu.memory_space<vmem>>
        %dma_start3A_478 = tpu.memref_squeeze %dma_start3A_477 : memref<1x12x128xi32, #tpu.memory_space<vmem>> -> memref<12x128xi32, #tpu.memory_space<vmem>>
        %dma_start3A_479 = arith.constant 0 : i32
        %dma_start3A_480 = tpu.memref_slice %arg3[%dma_start3A_465, %add3A_464, %dma_start3A_479] : memref<2x2500x128xi32, #tpu.memory_space<hbm>> -> memref<1x12x128xi32, #tpu.memory_space<hbm>>
        %dma_start3A_481 = tpu.memref_squeeze %dma_start3A_480 : memref<1x12x128xi32, #tpu.memory_space<hbm>> -> memref<12x128xi32, #tpu.memory_space<hbm>>
        tpu.enqueue_dma source(%dma_start3A_481 : memref<12x128xi32, #tpu.memory_space<hbm>>) target(%dma_start3A_478 : memref<12x128xi32, #tpu.memory_space<vmem>>) target_semaphore(%dma_start3A_474 : memref<!tpu.dma_semaphore, #tpu.memory_space<semaphore_mem>>)
        %mul3A_482 = arith.constant 12 : i32
        %mul3A_483 = arith.muli %add3A_443, %mul3A_482 : i32
        %add3A_484 = arith.addi %mul3A_4, %mul3A_483 : i32
        %dma_start3A_485 = arith.constant 1 : i32
        %dma_start3A_486 = arith.constant 0 : i32
        %dma_start3A_487 = arith.constant 0 : i32
        %dma_start3A_488 = tpu.memref_slice %arg8[%select_n3A_461, %dma_start3A_486, %dma_start3A_487] : memref<2x12x128xi32, #tpu.memory_space<vmem>> -> memref<1x12x128xi32, #tpu.memory_space<vmem>>
        %dma_start3A_489 = tpu.memref_squeeze %dma_start3A_488 : memref<1x12x128xi32, #tpu.memory_space<vmem>> -> memref<12x128xi32, #tpu.memory_space<vmem>>
        %dma_start3A_490 = arith.constant 0 : i32
        %dma_start3A_491 = tpu.memref_slice %arg3[%dma_start3A_485, %add3A_484, %dma_start3A_490] : memref<2x2500x128xi32, #tpu.memory_space<hbm>> -> memref<1x12x128xi32, #tpu.memory_space<hbm>>
        %dma_start3A_492 = tpu.memref_squeeze %dma_start3A_491 : memref<1x12x128xi32, #tpu.memory_space<hbm>> -> memref<12x128xi32, #tpu.memory_space<hbm>>
        %dma_start3A_493 = tpu.memref_slice %arg13[%select_n3A_461] : memref<2x!tpu.dma_semaphore, #tpu.memory_space<semaphore_mem>> -> memref<1x!tpu.dma_semaphore, #tpu.memory_space<semaphore_mem>>
        %dma_start3A_494 = tpu.memref_squeeze %dma_start3A_493 : memref<1x!tpu.dma_semaphore, #tpu.memory_space<semaphore_mem>> -> memref<!tpu.dma_semaphore, #tpu.memory_space<semaphore_mem>>
        %dma_start3A_495 = arith.constant 0 : i32
        %dma_start3A_496 = arith.constant 0 : i32
        %dma_start3A_497 = tpu.memref_slice %arg8[%select_n3A_461, %dma_start3A_495, %dma_start3A_496] : memref<2x12x128xi32, #tpu.memory_space<vmem>> -> memref<1x12x128xi32, #tpu.memory_space<vmem>>
        %dma_start3A_498 = tpu.memref_squeeze %dma_start3A_497 : memref<1x12x128xi32, #tpu.memory_space<vmem>> -> memref<12x128xi32, #tpu.memory_space<vmem>>
        %dma_start3A_499 = arith.constant 0 : i32
        %dma_start3A_500 = tpu.memref_slice %arg3[%dma_start3A_485, %add3A_484, %dma_start3A_499] : memref<2x2500x128xi32, #tpu.memory_space<hbm>> -> memref<1x12x128xi32, #tpu.memory_space<hbm>>
        %dma_start3A_501 = tpu.memref_squeeze %dma_start3A_500 : memref<1x12x128xi32, #tpu.memory_space<hbm>> -> memref<12x128xi32, #tpu.memory_space<hbm>>
        tpu.enqueue_dma source(%dma_start3A_501 : memref<12x128xi32, #tpu.memory_space<hbm>>) target(%dma_start3A_498 : memref<12x128xi32, #tpu.memory_space<vmem>>) target_semaphore(%dma_start3A_494 : memref<!tpu.dma_semaphore, #tpu.memory_space<semaphore_mem>>)
      } else {
      }
      %add3A_266 = arith.constant 1 : i32
      %add3A_267 = arith.addi %scan3A_223, %add3A_266 : i32
      %lt3A_268 = arith.constant 156 : i32
      %lt3A_269 = arith.cmpi slt, %add3A_267, %lt3A_268 : i32
      %convert_element_type3A_270 = arith.extui %lt3A_269 : i1 to i32
      %cond3A_271 = arith.constant 0 : i32
      %cond3A_272 = arith.cmpi ne, %convert_element_type3A_270, %cond3A_271 : i32
      scf.if %cond3A_272 {
        %add3A_442 = arith.constant 1 : i32
        %add3A_443 = arith.addi %scan3A_223, %add3A_442 : i32
        %ge3A = arith.constant 4 : i32
        %ge3A_444 = arith.cmpi sge, %add3A_443, %ge3A : i32
        %convert_element_type3A_445 = arith.extui %ge3A_444 : i1 to i32
        %cond3A_446 = arith.constant 0 : i32
        %cond3A_447 = arith.cmpi ne, %convert_element_type3A_445, %cond3A_446 : i32
        scf.if %cond3A_447 {
          %add3A_557 = arith.constant 1 : i32
          %add3A_558 = arith.addi %scan3A_223, %add3A_557 : i32
          %sub3A_559 = arith.constant 4 : i32
          %sub3A_560 = arith.subi %add3A_558, %sub3A_559 : i32
          %jit3A_561 = arith.constant 12 : i32
          %div3A_562 = arith.divsi %sub3A_560, %jit3A_561 : i32
          %sign3A_563 = arith.constant 0 : i32
          %sign3A_564 = arith.cmpi sgt, %sub3A_560, %sign3A_563 : i32
          %sign3A_565 = arith.extui %sign3A_564 : i1 to i32
          %sign3A_566 = arith.constant 0 : i32
          %sign3A_567 = arith.cmpi slt, %sub3A_560, %sign3A_566 : i32
          %sign3A_568 = arith.extui %sign3A_567 : i1 to i32
          %sign3A_569 = arith.subi %sign3A_565, %sign3A_568 : i32
          %sign3A_570 = arith.constant 0 : i32
          %sign3A_571 = arith.cmpi sgt, %jit3A_561, %sign3A_570 : i32
          %sign3A_572 = arith.extui %sign3A_571 : i1 to i32
          %sign3A_573 = arith.constant 0 : i32
          %sign3A_574 = arith.cmpi slt, %jit3A_561, %sign3A_573 : i32
          %sign3A_575 = arith.extui %sign3A_574 : i1 to i32
          %sign3A_576 = arith.subi %sign3A_572, %sign3A_575 : i32
          %ne3A_577 = arith.cmpi ne, %sign3A_569, %sign3A_576 : i32
          %rem3A_578 = arith.remsi %sub3A_560, %jit3A_561 : i32
          %ne3A_579 = arith.constant 0 : i32
          %ne3A_580 = arith.cmpi ne, %rem3A_578, %ne3A_579 : i32
          %and3A_581 = arith.andi %ne3A_577, %ne3A_580 : i1
          %sub3A_582 = arith.constant 1 : i32
          %sub3A_583 = arith.subi %div3A_562, %sub3A_582 : i32
          %select_n3A_584 = arith.select %and3A_581, %sub3A_583, %div3A_562 : i32
          %jit3A_585 = arith.constant 2 : i32
          %eq3A_586 = arith.constant 0 : i32
          %eq3A_587 = arith.cmpi eq, %jit3A_585, %eq3A_586 : i32
          %jit3A_588 = arith.constant 1 : i32
          %select_n3A_589 = arith.select %eq3A_587, %jit3A_588, %jit3A_585 : i32
          %rem3A_590 = arith.remsi %select_n3A_584, %select_n3A_589 : i32
          %ne3A_591 = arith.constant 0 : i32
          %ne3A_592 = arith.cmpi ne, %rem3A_590, %ne3A_591 : i32
          %lt3A_593 = arith.constant 0 : i32
          %lt3A_594 = arith.cmpi slt, %rem3A_590, %lt3A_593 : i32
          %lt3A_595 = arith.constant 0 : i32
          %lt3A_596 = arith.cmpi slt, %select_n3A_589, %lt3A_595 : i32
          %ne3A_597 = arith.xori %lt3A_594, %lt3A_596 : i1
          %and3A_598 = arith.andi %ne3A_597, %ne3A_592 : i1
          %add3A_599 = arith.addi %rem3A_590, %select_n3A_589 : i32
          %select_n3A_600 = arith.select %and3A_598, %add3A_599, %rem3A_590 : i32
          %jit3A_601 = arith.constant 12 : i32
          %eq3A_602 = arith.constant 0 : i32
          %eq3A_603 = arith.cmpi eq, %jit3A_601, %eq3A_602 : i32
          %jit3A_604 = arith.constant 1 : i32
          %select_n3A_605 = arith.select %eq3A_603, %jit3A_604, %jit3A_601 : i32
          %rem3A_606 = arith.remsi %sub3A_560, %select_n3A_605 : i32
          %ne3A_607 = arith.constant 0 : i32
          %ne3A_608 = arith.cmpi ne, %rem3A_606, %ne3A_607 : i32
          %lt3A_609 = arith.constant 0 : i32
          %lt3A_610 = arith.cmpi slt, %rem3A_606, %lt3A_609 : i32
          %lt3A_611 = arith.constant 0 : i32
          %lt3A_612 = arith.cmpi slt, %select_n3A_605, %lt3A_611 : i32
          %ne3A_613 = arith.xori %lt3A_610, %lt3A_612 : i1
          %and3A_614 = arith.andi %ne3A_613, %ne3A_608 : i1
          %add3A_615 = arith.addi %rem3A_606, %select_n3A_605 : i32
          %select_n3A_616 = arith.select %and3A_614, %add3A_615, %rem3A_606 : i32
          %jit3A_617 = arith.constant 4 : i32
          %eq3A_618 = arith.constant 0 : i32
          %eq3A_619 = arith.cmpi eq, %jit3A_617, %eq3A_618 : i32
          %jit3A_620 = arith.constant 1 : i32
          %select_n3A_621 = arith.select %eq3A_619, %jit3A_620, %jit3A_617 : i32
          %rem3A_622 = arith.remsi %select_n3A_616, %select_n3A_621 : i32
          %ne3A_623 = arith.constant 0 : i32
          %ne3A_624 = arith.cmpi ne, %rem3A_622, %ne3A_623 : i32
          %lt3A_625 = arith.constant 0 : i32
          %lt3A_626 = arith.cmpi slt, %rem3A_622, %lt3A_625 : i32
          %lt3A_627 = arith.constant 0 : i32
          %lt3A_628 = arith.cmpi slt, %select_n3A_621, %lt3A_627 : i32
          %ne3A_629 = arith.xori %lt3A_626, %lt3A_628 : i1
          %and3A_630 = arith.andi %ne3A_629, %ne3A_624 : i1
          %add3A_631 = arith.addi %rem3A_622, %select_n3A_621 : i32
          %select_n3A_632 = arith.select %and3A_630, %add3A_631, %rem3A_622 : i32
          %dma_wait3A_633 = arith.constant 0 : i32
          %dma_wait3A_634 = arith.constant 0 : i32
          %dma_wait3A_635 = tpu.memref_slice %arg9[%select_n3A_632, %dma_wait3A_633, %dma_wait3A_634] : memref<4x128x64xf32, #tpu.memory_space<vmem>> -> memref<1x128x64xf32, #tpu.memory_space<vmem>>
          %dma_wait3A_636 = tpu.memref_squeeze %dma_wait3A_635 : memref<1x128x64xf32, #tpu.memory_space<vmem>> -> memref<128x64xf32, #tpu.memory_space<vmem>>
          %dma_wait3A_637 = arith.constant 0 : i32
          %dma_wait3A_638 = tpu.memref_slice %arg8[%select_n3A_600, %select_n3A_616, %dma_wait3A_637] : memref<2x12x128xi32, #tpu.memory_space<vmem>> -> memref<1x1x128xi32, #tpu.memory_space<vmem>>
          %dma_wait3A_639 = tpu.memref_squeeze %dma_wait3A_638 : memref<1x1x128xi32, #tpu.memory_space<vmem>> -> memref<128xi32, #tpu.memory_space<vmem>>
          %dma_wait3A_640 = arith.constant 0 : i32
          %dma_wait3A_641 = arith.constant 0 : i32
          %dma_wait3A_642 = tpu.memref_slice %arg6[%dma_wait3A_640, %dma_wait3A_641] : memref<10240x64xf32, #tpu.memory_space<vmem_shared>> -> memref<10240x64xf32, #tpu.memory_space<vmem_shared>>
          %dma_wait3A_643 = tpu.memref_slice %arg12[%select_n3A_632] : memref<4x!tpu.dma_semaphore, #tpu.memory_space<semaphore_mem>> -> memref<1x!tpu.dma_semaphore, #tpu.memory_space<semaphore_mem>>
          %dma_wait3A_644 = tpu.memref_squeeze %dma_wait3A_643 : memref<1x!tpu.dma_semaphore, #tpu.memory_space<semaphore_mem>> -> memref<!tpu.dma_semaphore, #tpu.memory_space<semaphore_mem>>
          tpu.wait_indirect_dma semaphore(%dma_wait3A_644 : memref<!tpu.dma_semaphore, #tpu.memory_space<semaphore_mem>>) src(%dma_wait3A_636 : memref<128x64xf32, #tpu.memory_space<vmem>>) dst(%dma_wait3A_642 : memref<10240x64xf32, #tpu.memory_space<vmem_shared>>)
        } else {
        }
        %add3A_448 = arith.constant 1 : i32
        %add3A_449 = arith.addi %scan3A_223, %add3A_448 : i32
        %jit3A_450 = arith.constant 12 : i32
        %eq3A_451 = arith.constant 0 : i32
        %eq3A_452 = arith.cmpi eq, %jit3A_450, %eq3A_451 : i32
        %jit3A_453 = arith.constant 1 : i32
        %select_n3A_454 = arith.select %eq3A_452, %jit3A_453, %jit3A_450 : i32
        %rem3A_455 = arith.remsi %add3A_449, %select_n3A_454 : i32
        %ne3A_456 = arith.constant 0 : i32
        %ne3A_457 = arith.cmpi ne, %rem3A_455, %ne3A_456 : i32
        %lt3A_458 = arith.constant 0 : i32
        %lt3A_459 = arith.cmpi slt, %rem3A_455, %lt3A_458 : i32
        %lt3A_460 = arith.constant 0 : i32
        %lt3A_461 = arith.cmpi slt, %select_n3A_454, %lt3A_460 : i32
        %ne3A_462 = arith.xori %lt3A_459, %lt3A_461 : i1
        %and3A_463 = arith.andi %ne3A_462, %ne3A_457 : i1
        %add3A_464 = arith.addi %rem3A_455, %select_n3A_454 : i32
        %select_n3A_465 = arith.select %and3A_463, %add3A_464, %rem3A_455 : i32
        %eq3A_466 = arith.constant 0 : i32
        %eq3A_467 = arith.cmpi eq, %select_n3A_465, %eq3A_466 : i32
        %convert_element_type3A_468 = arith.extui %eq3A_467 : i1 to i32
        %cond3A_469 = arith.constant 0 : i32
        %cond3A_470 = arith.cmpi ne, %convert_element_type3A_468, %cond3A_469 : i32
        scf.if %cond3A_470 {
          %add3A_557 = arith.constant 1 : i32
          %add3A_558 = arith.addi %select_n3A, %add3A_557 : i32
          %add3A_559 = arith.constant 1 : i32
          %add3A_560 = arith.addi %select_n3A, %add3A_559 : i32
          %jit3A_561 = arith.constant 2 : i32
          %eq3A_562 = arith.constant 0 : i32
          %eq3A_563 = arith.cmpi eq, %jit3A_561, %eq3A_562 : i32
          %jit3A_564 = arith.constant 1 : i32
          %select_n3A_565 = arith.select %eq3A_563, %jit3A_564, %jit3A_561 : i32
          %rem3A_566 = arith.remsi %add3A_560, %select_n3A_565 : i32
          %ne3A_567 = arith.constant 0 : i32
          %ne3A_568 = arith.cmpi ne, %rem3A_566, %ne3A_567 : i32
          %lt3A_569 = arith.constant 0 : i32
          %lt3A_570 = arith.cmpi slt, %rem3A_566, %lt3A_569 : i32
          %lt3A_571 = arith.constant 0 : i32
          %lt3A_572 = arith.cmpi slt, %select_n3A_565, %lt3A_571 : i32
          %ne3A_573 = arith.xori %lt3A_570, %lt3A_572 : i1
          %and3A_574 = arith.andi %ne3A_573, %ne3A_568 : i1
          %add3A_575 = arith.addi %rem3A_566, %select_n3A_565 : i32
          %select_n3A_576 = arith.select %and3A_574, %add3A_575, %rem3A_566 : i32
          %mul3A_577 = arith.constant 12 : i32
          %mul3A_578 = arith.muli %add3A_558, %mul3A_577 : i32
          %add3A_579 = arith.addi %mul3A_4, %mul3A_578 : i32
          %dma_wait3A_580 = arith.constant 0 : i32
          %dma_wait3A_581 = arith.constant 0 : i32
          %dma_wait3A_582 = arith.constant 0 : i32
          %dma_wait3A_583 = tpu.memref_slice %arg7[%select_n3A_576, %dma_wait3A_581, %dma_wait3A_582] : memref<2x12x128xi32, #tpu.memory_space<vmem>> -> memref<1x12x128xi32, #tpu.memory_space<vmem>>
          %dma_wait3A_584 = tpu.memref_squeeze %dma_wait3A_583 : memref<1x12x128xi32, #tpu.memory_space<vmem>> -> memref<12x128xi32, #tpu.memory_space<vmem>>
          %dma_wait3A_585 = arith.constant 0 : i32
          %dma_wait3A_586 = tpu.memref_slice %arg3[%dma_wait3A_580, %add3A_579, %dma_wait3A_585] : memref<2x2500x128xi32, #tpu.memory_space<hbm>> -> memref<1x12x128xi32, #tpu.memory_space<hbm>>
          %dma_wait3A_587 = tpu.memref_squeeze %dma_wait3A_586 : memref<1x12x128xi32, #tpu.memory_space<hbm>> -> memref<12x128xi32, #tpu.memory_space<hbm>>
          %dma_wait3A_588 = tpu.memref_slice %arg13[%select_n3A_576] : memref<2x!tpu.dma_semaphore, #tpu.memory_space<semaphore_mem>> -> memref<1x!tpu.dma_semaphore, #tpu.memory_space<semaphore_mem>>
          %dma_wait3A_589 = tpu.memref_squeeze %dma_wait3A_588 : memref<1x!tpu.dma_semaphore, #tpu.memory_space<semaphore_mem>> -> memref<!tpu.dma_semaphore, #tpu.memory_space<semaphore_mem>>
          %dma_wait3A_590 = arith.constant 0 : i32
          %dma_wait3A_591 = arith.constant 0 : i32
          %dma_wait3A_592 = tpu.memref_slice %arg7[%select_n3A_576, %dma_wait3A_590, %dma_wait3A_591] : memref<2x12x128xi32, #tpu.memory_space<vmem>> -> memref<1x12x128xi32, #tpu.memory_space<vmem>>
          %dma_wait3A_593 = tpu.memref_squeeze %dma_wait3A_592 : memref<1x12x128xi32, #tpu.memory_space<vmem>> -> memref<12x128xi32, #tpu.memory_space<vmem>>
          %dma_wait3A_594 = arith.constant 0 : i32
          %dma_wait3A_595 = tpu.memref_slice %arg3[%dma_wait3A_580, %add3A_579, %dma_wait3A_594] : memref<2x2500x128xi32, #tpu.memory_space<hbm>> -> memref<1x12x128xi32, #tpu.memory_space<hbm>>
          %dma_wait3A_596 = tpu.memref_squeeze %dma_wait3A_595 : memref<1x12x128xi32, #tpu.memory_space<hbm>> -> memref<12x128xi32, #tpu.memory_space<hbm>>
          tpu.wait_dma2 semaphore(%dma_wait3A_589 : memref<!tpu.dma_semaphore, #tpu.memory_space<semaphore_mem>>) src(%dma_wait3A_596 : memref<12x128xi32, #tpu.memory_space<hbm>>) dst(%dma_wait3A_593 : memref<12x128xi32, #tpu.memory_space<vmem>>)
          %mul3A_597 = arith.constant 12 : i32
          %mul3A_598 = arith.muli %add3A_558, %mul3A_597 : i32
          %add3A_599 = arith.addi %mul3A_4, %mul3A_598 : i32
          %dma_wait3A_600 = arith.constant 1 : i32
          %dma_wait3A_601 = arith.constant 0 : i32
          %dma_wait3A_602 = arith.constant 0 : i32
          %dma_wait3A_603 = tpu.memref_slice %arg8[%select_n3A_576, %dma_wait3A_601, %dma_wait3A_602] : memref<2x12x128xi32, #tpu.memory_space<vmem>> -> memref<1x12x128xi32, #tpu.memory_space<vmem>>
          %dma_wait3A_604 = tpu.memref_squeeze %dma_wait3A_603 : memref<1x12x128xi32, #tpu.memory_space<vmem>> -> memref<12x128xi32, #tpu.memory_space<vmem>>
          %dma_wait3A_605 = arith.constant 0 : i32
          %dma_wait3A_606 = tpu.memref_slice %arg3[%dma_wait3A_600, %add3A_599, %dma_wait3A_605] : memref<2x2500x128xi32, #tpu.memory_space<hbm>> -> memref<1x12x128xi32, #tpu.memory_space<hbm>>
          %dma_wait3A_607 = tpu.memref_squeeze %dma_wait3A_606 : memref<1x12x128xi32, #tpu.memory_space<hbm>> -> memref<12x128xi32, #tpu.memory_space<hbm>>
          %dma_wait3A_608 = tpu.memref_slice %arg13[%select_n3A_576] : memref<2x!tpu.dma_semaphore, #tpu.memory_space<semaphore_mem>> -> memref<1x!tpu.dma_semaphore, #tpu.memory_space<semaphore_mem>>
          %dma_wait3A_609 = tpu.memref_squeeze %dma_wait3A_608 : memref<1x!tpu.dma_semaphore, #tpu.memory_space<semaphore_mem>> -> memref<!tpu.dma_semaphore, #tpu.memory_space<semaphore_mem>>
          %dma_wait3A_610 = arith.constant 0 : i32
          %dma_wait3A_611 = arith.constant 0 : i32
          %dma_wait3A_612 = tpu.memref_slice %arg8[%select_n3A_576, %dma_wait3A_610, %dma_wait3A_611] : memref<2x12x128xi32, #tpu.memory_space<vmem>> -> memref<1x12x128xi32, #tpu.memory_space<vmem>>
          %dma_wait3A_613 = tpu.memref_squeeze %dma_wait3A_612 : memref<1x12x128xi32, #tpu.memory_space<vmem>> -> memref<12x128xi32, #tpu.memory_space<vmem>>
          %dma_wait3A_614 = arith.constant 0 : i32
          %dma_wait3A_615 = tpu.memref_slice %arg3[%dma_wait3A_600, %add3A_599, %dma_wait3A_614] : memref<2x2500x128xi32, #tpu.memory_space<hbm>> -> memref<1x12x128xi32, #tpu.memory_space<hbm>>
          %dma_wait3A_616 = tpu.memref_squeeze %dma_wait3A_615 : memref<1x12x128xi32, #tpu.memory_space<hbm>> -> memref<12x128xi32, #tpu.memory_space<hbm>>
          tpu.wait_dma2 semaphore(%dma_wait3A_609 : memref<!tpu.dma_semaphore, #tpu.memory_space<semaphore_mem>>) src(%dma_wait3A_616 : memref<12x128xi32, #tpu.memory_space<hbm>>) dst(%dma_wait3A_613 : memref<12x128xi32, #tpu.memory_space<vmem>>)
        } else {
        }
        %add3A_471 = arith.constant 1 : i32
        %add3A_472 = arith.addi %scan3A_223, %add3A_471 : i32
        %jit3A_473 = arith.constant 12 : i32
        %div3A_474 = arith.divsi %add3A_472, %jit3A_473 : i32
        %sign3A_475 = arith.constant 0 : i32
        %sign3A_476 = arith.cmpi sgt, %add3A_472, %sign3A_475 : i32
        %sign3A_477 = arith.extui %sign3A_476 : i1 to i32
        %sign3A_478 = arith.constant 0 : i32
        %sign3A_479 = arith.cmpi slt, %add3A_472, %sign3A_478 : i32
        %sign3A_480 = arith.extui %sign3A_479 : i1 to i32
        %sign3A_481 = arith.subi %sign3A_477, %sign3A_480 : i32
        %sign3A_482 = arith.constant 0 : i32
        %sign3A_483 = arith.cmpi sgt, %jit3A_473, %sign3A_482 : i32
        %sign3A_484 = arith.extui %sign3A_483 : i1 to i32
        %sign3A_485 = arith.constant 0 : i32
        %sign3A_486 = arith.cmpi slt, %jit3A_473, %sign3A_485 : i32
        %sign3A_487 = arith.extui %sign3A_486 : i1 to i32
        %sign3A_488 = arith.subi %sign3A_484, %sign3A_487 : i32
        %ne3A_489 = arith.cmpi ne, %sign3A_481, %sign3A_488 : i32
        %rem3A_490 = arith.remsi %add3A_472, %jit3A_473 : i32
        %ne3A_491 = arith.constant 0 : i32
        %ne3A_492 = arith.cmpi ne, %rem3A_490, %ne3A_491 : i32
        %and3A_493 = arith.andi %ne3A_489, %ne3A_492 : i1
        %sub3A_494 = arith.constant 1 : i32
        %sub3A_495 = arith.subi %div3A_474, %sub3A_494 : i32
        %select_n3A_496 = arith.select %and3A_493, %sub3A_495, %div3A_474 : i32
        %jit3A_497 = arith.constant 2 : i32
        %eq3A_498 = arith.constant 0 : i32
        %eq3A_499 = arith.cmpi eq, %jit3A_497, %eq3A_498 : i32
        %jit3A_500 = arith.constant 1 : i32
        %select_n3A_501 = arith.select %eq3A_499, %jit3A_500, %jit3A_497 : i32
        %rem3A_502 = arith.remsi %select_n3A_496, %select_n3A_501 : i32
        %ne3A_503 = arith.constant 0 : i32
        %ne3A_504 = arith.cmpi ne, %rem3A_502, %ne3A_503 : i32
        %lt3A_505 = arith.constant 0 : i32
        %lt3A_506 = arith.cmpi slt, %rem3A_502, %lt3A_505 : i32
        %lt3A_507 = arith.constant 0 : i32
        %lt3A_508 = arith.cmpi slt, %select_n3A_501, %lt3A_507 : i32
        %ne3A_509 = arith.xori %lt3A_506, %lt3A_508 : i1
        %and3A_510 = arith.andi %ne3A_509, %ne3A_504 : i1
        %add3A_511 = arith.addi %rem3A_502, %select_n3A_501 : i32
        %select_n3A_512 = arith.select %and3A_510, %add3A_511, %rem3A_502 : i32
        %jit3A_513 = arith.constant 12 : i32
        %eq3A_514 = arith.constant 0 : i32
        %eq3A_515 = arith.cmpi eq, %jit3A_513, %eq3A_514 : i32
        %jit3A_516 = arith.constant 1 : i32
        %select_n3A_517 = arith.select %eq3A_515, %jit3A_516, %jit3A_513 : i32
        %rem3A_518 = arith.remsi %add3A_472, %select_n3A_517 : i32
        %ne3A_519 = arith.constant 0 : i32
        %ne3A_520 = arith.cmpi ne, %rem3A_518, %ne3A_519 : i32
        %lt3A_521 = arith.constant 0 : i32
        %lt3A_522 = arith.cmpi slt, %rem3A_518, %lt3A_521 : i32
        %lt3A_523 = arith.constant 0 : i32
        %lt3A_524 = arith.cmpi slt, %select_n3A_517, %lt3A_523 : i32
        %ne3A_525 = arith.xori %lt3A_522, %lt3A_524 : i1
        %and3A_526 = arith.andi %ne3A_525, %ne3A_520 : i1
        %add3A_527 = arith.addi %rem3A_518, %select_n3A_517 : i32
        %select_n3A_528 = arith.select %and3A_526, %add3A_527, %rem3A_518 : i32
        %jit3A_529 = arith.constant 4 : i32
        %eq3A_530 = arith.constant 0 : i32
        %eq3A_531 = arith.cmpi eq, %jit3A_529, %eq3A_530 : i32
        %jit3A_532 = arith.constant 1 : i32
        %select_n3A_533 = arith.select %eq3A_531, %jit3A_532, %jit3A_529 : i32
        %rem3A_534 = arith.remsi %select_n3A_528, %select_n3A_533 : i32
        %ne3A_535 = arith.constant 0 : i32
        %ne3A_536 = arith.cmpi ne, %rem3A_534, %ne3A_535 : i32
        %lt3A_537 = arith.constant 0 : i32
        %lt3A_538 = arith.cmpi slt, %rem3A_534, %lt3A_537 : i32
        %lt3A_539 = arith.constant 0 : i32
        %lt3A_540 = arith.cmpi slt, %select_n3A_533, %lt3A_539 : i32
        %ne3A_541 = arith.xori %lt3A_538, %lt3A_540 : i1
        %and3A_542 = arith.andi %ne3A_541, %ne3A_536 : i1
        %add3A_543 = arith.addi %rem3A_534, %select_n3A_533 : i32
        %select_n3A_544 = arith.select %and3A_542, %add3A_543, %rem3A_534 : i32
        %dma_start3A_545 = arith.constant 0 : i32
        %dma_start3A_546 = arith.constant 0 : i32
        %dma_start3A_547 = tpu.memref_slice %arg9[%select_n3A_544, %dma_start3A_545, %dma_start3A_546] : memref<4x128x64xf32, #tpu.memory_space<vmem>> -> memref<1x128x64xf32, #tpu.memory_space<vmem>>
        %dma_start3A_548 = tpu.memref_squeeze %dma_start3A_547 : memref<1x128x64xf32, #tpu.memory_space<vmem>> -> memref<128x64xf32, #tpu.memory_space<vmem>>
        %dma_start3A_549 = arith.constant 0 : i32
        %dma_start3A_550 = tpu.memref_slice %arg7[%select_n3A_512, %select_n3A_528, %dma_start3A_549] : memref<2x12x128xi32, #tpu.memory_space<vmem>> -> memref<1x1x128xi32, #tpu.memory_space<vmem>>
        %dma_start3A_551 = tpu.memref_squeeze %dma_start3A_550 : memref<1x1x128xi32, #tpu.memory_space<vmem>> -> memref<128xi32, #tpu.memory_space<vmem>>
        %dma_start3A_552 = arith.constant 0 : i32
        %dma_start3A_553 = arith.constant 0 : i32
        %dma_start3A_554 = tpu.memref_slice %arg5[%dma_start3A_552, %dma_start3A_553] : memref<10240x64xf32, #tpu.memory_space<vmem_shared>> -> memref<10240x64xf32, #tpu.memory_space<vmem_shared>>
        %dma_start3A_555 = tpu.memref_slice %arg11[%select_n3A_544] : memref<4x!tpu.dma_semaphore, #tpu.memory_space<semaphore_mem>> -> memref<1x!tpu.dma_semaphore, #tpu.memory_space<semaphore_mem>>
        %dma_start3A_556 = tpu.memref_squeeze %dma_start3A_555 : memref<1x!tpu.dma_semaphore, #tpu.memory_space<semaphore_mem>> -> memref<!tpu.dma_semaphore, #tpu.memory_space<semaphore_mem>>
        tpu.enqueue_indirect_dma source(%dma_start3A_554 : memref<10240x64xf32, #tpu.memory_space<vmem_shared>>) target(%dma_start3A_548 : memref<128x64xf32, #tpu.memory_space<vmem>>) offsets(%dma_start3A_551 : memref<128xi32, #tpu.memory_space<vmem>>) semaphore(%dma_start3A_556 : memref<!tpu.dma_semaphore, #tpu.memory_space<semaphore_mem>>)
      } else {
      }
      %jit3A_273 = arith.constant 12 : i32
      %div3A_274 = arith.divsi %scan3A_223, %jit3A_273 : i32
      %sign3A_275 = arith.constant 0 : i32
      %sign3A_276 = arith.cmpi sgt, %scan3A_223, %sign3A_275 : i32
      %sign3A_277 = arith.extui %sign3A_276 : i1 to i32
      %sign3A_278 = arith.constant 0 : i32
      %sign3A_279 = arith.cmpi slt, %scan3A_223, %sign3A_278 : i32
      %sign3A_280 = arith.extui %sign3A_279 : i1 to i32
      %sign3A_281 = arith.subi %sign3A_277, %sign3A_280 : i32
      %sign3A_282 = arith.constant 0 : i32
      %sign3A_283 = arith.cmpi sgt, %jit3A_273, %sign3A_282 : i32
      %sign3A_284 = arith.extui %sign3A_283 : i1 to i32
      %sign3A_285 = arith.constant 0 : i32
      %sign3A_286 = arith.cmpi slt, %jit3A_273, %sign3A_285 : i32
      %sign3A_287 = arith.extui %sign3A_286 : i1 to i32
      %sign3A_288 = arith.subi %sign3A_284, %sign3A_287 : i32
      %ne3A_289 = arith.cmpi ne, %sign3A_281, %sign3A_288 : i32
      %rem3A_290 = arith.remsi %scan3A_223, %jit3A_273 : i32
      %ne3A_291 = arith.constant 0 : i32
      %ne3A_292 = arith.cmpi ne, %rem3A_290, %ne3A_291 : i32
      %and3A_293 = arith.andi %ne3A_289, %ne3A_292 : i1
      %sub3A_294 = arith.constant 1 : i32
      %sub3A_295 = arith.subi %div3A_274, %sub3A_294 : i32
      %select_n3A_296 = arith.select %and3A_293, %sub3A_295, %div3A_274 : i32
      %jit3A_297 = arith.constant 2 : i32
      %eq3A_298 = arith.constant 0 : i32
      %eq3A_299 = arith.cmpi eq, %jit3A_297, %eq3A_298 : i32
      %jit3A_300 = arith.constant 1 : i32
      %select_n3A_301 = arith.select %eq3A_299, %jit3A_300, %jit3A_297 : i32
      %rem3A_302 = arith.remsi %select_n3A_296, %select_n3A_301 : i32
      %ne3A_303 = arith.constant 0 : i32
      %ne3A_304 = arith.cmpi ne, %rem3A_302, %ne3A_303 : i32
      %lt3A_305 = arith.constant 0 : i32
      %lt3A_306 = arith.cmpi slt, %rem3A_302, %lt3A_305 : i32
      %lt3A_307 = arith.constant 0 : i32
      %lt3A_308 = arith.cmpi slt, %select_n3A_301, %lt3A_307 : i32
      %ne3A_309 = arith.xori %lt3A_306, %lt3A_308 : i1
      %and3A_310 = arith.andi %ne3A_309, %ne3A_304 : i1
      %add3A_311 = arith.addi %rem3A_302, %select_n3A_301 : i32
      %select_n3A_312 = arith.select %and3A_310, %add3A_311, %rem3A_302 : i32
      %jit3A_313 = arith.constant 12 : i32
      %eq3A_314 = arith.constant 0 : i32
      %eq3A_315 = arith.cmpi eq, %jit3A_313, %eq3A_314 : i32
      %jit3A_316 = arith.constant 1 : i32
      %select_n3A_317 = arith.select %eq3A_315, %jit3A_316, %jit3A_313 : i32
      %rem3A_318 = arith.remsi %scan3A_223, %select_n3A_317 : i32
      %ne3A_319 = arith.constant 0 : i32
      %ne3A_320 = arith.cmpi ne, %rem3A_318, %ne3A_319 : i32
      %lt3A_321 = arith.constant 0 : i32
      %lt3A_322 = arith.cmpi slt, %rem3A_318, %lt3A_321 : i32
      %lt3A_323 = arith.constant 0 : i32
      %lt3A_324 = arith.cmpi slt, %select_n3A_317, %lt3A_323 : i32
      %ne3A_325 = arith.xori %lt3A_322, %lt3A_324 : i1
      %and3A_326 = arith.andi %ne3A_325, %ne3A_320 : i1
      %add3A_327 = arith.addi %rem3A_318, %select_n3A_317 : i32
      %select_n3A_328 = arith.select %and3A_326, %add3A_327, %rem3A_318 : i32
      %jit3A_329 = arith.constant 4 : i32
      %eq3A_330 = arith.constant 0 : i32
      %eq3A_331 = arith.cmpi eq, %jit3A_329, %eq3A_330 : i32
      %jit3A_332 = arith.constant 1 : i32
      %select_n3A_333 = arith.select %eq3A_331, %jit3A_332, %jit3A_329 : i32
      %rem3A_334 = arith.remsi %select_n3A_328, %select_n3A_333 : i32
      %ne3A_335 = arith.constant 0 : i32
      %ne3A_336 = arith.cmpi ne, %rem3A_334, %ne3A_335 : i32
      %lt3A_337 = arith.constant 0 : i32
      %lt3A_338 = arith.cmpi slt, %rem3A_334, %lt3A_337 : i32
      %lt3A_339 = arith.constant 0 : i32
      %lt3A_340 = arith.cmpi slt, %select_n3A_333, %lt3A_339 : i32
      %ne3A_341 = arith.xori %lt3A_338, %lt3A_340 : i1
      %and3A_342 = arith.andi %ne3A_341, %ne3A_336 : i1
      %add3A_343 = arith.addi %rem3A_334, %select_n3A_333 : i32
      %select_n3A_344 = arith.select %and3A_342, %add3A_343, %rem3A_334 : i32
      %dma_wait3A_345 = arith.constant 0 : i32
      %dma_wait3A_346 = arith.constant 0 : i32
      %dma_wait3A_347 = tpu.memref_slice %arg9[%select_n3A_344, %dma_wait3A_345, %dma_wait3A_346] : memref<4x128x64xf32, #tpu.memory_space<vmem>> -> memref<1x128x64xf32, #tpu.memory_space<vmem>>
      %dma_wait3A_348 = tpu.memref_squeeze %dma_wait3A_347 : memref<1x128x64xf32, #tpu.memory_space<vmem>> -> memref<128x64xf32, #tpu.memory_space<vmem>>
      %dma_wait3A_349 = arith.constant 0 : i32
      %dma_wait3A_350 = tpu.memref_slice %arg7[%select_n3A_312, %select_n3A_328, %dma_wait3A_349] : memref<2x12x128xi32, #tpu.memory_space<vmem>> -> memref<1x1x128xi32, #tpu.memory_space<vmem>>
      %dma_wait3A_351 = tpu.memref_squeeze %dma_wait3A_350 : memref<1x1x128xi32, #tpu.memory_space<vmem>> -> memref<128xi32, #tpu.memory_space<vmem>>
      %dma_wait3A_352 = arith.constant 0 : i32
      %dma_wait3A_353 = arith.constant 0 : i32
      %dma_wait3A_354 = tpu.memref_slice %arg5[%dma_wait3A_352, %dma_wait3A_353] : memref<10240x64xf32, #tpu.memory_space<vmem_shared>> -> memref<10240x64xf32, #tpu.memory_space<vmem_shared>>
      %dma_wait3A_355 = tpu.memref_slice %arg11[%select_n3A_344] : memref<4x!tpu.dma_semaphore, #tpu.memory_space<semaphore_mem>> -> memref<1x!tpu.dma_semaphore, #tpu.memory_space<semaphore_mem>>
      %dma_wait3A_356 = tpu.memref_squeeze %dma_wait3A_355 : memref<1x!tpu.dma_semaphore, #tpu.memory_space<semaphore_mem>> -> memref<!tpu.dma_semaphore, #tpu.memory_space<semaphore_mem>>
      tpu.wait_indirect_dma semaphore(%dma_wait3A_356 : memref<!tpu.dma_semaphore, #tpu.memory_space<semaphore_mem>>) src(%dma_wait3A_354 : memref<10240x64xf32, #tpu.memory_space<vmem_shared>>) dst(%dma_wait3A_348 : memref<128x64xf32, #tpu.memory_space<vmem>>)
      %jit3A_357 = arith.constant 12 : i32
      %div3A_358 = arith.divsi %scan3A_223, %jit3A_357 : i32
      %sign3A_359 = arith.constant 0 : i32
      %sign3A_360 = arith.cmpi sgt, %scan3A_223, %sign3A_359 : i32
      %sign3A_361 = arith.extui %sign3A_360 : i1 to i32
      %sign3A_362 = arith.constant 0 : i32
      %sign3A_363 = arith.cmpi slt, %scan3A_223, %sign3A_362 : i32
      %sign3A_364 = arith.extui %sign3A_363 : i1 to i32
      %sign3A_365 = arith.subi %sign3A_361, %sign3A_364 : i32
      %sign3A_366 = arith.constant 0 : i32
      %sign3A_367 = arith.cmpi sgt, %jit3A_357, %sign3A_366 : i32
      %sign3A_368 = arith.extui %sign3A_367 : i1 to i32
      %sign3A_369 = arith.constant 0 : i32
      %sign3A_370 = arith.cmpi slt, %jit3A_357, %sign3A_369 : i32
      %sign3A_371 = arith.extui %sign3A_370 : i1 to i32
      %sign3A_372 = arith.subi %sign3A_368, %sign3A_371 : i32
      %ne3A_373 = arith.cmpi ne, %sign3A_365, %sign3A_372 : i32
      %rem3A_374 = arith.remsi %scan3A_223, %jit3A_357 : i32
      %ne3A_375 = arith.constant 0 : i32
      %ne3A_376 = arith.cmpi ne, %rem3A_374, %ne3A_375 : i32
      %and3A_377 = arith.andi %ne3A_373, %ne3A_376 : i1
      %sub3A_378 = arith.constant 1 : i32
      %sub3A_379 = arith.subi %div3A_358, %sub3A_378 : i32
      %select_n3A_380 = arith.select %and3A_377, %sub3A_379, %div3A_358 : i32
      %jit3A_381 = arith.constant 2 : i32
      %eq3A_382 = arith.constant 0 : i32
      %eq3A_383 = arith.cmpi eq, %jit3A_381, %eq3A_382 : i32
      %jit3A_384 = arith.constant 1 : i32
      %select_n3A_385 = arith.select %eq3A_383, %jit3A_384, %jit3A_381 : i32
      %rem3A_386 = arith.remsi %select_n3A_380, %select_n3A_385 : i32
      %ne3A_387 = arith.constant 0 : i32
      %ne3A_388 = arith.cmpi ne, %rem3A_386, %ne3A_387 : i32
      %lt3A_389 = arith.constant 0 : i32
      %lt3A_390 = arith.cmpi slt, %rem3A_386, %lt3A_389 : i32
      %lt3A_391 = arith.constant 0 : i32
      %lt3A_392 = arith.cmpi slt, %select_n3A_385, %lt3A_391 : i32
      %ne3A_393 = arith.xori %lt3A_390, %lt3A_392 : i1
      %and3A_394 = arith.andi %ne3A_393, %ne3A_388 : i1
      %add3A_395 = arith.addi %rem3A_386, %select_n3A_385 : i32
      %select_n3A_396 = arith.select %and3A_394, %add3A_395, %rem3A_386 : i32
      %jit3A_397 = arith.constant 12 : i32
      %eq3A_398 = arith.constant 0 : i32
      %eq3A_399 = arith.cmpi eq, %jit3A_397, %eq3A_398 : i32
      %jit3A_400 = arith.constant 1 : i32
      %select_n3A_401 = arith.select %eq3A_399, %jit3A_400, %jit3A_397 : i32
      %rem3A_402 = arith.remsi %scan3A_223, %select_n3A_401 : i32
      %ne3A_403 = arith.constant 0 : i32
      %ne3A_404 = arith.cmpi ne, %rem3A_402, %ne3A_403 : i32
      %lt3A_405 = arith.constant 0 : i32
      %lt3A_406 = arith.cmpi slt, %rem3A_402, %lt3A_405 : i32
      %lt3A_407 = arith.constant 0 : i32
      %lt3A_408 = arith.cmpi slt, %select_n3A_401, %lt3A_407 : i32
      %ne3A_409 = arith.xori %lt3A_406, %lt3A_408 : i1
      %and3A_410 = arith.andi %ne3A_409, %ne3A_404 : i1
      %add3A_411 = arith.addi %rem3A_402, %select_n3A_401 : i32
      %select_n3A_412 = arith.select %and3A_410, %add3A_411, %rem3A_402 : i32
      %jit3A_413 = arith.constant 4 : i32
      %eq3A_414 = arith.constant 0 : i32
      %eq3A_415 = arith.cmpi eq, %jit3A_413, %eq3A_414 : i32
      %jit3A_416 = arith.constant 1 : i32
      %select_n3A_417 = arith.select %eq3A_415, %jit3A_416, %jit3A_413 : i32
      %rem3A_418 = arith.remsi %select_n3A_412, %select_n3A_417 : i32
      %ne3A_419 = arith.constant 0 : i32
      %ne3A_420 = arith.cmpi ne, %rem3A_418, %ne3A_419 : i32
      %lt3A_421 = arith.constant 0 : i32
      %lt3A_422 = arith.cmpi slt, %rem3A_418, %lt3A_421 : i32
      %lt3A_423 = arith.constant 0 : i32
      %lt3A_424 = arith.cmpi slt, %select_n3A_417, %lt3A_423 : i32
      %ne3A_425 = arith.xori %lt3A_422, %lt3A_424 : i1
      %and3A_426 = arith.andi %ne3A_425, %ne3A_420 : i1
      %add3A_427 = arith.addi %rem3A_418, %select_n3A_417 : i32
      %select_n3A_428 = arith.select %and3A_426, %add3A_427, %rem3A_418 : i32
      %dma_start3A_429 = arith.constant 0 : i32
      %dma_start3A_430 = arith.constant 0 : i32
      %dma_start3A_431 = tpu.memref_slice %arg9[%select_n3A_428, %dma_start3A_429, %dma_start3A_430] : memref<4x128x64xf32, #tpu.memory_space<vmem>> -> memref<1x128x64xf32, #tpu.memory_space<vmem>>
      %dma_start3A_432 = tpu.memref_squeeze %dma_start3A_431 : memref<1x128x64xf32, #tpu.memory_space<vmem>> -> memref<128x64xf32, #tpu.memory_space<vmem>>
      %dma_start3A_433 = arith.constant 0 : i32
      %dma_start3A_434 = tpu.memref_slice %arg8[%select_n3A_396, %select_n3A_412, %dma_start3A_433] : memref<2x12x128xi32, #tpu.memory_space<vmem>> -> memref<1x1x128xi32, #tpu.memory_space<vmem>>
      %dma_start3A_435 = tpu.memref_squeeze %dma_start3A_434 : memref<1x1x128xi32, #tpu.memory_space<vmem>> -> memref<128xi32, #tpu.memory_space<vmem>>
      %dma_start3A_436 = arith.constant 0 : i32
      %dma_start3A_437 = arith.constant 0 : i32
      %dma_start3A_438 = tpu.memref_slice %arg6[%dma_start3A_436, %dma_start3A_437] : memref<10240x64xf32, #tpu.memory_space<vmem_shared>> -> memref<10240x64xf32, #tpu.memory_space<vmem_shared>>
      %dma_start3A_439 = tpu.memref_slice %arg12[%select_n3A_428] : memref<4x!tpu.dma_semaphore, #tpu.memory_space<semaphore_mem>> -> memref<1x!tpu.dma_semaphore, #tpu.memory_space<semaphore_mem>>
      %dma_start3A_440 = tpu.memref_squeeze %dma_start3A_439 : memref<1x!tpu.dma_semaphore, #tpu.memory_space<semaphore_mem>> -> memref<!tpu.dma_semaphore, #tpu.memory_space<semaphore_mem>>
      tpu.enqueue_indirect_dma source(%dma_start3A_432 : memref<128x64xf32, #tpu.memory_space<vmem>>) target(%dma_start3A_438 : memref<10240x64xf32, #tpu.memory_space<vmem_shared>>) offsets(%dma_start3A_435 : memref<128xi32, #tpu.memory_space<vmem>>) semaphore(%dma_start3A_440 : memref<!tpu.dma_semaphore, #tpu.memory_space<semaphore_mem>>) {add = true}
      %scan3A_441 = arith.constant 0 : i32
      scf.yield %scan3A_441 : i32
    }
    %scan3A_155 = arith.constant 156 : i32
    %dma_wait3A_156 = arith.constant 0 : i32
    %dma_wait3A_157 = arith.constant 0 : i32
    %dma_wait3A_158 = arith.constant 8 : i32
    %dma_wait3A_159 = arith.constant 0 : i32
    %dma_wait3A_160 = arith.constant 0 : i32
    %dma_wait3A_161 = arith.constant 0 : i32
    %dma_wait3A_162 = tpu.memref_slice %arg9[%dma_wait3A_156, %dma_wait3A_160, %dma_wait3A_161] : memref<4x128x64xf32, #tpu.memory_space<vmem>> -> memref<1x128x64xf32, #tpu.memory_space<vmem>>
    %dma_wait3A_163 = tpu.memref_squeeze %dma_wait3A_162 : memref<1x128x64xf32, #tpu.memory_space<vmem>> -> memref<128x64xf32, #tpu.memory_space<vmem>>
    %dma_wait3A_164 = arith.constant 0 : i32
    %dma_wait3A_165 = tpu.memref_slice %arg8[%dma_wait3A_157, %dma_wait3A_158, %dma_wait3A_164] : memref<2x12x128xi32, #tpu.memory_space<vmem>> -> memref<1x1x128xi32, #tpu.memory_space<vmem>>
    %dma_wait3A_166 = tpu.memref_squeeze %dma_wait3A_165 : memref<1x1x128xi32, #tpu.memory_space<vmem>> -> memref<128xi32, #tpu.memory_space<vmem>>
    %dma_wait3A_167 = arith.constant 0 : i32
    %dma_wait3A_168 = arith.constant 0 : i32
    %dma_wait3A_169 = tpu.memref_slice %arg6[%dma_wait3A_167, %dma_wait3A_168] : memref<10240x64xf32, #tpu.memory_space<vmem_shared>> -> memref<10240x64xf32, #tpu.memory_space<vmem_shared>>
    %dma_wait3A_170 = tpu.memref_slice %arg12[%dma_wait3A_159] : memref<4x!tpu.dma_semaphore, #tpu.memory_space<semaphore_mem>> -> memref<1x!tpu.dma_semaphore, #tpu.memory_space<semaphore_mem>>
    %dma_wait3A_171 = tpu.memref_squeeze %dma_wait3A_170 : memref<1x!tpu.dma_semaphore, #tpu.memory_space<semaphore_mem>> -> memref<!tpu.dma_semaphore, #tpu.memory_space<semaphore_mem>>
    tpu.wait_indirect_dma semaphore(%dma_wait3A_171 : memref<!tpu.dma_semaphore, #tpu.memory_space<semaphore_mem>>) src(%dma_wait3A_163 : memref<128x64xf32, #tpu.memory_space<vmem>>) dst(%dma_wait3A_169 : memref<10240x64xf32, #tpu.memory_space<vmem_shared>>)
    %dma_wait3A_172 = arith.constant 1 : i32
    %dma_wait3A_173 = arith.constant 0 : i32
    %dma_wait3A_174 = arith.constant 9 : i32
    %dma_wait3A_175 = arith.constant 1 : i32
    %dma_wait3A_176 = arith.constant 0 : i32
    %dma_wait3A_177 = arith.constant 0 : i32
    %dma_wait3A_178 = tpu.memref_slice %arg9[%dma_wait3A_172, %dma_wait3A_176, %dma_wait3A_177] : memref<4x128x64xf32, #tpu.memory_space<vmem>> -> memref<1x128x64xf32, #tpu.memory_space<vmem>>
    %dma_wait3A_179 = tpu.memref_squeeze %dma_wait3A_178 : memref<1x128x64xf32, #tpu.memory_space<vmem>> -> memref<128x64xf32, #tpu.memory_space<vmem>>
    %dma_wait3A_180 = arith.constant 0 : i32
    %dma_wait3A_181 = tpu.memref_slice %arg8[%dma_wait3A_173, %dma_wait3A_174, %dma_wait3A_180] : memref<2x12x128xi32, #tpu.memory_space<vmem>> -> memref<1x1x128xi32, #tpu.memory_space<vmem>>
    %dma_wait3A_182 = tpu.memref_squeeze %dma_wait3A_181 : memref<1x1x128xi32, #tpu.memory_space<vmem>> -> memref<128xi32, #tpu.memory_space<vmem>>
    %dma_wait3A_183 = arith.constant 0 : i32
    %dma_wait3A_184 = arith.constant 0 : i32
    %dma_wait3A_185 = tpu.memref_slice %arg6[%dma_wait3A_183, %dma_wait3A_184] : memref<10240x64xf32, #tpu.memory_space<vmem_shared>> -> memref<10240x64xf32, #tpu.memory_space<vmem_shared>>
    %dma_wait3A_186 = tpu.memref_slice %arg12[%dma_wait3A_175] : memref<4x!tpu.dma_semaphore, #tpu.memory_space<semaphore_mem>> -> memref<1x!tpu.dma_semaphore, #tpu.memory_space<semaphore_mem>>
    %dma_wait3A_187 = tpu.memref_squeeze %dma_wait3A_186 : memref<1x!tpu.dma_semaphore, #tpu.memory_space<semaphore_mem>> -> memref<!tpu.dma_semaphore, #tpu.memory_space<semaphore_mem>>
    tpu.wait_indirect_dma semaphore(%dma_wait3A_187 : memref<!tpu.dma_semaphore, #tpu.memory_space<semaphore_mem>>) src(%dma_wait3A_179 : memref<128x64xf32, #tpu.memory_space<vmem>>) dst(%dma_wait3A_185 : memref<10240x64xf32, #tpu.memory_space<vmem_shared>>)
    %dma_wait3A_188 = arith.constant 2 : i32
    %dma_wait3A_189 = arith.constant 0 : i32
    %dma_wait3A_190 = arith.constant 10 : i32
    %dma_wait3A_191 = arith.constant 2 : i32
    %dma_wait3A_192 = arith.constant 0 : i32
    %dma_wait3A_193 = arith.constant 0 : i32
    %dma_wait3A_194 = tpu.memref_slice %arg9[%dma_wait3A_188, %dma_wait3A_192, %dma_wait3A_193] : memref<4x128x64xf32, #tpu.memory_space<vmem>> -> memref<1x128x64xf32, #tpu.memory_space<vmem>>
    %dma_wait3A_195 = tpu.memref_squeeze %dma_wait3A_194 : memref<1x128x64xf32, #tpu.memory_space<vmem>> -> memref<128x64xf32, #tpu.memory_space<vmem>>
    %dma_wait3A_196 = arith.constant 0 : i32
    %dma_wait3A_197 = tpu.memref_slice %arg8[%dma_wait3A_189, %dma_wait3A_190, %dma_wait3A_196] : memref<2x12x128xi32, #tpu.memory_space<vmem>> -> memref<1x1x128xi32, #tpu.memory_space<vmem>>
    %dma_wait3A_198 = tpu.memref_squeeze %dma_wait3A_197 : memref<1x1x128xi32, #tpu.memory_space<vmem>> -> memref<128xi32, #tpu.memory_space<vmem>>
    %dma_wait3A_199 = arith.constant 0 : i32
    %dma_wait3A_200 = arith.constant 0 : i32
    %dma_wait3A_201 = tpu.memref_slice %arg6[%dma_wait3A_199, %dma_wait3A_200] : memref<10240x64xf32, #tpu.memory_space<vmem_shared>> -> memref<10240x64xf32, #tpu.memory_space<vmem_shared>>
    %dma_wait3A_202 = tpu.memref_slice %arg12[%dma_wait3A_191] : memref<4x!tpu.dma_semaphore, #tpu.memory_space<semaphore_mem>> -> memref<1x!tpu.dma_semaphore, #tpu.memory_space<semaphore_mem>>
    %dma_wait3A_203 = tpu.memref_squeeze %dma_wait3A_202 : memref<1x!tpu.dma_semaphore, #tpu.memory_space<semaphore_mem>> -> memref<!tpu.dma_semaphore, #tpu.memory_space<semaphore_mem>>
    tpu.wait_indirect_dma semaphore(%dma_wait3A_203 : memref<!tpu.dma_semaphore, #tpu.memory_space<semaphore_mem>>) src(%dma_wait3A_195 : memref<128x64xf32, #tpu.memory_space<vmem>>) dst(%dma_wait3A_201 : memref<10240x64xf32, #tpu.memory_space<vmem_shared>>)
    %dma_wait3A_204 = arith.constant 3 : i32
    %dma_wait3A_205 = arith.constant 0 : i32
    %dma_wait3A_206 = arith.constant 11 : i32
    %dma_wait3A_207 = arith.constant 3 : i32
    %dma_wait3A_208 = arith.constant 0 : i32
    %dma_wait3A_209 = arith.constant 0 : i32
    %dma_wait3A_210 = tpu.memref_slice %arg9[%dma_wait3A_204, %dma_wait3A_208, %dma_wait3A_209] : memref<4x128x64xf32, #tpu.memory_space<vmem>> -> memref<1x128x64xf32, #tpu.memory_space<vmem>>
    %dma_wait3A_211 = tpu.memref_squeeze %dma_wait3A_210 : memref<1x128x64xf32, #tpu.memory_space<vmem>> -> memref<128x64xf32, #tpu.memory_space<vmem>>
    %dma_wait3A_212 = arith.constant 0 : i32
    %dma_wait3A_213 = tpu.memref_slice %arg8[%dma_wait3A_205, %dma_wait3A_206, %dma_wait3A_212] : memref<2x12x128xi32, #tpu.memory_space<vmem>> -> memref<1x1x128xi32, #tpu.memory_space<vmem>>
    %dma_wait3A_214 = tpu.memref_squeeze %dma_wait3A_213 : memref<1x1x128xi32, #tpu.memory_space<vmem>> -> memref<128xi32, #tpu.memory_space<vmem>>
    %dma_wait3A_215 = arith.constant 0 : i32
    %dma_wait3A_216 = arith.constant 0 : i32
    %dma_wait3A_217 = tpu.memref_slice %arg6[%dma_wait3A_215, %dma_wait3A_216] : memref<10240x64xf32, #tpu.memory_space<vmem_shared>> -> memref<10240x64xf32, #tpu.memory_space<vmem_shared>>
    %dma_wait3A_218 = tpu.memref_slice %arg12[%dma_wait3A_207] : memref<4x!tpu.dma_semaphore, #tpu.memory_space<semaphore_mem>> -> memref<1x!tpu.dma_semaphore, #tpu.memory_space<semaphore_mem>>
    %dma_wait3A_219 = tpu.memref_squeeze %dma_wait3A_218 : memref<1x!tpu.dma_semaphore, #tpu.memory_space<semaphore_mem>> -> memref<!tpu.dma_semaphore, #tpu.memory_space<semaphore_mem>>
    tpu.wait_indirect_dma semaphore(%dma_wait3A_219 : memref<!tpu.dma_semaphore, #tpu.memory_space<semaphore_mem>>) src(%dma_wait3A_211 : memref<128x64xf32, #tpu.memory_space<vmem>>) dst(%dma_wait3A_217 : memref<10240x64xf32, #tpu.memory_space<vmem_shared>>)
    %lt3A = arith.constant 4 : i32
    %lt3A_220 = arith.cmpi slt, %arg1, %lt3A : i32
    %convert_element_type3A = arith.extui %lt3A_220 : i1 to i32
    %cond3A = arith.constant 0 : i32
    %cond3A_221 = arith.cmpi ne, %convert_element_type3A, %cond3A : i32
    scf.if %cond3A_221 {
      %add3A_223 = arith.constant 2496 : i32
      %add3A_224 = arith.addi %add3A_223, %arg1 : i32
      %run_scoped3A = arith.constant 0 : i32
      %run_scoped3A_225 = arith.constant 0 : i32
      "tpu.region"() ({
        %run_scoped3A_263 = tpu.sem_alloc : memref<!tpu.dma_semaphore, #tpu.memory_space<semaphore_mem>>
        %dma_start3A_264 = arith.constant 0 : i32
        %dma_start3A_265 = arith.constant 0 : i32
        %dma_start3A_266 = tpu.memref_slice %arg7[%run_scoped3A_225, %dma_start3A_264, %dma_start3A_265] : memref<2x12x128xi32, #tpu.memory_space<vmem>> -> memref<1x1x128xi32, #tpu.memory_space<vmem>>
        %dma_start3A_267 = tpu.memref_squeeze %dma_start3A_266 : memref<1x1x128xi32, #tpu.memory_space<vmem>> -> memref<1x128xi32, #tpu.memory_space<vmem>>
        %dma_start3A_268 = arith.constant 0 : i32
        %dma_start3A_269 = tpu.memref_slice %arg3[%run_scoped3A, %add3A_224, %dma_start3A_268] : memref<2x2500x128xi32, #tpu.memory_space<hbm>> -> memref<1x1x128xi32, #tpu.memory_space<hbm>>
        %dma_start3A_270 = tpu.memref_squeeze %dma_start3A_269 : memref<1x1x128xi32, #tpu.memory_space<hbm>> -> memref<1x128xi32, #tpu.memory_space<hbm>>
        %dma_start3A_271 = arith.constant 0 : i32
        %dma_start3A_272 = arith.constant 0 : i32
        %dma_start3A_273 = tpu.memref_slice %arg7[%run_scoped3A_225, %dma_start3A_271, %dma_start3A_272] : memref<2x12x128xi32, #tpu.memory_space<vmem>> -> memref<1x1x128xi32, #tpu.memory_space<vmem>>
        %dma_start3A_274 = tpu.memref_squeeze %dma_start3A_273 : memref<1x1x128xi32, #tpu.memory_space<vmem>> -> memref<1x128xi32, #tpu.memory_space<vmem>>
        %dma_start3A_275 = arith.constant 0 : i32
        %dma_start3A_276 = tpu.memref_slice %arg3[%run_scoped3A, %add3A_224, %dma_start3A_275] : memref<2x2500x128xi32, #tpu.memory_space<hbm>> -> memref<1x1x128xi32, #tpu.memory_space<hbm>>
        %dma_start3A_277 = tpu.memref_squeeze %dma_start3A_276 : memref<1x1x128xi32, #tpu.memory_space<hbm>> -> memref<1x128xi32, #tpu.memory_space<hbm>>
        tpu.enqueue_dma source(%dma_start3A_277 : memref<1x128xi32, #tpu.memory_space<hbm>>) target(%dma_start3A_274 : memref<1x128xi32, #tpu.memory_space<vmem>>) target_semaphore(%run_scoped3A_263 : memref<!tpu.dma_semaphore, #tpu.memory_space<semaphore_mem>>)
        %dma_wait3A_278 = arith.constant 0 : i32
        %dma_wait3A_279 = arith.constant 0 : i32
        %dma_wait3A_280 = tpu.memref_slice %arg7[%run_scoped3A_225, %dma_wait3A_278, %dma_wait3A_279] : memref<2x12x128xi32, #tpu.memory_space<vmem>> -> memref<1x1x128xi32, #tpu.memory_space<vmem>>
        %dma_wait3A_281 = tpu.memref_squeeze %dma_wait3A_280 : memref<1x1x128xi32, #tpu.memory_space<vmem>> -> memref<1x128xi32, #tpu.memory_space<vmem>>
        %dma_wait3A_282 = arith.constant 0 : i32
        %dma_wait3A_283 = tpu.memref_slice %arg3[%run_scoped3A, %add3A_224, %dma_wait3A_282] : memref<2x2500x128xi32, #tpu.memory_space<hbm>> -> memref<1x1x128xi32, #tpu.memory_space<hbm>>
        %dma_wait3A_284 = tpu.memref_squeeze %dma_wait3A_283 : memref<1x1x128xi32, #tpu.memory_space<hbm>> -> memref<1x128xi32, #tpu.memory_space<hbm>>
        %dma_wait3A_285 = arith.constant 0 : i32
        %dma_wait3A_286 = arith.constant 0 : i32
        %dma_wait3A_287 = tpu.memref_slice %arg7[%run_scoped3A_225, %dma_wait3A_285, %dma_wait3A_286] : memref<2x12x128xi32, #tpu.memory_space<vmem>> -> memref<1x1x128xi32, #tpu.memory_space<vmem>>
        %dma_wait3A_288 = tpu.memref_squeeze %dma_wait3A_287 : memref<1x1x128xi32, #tpu.memory_space<vmem>> -> memref<1x128xi32, #tpu.memory_space<vmem>>
        %dma_wait3A_289 = arith.constant 0 : i32
        %dma_wait3A_290 = tpu.memref_slice %arg3[%run_scoped3A, %add3A_224, %dma_wait3A_289] : memref<2x2500x128xi32, #tpu.memory_space<hbm>> -> memref<1x1x128xi32, #tpu.memory_space<hbm>>
        %dma_wait3A_291 = tpu.memref_squeeze %dma_wait3A_290 : memref<1x1x128xi32, #tpu.memory_space<hbm>> -> memref<1x128xi32, #tpu.memory_space<hbm>>
        tpu.wait_dma2 semaphore(%run_scoped3A_263 : memref<!tpu.dma_semaphore, #tpu.memory_space<semaphore_mem>>) src(%dma_wait3A_291 : memref<1x128xi32, #tpu.memory_space<hbm>>) dst(%dma_wait3A_288 : memref<1x128xi32, #tpu.memory_space<vmem>>)
        tpu.yield
      }) : () -> ()
      %run_scoped3A_226 = arith.constant 1 : i32
      %run_scoped3A_227 = arith.constant 0 : i32
      "tpu.region"() ({
        %run_scoped3A_263 = tpu.sem_alloc : memref<!tpu.dma_semaphore, #tpu.memory_space<semaphore_mem>>
        %dma_start3A_264 = arith.constant 0 : i32
        %dma_start3A_265 = arith.constant 0 : i32
        %dma_start3A_266 = tpu.memref_slice %arg8[%run_scoped3A_227, %dma_start3A_264, %dma_start3A_265] : memref<2x12x128xi32, #tpu.memory_space<vmem>> -> memref<1x1x128xi32, #tpu.memory_space<vmem>>
        %dma_start3A_267 = tpu.memref_squeeze %dma_start3A_266 : memref<1x1x128xi32, #tpu.memory_space<vmem>> -> memref<1x128xi32, #tpu.memory_space<vmem>>
        %dma_start3A_268 = arith.constant 0 : i32
        %dma_start3A_269 = tpu.memref_slice %arg3[%run_scoped3A_226, %add3A_224, %dma_start3A_268] : memref<2x2500x128xi32, #tpu.memory_space<hbm>> -> memref<1x1x128xi32, #tpu.memory_space<hbm>>
        %dma_start3A_270 = tpu.memref_squeeze %dma_start3A_269 : memref<1x1x128xi32, #tpu.memory_space<hbm>> -> memref<1x128xi32, #tpu.memory_space<hbm>>
        %dma_start3A_271 = arith.constant 0 : i32
        %dma_start3A_272 = arith.constant 0 : i32
        %dma_start3A_273 = tpu.memref_slice %arg8[%run_scoped3A_227, %dma_start3A_271, %dma_start3A_272] : memref<2x12x128xi32, #tpu.memory_space<vmem>> -> memref<1x1x128xi32, #tpu.memory_space<vmem>>
        %dma_start3A_274 = tpu.memref_squeeze %dma_start3A_273 : memref<1x1x128xi32, #tpu.memory_space<vmem>> -> memref<1x128xi32, #tpu.memory_space<vmem>>
        %dma_start3A_275 = arith.constant 0 : i32
        %dma_start3A_276 = tpu.memref_slice %arg3[%run_scoped3A_226, %add3A_224, %dma_start3A_275] : memref<2x2500x128xi32, #tpu.memory_space<hbm>> -> memref<1x1x128xi32, #tpu.memory_space<hbm>>
        %dma_start3A_277 = tpu.memref_squeeze %dma_start3A_276 : memref<1x1x128xi32, #tpu.memory_space<hbm>> -> memref<1x128xi32, #tpu.memory_space<hbm>>
        tpu.enqueue_dma source(%dma_start3A_277 : memref<1x128xi32, #tpu.memory_space<hbm>>) target(%dma_start3A_274 : memref<1x128xi32, #tpu.memory_space<vmem>>) target_semaphore(%run_scoped3A_263 : memref<!tpu.dma_semaphore, #tpu.memory_space<semaphore_mem>>)
        %dma_wait3A_278 = arith.constant 0 : i32
        %dma_wait3A_279 = arith.constant 0 : i32
        %dma_wait3A_280 = tpu.memref_slice %arg8[%run_scoped3A_227, %dma_wait3A_278, %dma_wait3A_279] : memref<2x12x128xi32, #tpu.memory_space<vmem>> -> memref<1x1x128xi32, #tpu.memory_space<vmem>>
        %dma_wait3A_281 = tpu.memref_squeeze %dma_wait3A_280 : memref<1x1x128xi32, #tpu.memory_space<vmem>> -> memref<1x128xi32, #tpu.memory_space<vmem>>
        %dma_wait3A_282 = arith.constant 0 : i32
        %dma_wait3A_283 = tpu.memref_slice %arg3[%run_scoped3A_226, %add3A_224, %dma_wait3A_282] : memref<2x2500x128xi32, #tpu.memory_space<hbm>> -> memref<1x1x128xi32, #tpu.memory_space<hbm>>
        %dma_wait3A_284 = tpu.memref_squeeze %dma_wait3A_283 : memref<1x1x128xi32, #tpu.memory_space<hbm>> -> memref<1x128xi32, #tpu.memory_space<hbm>>
        %dma_wait3A_285 = arith.constant 0 : i32
        %dma_wait3A_286 = arith.constant 0 : i32
        %dma_wait3A_287 = tpu.memref_slice %arg8[%run_scoped3A_227, %dma_wait3A_285, %dma_wait3A_286] : memref<2x12x128xi32, #tpu.memory_space<vmem>> -> memref<1x1x128xi32, #tpu.memory_space<vmem>>
        %dma_wait3A_288 = tpu.memref_squeeze %dma_wait3A_287 : memref<1x1x128xi32, #tpu.memory_space<vmem>> -> memref<1x128xi32, #tpu.memory_space<vmem>>
        %dma_wait3A_289 = arith.constant 0 : i32
        %dma_wait3A_290 = tpu.memref_slice %arg3[%run_scoped3A_226, %add3A_224, %dma_wait3A_289] : memref<2x2500x128xi32, #tpu.memory_space<hbm>> -> memref<1x1x128xi32, #tpu.memory_space<hbm>>
        %dma_wait3A_291 = tpu.memref_squeeze %dma_wait3A_290 : memref<1x1x128xi32, #tpu.memory_space<hbm>> -> memref<1x128xi32, #tpu.memory_space<hbm>>
        tpu.wait_dma2 semaphore(%run_scoped3A_263 : memref<!tpu.dma_semaphore, #tpu.memory_space<semaphore_mem>>) src(%dma_wait3A_291 : memref<1x128xi32, #tpu.memory_space<hbm>>) dst(%dma_wait3A_288 : memref<1x128xi32, #tpu.memory_space<vmem>>)
        tpu.yield
      }) : () -> ()
      %dma_start3A_228 = arith.constant 0 : i32
      %dma_start3A_229 = arith.constant 0 : i32
      %dma_start3A_230 = arith.constant 0 : i32
      %dma_start3A_231 = arith.constant 0 : i32
      %dma_start3A_232 = arith.constant 0 : i32
      %dma_start3A_233 = arith.constant 0 : i32
      %dma_start3A_234 = tpu.memref_slice %arg9[%dma_start3A_230, %dma_start3A_232, %dma_start3A_233] : memref<4x128x64xf32, #tpu.memory_space<vmem>> -> memref<1x128x64xf32, #tpu.memory_space<vmem>>
      %dma_start3A_235 = tpu.memref_squeeze %dma_start3A_234 : memref<1x128x64xf32, #tpu.memory_space<vmem>> -> memref<128x64xf32, #tpu.memory_space<vmem>>
      %dma_start3A_236 = arith.constant 0 : i32
      %dma_start3A_237 = tpu.memref_slice %arg7[%dma_start3A_228, %dma_start3A_229, %dma_start3A_236] : memref<2x12x128xi32, #tpu.memory_space<vmem>> -> memref<1x1x128xi32, #tpu.memory_space<vmem>>
      %dma_start3A_238 = tpu.memref_squeeze %dma_start3A_237 : memref<1x1x128xi32, #tpu.memory_space<vmem>> -> memref<128xi32, #tpu.memory_space<vmem>>
      %dma_start3A_239 = arith.constant 0 : i32
      %dma_start3A_240 = arith.constant 0 : i32
      %dma_start3A_241 = tpu.memref_slice %arg5[%dma_start3A_239, %dma_start3A_240] : memref<10240x64xf32, #tpu.memory_space<vmem_shared>> -> memref<10240x64xf32, #tpu.memory_space<vmem_shared>>
      %dma_start3A_242 = tpu.memref_slice %arg11[%dma_start3A_231] : memref<4x!tpu.dma_semaphore, #tpu.memory_space<semaphore_mem>> -> memref<1x!tpu.dma_semaphore, #tpu.memory_space<semaphore_mem>>
      %dma_start3A_243 = tpu.memref_squeeze %dma_start3A_242 : memref<1x!tpu.dma_semaphore, #tpu.memory_space<semaphore_mem>> -> memref<!tpu.dma_semaphore, #tpu.memory_space<semaphore_mem>>
      tpu.enqueue_indirect_dma source(%dma_start3A_241 : memref<10240x64xf32, #tpu.memory_space<vmem_shared>>) target(%dma_start3A_235 : memref<128x64xf32, #tpu.memory_space<vmem>>) offsets(%dma_start3A_238 : memref<128xi32, #tpu.memory_space<vmem>>) semaphore(%dma_start3A_243 : memref<!tpu.dma_semaphore, #tpu.memory_space<semaphore_mem>>)
      %dma_wait3A_244 = arith.constant 0 : i32
      %dma_wait3A_245 = arith.constant 0 : i32
      %dma_wait3A_246 = arith.constant 0 : i32
      %dma_wait3A_247 = arith.constant 0 : i32
      %dma_wait3A_248 = arith.constant 0 : i32
      %dma_wait3A_249 = arith.constant 0 : i32
      %dma_wait3A_250 = tpu.memref_slice %arg9[%dma_wait3A_246, %dma_wait3A_248, %dma_wait3A_249] : memref<4x128x64xf32, #tpu.memory_space<vmem>> -> memref<1x128x64xf32, #tpu.memory_space<vmem>>
      %dma_wait3A_251 = tpu.memref_squeeze %dma_wait3A_250 : memref<1x128x64xf32, #tpu.memory_space<vmem>> -> memref<128x64xf32, #tpu.memory_space<vmem>>
      %dma_wait3A_252 = arith.constant 0 : i32
      %dma_wait3A_253 = tpu.memref_slice %arg7[%dma_wait3A_244, %dma_wait3A_245, %dma_wait3A_252] : memref<2x12x128xi32, #tpu.memory_space<vmem>> -> memref<1x1x128xi32, #tpu.memory_space<vmem>>
      %dma_wait3A_254 = tpu.memref_squeeze %dma_wait3A_253 : memref<1x1x128xi32, #tpu.memory_space<vmem>> -> memref<128xi32, #tpu.memory_space<vmem>>
      %dma_wait3A_255 = arith.constant 0 : i32
      %dma_wait3A_256 = arith.constant 0 : i32
      %dma_wait3A_257 = tpu.memref_slice %arg5[%dma_wait3A_255, %dma_wait3A_256] : memref<10240x64xf32, #tpu.memory_space<vmem_shared>> -> memref<10240x64xf32, #tpu.memory_space<vmem_shared>>
      %dma_wait3A_258 = tpu.memref_slice %arg11[%dma_wait3A_247] : memref<4x!tpu.dma_semaphore, #tpu.memory_space<semaphore_mem>> -> memref<1x!tpu.dma_semaphore, #tpu.memory_space<semaphore_mem>>
      %dma_wait3A_259 = tpu.memref_squeeze %dma_wait3A_258 : memref<1x!tpu.dma_semaphore, #tpu.memory_space<semaphore_mem>> -> memref<!tpu.dma_semaphore, #tpu.memory_space<semaphore_mem>>
      tpu.wait_indirect_dma semaphore(%dma_wait3A_259 : memref<!tpu.dma_semaphore, #tpu.memory_space<semaphore_mem>>) src(%dma_wait3A_257 : memref<10240x64xf32, #tpu.memory_space<vmem_shared>>) dst(%dma_wait3A_251 : memref<128x64xf32, #tpu.memory_space<vmem>>)
      %run_scoped3A_260 = arith.constant 0 : i32
      %run_scoped3A_261 = arith.constant 0 : i32
      %run_scoped3A_262 = arith.constant 0 : i32
      "tpu.region"() ({
        %run_scoped3A_263 = tpu.sem_alloc : memref<!tpu.dma_semaphore, #tpu.memory_space<semaphore_mem>>
        %dma_start3A_264 = arith.constant 0 : i32
        %dma_start3A_265 = arith.constant 0 : i32
        %dma_start3A_266 = tpu.memref_slice %arg9[%run_scoped3A_260, %dma_start3A_264, %dma_start3A_265] : memref<4x128x64xf32, #tpu.memory_space<vmem>> -> memref<1x128x64xf32, #tpu.memory_space<vmem>>
        %dma_start3A_267 = tpu.memref_squeeze %dma_start3A_266 : memref<1x128x64xf32, #tpu.memory_space<vmem>> -> memref<128x64xf32, #tpu.memory_space<vmem>>
        %dma_start3A_268 = arith.constant 0 : i32
        %dma_start3A_269 = tpu.memref_slice %arg8[%run_scoped3A_261, %run_scoped3A_262, %dma_start3A_268] : memref<2x12x128xi32, #tpu.memory_space<vmem>> -> memref<1x1x128xi32, #tpu.memory_space<vmem>>
        %dma_start3A_270 = tpu.memref_squeeze %dma_start3A_269 : memref<1x1x128xi32, #tpu.memory_space<vmem>> -> memref<128xi32, #tpu.memory_space<vmem>>
        %dma_start3A_271 = arith.constant 0 : i32
        %dma_start3A_272 = arith.constant 0 : i32
        %dma_start3A_273 = tpu.memref_slice %arg6[%dma_start3A_271, %dma_start3A_272] : memref<10240x64xf32, #tpu.memory_space<vmem_shared>> -> memref<10240x64xf32, #tpu.memory_space<vmem_shared>>
        tpu.enqueue_indirect_dma source(%dma_start3A_267 : memref<128x64xf32, #tpu.memory_space<vmem>>) target(%dma_start3A_273 : memref<10240x64xf32, #tpu.memory_space<vmem_shared>>) offsets(%dma_start3A_270 : memref<128xi32, #tpu.memory_space<vmem>>) semaphore(%run_scoped3A_263 : memref<!tpu.dma_semaphore, #tpu.memory_space<semaphore_mem>>) {add = true}
        %dma_wait3A_274 = arith.constant 0 : i32
        %dma_wait3A_275 = arith.constant 0 : i32
        %dma_wait3A_276 = tpu.memref_slice %arg9[%run_scoped3A_260, %dma_wait3A_274, %dma_wait3A_275] : memref<4x128x64xf32, #tpu.memory_space<vmem>> -> memref<1x128x64xf32, #tpu.memory_space<vmem>>
        %dma_wait3A_277 = tpu.memref_squeeze %dma_wait3A_276 : memref<1x128x64xf32, #tpu.memory_space<vmem>> -> memref<128x64xf32, #tpu.memory_space<vmem>>
        %dma_wait3A_278 = arith.constant 0 : i32
        %dma_wait3A_279 = tpu.memref_slice %arg8[%run_scoped3A_261, %run_scoped3A_262, %dma_wait3A_278] : memref<2x12x128xi32, #tpu.memory_space<vmem>> -> memref<1x1x128xi32, #tpu.memory_space<vmem>>
        %dma_wait3A_280 = tpu.memref_squeeze %dma_wait3A_279 : memref<1x1x128xi32, #tpu.memory_space<vmem>> -> memref<128xi32, #tpu.memory_space<vmem>>
        %dma_wait3A_281 = arith.constant 0 : i32
        %dma_wait3A_282 = arith.constant 0 : i32
        %dma_wait3A_283 = tpu.memref_slice %arg6[%dma_wait3A_281, %dma_wait3A_282] : memref<10240x64xf32, #tpu.memory_space<vmem_shared>> -> memref<10240x64xf32, #tpu.memory_space<vmem_shared>>
        tpu.wait_indirect_dma semaphore(%run_scoped3A_263 : memref<!tpu.dma_semaphore, #tpu.memory_space<semaphore_mem>>) src(%dma_wait3A_277 : memref<128x64xf32, #tpu.memory_space<vmem>>) dst(%dma_wait3A_283 : memref<10240x64xf32, #tpu.memory_space<vmem_shared>>)
        tpu.yield
      }) : () -> ()
    } else {
    }
    %barrier3A_222 = arith.constant 0 : index
    tpu.barrier barrier_id(%barrier3A_222)
    "tpu.region"() ({
      %run_scoped3A = tpu.sem_alloc : memref<!tpu.dma_semaphore, #tpu.memory_space<semaphore_mem>>
      %dma_start3A_223 = tpu.memref_slice %arg4[%mul3A_0, %mul3A_2] : memref<10240x128xf32, #tpu.memory_space<hbm>> -> memref<640x64xf32, #tpu.memory_space<hbm>>
      %dma_start3A_224 = arith.constant 0 : i32
      %dma_start3A_225 = tpu.memref_slice %arg6[%mul3A_0, %dma_start3A_224] : memref<10240x64xf32, #tpu.memory_space<vmem_shared>> -> memref<640x64xf32, #tpu.memory_space<vmem_shared>>
      tpu.enqueue_dma source(%dma_start3A_225 : memref<640x64xf32, #tpu.memory_space<vmem_shared>>) target(%dma_start3A_223 : memref<640x64xf32, #tpu.memory_space<hbm>>) target_semaphore(%run_scoped3A : memref<!tpu.dma_semaphore, #tpu.memory_space<semaphore_mem>>)
      %dma_wait3A_226 = tpu.memref_slice %arg4[%mul3A_0, %mul3A_2] : memref<10240x128xf32, #tpu.memory_space<hbm>> -> memref<640x64xf32, #tpu.memory_space<hbm>>
      %dma_wait3A_227 = arith.constant 0 : i32
      %dma_wait3A_228 = tpu.memref_slice %arg6[%mul3A_0, %dma_wait3A_227] : memref<10240x64xf32, #tpu.memory_space<vmem_shared>> -> memref<640x64xf32, #tpu.memory_space<vmem_shared>>
      tpu.wait_dma2 semaphore(%run_scoped3A : memref<!tpu.dma_semaphore, #tpu.memory_space<semaphore_mem>>) src(%dma_wait3A_228 : memref<640x64xf32, #tpu.memory_space<vmem_shared>>) dst(%dma_wait3A_226 : memref<640x64xf32, #tpu.memory_space<hbm>>)
      tpu.yield
    }) : () -> ()
    return
  }
}

module attributes {stable_mosaic.version = 14 : i64} {
  func.func @_pre_body(%arg0: i32, %arg1: memref<2048x128xf32, #tpu.memory_space<vmem>>, %arg2: memref<128x128xf32, #tpu.memory_space<vmem>>, %arg3: memref<1x128xf32, #tpu.memory_space<vmem>>, %arg4: memref<2048x128xf32, #tpu.memory_space<vmem>>) attributes {dimension_semantics = [#tpu.dimension_semantics<arbitrary>], iteration_bounds = array<i64: 5>, scalar_prefetch = 0 : i64, scratch_operands = 0 : i64, tpu.core_type = #tpu.core_type<tc>, window_params = [{transform_indices = @transform_0, window_bounds = array<i64: 2048, 128>}, {pipeline_mode = #tpu.pipeline_mode<synchronous>, transform_indices = @transform_1, window_bounds = array<i64: 128, 128>}, {pipeline_mode = #tpu.pipeline_mode<synchronous>, transform_indices = @transform_2, window_bounds = array<i64: 1, 128>}, {transform_indices = @transform_3, window_bounds = array<i64: 2048, 128>}]} {
    %get3A = arith.constant 0 : index
    %get3A_0 = arith.constant 0 : index
    %get3A_1 = vector.load %arg1[%get3A, %get3A_0] : memref<2048x128xf32, #tpu.memory_space<vmem>>, vector<2048x128xf32>
    %get3A_2 = arith.constant 0 : index
    %get3A_3 = arith.constant 0 : index
    %get3A_4 = vector.load %arg2[%get3A_2, %get3A_3] : memref<128x128xf32, #tpu.memory_space<vmem>>, vector<128x128xf32>
    %dot_general3A = arith.constant dense<0.000000e+00> : vector<2048x128xf32>
    %dot_general3A_5 = tpu.matmul %get3A_1, %get3A_4, %dot_general3A {dimension_numbers = #tpu.dot_dimension_numbers<[1], [0], [0], [1], [0, 0, 1, 1], [], []>, transpose_lhs_hint = false} : vector<2048x128xf32>, vector<128x128xf32>, vector<2048x128xf32> -> vector<2048x128xf32>
    %get3A_6 = arith.constant 0 : index
    %get3A_7 = arith.constant 0 : index
    %get3A_8 = vector.load %arg3[%get3A_6, %get3A_7] : memref<1x128xf32, #tpu.memory_space<vmem>>, vector<1x128xf32>
    %add3A = vector.broadcast %get3A_8 : vector<1x128xf32> to vector<2048x128xf32>
    %add3A_9 = arith.addf %dot_general3A_5, %add3A : vector<2048x128xf32>
    %max3A = arith.constant 0.000000e+00 : f32
    %max3A_10 = vector.broadcast %max3A : f32 to vector<2048x128xf32>
    %max3A_11 = arith.maximumf %add3A_9, %max3A_10 : vector<2048x128xf32>
    %swap3A = arith.constant 0 : index
    %swap3A_12 = arith.constant 0 : index
    %swap3A_13 = vector.load %arg4[%swap3A, %swap3A_12] : memref<2048x128xf32, #tpu.memory_space<vmem>>, vector<2048x128xf32>
    tpu.vector_store %arg4[%swap3A, %swap3A_12], %max3A_11 {strides = array<i32>} : memref<2048x128xf32, #tpu.memory_space<vmem>>, vector<2048x128xf32>,
    return
  }
  func.func @transform_0(%arg0: i32) -> (i32, i32) {
    %c0_i32 = arith.constant 0 : i32
    %c0_i32_0 = arith.constant 0 : i32
    return %arg0, %c0_i32 : i32, i32
  }
  func.func @transform_1(%arg0: i32) -> (i32, i32) {
    %c0_i32 = arith.constant 0 : i32
    %c0_i32_0 = arith.constant 0 : i32
    %c0_i32_1 = arith.constant 0 : i32
    return %c0_i32, %c0_i32_0 : i32, i32
  }
  func.func @transform_2(%arg0: i32) -> (i32, i32) {
    %c0_i32 = arith.constant 0 : i32
    %c0_i32_0 = arith.constant 0 : i32
    %c0_i32_1 = arith.constant 0 : i32
    return %c0_i32, %c0_i32_0 : i32, i32
  }
  func.func @transform_3(%arg0: i32) -> (i32, i32) {
    %c0_i32 = arith.constant 0 : i32
    %c0_i32_0 = arith.constant 0 : i32
    return %arg0, %c0_i32 : i32, i32
  }
}

module attributes {stable_mosaic.version = 14 : i64} {
  func.func @_conv_body(%arg0: i32, %arg1: memref<2048x128xf32, #tpu.memory_space<vmem>>, %arg2: memref<2x2048x16xf32, #tpu.memory_space<vmem>>, %arg3: memref<2048x128xf32, #tpu.memory_space<vmem>>, %arg4: memref<128x128xf32, #tpu.memory_space<vmem>>, %arg5: memref<1x128xf32, #tpu.memory_space<vmem>>, %arg6: memref<128x128xf32, #tpu.memory_space<vmem>>, %arg7: memref<1x128xf32, #tpu.memory_space<vmem>>, %arg8: memref<1x128xf32, #tpu.memory_space<vmem>>, %arg9: memref<2048x128xf32, #tpu.memory_space<vmem>>) attributes {dimension_semantics = [#tpu.dimension_semantics<arbitrary>], iteration_bounds = array<i64: 5>, scalar_prefetch = 0 : i64, scratch_operands = 0 : i64, tpu.core_type = #tpu.core_type<tc>, window_params = [{transform_indices = @transform_0, window_bounds = array<i64: 2048, 128>}, {transform_indices = @transform_1, window_bounds = array<i64: 2, 2048, 16>}, {transform_indices = @transform_2, window_bounds = array<i64: 2048, 128>}, {pipeline_mode = #tpu.pipeline_mode<synchronous>, transform_indices = @transform_3, window_bounds = array<i64: 128, 128>}, {pipeline_mode = #tpu.pipeline_mode<synchronous>, transform_indices = @transform_4, window_bounds = array<i64: 1, 128>}, {pipeline_mode = #tpu.pipeline_mode<synchronous>, transform_indices = @transform_5, window_bounds = array<i64: 128, 128>}, {pipeline_mode = #tpu.pipeline_mode<synchronous>, transform_indices = @transform_6, window_bounds = array<i64: 1, 128>}, {pipeline_mode = #tpu.pipeline_mode<synchronous>, transform_indices = @transform_7, window_bounds = array<i64: 1, 128>}, {transform_indices = @transform_8, window_bounds = array<i64: 2048, 128>}]} {
    %get3A = arith.constant 0 : index
    %get3A_0 = arith.constant 0 : index
    %get3A_1 = arith.constant 0 : index
    %get3A_2 = vector.load %arg2[%get3A, %get3A_0, %get3A_1] : memref<2x2048x16xf32, #tpu.memory_space<vmem>>, vector<1x2048x16xf32>
    %get3A_3 = vector.shape_cast %get3A_2 : vector<1x2048x16xf32> to vector<2048x16xf32>
    %slice3A = vector.extract_strided_slice %get3A_3 {offsets = [0, 0], sizes = [2048, 1], strides = [1, 1]} : vector<2048x16xf32> to vector<2048x1xf32>
    %get3A_4 = arith.constant 1 : index
    %get3A_5 = arith.constant 0 : index
    %get3A_6 = arith.constant 0 : index
    %get3A_7 = vector.load %arg2[%get3A_4, %get3A_5, %get3A_6] : memref<2x2048x16xf32, #tpu.memory_space<vmem>>, vector<1x2048x16xf32>
    %get3A_8 = vector.shape_cast %get3A_7 : vector<1x2048x16xf32> to vector<2048x16xf32>
    %slice3A_9 = vector.extract_strided_slice %get3A_8 {offsets = [0, 0], sizes = [2048, 1], strides = [1, 1]} : vector<2048x16xf32> to vector<2048x1xf32>
    %add3A = arith.addf %slice3A, %slice3A_9 : vector<2048x1xf32>
    %max3A = arith.constant 1.000000e+00 : f32
    %max3A_10 = vector.broadcast %max3A : f32 to vector<2048x1xf32>
    %max3A_11 = arith.maximumf %add3A, %max3A_10 : vector<2048x1xf32>
    %div3A = arith.constant 1.000000e+00 : f32
    %div3A_12 = vector.broadcast %div3A : f32 to vector<2048x1xf32>
    %div3A_13 = arith.divf %div3A_12, %max3A_11 : vector<2048x1xf32>
    %get3A_14 = arith.constant 0 : index
    %get3A_15 = arith.constant 0 : index
    %get3A_16 = vector.load %arg1[%get3A_14, %get3A_15] : memref<2048x128xf32, #tpu.memory_space<vmem>>, vector<2048x128xf32>
    %mul3A = vector.broadcast %div3A_13 : vector<2048x1xf32> to vector<2048x128xf32>
    %mul3A_17 = arith.mulf %get3A_16, %mul3A : vector<2048x128xf32>
    %get3A_18 = arith.constant 0 : index
    %get3A_19 = arith.constant 0 : index
    %get3A_20 = vector.load %arg4[%get3A_18, %get3A_19] : memref<128x128xf32, #tpu.memory_space<vmem>>, vector<128x128xf32>
    %dot_general3A = arith.constant dense<0.000000e+00> : vector<2048x128xf32>
    %dot_general3A_21 = tpu.matmul %mul3A_17, %get3A_20, %dot_general3A {dimension_numbers = #tpu.dot_dimension_numbers<[1], [0], [0], [1], [0, 0, 1, 1], [], []>, transpose_lhs_hint = false} : vector<2048x128xf32>, vector<128x128xf32>, vector<2048x128xf32> -> vector<2048x128xf32>
    %get3A_22 = arith.constant 0 : index
    %get3A_23 = arith.constant 0 : index
    %get3A_24 = vector.load %arg3[%get3A_22, %get3A_23] : memref<2048x128xf32, #tpu.memory_space<vmem>>, vector<2048x128xf32>
    %get3A_25 = arith.constant 0 : index
    %get3A_26 = arith.constant 0 : index
    %get3A_27 = vector.load %arg6[%get3A_25, %get3A_26] : memref<128x128xf32, #tpu.memory_space<vmem>>, vector<128x128xf32>
    %dot_general3A_28 = arith.constant dense<0.000000e+00> : vector<2048x128xf32>
    %dot_general3A_29 = tpu.matmul %get3A_24, %get3A_27, %dot_general3A_28 {dimension_numbers = #tpu.dot_dimension_numbers<[1], [0], [0], [1], [0, 0, 1, 1], [], []>, transpose_lhs_hint = false} : vector<2048x128xf32>, vector<128x128xf32>, vector<2048x128xf32> -> vector<2048x128xf32>
    %add3A_30 = arith.addf %dot_general3A_21, %dot_general3A_29 : vector<2048x128xf32>
    %get3A_31 = arith.constant 0 : index
    %get3A_32 = arith.constant 0 : index
    %get3A_33 = vector.load %arg5[%get3A_31, %get3A_32] : memref<1x128xf32, #tpu.memory_space<vmem>>, vector<1x128xf32>
    %add3A_34 = vector.broadcast %get3A_33 : vector<1x128xf32> to vector<2048x128xf32>
    %add3A_35 = arith.addf %add3A_30, %add3A_34 : vector<2048x128xf32>
    %get3A_36 = arith.constant 0 : index
    %get3A_37 = arith.constant 0 : index
    %get3A_38 = vector.load %arg7[%get3A_36, %get3A_37] : memref<1x128xf32, #tpu.memory_space<vmem>>, vector<1x128xf32>
    %sqrt3A = arith.constant 1.000010e+00 : f32
    %sqrt3A_39 = math.sqrt %sqrt3A : f32
    %div3A_40 = arith.constant 1.000000e+00 : f32
    %div3A_41 = arith.divf %div3A_40, %sqrt3A_39 : f32
    %mul3A_42 = vector.broadcast %div3A_41 : f32 to vector<1x128xf32>
    %mul3A_43 = arith.mulf %get3A_38, %mul3A_42 : vector<1x128xf32>
    %mul3A_44 = vector.broadcast %mul3A_43 : vector<1x128xf32> to vector<2048x128xf32>
    %mul3A_45 = arith.mulf %add3A_35, %mul3A_44 : vector<2048x128xf32>
    %get3A_46 = arith.constant 0 : index
    %get3A_47 = arith.constant 0 : index
    %get3A_48 = vector.load %arg8[%get3A_46, %get3A_47] : memref<1x128xf32, #tpu.memory_space<vmem>>, vector<1x128xf32>
    %add3A_49 = vector.broadcast %get3A_48 : vector<1x128xf32> to vector<2048x128xf32>
    %add3A_50 = arith.addf %mul3A_45, %add3A_49 : vector<2048x128xf32>
    %max3A_51 = arith.constant 0.000000e+00 : f32
    %max3A_52 = vector.broadcast %max3A_51 : f32 to vector<2048x128xf32>
    %max3A_53 = arith.maximumf %add3A_50, %max3A_52 : vector<2048x128xf32>
    %swap3A = arith.constant 0 : index
    %swap3A_54 = arith.constant 0 : index
    %swap3A_55 = vector.load %arg9[%swap3A, %swap3A_54] : memref<2048x128xf32, #tpu.memory_space<vmem>>, vector<2048x128xf32>
    tpu.vector_store %arg9[%swap3A, %swap3A_54], %max3A_53 {strides = array<i32>} : memref<2048x128xf32, #tpu.memory_space<vmem>>, vector<2048x128xf32>,
    return
  }
  func.func @transform_0(%arg0: i32) -> (i32, i32) {
    %c0_i32 = arith.constant 0 : i32
    %c0_i32_0 = arith.constant 0 : i32
    return %arg0, %c0_i32 : i32, i32
  }
  func.func @transform_1(%arg0: i32) -> (i32, i32, i32) {
    %c0_i32 = arith.constant 0 : i32
    %c0_i32_0 = arith.constant 0 : i32
    %c0_i32_1 = arith.constant 0 : i32
    return %c0_i32, %arg0, %c0_i32_0 : i32, i32, i32
  }
  func.func @transform_2(%arg0: i32) -> (i32, i32) {
    %c0_i32 = arith.constant 0 : i32
    %c0_i32_0 = arith.constant 0 : i32
    return %arg0, %c0_i32 : i32, i32
  }
  func.func @transform_3(%arg0: i32) -> (i32, i32) {
    %c0_i32 = arith.constant 0 : i32
    %c0_i32_0 = arith.constant 0 : i32
    %c0_i32_1 = arith.constant 0 : i32
    return %c0_i32, %c0_i32_0 : i32, i32
  }
  func.func @transform_4(%arg0: i32) -> (i32, i32) {
    %c0_i32 = arith.constant 0 : i32
    %c0_i32_0 = arith.constant 0 : i32
    %c0_i32_1 = arith.constant 0 : i32
    return %c0_i32, %c0_i32_0 : i32, i32
  }
  func.func @transform_5(%arg0: i32) -> (i32, i32) {
    %c0_i32 = arith.constant 0 : i32
    %c0_i32_0 = arith.constant 0 : i32
    %c0_i32_1 = arith.constant 0 : i32
    return %c0_i32, %c0_i32_0 : i32, i32
  }
  func.func @transform_6(%arg0: i32) -> (i32, i32) {
    %c0_i32 = arith.constant 0 : i32
    %c0_i32_0 = arith.constant 0 : i32
    %c0_i32_1 = arith.constant 0 : i32
    return %c0_i32, %c0_i32_0 : i32, i32
  }
  func.func @transform_7(%arg0: i32) -> (i32, i32) {
    %c0_i32 = arith.constant 0 : i32
    %c0_i32_0 = arith.constant 0 : i32
    %c0_i32_1 = arith.constant 0 : i32
    return %c0_i32, %c0_i32_0 : i32, i32
  }
  func.func @transform_8(%arg0: i32) -> (i32, i32) {
    %c0_i32 = arith.constant 0 : i32
    %c0_i32_0 = arith.constant 0 : i32
    return %arg0, %c0_i32 : i32, i32
  }
}

module attributes {stable_mosaic.version = 14 : i64} {
  func.func @_conv_body(%arg0: i32, %arg1: memref<2048x128xf32, #tpu.memory_space<vmem>>, %arg2: memref<2x2048x16xf32, #tpu.memory_space<vmem>>, %arg3: memref<2048x128xf32, #tpu.memory_space<vmem>>, %arg4: memref<128x128xf32, #tpu.memory_space<vmem>>, %arg5: memref<1x128xf32, #tpu.memory_space<vmem>>, %arg6: memref<128x128xf32, #tpu.memory_space<vmem>>, %arg7: memref<1x128xf32, #tpu.memory_space<vmem>>, %arg8: memref<1x128xf32, #tpu.memory_space<vmem>>, %arg9: memref<1x128xf32, #tpu.memory_space<vmem>>, %arg10: memref<1x1xf32, #tpu.memory_space<vmem>>, %arg11: memref<2048x128xf32, #tpu.memory_space<vmem>>, %arg12: memref<1x2048xf32, #tpu.memory_space<vmem>>) attributes {dimension_semantics = [#tpu.dimension_semantics<arbitrary>], iteration_bounds = array<i64: 5>, scalar_prefetch = 0 : i64, scratch_operands = 0 : i64, tpu.core_type = #tpu.core_type<tc>, window_params = [{transform_indices = @transform_0, window_bounds = array<i64: 2048, 128>}, {transform_indices = @transform_1, window_bounds = array<i64: 2, 2048, 16>}, {transform_indices = @transform_2, window_bounds = array<i64: 2048, 128>}, {pipeline_mode = #tpu.pipeline_mode<synchronous>, transform_indices = @transform_3, window_bounds = array<i64: 128, 128>}, {pipeline_mode = #tpu.pipeline_mode<synchronous>, transform_indices = @transform_4, window_bounds = array<i64: 1, 128>}, {pipeline_mode = #tpu.pipeline_mode<synchronous>, transform_indices = @transform_5, window_bounds = array<i64: 128, 128>}, {pipeline_mode = #tpu.pipeline_mode<synchronous>, transform_indices = @transform_6, window_bounds = array<i64: 1, 128>}, {pipeline_mode = #tpu.pipeline_mode<synchronous>, transform_indices = @transform_7, window_bounds = array<i64: 1, 128>}, {pipeline_mode = #tpu.pipeline_mode<synchronous>, transform_indices = @transform_8, window_bounds = array<i64: 1, 128>}, {pipeline_mode = #tpu.pipeline_mode<synchronous>, transform_indices = @transform_9, window_bounds = array<i64: 1, 1>}, {transform_indices = @transform_10, window_bounds = array<i64: 2048, 128>}, {transform_indices = @transform_11, window_bounds = array<i64: 1, 2048>}]} {
    %get3A = arith.constant 0 : index
    %get3A_0 = arith.constant 0 : index
    %get3A_1 = arith.constant 0 : index
    %get3A_2 = vector.load %arg2[%get3A, %get3A_0, %get3A_1] : memref<2x2048x16xf32, #tpu.memory_space<vmem>>, vector<1x2048x16xf32>
    %get3A_3 = vector.shape_cast %get3A_2 : vector<1x2048x16xf32> to vector<2048x16xf32>
    %slice3A = vector.extract_strided_slice %get3A_3 {offsets = [0, 0], sizes = [2048, 1], strides = [1, 1]} : vector<2048x16xf32> to vector<2048x1xf32>
    %get3A_4 = arith.constant 1 : index
    %get3A_5 = arith.constant 0 : index
    %get3A_6 = arith.constant 0 : index
    %get3A_7 = vector.load %arg2[%get3A_4, %get3A_5, %get3A_6] : memref<2x2048x16xf32, #tpu.memory_space<vmem>>, vector<1x2048x16xf32>
    %get3A_8 = vector.shape_cast %get3A_7 : vector<1x2048x16xf32> to vector<2048x16xf32>
    %slice3A_9 = vector.extract_strided_slice %get3A_8 {offsets = [0, 0], sizes = [2048, 1], strides = [1, 1]} : vector<2048x16xf32> to vector<2048x1xf32>
    %add3A = arith.addf %slice3A, %slice3A_9 : vector<2048x1xf32>
    %max3A = arith.constant 1.000000e+00 : f32
    %max3A_10 = vector.broadcast %max3A : f32 to vector<2048x1xf32>
    %max3A_11 = arith.maximumf %add3A, %max3A_10 : vector<2048x1xf32>
    %div3A = arith.constant 1.000000e+00 : f32
    %div3A_12 = vector.broadcast %div3A : f32 to vector<2048x1xf32>
    %div3A_13 = arith.divf %div3A_12, %max3A_11 : vector<2048x1xf32>
    %get3A_14 = arith.constant 0 : index
    %get3A_15 = arith.constant 0 : index
    %get3A_16 = vector.load %arg1[%get3A_14, %get3A_15] : memref<2048x128xf32, #tpu.memory_space<vmem>>, vector<2048x128xf32>
    %mul3A = vector.broadcast %div3A_13 : vector<2048x1xf32> to vector<2048x128xf32>
    %mul3A_17 = arith.mulf %get3A_16, %mul3A : vector<2048x128xf32>
    %get3A_18 = arith.constant 0 : index
    %get3A_19 = arith.constant 0 : index
    %get3A_20 = vector.load %arg4[%get3A_18, %get3A_19] : memref<128x128xf32, #tpu.memory_space<vmem>>, vector<128x128xf32>
    %dot_general3A = arith.constant dense<0.000000e+00> : vector<2048x128xf32>
    %dot_general3A_21 = tpu.matmul %mul3A_17, %get3A_20, %dot_general3A {dimension_numbers = #tpu.dot_dimension_numbers<[1], [0], [0], [1], [0, 0, 1, 1], [], []>, transpose_lhs_hint = false} : vector<2048x128xf32>, vector<128x128xf32>, vector<2048x128xf32> -> vector<2048x128xf32>
    %get3A_22 = arith.constant 0 : index
    %get3A_23 = arith.constant 0 : index
    %get3A_24 = vector.load %arg3[%get3A_22, %get3A_23] : memref<2048x128xf32, #tpu.memory_space<vmem>>, vector<2048x128xf32>
    %get3A_25 = arith.constant 0 : index
    %get3A_26 = arith.constant 0 : index
    %get3A_27 = vector.load %arg6[%get3A_25, %get3A_26] : memref<128x128xf32, #tpu.memory_space<vmem>>, vector<128x128xf32>
    %dot_general3A_28 = arith.constant dense<0.000000e+00> : vector<2048x128xf32>
    %dot_general3A_29 = tpu.matmul %get3A_24, %get3A_27, %dot_general3A_28 {dimension_numbers = #tpu.dot_dimension_numbers<[1], [0], [0], [1], [0, 0, 1, 1], [], []>, transpose_lhs_hint = false} : vector<2048x128xf32>, vector<128x128xf32>, vector<2048x128xf32> -> vector<2048x128xf32>
    %add3A_30 = arith.addf %dot_general3A_21, %dot_general3A_29 : vector<2048x128xf32>
    %get3A_31 = arith.constant 0 : index
    %get3A_32 = arith.constant 0 : index
    %get3A_33 = vector.load %arg5[%get3A_31, %get3A_32] : memref<1x128xf32, #tpu.memory_space<vmem>>, vector<1x128xf32>
    %add3A_34 = vector.broadcast %get3A_33 : vector<1x128xf32> to vector<2048x128xf32>
    %add3A_35 = arith.addf %add3A_30, %add3A_34 : vector<2048x128xf32>
    %get3A_36 = arith.constant 0 : index
    %get3A_37 = arith.constant 0 : index
    %get3A_38 = vector.load %arg7[%get3A_36, %get3A_37] : memref<1x128xf32, #tpu.memory_space<vmem>>, vector<1x128xf32>
    %sqrt3A = arith.constant 1.000010e+00 : f32
    %sqrt3A_39 = math.sqrt %sqrt3A : f32
    %div3A_40 = arith.constant 1.000000e+00 : f32
    %div3A_41 = arith.divf %div3A_40, %sqrt3A_39 : f32
    %mul3A_42 = vector.broadcast %div3A_41 : f32 to vector<1x128xf32>
    %mul3A_43 = arith.mulf %get3A_38, %mul3A_42 : vector<1x128xf32>
    %mul3A_44 = vector.broadcast %mul3A_43 : vector<1x128xf32> to vector<2048x128xf32>
    %mul3A_45 = arith.mulf %add3A_35, %mul3A_44 : vector<2048x128xf32>
    %get3A_46 = arith.constant 0 : index
    %get3A_47 = arith.constant 0 : index
    %get3A_48 = vector.load %arg8[%get3A_46, %get3A_47] : memref<1x128xf32, #tpu.memory_space<vmem>>, vector<1x128xf32>
    %add3A_49 = vector.broadcast %get3A_48 : vector<1x128xf32> to vector<2048x128xf32>
    %add3A_50 = arith.addf %mul3A_45, %add3A_49 : vector<2048x128xf32>
    %max3A_51 = arith.constant 0.000000e+00 : f32
    %max3A_52 = vector.broadcast %max3A_51 : f32 to vector<2048x128xf32>
    %max3A_53 = arith.maximumf %add3A_50, %max3A_52 : vector<2048x128xf32>
    %swap3A = arith.constant 0 : index
    %swap3A_54 = arith.constant 0 : index
    %swap3A_55 = vector.load %arg11[%swap3A, %swap3A_54] : memref<2048x128xf32, #tpu.memory_space<vmem>>, vector<2048x128xf32>
    tpu.vector_store %arg11[%swap3A, %swap3A_54], %max3A_53 {strides = array<i32>} : memref<2048x128xf32, #tpu.memory_space<vmem>>, vector<2048x128xf32>,
    %get3A_56 = arith.constant 0 : index
    %get3A_57 = arith.constant 0 : index
    %get3A_58 = vector.load %arg9[%get3A_56, %get3A_57] : memref<1x128xf32, #tpu.memory_space<vmem>>, vector<1x128xf32>
    %dot_general3A_59 = arith.constant dense<0.000000e+00> : vector<1x2048xf32>
    %dot_general3A_60 = tpu.matmul %get3A_58, %max3A_53, %dot_general3A_59 {dimension_numbers = #tpu.dot_dimension_numbers<[1], [1], [0], [0], [0, 0, 1, 0], [], []>, transpose_lhs_hint = false} : vector<1x128xf32>, vector<2048x128xf32>, vector<1x2048xf32> -> vector<1x2048xf32>
    %get3A_61 = arith.constant 0 : index
    %get3A_62 = arith.constant 0 : index
    %get3A_63 = vector.load %arg10[%get3A_61, %get3A_62] : memref<1x1xf32, #tpu.memory_space<vmem>>, vector<1x1xf32>
    %add3A_64 = vector.broadcast %get3A_63 : vector<1x1xf32> to vector<1x2048xf32>
    %add3A_65 = arith.addf %dot_general3A_60, %add3A_64 : vector<1x2048xf32>
    %swap3A_66 = arith.constant 0 : index
    %swap3A_67 = arith.constant 0 : index
    %swap3A_68 = vector.load %arg12[%swap3A_66, %swap3A_67] : memref<1x2048xf32, #tpu.memory_space<vmem>>, vector<1x2048xf32>
    tpu.vector_store %arg12[%swap3A_66, %swap3A_67], %add3A_65 {strides = array<i32>} : memref<1x2048xf32, #tpu.memory_space<vmem>>, vector<1x2048xf32>,
    return
  }
  func.func @transform_0(%arg0: i32) -> (i32, i32) {
    %c0_i32 = arith.constant 0 : i32
    %c0_i32_0 = arith.constant 0 : i32
    return %arg0, %c0_i32 : i32, i32
  }
  func.func @transform_1(%arg0: i32) -> (i32, i32, i32) {
    %c0_i32 = arith.constant 0 : i32
    %c0_i32_0 = arith.constant 0 : i32
    %c0_i32_1 = arith.constant 0 : i32
    return %c0_i32, %arg0, %c0_i32_0 : i32, i32, i32
  }
  func.func @transform_2(%arg0: i32) -> (i32, i32) {
    %c0_i32 = arith.constant 0 : i32
    %c0_i32_0 = arith.constant 0 : i32
    return %arg0, %c0_i32 : i32, i32
  }
  func.func @transform_3(%arg0: i32) -> (i32, i32) {
    %c0_i32 = arith.constant 0 : i32
    %c0_i32_0 = arith.constant 0 : i32
    %c0_i32_1 = arith.constant 0 : i32
    return %c0_i32, %c0_i32_0 : i32, i32
  }
  func.func @transform_4(%arg0: i32) -> (i32, i32) {
    %c0_i32 = arith.constant 0 : i32
    %c0_i32_0 = arith.constant 0 : i32
    %c0_i32_1 = arith.constant 0 : i32
    return %c0_i32, %c0_i32_0 : i32, i32
  }
  func.func @transform_5(%arg0: i32) -> (i32, i32) {
    %c0_i32 = arith.constant 0 : i32
    %c0_i32_0 = arith.constant 0 : i32
    %c0_i32_1 = arith.constant 0 : i32
    return %c0_i32, %c0_i32_0 : i32, i32
  }
  func.func @transform_6(%arg0: i32) -> (i32, i32) {
    %c0_i32 = arith.constant 0 : i32
    %c0_i32_0 = arith.constant 0 : i32
    %c0_i32_1 = arith.constant 0 : i32
    return %c0_i32, %c0_i32_0 : i32, i32
  }
  func.func @transform_7(%arg0: i32) -> (i32, i32) {
    %c0_i32 = arith.constant 0 : i32
    %c0_i32_0 = arith.constant 0 : i32
    %c0_i32_1 = arith.constant 0 : i32
    return %c0_i32, %c0_i32_0 : i32, i32
  }
  func.func @transform_8(%arg0: i32) -> (i32, i32) {
    %c0_i32 = arith.constant 0 : i32
    %c0_i32_0 = arith.constant 0 : i32
    %c0_i32_1 = arith.constant 0 : i32
    return %c0_i32, %c0_i32_0 : i32, i32
  }
  func.func @transform_9(%arg0: i32) -> (i32, i32) {
    %c0_i32 = arith.constant 0 : i32
    %c0_i32_0 = arith.constant 0 : i32
    %c0_i32_1 = arith.constant 0 : i32
    return %c0_i32, %c0_i32_0 : i32, i32
  }
  func.func @transform_10(%arg0: i32) -> (i32, i32) {
    %c0_i32 = arith.constant 0 : i32
    %c0_i32_0 = arith.constant 0 : i32
    return %arg0, %c0_i32 : i32, i32
  }
  func.func @transform_11(%arg0: i32) -> (i32, i32) {
    %c0_i32 = arith.constant 0 : i32
    %c0_i32_0 = arith.constant 0 : i32
    return %c0_i32, %arg0 : i32, i32
  }
}

</mosaic_0001>

<sc_bundles>
// kernel: kernel.10.cloned.1.call-start
scs
__scs_entry_jumppad:
0x0: {  	(pc) =	sbr.rel $0x88, $3  }
0x1: {  	(tag) =	ssettag $0x0;
	lr =	simm.s32 $0x1  }
0x2: {  	[smem:$0x3F91] =	sst lr;
	_ =	strace $0xD0000000  }
0x3: {  	_ = 	snop  }
0x4: {  	_ = 	snop  }
0x5: {  	_ = 	snop  }
0x6: {  	_ = 	snop  }
0x7: {  	_ = 	snop  }
__scs_overlays_trampoline_lowered:
0x8: {  	[smem:$0x3FA0] =	sst s0  }
0x9: {  	[smem:$0x3FA1] =	sst s1  }
0xa: {  	[smem:$0x3FA2] =	sst s2  }
0xb: {  	[smem:$0x3FA3] =	sst s3  }
0xc: {  	[smem:$0x3FA4] =	sst s4  }
0xd: {  	[smem:$0x3FA5] =	sst s5  }
0xe: {  	[smem:$0x3FA6] =	sst s6  }
0xf: {  	[smem:$0x3FA7] =	sst s7  }
0x10: {  	[smem:$0x3FA8] =	sst s8  }
0x11: {  	[smem:$0x3FA9] =	sst s9;
	s0 =	simm.s32 @!p0 $0x0  }
0x12: {  	s1 =	sld [smem:$0x3F8F];
	s0 =	simm.s32 @p0 $0x1  }
0x13: {  	[smem:$0x3FAA] =	sst s0;
	s0 =	simm.s32 @!p1 $0x0  }
0x14: {  	s2 =	sld [smem:$0x3F8E];
	s0 =	simm.s32 @p1 $0x1  }
0x15: {  	[smem:$0x3FAB] =	sst s0;
	s0 =	simm.s32 @!p2 $0x0  }
0x16: {  	s3 =	sld [smem:$0x3FDB];
	s0 =	simm.s32 @p2 $0x1  }
0x17: {  	s4 =	simm.s32 $0x1BF5;
	[smem:$0x3FAD] =	sst s0  }
0x18: {  	s0 =	sld [smem:$0x3F90];
	_ =	swait.ge [sflag:s4], $0x0  }
0x19: {  	s7 =	sld [smem:$0x3F91]  }
0x1a: {  	s8 =	sadd.s32 $0xFFFFE003, lr  }
0x1b: {  	s9 =	sadd.s32 $0xFFFFFEF7, lr;
	s5 =	simm.s32 $0xFFFFFFFF;
	p2 =	slt.u32 s8, $0xFFFFF086  }
0x1c: {  	p1 =	slt.u32 s9, $0xF7A;
	s5 =	simm.s32 @!p2 $0x0  }
0x1d: {  	s5 =	simm.s32 @p1 $0x1;
	p0 =	seq.s32 s7, s2  }
0x1e: {  	s7 =	smul.u32 @!p0 $0xF7A, s2;
	p2 =	seq.s32 @!p0 s5, $0x0  }
0x1f: {  	s9 =	smul.u32 $0xF7A, s1;
	s8 =	simm.s32 @!p0 $0x1BF5;
	p2 =	por !p2, p0  }
0x20: {  	[sflag:s8] =	ssyncset.s32 @!p0 $0xFFFFF086;
	s6 =	sadd.s32 @!p0 s3, s7;
	s7 =	simm.s32 @!p0 $0x108  }
0x21: {  	s3 =	sadd.s32 s3, s9;
	s6 =	sadd.s32 @!p0 $0x88, s6;
	s7 =	simm.s32 @p2 $0x1082  }
0x22: {  	[simem:s7], [sflag:s8] =	dma.local @!p0 [hbm:s6], $0xF7A  }
0x23: {  	s9 =	sor.u32 $0xD0000000, s2;
	s6 =	simm.s32 $0x108;
	_ =	swait.ge @!p0 [sflag:s8], $0x0  }
0x24: {  	s3 =	sadd.s32 $0x88, s3;
	s6 =	simm.s32 @!p1 $0x1082;
	[sflag:s4] =	ssyncset.s32 $0xFFFFF086  }
0x25: {  	[simem:s6], [sflag:s4] =	dma.local [hbm:s3], $0xF7A  }
0x26: {  	[smem:$0x3F91] =	sst s1;
	(tag) =	ssettag s2;
	_ =	strace s9  }
0x27: {  	s1 =	sld [smem:$0x3FA1]  }
0x28: {  	s2 =	sld [smem:$0x3FA2]  }
0x29: {  	s4 =	sld [smem:$0x3FA4]  }
0x2a: {  	p0 =	seq.s32 s5, $0x0;
	s5 =	sld [smem:$0x3FA5]  }
0x2b: {  	s6 =	sld [smem:$0x3FA6]  }
0x2c: {  	s7 =	sld [smem:$0x3FA7]  }
0x2d: {  	s3 =	simm.s32 $0x108;
	s8 =	sld [smem:$0x3FA8]  }
0x2e: {  	s3 =	simm.s32 @!p0 $0x1082;
	s9 =	sld [smem:$0x3FA9]  }
0x2f: {  	lr =	sadd.s32 s0, s3;
	s0 =	sld [smem:$0x3FA0]  }
0x30: {  	s3 =	sld [smem:$0x3FA3]  }
0x31: {  	[smem:$0x3FAC] =	sst s10  }
0x32: {  	s10 =	sld [smem:$0x3FAA];
	_ =	sdelay $0x3  }
0x33: {  	p0 =	seq.s32 s10, $0x1;
	s10 =	sld [smem:$0x3FAC];
	_ =	sdelay $0x3  }
0x34: {  	[smem:$0x3FAC] =	sst s10  }
0x35: {  	s10 =	sld [smem:$0x3FAB];
	_ =	sdelay $0x3  }
0x36: {  	p1 =	seq.s32 s10, $0x1;
	s10 =	sld [smem:$0x3FAC];
	_ =	sdelay $0x3  }
0x37: {  	[smem:$0x3FAC] =	sst s10  }
0x38: {  	s10 =	sld [smem:$0x3FAD]  }
0x39: {  	_ = 	snop;
	(pc) =	sbr.ind lr, $3  }
0x3a: {  	_ = 	snop  }
0x3b: {  	_ = 	snop  }
0x3c: {  	p2 =	seq.s32 s10, $0x1;
	s10 =	sld [smem:$0x3FAC]  }
0x3d: {  	_ =	shalt  }
0x3e: {  	_ =	shalt  }
0x3f: {  	_ =	shalt  }
0x40: {  	_ =	shalt  }
0x41: {  	_ =	shalt  }
0x42: {  	_ =	shalt  }
0x43: {  	_ =	shalt  }
0x44: {  	_ =	shalt  }
0x45: {  	_ =	shalt  }
0x46: {  	_ =	shalt  }
0x47: {  	_ =	shalt  }
0x48: {  	_ =	shalt  }
0x49: {  	_ =	shalt  }
0x4a: {  	_ =	shalt  }
0x4b: {  	_ =	shalt  }
0x4c: {  	_ =	shalt  }
0x4d: {  	_ =	shalt  }
0x4e: {  	_ =	shalt  }
0x4f: {  	_ =	shalt  }
0x50: {  	_ =	shalt  }
0x51: {  	_ =	shalt  }
0x52: {  	_ =	shalt  }
0x53: {  	_ =	shalt  }
0x54: {  	_ =	shalt  }
0x55: {  	_ =	shalt  }
0x56: {  	_ =	shalt  }
0x57: {  	_ =	shalt  }
0x58: {  	_ =	shalt  }
0x59: {  	_ =	shalt  }
0x5a: {  	_ =	shalt  }
0x5b: {  	_ =	shalt  }
0x5c: {  	_ =	shalt  }
0x5d: {  	_ =	shalt  }
0x5e: {  	_ =	shalt  }
0x5f: {  	_ =	shalt  }
0x60: {  	_ =	shalt  }
0x61: {  	_ =	shalt  }
0x62: {  	_ =	shalt  }
0x63: {  	_ =	shalt  }
0x64: {  	_ =	shalt  }
0x65: {  	_ =	shalt  }
0x66: {  	_ =	shalt  }
0x67: {  	_ =	shalt  }
0x68: {  	_ =	shalt  }
0x69: {  	_ =	shalt  }
0x6a: {  	_ =	shalt  }
0x6b: {  	_ =	shalt  }
0x6c: {  	_ =	shalt  }
0x6d: {  	_ =	shalt  }
0x6e: {  	_ =	shalt  }
0x6f: {  	_ =	shalt  }
0x70: {  	_ =	shalt  }
0x71: {  	_ =	shalt  }
0x72: {  	_ =	shalt  }
0x73: {  	_ =	shalt  }
0x74: {  	_ =	shalt  }
0x75: {  	_ =	shalt  }
0x76: {  	_ =	shalt  }
0x77: {  	_ =	shalt  }
0x78: {  	_ =	shalt  }
0x79: {  	_ =	shalt  }
0x7a: {  	_ =	shalt  }
0x7b: {  	_ =	shalt  }
0x7c: {  	_ =	shalt  }
0x7d: {  	_ =	shalt  }
0x7e: {  	_ =	shalt  }
0x7f: {  	_ =	shalt  }
0x80: {  	_ =	shalt  }
0x81: {  	_ =	shalt  }
0x82: {  	_ =	shalt  }
0x83: {  	_ =	shalt  }
0x84: {  	_ =	shalt  }
0x85: {  	_ =	shalt  }
0x86: {  	_ =	shalt  }
0x87: {  	_ =	shalt  }
.Lfunc_end0:
.L_simem_size_0:
called_computation.1_lowered:
.L_overlay_start_0:
0x88: {  	s2 =	sld [smem:$0x3FD9]  }
0x89: {  	s3 =	sld [smem:$0x3FFE];
	_ =	sdelay $0x1  }
0x8a: {  	s1 =	srdreg.scid  }
0x8b: {  	s0 =	sand.u32 $0x1, s1  }
0x8c: {  	s14 =	sshll.u32 s0, $0xA;
	s2 =	sadd.s32 s3, s2  }
0x8d: {  	s2 =	sadd.s32 s2, s14  }
0x8e: {  	[smem:$0x3FB8] =	sst s2  }
0x8f: {  	_ = 	snop  }
0x90: {  	s2 =	sld [smem:$0x3FD0];
	_ =	sdelay $0x2  }
0x91: {  	s15 =	simm.s32 $0xA;
	s4 =	simm.s32 $0x10  }
0x92: {  	[smem:s4], [sflag:s15] =	dma.local [hbm:s2], $0x1  }
0x93: {  	_ =	swait.eq [sflag:s15], $0x1  }
0x94: {  	[sflag:s15] =	ssyncset.done $0x0  }
0x95: {  	[sflag:s15] =	ssyncadd.s32 $0xFFFFFFFF  }
0x96: {  	s16 =	sld [smem:$0x11];
	(tm) =	ssettm $0x1  }
0x97: {  	s17 =	sld [smem:$0x3FFB];
	_ =	sdelay $0x3  }
0x98: {  	_ =	strace s17  }
0x99: {  	s3 =	sld [smem:$0x3FFC];
	_ =	sdelay $0x3  }
0x9a: {  	_ =	strace s3  }
0x9b: {  	s3 =	sld [smem:$0x3FFD];
	_ =	sdelay $0x3  }
0x9c: {  	_ =	strace s3  }
0x9d: {  	_ =	strace $0x8FFFFFFF  }
0x9e: {  	s18 =	sld [smem:$0x3FDB];
	_ =	sdelay $0x1  }
0x9f: {  	s19 =	simm.s32 $_scs_section_size  }
0xa0: {  	s5 =	simm.s32 $_size__tile_overlayer_lowered;
	s6 =	simm.s32 $_tile_overlayer_lowered  }
0xa1: {  	s22 =	simm.s32 $0x1BFF;
	s21 =	sshll.u32 s6, $0x1;
	s3 =	sadd.s32 s19, s18  }
0xa2: {  	s7 =	simm.s32 $0x0;
	s20 =	sshll.u32 s5, $0x1;
	s5 =	sadd.s32 s21, s3  }
0xa3: {  	[timem:s7], [sflag:s22] =	dma.local [hbm:s5], s20  }
0xa4: {  	_ =	swait.ge [sflag:s22], s20  }
0xa5: {  	s4 =	ssub.s32 $0x0, s20;
	[sflag:s22] =	ssyncset.done $0x0  }
0xa6: {  	[sflag:s22] =	ssyncadd.s32 s4;
	_ =	sdelay $0x1  }
0xa7: {  	s23 =	simm.s32 $0x1B8B  }
0xa8: {  	_ =	swait.ge [sflag:s23], $0x1  }
0xa9: {  	[sflag:s23] =	ssyncset.done $0x0  }
0xaa: {  	s25 =	simm.s32 $0x1B8E;
	s24 =	sld [smem:$0x3FFE];
	[sflag:s23] =	ssyncadd.s32 $0xFFFFFFFF  }
0xab: {  	s26 =	simm.s32 $execute0_lowered;
	[smem:$0x3FD2] =	sst s25  }
0xac: {  	s5 =	sshll.u32 s26, $0x1;
	_ =	strace $0x80000049;
	[dreg:$0x1] =	wrdreg $0xFFFFFFFF  }
0xad: {  	s28 =	simm.s32 $_size_execute0_lowered;
	s3 =	sadd.s32 s3, s5;
	[dreg:$0x0] =	wrdreg $0x0  }
0xae: {  	s5 =	sshll.u32 s28, $0x1;
	[dreg:$0x2] =	wrdreg s3  }
0xaf: {  	[dreg:$0x3] =	wrdreg s5  }
0xb0: {  	[dreg:$0x4] =	wrdreg $0xC0  }
0xb1: {  	_ =	task [dreg:s7], $0x5FFFF  }
0xb2: {  	[dreg:$0x1] =	wrdreg $0xFFFFFFFF  }
0xb3: {  	[dreg:$0x0] =	wrdreg $0x60  }
0xb4: {  	[dreg:$0x2] =	wrdreg s24  }
0xb5: {  	[dreg:$0x3] =	wrdreg s16  }
0xb6: {  	[dreg:$0x4] =	wrdreg $0x0  }
0xb7: {  	[dreg:$0x5] =	wrdreg $0xA0000  }
0xb8: {  	[dreg:$0x6] =	wrdreg $0x9  }
0xb9: {  	_ =	task.clear_ibuf [dreg:s7], $0x7FFFF;
	_ =	strace $0x90000049  }
0xba: {  	s29 =	simm.s32 $0x9;
	_ =	strace $0x8000004B  }
0xbb: {  	_ =	swait.ge [sflag:s29], $0x1  }
0xbc: {  	[sflag:s29] =	ssyncadd.s32 $0xFFFFFFFF  }
0xbd: {  	_ =	strace $0x9000004B  }
0xbe: {  	_ =	sfence  }
0xbf: {  	s30 =	sld [smem:$0x0];
	_ =	sdelay $0x2  }
0xc0: {  	s31 =	sshll.u32 s1, $0xD;
	s1 =	sshrl.u32 s1, $0x2  }
0xc1: {  	s3 =	sand.u32 $0x4000, s31;
	s1 =	sadd.s32 s1, s30  }
0xc2: {  	s0 =	sor.u32 s3, s0;
	s1 =	sshll.u32 s1, $0x11  }
0xc3: {  	s0 =	sor.u32 s1, s0  }
0xc4: {  	s0 =	sadd.s32 $0x8F2B, s0  }
0xc5: {  	[sflag:s0] =	ssyncadd.remote.s32 $0x1  }
0xc6: {  	_ =	sfence.sel $0xFFFF  }
0xc7: {  	[dreg:$0x0] =	wrdreg $0xFFFFFFFF;
	(pc) =	sbr.abs _section_cstart, $3  }
0xc8: {  	[dreg:$0x1] =	wrdreg $0xFFFFFFFF  }
0xc9: {  	_ =	task.clear_ibuf [dreg:s7], $0x2FFFF;
	_ =	strace $0x9FFFFFFF  }
0xca: {  	(tm) =	ssettm $0x7FFFFFFF  }
0xcb: {  	_ =	shalt  }
tec
execute0_lowered:
.L_overlay_start_1:
0x0: {  	(tag) =	ssettag $0x1  }
0x1: {  	s0 =	rddreg [dreg:$0x0];
	s12 =	stileid.u32  }
0x2: {  	s1 =	rddreg [dreg:$0x1];
	s9 =	smul.u32 $0x28000, s12  }
0x3: {  	s3 =	rddreg [dreg:$0x2]  }
0x4: {  	s4 =	rddreg [dreg:$0x3];
	s2 =	srdreg.scid;
	s9 =	sshrl.u32 s9, $0x2  }
0x5: {  	s5 =	simm.s32 $0x0;
	s2 =	sand.u32 $0x1, s2;
	s9 =	sadd.s32 s9, s4  }
0x6: {  	s6 =	smul.u32 $0x14000, s12;
	[smem:$0x7FF] =	sst s5;
	s10 =	sadd.s32 $0x800, s9  }
0x7: {  	_ =	strace $0x8000004A;
	s25 =	sadd.s32 $0x1000, s9;
	[dreg:$0x5] =	wrdreg s10  }
0x8: {  	s23 =	smul.u32 $0xA000, s12;
	s26 =	sadd.s32 $0x1800, s9;
	[dreg:$0x6] =	wrdreg s25  }
0x9: {  	s24 =	sshll.u32 s12, $0x6;
	s29 =	sadd.s32 $0x2000, s9;
	[dreg:$0x7] =	wrdreg s26  }
0xa: {  	s14 =	smul.u32 $0x4E00, s12;
	s30 =	sadd.s32 $0x2800, s9;
	[dreg:$0x8] =	wrdreg s29  }
0xb: {  	p0 =	sgt.u32 s12, $0x3;
	s31 =	sadd.s32 $0x3000, s9;
	[dreg:$0x9] =	wrdreg s30  }
0xc: {  	s7 =	sshll.u32 s2, $0x6;
	s11 =	sadd.s32 $0x3800, s9;
	[dreg:$0xa] =	wrdreg s31  }
0xd: {  	s2 =	ssub.s32 $0x2, s2;
	s13 =	sadd.s32 $0x4000, s9;
	[dreg:$0xb] =	wrdreg s11  }
0xe: {  	s6 =	sor.u32 s7, s6;
	s15 =	sadd.s32 $0x5000, s9;
	[dreg:$0xc] =	wrdreg s13  }
0xf: {  	s8 =	sshrl.u32 s2, $0x1;
	s16 =	sadd.s32 $0x5800, s9;
	[dreg:$0xe] =	wrdreg s15  }
0x10: {  	s7 =	sadd.s32 s23, s4;
	s17 =	sadd.s32 $0x6000, s9;
	[dreg:$0xf] =	wrdreg s16  }
0x11: {  	s6 =	sshrl.u32 s6, $0x3;
	s18 =	sadd.s32 $0x6800, s9;
	[dreg:$0x10] =	wrdreg s17  }
0x12: {  	s2 =	ssub.s32 s2, s8;
	s19 =	sadd.s32 $0x7000, s9;
	[dreg:$0x11] =	wrdreg s18  }
0x13: {  	s8 =	sadd.s32 s23, s3;
	s20 =	sadd.s32 $0x7800, s9;
	[dreg:$0x12] =	wrdreg s19  }
0x14: {  	s0 =	sadd.s32 s6, s0;
	s21 =	sadd.s32 $0x8000, s9;
	[dreg:$0x13] =	wrdreg s20  }
0x15: {  	s6 =	sor.u32 $0x1C0B, s24;
	s22 =	sadd.s32 $0x8800, s9;
	[dreg:$0x14] =	wrdreg s21  }
0x16: {  	s23 =	sadd.s32 $0x9000, s9;
	s24 =	sshll.u32 s12, $0x4;
	[dreg:$0x15] =	wrdreg s22  }
0x17: {  	s11 =	sadd.s32 $0x4800, s9;
	s10 =	sshrl.u32 s14, $0x3;
	[dreg:$0x16] =	wrdreg s23  }
0x18: {  	s9 =	sadd.s32 $0x9800, s9;
	s25 =	sadd.s32 s24, s1;
	s29 =	sadd.s32 $0x3E00, s0  }
0x19: {  	s0 =	sadd.s32 $0x2BE00, s0;
	s30 =	smax.u32 s2, $0x1;
	s31 =	sshrl.u32 s8, $0x3  }
0x1a: {  	s13 =	simm.s32 $0x8;
	s14 =	simm.s32 $0x10;
	[dreg:$0xd] =	wrdreg s11  }
0x1b: {  	s15 =	simm.s32 $0xB;
	s16 =	simm.s32 $0x1D800;
	[dreg:$0x17] =	wrdreg s9  }
0x1c: {  	s17 =	simm.s32 $0x14000;
	s18 =	simm.s32 $0x9;
	[dreg:$0x1a] =	wrdreg s29  }
0x1d: {  	s19 =	simm.s32 $0x80;
	s20 =	simm.s32 $0x5;
	[dreg:$0x1b] =	wrdreg s0  }
.Ltmp0:
0x1e: {  	s21 =	simm.s32 $0x6;
	[dreg:$0x1c] =	wrdreg s30;
	(pc) =	sbr.rel .LBB2_1-.Ltmp0, $4  }
0x1f: {  	s22 =	simm.s32 $0x7;
	s26 =	sadd.s32 $0x9C00, s25;
	[dreg:$0x1d] =	wrdreg s31  }
0x20: {  	s23 =	simm.s32 $0x0;
	s9 =	sadd.s32 $0x13840, s25;
	[dreg:$0x18] =	wrdreg s26  }
0x21: {  	s28 =	sadd.s32 s1, s10;
	s11 =	sadd.s32 $0x9C40, s1;
	[dreg:$0x19] =	wrdreg s9  }
0x22: {  	v0 =	vimm.f32 $0.0e+00;
	s9 =	smul.u32 $0x9C, s12;
	s10 =	sadd.s32 $0x9C40, s28;
	s12 =	simm.s32 $0x1  }
.LBB2_11:
0x23: {  	_ =	swait.ge [sflag:s20], $0x2000  }
0x24: {  	[sflag:s20] =	ssyncset.done $0x0  }
0x25: {  	[sflag:s20] =	ssyncadd.s32 $0xFFFFE000  }
0x26: {  	_ =	swait.ge [sflag:s21], $0x2000  }
0x27: {  	[sflag:s21] =	ssyncset.done $0x0  }
0x28: {  	[sflag:s21] =	ssyncadd.s32 $0xFFFFE000  }
0x29: {  	_ =	swait.ge [sflag:s22], $0x2000  }
0x2a: {  	[sflag:s22] =	ssyncset.done $0x0  }
0x2b: {  	[sflag:s22] =	ssyncadd.s32 $0xFFFFE000  }
0x2c: {  	_ =	swait.ge [sflag:s13], $0x2000  }
0x2d: {  	s0 =	simm.s32 @!p0 $0x0;
	[sflag:s13] =	ssyncset.done $0x0  }
0x2e: {  	s2 =	simm.s32 @!p0 $0x14000;
	s8 =	rddreg [dreg:$0x18];
	[sflag:s13] =	ssyncadd.s32 $0xFFFFE000  }
0x2f: {  	[tilespmem:s2], [sflag:$0xB] =	stream.linear.gather @!p0 [hbm4b:s8+s0], $0x80, $0x38;
	[tilespmem:$0x1E000] =	vst v63  }
0x30: {  	s8 =	simm.s32 @!p0 $0xB  }
0x31: {  	_ =	swait.ge @!p0 [sflag:s8], $0x80  }
0x32: {  	[sflag:s8] =	ssyncset.done @!p0 $0x0  }
0x33: {  	s24 =	simm.s32 @!p0 $0x14C00;
	s25 =	rddreg [dreg:$0x19];
	[sflag:s8] =	ssyncadd.s32 @!p0 $0xFFFFFF80  }
0x34: {  	[tilespmem:s24], [sflag:$0xB] =	stream.linear.gather @!p0 [hbm4b:s25+s0], $0x80, $0x38;
	[tilespmem:$0x1E000] =	vst v63  }
0x35: {  	_ =	swait.ge @!p0 [sflag:s8], $0x80  }
0x36: {  	[sflag:s8] =	ssyncset.done @!p0 $0x0  }
0x37: {  	s0 =	simm.s32 @!p0 $0x80;
	s25 =	simm.s32 @!p0 $0x15800;
	[sflag:s8] =	ssyncadd.s32 @!p0 $0xFFFFFF80  }
0x38: {  	[tilespmem:s25], [sflag:$0x1] =	stream.indirect.gather @!p0 [spmem:s3], $0x40, s2, s0, $0xb8;
	[tilespmem:$0x1E000] =	vst v63  }
0x39: {  	s2 =	simm.s32 @!p0 $0x1  }
0x3a: {  	_ =	swait.ge @!p0 [sflag:s2], $0x2000  }
0x3b: {  	[sflag:s2] =	ssyncset.done @!p0 $0x0  }
0x3c: {  	[sflag:s2] =	ssyncadd.s32 @!p0 $0xFFFFE000  }
0x3d: {  	[spmem:s4] =	stream.indirect.scatter.add.f32 @!p0 [tilespmem:s25], [sflag:$0xB], $0x40, s24, s0, $0xb8;
	[tilespmem:$0x1E000] =	vst v63  }
0x3e: {  	_ =	swait.ge @!p0 [sflag:s8], $0x2000  }
0x3f: {  	[sflag:s8] =	ssyncset.done @!p0 $0x0  }
0x40: {  	[sflag:s8] =	ssyncadd.s32 @!p0 $0xFFFFE000  }
0x41: {  	[bflag:$0x0] =	sbarrier.arrive $0xFFFF  }
0x42: {  	s29 =	sshrl.u32 s7, $0x3;
	s30 =	rddreg [dreg:$0x1b]  }
0x43: {  	[hbm:s30@s14], [sflag:s6] =	dma.strided [spmem:s29@s13], $0x1400, s12, $0x8   }
0x44: {  	_ =	swait.ge [sflag:s15], $0x1400  }
0x45: {  	s23 =	sadd.s32 $0x1, s23;
	s31 =	rddreg [dreg:$0x1c]  }
0x46: {  	p1 =	sne.s32 s23, s31  }
.Ltmp1:
0x47: {  	_ = 	snop;
	(pc) =	sbr.rel @!p1 .LBB2_12-.Ltmp1, $3  }
0x48: {  	_ =	sdelay $0x1  }
0x49: {  	[sflag:s15] =	ssyncset.done $0x0  }
0x4a: {  	[sflag:s15] =	ssyncadd.s32 $0xFFFFEC00  }
.LBB2_1:
0x4b: {  	s0 =	rddreg [dreg:$0x1a]  }
0x4c: {  	s2 =	rddreg [dreg:$0x1d]  }
0x4d: {  	[spmem:s2@s13], [sflag:s6] =	dma.strided [hbm:s0@s14], $0x1400, s12, $0x8   }
0x4e: {  	_ =	swait.ge [sflag:s15], $0x1400  }
0x4f: {  	[sflag:s15] =	ssyncset.done $0x0  }
0x50: {  	s25 =	simm.s32 $0x100;
	s24 =	simm.s32 $0x0;
	[sflag:s15] =	ssyncadd.s32 $0xFFFFEC00  }
.LBB2_2:
0x51: {  	p1 =	sne.s32 s25, $0x1F00;
	[tilespmem:s24+$0x1D830] =	vst v0;
	s26 =	smov.u32 s25;
	s25 =	sadd.s32 $0x100, s25  }
.Ltmp2:
0x52: {  	[tilespmem:s24+$0x1D820] =	vst v0;
	(pc) =	sbr.rel @p1 .LBB2_2-.Ltmp2, $3  }
0x53: {  	[tilespmem:s24+$0x1D800] =	vst v0  }
0x54: {  	[tilespmem:s24+$0x1D810] =	vst v0;
	_ =	sdelay $0x1  }
0x55: {  	s24 =	sshra.s32 s26, $0x2  }
0x56: {  	[tilespmem:s24+$0x1D830] =	vst v0  }
0x57: {  	[tilespmem:s24+$0x1D820] =	vst v0  }
0x58: {  	[tilespmem:s24+$0x1D800] =	vst v0  }
0x59: {  	[tilespmem:s24+$0x1D810] =	vst v0  }
0x5a: {  	[spmem:s7] =	stream.linear.scatter [tilespmem:s16], [sflag:$0xB], $0x800, $0x38;
	[tilespmem:$0x1E000] =	vst v63  }
0x5b: {  	_ =	swait.ge [sflag:s15], $0x800  }
0x5c: {  	[sflag:s15] =	ssyncset.done $0x0  }
0x5d: {  	s0 =	rddreg [dreg:$0x5];
	[sflag:s15] =	ssyncadd.s32 $0xFFFFF800  }
0x5e: {  	[spmem:s0] =	stream.linear.scatter [tilespmem:s16], [sflag:$0xB], $0x800, $0x38;
	[tilespmem:$0x1E000] =	vst v63  }
0x5f: {  	_ =	swait.ge [sflag:s15], $0x800  }
0x60: {  	[sflag:s15] =	ssyncset.done $0x0  }
0x61: {  	s26 =	rddreg [dreg:$0x6];
	[sflag:s15] =	ssyncadd.s32 $0xFFFFF800  }
0x62: {  	[spmem:s26] =	stream.linear.scatter [tilespmem:s16], [sflag:$0xB], $0x800, $0x38;
	[tilespmem:$0x1E000] =	vst v63  }
0x63: {  	_ =	swait.ge [sflag:s15], $0x800  }
0x64: {  	[sflag:s15] =	ssyncset.done $0x0  }
0x65: {  	s29 =	rddreg [dreg:$0x7];
	[sflag:s15] =	ssyncadd.s32 $0xFFFFF800  }
0x66: {  	[spmem:s29] =	stream.linear.scatter [tilespmem:s16], [sflag:$0xB], $0x800, $0x38;
	[tilespmem:$0x1E000] =	vst v63  }
0x67: {  	_ =	swait.ge [sflag:s15], $0x800  }
0x68: {  	[sflag:s15] =	ssyncset.done $0x0  }
0x69: {  	s30 =	rddreg [dreg:$0x8];
	[sflag:s15] =	ssyncadd.s32 $0xFFFFF800  }
0x6a: {  	[spmem:s30] =	stream.linear.scatter [tilespmem:s16], [sflag:$0xB], $0x800, $0x38;
	[tilespmem:$0x1E000] =	vst v63  }
0x6b: {  	_ =	swait.ge [sflag:s15], $0x800  }
0x6c: {  	[sflag:s15] =	ssyncset.done $0x0  }
0x6d: {  	s31 =	rddreg [dreg:$0x9];
	[sflag:s15] =	ssyncadd.s32 $0xFFFFF800  }
0x6e: {  	[spmem:s31] =	stream.linear.scatter [tilespmem:s16], [sflag:$0xB], $0x800, $0x38;
	[tilespmem:$0x1E000] =	vst v63  }
0x6f: {  	_ =	swait.ge [sflag:s15], $0x800  }
0x70: {  	[sflag:s15] =	ssyncset.done $0x0  }
0x71: {  	s2 =	rddreg [dreg:$0xa];
	[sflag:s15] =	ssyncadd.s32 $0xFFFFF800  }
0x72: {  	[spmem:s2] =	stream.linear.scatter [tilespmem:s16], [sflag:$0xB], $0x800, $0x38;
	[tilespmem:$0x1E000] =	vst v63  }
0x73: {  	_ =	swait.ge [sflag:s15], $0x800  }
0x74: {  	[sflag:s15] =	ssyncset.done $0x0  }
0x75: {  	s8 =	rddreg [dreg:$0xb];
	[sflag:s15] =	ssyncadd.s32 $0xFFFFF800  }
0x76: {  	[spmem:s8] =	stream.linear.scatter [tilespmem:s16], [sflag:$0xB], $0x800, $0x38;
	[tilespmem:$0x1E000] =	vst v63  }
0x77: {  	_ =	swait.ge [sflag:s15], $0x800  }
0x78: {  	[sflag:s15] =	ssyncset.done $0x0  }
0x79: {  	s24 =	rddreg [dreg:$0xc];
	[sflag:s15] =	ssyncadd.s32 $0xFFFFF800  }
0x7a: {  	[spmem:s24] =	stream.linear.scatter [tilespmem:s16], [sflag:$0xB], $0x800, $0x38;
	[tilespmem:$0x1E000] =	vst v63  }
0x7b: {  	_ =	swait.ge [sflag:s15], $0x800  }
0x7c: {  	[sflag:s15] =	ssyncset.done $0x0  }
0x7d: {  	s25 =	rddreg [dreg:$0xd];
	[sflag:s15] =	ssyncadd.s32 $0xFFFFF800  }
0x7e: {  	[spmem:s25] =	stream.linear.scatter [tilespmem:s16], [sflag:$0xB], $0x800, $0x38;
	[tilespmem:$0x1E000] =	vst v63  }
0x7f: {  	_ =	swait.ge [sflag:s15], $0x800  }
0x80: {  	[sflag:s15] =	ssyncset.done $0x0  }
0x81: {  	s26 =	rddreg [dreg:$0xe];
	[sflag:s15] =	ssyncadd.s32 $0xFFFFF800  }
0x82: {  	[spmem:s26] =	stream.linear.scatter [tilespmem:s16], [sflag:$0xB], $0x800, $0x38;
	[tilespmem:$0x1E000] =	vst v63  }
0x83: {  	_ =	swait.ge [sflag:s15], $0x800  }
0x84: {  	[sflag:s15] =	ssyncset.done $0x0  }
0x85: {  	s29 =	rddreg [dreg:$0xf];
	[sflag:s15] =	ssyncadd.s32 $0xFFFFF800  }
0x86: {  	[spmem:s29] =	stream.linear.scatter [tilespmem:s16], [sflag:$0xB], $0x800, $0x38;
	[tilespmem:$0x1E000] =	vst v63  }
0x87: {  	_ =	swait.ge [sflag:s15], $0x800  }
0x88: {  	[sflag:s15] =	ssyncset.done $0x0  }
0x89: {  	s30 =	rddreg [dreg:$0x10];
	[sflag:s15] =	ssyncadd.s32 $0xFFFFF800  }
0x8a: {  	[spmem:s30] =	stream.linear.scatter [tilespmem:s16], [sflag:$0xB], $0x800, $0x38;
	[tilespmem:$0x1E000] =	vst v63  }
0x8b: {  	_ =	swait.ge [sflag:s15], $0x800  }
0x8c: {  	[sflag:s15] =	ssyncset.done $0x0  }
0x8d: {  	s31 =	rddreg [dreg:$0x11];
	[sflag:s15] =	ssyncadd.s32 $0xFFFFF800  }
0x8e: {  	[spmem:s31] =	stream.linear.scatter [tilespmem:s16], [sflag:$0xB], $0x800, $0x38;
	[tilespmem:$0x1E000] =	vst v63  }
0x8f: {  	_ =	swait.ge [sflag:s15], $0x800  }
0x90: {  	[sflag:s15] =	ssyncset.done $0x0  }
0x91: {  	s2 =	rddreg [dreg:$0x12];
	[sflag:s15] =	ssyncadd.s32 $0xFFFFF800  }
0x92: {  	[spmem:s2] =	stream.linear.scatter [tilespmem:s16], [sflag:$0xB], $0x800, $0x38;
	[tilespmem:$0x1E000] =	vst v63  }
0x93: {  	_ =	swait.ge [sflag:s15], $0x800  }
0x94: {  	[sflag:s15] =	ssyncset.done $0x0  }
0x95: {  	s8 =	rddreg [dreg:$0x13];
	[sflag:s15] =	ssyncadd.s32 $0xFFFFF800  }
0x96: {  	[spmem:s8] =	stream.linear.scatter [tilespmem:s16], [sflag:$0xB], $0x800, $0x38;
	[tilespmem:$0x1E000] =	vst v63  }
0x97: {  	_ =	swait.ge [sflag:s15], $0x800  }
0x98: {  	[sflag:s15] =	ssyncset.done $0x0  }
0x99: {  	s24 =	rddreg [dreg:$0x14];
	[sflag:s15] =	ssyncadd.s32 $0xFFFFF800  }
0x9a: {  	[spmem:s24] =	stream.linear.scatter [tilespmem:s16], [sflag:$0xB], $0x800, $0x38;
	[tilespmem:$0x1E000] =	vst v63  }
0x9b: {  	_ =	swait.ge [sflag:s15], $0x800  }
0x9c: {  	[sflag:s15] =	ssyncset.done $0x0  }
0x9d: {  	s25 =	rddreg [dreg:$0x15];
	[sflag:s15] =	ssyncadd.s32 $0xFFFFF800  }
0x9e: {  	[spmem:s25] =	stream.linear.scatter [tilespmem:s16], [sflag:$0xB], $0x800, $0x38;
	[tilespmem:$0x1E000] =	vst v63  }
0x9f: {  	_ =	swait.ge [sflag:s15], $0x800  }
0xa0: {  	[sflag:s15] =	ssyncset.done $0x0  }
0xa1: {  	s26 =	rddreg [dreg:$0x16];
	[sflag:s15] =	ssyncadd.s32 $0xFFFFF800  }
0xa2: {  	[spmem:s26] =	stream.linear.scatter [tilespmem:s16], [sflag:$0xB], $0x800, $0x38;
	[tilespmem:$0x1E000] =	vst v63  }
0xa3: {  	_ =	swait.ge [sflag:s15], $0x800  }
0xa4: {  	[sflag:s15] =	ssyncset.done $0x0  }
0xa5: {  	s29 =	rddreg [dreg:$0x17];
	[sflag:s15] =	ssyncadd.s32 $0xFFFFF800  }
0xa6: {  	[spmem:s29] =	stream.linear.scatter [tilespmem:s16], [sflag:$0xB], $0x800, $0x38;
	[tilespmem:$0x1E000] =	vst v63  }
0xa7: {  	_ =	swait.ge [sflag:s15], $0x800  }
0xa8: {  	[sflag:s15] =	ssyncset.done $0x0  }
0xa9: {  	[sflag:s15] =	ssyncadd.s32 $0xFFFFF800  }
0xaa: {  	s26 =	simm.s32 $0x0;
	[bflag:$0x0] =	sbarrier.arrive $0xFFFF  }
0xab: {  	[tilespmem:s17], [sflag:$0x9] =	stream.linear.gather [hbm4b:s28+s26], $0x600, $0x38;
	[tilespmem:$0x1E000] =	vst v63  }
0xac: {  	s30 =	simm.s32 $0x14C00  }
0xad: {  	[tilespmem:s30], [sflag:$0x9] =	stream.linear.gather [hbm4b:s10+s26], $0x600, $0x38;
	[tilespmem:$0x1E000] =	vst v63  }
0xae: {  	_ =	swait.ge [sflag:s18], $0x600  }
0xaf: {  	[sflag:s18] =	ssyncset.done $0x0  }
.Ltmp3:
0xb0: {  	[sflag:s18] =	ssyncadd.s32 $0xFFFFFA00;
	(pc) =	sbr.rel .LBB2_4-.Ltmp3, $4  }
0xb1: {  	_ =	swait.ge [sflag:s18], $0x600  }
0xb2: {  	[sflag:s18] =	ssyncset.done $0x0  }
0xb3: {  	s31 =	simm.s32 $0x15800;
	[sflag:s18] =	ssyncadd.s32 $0xFFFFFA00  }
0xb4: {  	[tilespmem:s31], [sflag:$0x1] =	stream.indirect.gather [spmem:s3], $0x40, s17, s19, $0xb8;
	[tilespmem:$0x1E000] =	vst v63  }
.LBB2_5:
0xb5: {  	s29 =	smul.u32 $0xC, s30  }
0xb6: {  	s31 =	sand.u32 $0x1, s30  }
0xb7: {  	s0 =	smul.u32 $0x600, s31;
	s29 =	sadd.s32 s9, s29  }
0xb8: {  	s29 =	sshll.u32 s29, $0x4  }
0xb9: {  	s31 =	sadd.s32 $0x9, s31;
	s2 =	sor.u32 $0x14000, s0;
	s8 =	sadd.s32 s1, s29  }
0xba: {  	[tilespmem:s2], [sflag:s31] =	stream.linear.gather [hbm4b:s8+s5], $0x600, $0x38;
	[tilespmem:$0x1E000] =	vst v63  }
0xbb: {  	s0 =	sadd.s32 $0x14C00, s0;
	s8 =	sadd.s32 s29, s11;
	s29 =	sadd.s32 $0x1, s26  }
0xbc: {  	[tilespmem:s0], [sflag:s31] =	stream.linear.gather [hbm4b:s8+s5], $0x600, $0x38;
	[tilespmem:$0x1E000] =	vst v63  }
.LBB2_8:
0xbd: {  	s0 =	sadd.s32 $0xFFFFFFFD, s26  }
0xbe: {  	s0 =	sand.u32 $0x3, s0  }
0xbf: {  	s0 =	sadd.s32 $0x5, s0  }
0xc0: {  	_ =	swait.ge [sflag:s0], $0x2000  }
0xc1: {  	[sflag:s0] =	ssyncset.done $0x0  }
0xc2: {  	[sflag:s0] =	ssyncadd.s32 $0xFFFFE000  }
.LBB2_9:
0xc3: {  	s0 =	sand.u32 $0xFF, s29  }
0xc4: {  	s0 =	smul.u32 $0xAB, s0;
	_ =	sdelay $0x1  }
0xc5: {  	s0 =	sshrl.u32 s0, $0xB  }
0xc6: {  	s2 =	smul.u32 $0xC, s0;
	_ =	sdelay $0x1  }
0xc7: {  	s2 =	ssub.s32 s29, s2  }
0xc8: {  	s2 =	sand.u32 $0xFF, s2  }
0xc9: {  	p1 =	sne.s32 s2, $0x0  }
0xca: {  	s8 =	sand.u32 @!p1 $0x1, s30  }
0xcb: {  	s8 =	sadd.s32 @!p1 $0x9, s8  }
0xcc: {  	s0 =	sand.u32 $0x1, s0;
	_ =	swait.ge @!p1 [sflag:s8], $0x600  }
0xcd: {  	p2 =	seq.s32 s0, $0x1;
	s0 =	simm.s32 $0x600;
	[sflag:s8] =	ssyncset.done @!p1 $0x0  }
0xce: {  	s0 =	simm.s32 @!p2 $0x0;
	s26 =	sand.u32 $0x3, s2;
	[sflag:s8] =	ssyncadd.s32 @!p1 $0xFFFFFA00  }
0xcf: {  	s2 =	sshll.u32 s2, $0x7;
	s31 =	sshll.u32 s26, $0xD;
	_ =	swait.ge @!p1 [sflag:s8], $0x600  }
0xd0: {  	s0 =	sadd.s32 s2, s0;
	s30 =	sadd.s32 $0x15800, s31;
	[sflag:s8] =	ssyncset.done @!p1 $0x0  }
0xd1: {  	s0 =	sadd.s32 $0x14000, s0;
	s31 =	sadd.s32 $0x1, s26;
	[sflag:s8] =	ssyncadd.s32 @!p1 $0xFFFFFA00  }
0xd2: {  	[tilespmem:s30], [sflag:s31] =	stream.indirect.gather [spmem:s3], $0x40, s0, s19, $0xb8;
	[tilespmem:$0x1E000] =	vst v63  }
.LBB2_10:
0xd3: {  	s24 =	sand.u32 $0x1, s24  }
0xd4: {  	s0 =	sand.u32 $0xFF, s25;
	p1 =	seq.s32 s24, $0x1;
	s24 =	simm.s32 $0x600  }
0xd5: {  	s2 =	sand.u32 $0x3, s0;
	s24 =	simm.s32 @!p1 $0x0;
	p1 =	slt.u32 s29, $0x9C  }
.Ltmp4:
0xd6: {  	s26 =	smov.u32 s29;
	s31 =	sadd.s32 $0x1, s2;
	(pc) =	sbr.rel @!p1 .LBB2_11-.Ltmp4, $4  }
0xd7: {  	s0 =	sshll.u32 s0, $0x7;
	s8 =	sshll.u32 s2, $0xD;
	_ =	swait.ge [sflag:s31], $0x2000  }
0xd8: {  	s2 =	sadd.s32 $0x5, s2;
	s0 =	sadd.s32 s0, s24;
	[sflag:s31] =	ssyncset.done $0x0  }
0xd9: {  	s8 =	sadd.s32 $0x15800, s8;
	s0 =	sadd.s32 $0x14C00, s0;
	[sflag:s31] =	ssyncadd.s32 $0xFFFFE000  }
0xda: {  	[spmem:s4] =	stream.indirect.scatter.add.f32 [tilespmem:s8], [sflag:s2], $0x40, s0, s19, $0xb8;
	[tilespmem:$0x1E000] =	vst v63  }
.LBB2_4:
0xdb: {  	s24 =	smul.u32 $0xAB, s26;
	_ =	sdelay $0x1  }
0xdc: {  	s24 =	sshrl.u32 s24, $0xB  }
0xdd: {  	s24 =	sand.u32 $0x1F, s24  }
0xde: {  	s25 =	smul.u32 $0xC, s24;
	_ =	sdelay $0x1  }
0xdf: {  	p1 =	sgt.u32 s26, $0x8F;
	s25 =	ssub.s32 s26, s25  }
0xe0: {  	s29 =	sand.u32 @!p1 $0xFF, s25  }
0xe1: {  	p2 =	sne.s32 @!p1 s29, $0x4  }
0xe2: {  	p1 =	por p1, p2  }
.Ltmp5:
0xe3: {  	_ = 	snop;
	(pc) =	sbr.rel @!p1 .LBB2_5-.Ltmp5, $2  }
0xe4: {  	_ =	sdelay $0x2  }
0xe5: {  	s30 =	sadd.s32 $0x1, s24  }
0xe6: {  	p1 =	seq.s32 s26, $0x9B  }
.Ltmp6:
0xe7: {  	_ = 	snop;
	(pc) =	sbr.rel @p1 .LBB2_10-.Ltmp6, $2  }
0xe8: {  	_ =	sdelay $0x2  }
0xe9: {  	s29 =	simm.s32 $0x9C  }
0xea: {  	p1 =	slt.u32 s26, $0x3  }
.Ltmp7:
0xeb: {  	_ = 	snop;
	(pc) =	sbr.rel @p1 .LBB2_9-.Ltmp7, $4  }
.Ltmp8:
0xec: {  	_ = 	snop;
	(pc) =	sbr.rel @!p1 .LBB2_8-.Ltmp8, $4  }
0xed: {  	_ = 	snop  }
0xee: {  	_ = 	snop  }
0xef: {  	s29 =	sadd.s32 $0x1, s26  }
0xf0: {  	_ = 	snop  }
.LBB2_12:
0xf1: {  	_ =	sfence.sel $0x180000  }
0xf2: {  	[bflag:$0x0] =	sbarrier.arrive $0xFFFF  }
0xf3: {  	_ =	strace $0x9000004A  }
0xf4: {  	s0 =	stileid.u32;
	[bflag:$0x2] =	sbarrier.arrive $0xFFFF  }
0xf5: {  	p0 =	sne.s32 s0, $0x0;
	s0 =	rddreg [dreg:$0x4]  }
0xf6: {  	s0 =	sadd.s32 @!p0 $0x100000, s0  }
0xf7: {  	[sflag:s0] =	ssyncadd.tile.s32 @!p0 $0x1;
	_ =	shalt  }
.Lfunc_end2:
_tile_overlayer_lowered:
.L_overlay_start_2:
0xf8: {  	(tag) =	ssettag $0x2  }
0xf9: {  	s0 =	rddreg [dreg:$0x0];
	s2 =	stileid.u32  }
0xfa: {  	s1 =	rddreg [dreg:$0x1];
	p0 =	sne.s32 s2, $0x0  }
0xfb: {  	s3 =	rddreg [dreg:$0x2];
	[bflag:$0x3] =	sbarrier.arrive $0xFFFF;
	s2 =	simm.s32 @!p0 $0x1C0B  }
0xfc: {  	[timem:s3], [sflag:s2] =	dma.local @!p0 [hbm:s0], s1  }
0xfd: {  	s0 =	simm.s32 @!p0 $0xB  }
0xfe: {  	_ =	swait.ge @!p0 [sflag:s0], s1  }
0xff: {  	s1 =	ssub.s32 @!p0 $0x0, s1;
	[sflag:s0] =	ssyncset.done @!p0 $0x0  }
0x100: {  	[sflag:s0] =	ssyncadd.s32 @!p0 s1  }
0x101: {  	[bflag:$0x3] =	sbarrier.arrive $0xFFFF  }
0x102: {  	_ =	shalt  }

// kernel: kernel.7.cloned.1.call-start
scs
__scs_entry_jumppad:
0x0: {  	(pc) =	sbr.rel $0x88, $3  }
0x1: {  	(tag) =	ssettag $0x0;
	lr =	simm.s32 $0x1  }
0x2: {  	[smem:$0x3F91] =	sst lr;
	_ =	strace $0xD0000000  }
0x3: {  	_ = 	snop  }
0x4: {  	_ = 	snop  }
0x5: {  	_ = 	snop  }
0x6: {  	_ = 	snop  }
0x7: {  	_ = 	snop  }
__scs_overlays_trampoline_lowered:
0x8: {  	[smem:$0x3FA0] =	sst s0  }
0x9: {  	[smem:$0x3FA1] =	sst s1  }
0xa: {  	[smem:$0x3FA2] =	sst s2  }
0xb: {  	[smem:$0x3FA3] =	sst s3  }
0xc: {  	[smem:$0x3FA4] =	sst s4  }
0xd: {  	[smem:$0x3FA5] =	sst s5  }
0xe: {  	[smem:$0x3FA6] =	sst s6  }
0xf: {  	[smem:$0x3FA7] =	sst s7  }
0x10: {  	[smem:$0x3FA8] =	sst s8  }
0x11: {  	[smem:$0x3FA9] =	sst s9;
	s0 =	simm.s32 @!p0 $0x0  }
0x12: {  	s1 =	sld [smem:$0x3F8F];
	s0 =	simm.s32 @p0 $0x1  }
0x13: {  	[smem:$0x3FAA] =	sst s0;
	s0 =	simm.s32 @!p1 $0x0  }
0x14: {  	s2 =	sld [smem:$0x3F8E];
	s0 =	simm.s32 @p1 $0x1  }
0x15: {  	[smem:$0x3FAB] =	sst s0;
	s0 =	simm.s32 @!p2 $0x0  }
0x16: {  	s3 =	sld [smem:$0x3FDB];
	s0 =	simm.s32 @p2 $0x1  }
0x17: {  	s4 =	simm.s32 $0x1BF5;
	[smem:$0x3FAD] =	sst s0  }
0x18: {  	s0 =	sld [smem:$0x3F90];
	_ =	swait.ge [sflag:s4], $0x0  }
0x19: {  	s7 =	sld [smem:$0x3F91]  }
0x1a: {  	s8 =	sadd.s32 $0xFFFFE003, lr  }
0x1b: {  	s9 =	sadd.s32 $0xFFFFFEF7, lr;
	s5 =	simm.s32 $0xFFFFFFFF;
	p2 =	slt.u32 s8, $0xFFFFF086  }
0x1c: {  	p1 =	slt.u32 s9, $0xF7A;
	s5 =	simm.s32 @!p2 $0x0  }
0x1d: {  	s5 =	simm.s32 @p1 $0x1;
	p0 =	seq.s32 s7, s2  }
0x1e: {  	s7 =	smul.u32 @!p0 $0xF7A, s2;
	p2 =	seq.s32 @!p0 s5, $0x0  }
0x1f: {  	s9 =	smul.u32 $0xF7A, s1;
	s8 =	simm.s32 @!p0 $0x1BF5;
	p2 =	por !p2, p0  }
0x20: {  	[sflag:s8] =	ssyncset.s32 @!p0 $0xFFFFF086;
	s6 =	sadd.s32 @!p0 s3, s7;
	s7 =	simm.s32 @!p0 $0x108  }
0x21: {  	s3 =	sadd.s32 s3, s9;
	s6 =	sadd.s32 @!p0 $0x88, s6;
	s7 =	simm.s32 @p2 $0x1082  }
0x22: {  	[simem:s7], [sflag:s8] =	dma.local @!p0 [hbm:s6], $0xF7A  }
0x23: {  	s9 =	sor.u32 $0xD0000000, s2;
	s6 =	simm.s32 $0x108;
	_ =	swait.ge @!p0 [sflag:s8], $0x0  }
0x24: {  	s3 =	sadd.s32 $0x88, s3;
	s6 =	simm.s32 @!p1 $0x1082;
	[sflag:s4] =	ssyncset.s32 $0xFFFFF086  }
0x25: {  	[simem:s6], [sflag:s4] =	dma.local [hbm:s3], $0xF7A  }
0x26: {  	[smem:$0x3F91] =	sst s1;
	(tag) =	ssettag s2;
	_ =	strace s9  }
0x27: {  	s1 =	sld [smem:$0x3FA1]  }
0x28: {  	s2 =	sld [smem:$0x3FA2]  }
0x29: {  	s4 =	sld [smem:$0x3FA4]  }
0x2a: {  	p0 =	seq.s32 s5, $0x0;
	s5 =	sld [smem:$0x3FA5]  }
0x2b: {  	s6 =	sld [smem:$0x3FA6]  }
0x2c: {  	s7 =	sld [smem:$0x3FA7]  }
0x2d: {  	s3 =	simm.s32 $0x108;
	s8 =	sld [smem:$0x3FA8]  }
0x2e: {  	s3 =	simm.s32 @!p0 $0x1082;
	s9 =	sld [smem:$0x3FA9]  }
0x2f: {  	lr =	sadd.s32 s0, s3;
	s0 =	sld [smem:$0x3FA0]  }
0x30: {  	s3 =	sld [smem:$0x3FA3]  }
0x31: {  	[smem:$0x3FAC] =	sst s10  }
0x32: {  	s10 =	sld [smem:$0x3FAA];
	_ =	sdelay $0x3  }
0x33: {  	p0 =	seq.s32 s10, $0x1;
	s10 =	sld [smem:$0x3FAC];
	_ =	sdelay $0x3  }
0x34: {  	[smem:$0x3FAC] =	sst s10  }
0x35: {  	s10 =	sld [smem:$0x3FAB];
	_ =	sdelay $0x3  }
0x36: {  	p1 =	seq.s32 s10, $0x1;
	s10 =	sld [smem:$0x3FAC];
	_ =	sdelay $0x3  }
0x37: {  	[smem:$0x3FAC] =	sst s10  }
0x38: {  	s10 =	sld [smem:$0x3FAD]  }
0x39: {  	_ = 	snop;
	(pc) =	sbr.ind lr, $3  }
0x3a: {  	_ = 	snop  }
0x3b: {  	_ = 	snop  }
0x3c: {  	p2 =	seq.s32 s10, $0x1;
	s10 =	sld [smem:$0x3FAC]  }
0x3d: {  	_ =	shalt  }
0x3e: {  	_ =	shalt  }
0x3f: {  	_ =	shalt  }
0x40: {  	_ =	shalt  }
0x41: {  	_ =	shalt  }
0x42: {  	_ =	shalt  }
0x43: {  	_ =	shalt  }
0x44: {  	_ =	shalt  }
0x45: {  	_ =	shalt  }
0x46: {  	_ =	shalt  }
0x47: {  	_ =	shalt  }
0x48: {  	_ =	shalt  }
0x49: {  	_ =	shalt  }
0x4a: {  	_ =	shalt  }
0x4b: {  	_ =	shalt  }
0x4c: {  	_ =	shalt  }
0x4d: {  	_ =	shalt  }
0x4e: {  	_ =	shalt  }
0x4f: {  	_ =	shalt  }
0x50: {  	_ =	shalt  }
0x51: {  	_ =	shalt  }
0x52: {  	_ =	shalt  }
0x53: {  	_ =	shalt  }
0x54: {  	_ =	shalt  }
0x55: {  	_ =	shalt  }
0x56: {  	_ =	shalt  }
0x57: {  	_ =	shalt  }
0x58: {  	_ =	shalt  }
0x59: {  	_ =	shalt  }
0x5a: {  	_ =	shalt  }
0x5b: {  	_ =	shalt  }
0x5c: {  	_ =	shalt  }
0x5d: {  	_ =	shalt  }
0x5e: {  	_ =	shalt  }
0x5f: {  	_ =	shalt  }
0x60: {  	_ =	shalt  }
0x61: {  	_ =	shalt  }
0x62: {  	_ =	shalt  }
0x63: {  	_ =	shalt  }
0x64: {  	_ =	shalt  }
0x65: {  	_ =	shalt  }
0x66: {  	_ =	shalt  }
0x67: {  	_ =	shalt  }
0x68: {  	_ =	shalt  }
0x69: {  	_ =	shalt  }
0x6a: {  	_ =	shalt  }
0x6b: {  	_ =	shalt  }
0x6c: {  	_ =	shalt  }
0x6d: {  	_ =	shalt  }
0x6e: {  	_ =	shalt  }
0x6f: {  	_ =	shalt  }
0x70: {  	_ =	shalt  }
0x71: {  	_ =	shalt  }
0x72: {  	_ =	shalt  }
0x73: {  	_ =	shalt  }
0x74: {  	_ =	shalt  }
0x75: {  	_ =	shalt  }
0x76: {  	_ =	shalt  }
0x77: {  	_ =	shalt  }
0x78: {  	_ =	shalt  }
0x79: {  	_ =	shalt  }
0x7a: {  	_ =	shalt  }
0x7b: {  	_ =	shalt  }
0x7c: {  	_ =	shalt  }
0x7d: {  	_ =	shalt  }
0x7e: {  	_ =	shalt  }
0x7f: {  	_ =	shalt  }
0x80: {  	_ =	shalt  }
0x81: {  	_ =	shalt  }
0x82: {  	_ =	shalt  }
0x83: {  	_ =	shalt  }
0x84: {  	_ =	shalt  }
0x85: {  	_ =	shalt  }
0x86: {  	_ =	shalt  }
0x87: {  	_ =	shalt  }
.Lfunc_end0:
.L_simem_size_0:
called_computation_lowered:
.L_overlay_start_0:
0x88: {  	s2 =	sld [smem:$0x3FD9]  }
0x89: {  	s3 =	sld [smem:$0x3FFE];
	_ =	sdelay $0x1  }
0x8a: {  	s1 =	srdreg.scid  }
0x8b: {  	s0 =	sand.u32 $0x1, s1  }
0x8c: {  	s14 =	sshll.u32 s0, $0xA;
	s2 =	sadd.s32 s3, s2  }
0x8d: {  	s2 =	sadd.s32 s2, s14  }
0x8e: {  	[smem:$0x3FB8] =	sst s2  }
0x8f: {  	_ = 	snop  }
0x90: {  	s2 =	sld [smem:$0x3FD0];
	_ =	sdelay $0x2  }
0x91: {  	s15 =	simm.s32 $0xA;
	s4 =	simm.s32 $0x10  }
0x92: {  	[smem:s4], [sflag:s15] =	dma.local [hbm:s2], $0x1  }
0x93: {  	_ =	swait.eq [sflag:s15], $0x1  }
0x94: {  	[sflag:s15] =	ssyncset.done $0x0  }
0x95: {  	[sflag:s15] =	ssyncadd.s32 $0xFFFFFFFF  }
0x96: {  	s16 =	sld [smem:$0x11];
	(tm) =	ssettm $0x1  }
0x97: {  	s17 =	sld [smem:$0x3FFB];
	_ =	sdelay $0x3  }
0x98: {  	_ =	strace s17  }
0x99: {  	s3 =	sld [smem:$0x3FFC];
	_ =	sdelay $0x3  }
0x9a: {  	_ =	strace s3  }
0x9b: {  	s3 =	sld [smem:$0x3FFD];
	_ =	sdelay $0x3  }
0x9c: {  	_ =	strace s3  }
0x9d: {  	_ =	strace $0x8FFFFFFF  }
0x9e: {  	s18 =	sld [smem:$0x3FDB];
	_ =	sdelay $0x1  }
0x9f: {  	s19 =	simm.s32 $_scs_section_size  }
0xa0: {  	s5 =	simm.s32 $_size__tile_overlayer_lowered;
	s6 =	simm.s32 $_tile_overlayer_lowered  }
0xa1: {  	s22 =	simm.s32 $0x1BFF;
	s21 =	sshll.u32 s6, $0x1;
	s3 =	sadd.s32 s19, s18  }
0xa2: {  	s7 =	simm.s32 $0x0;
	s20 =	sshll.u32 s5, $0x1;
	s5 =	sadd.s32 s21, s3  }
0xa3: {  	[timem:s7], [sflag:s22] =	dma.local [hbm:s5], s20  }
0xa4: {  	_ =	swait.ge [sflag:s22], s20  }
0xa5: {  	s4 =	ssub.s32 $0x0, s20;
	[sflag:s22] =	ssyncset.done $0x0  }
0xa6: {  	[sflag:s22] =	ssyncadd.s32 s4;
	_ =	sdelay $0x1  }
0xa7: {  	s23 =	simm.s32 $0x1B8B  }
0xa8: {  	_ =	swait.ge [sflag:s23], $0x1  }
0xa9: {  	[sflag:s23] =	ssyncset.done $0x0  }
0xaa: {  	s25 =	simm.s32 $0x1B8E;
	s24 =	sld [smem:$0x3FFE];
	[sflag:s23] =	ssyncadd.s32 $0xFFFFFFFF  }
0xab: {  	s26 =	simm.s32 $execute0_lowered;
	[smem:$0x3FD2] =	sst s25  }
0xac: {  	s5 =	sshll.u32 s26, $0x1;
	_ =	strace $0x80000046;
	[dreg:$0x1] =	wrdreg $0xFFFFFFFF  }
0xad: {  	s28 =	simm.s32 $_size_execute0_lowered;
	s3 =	sadd.s32 s3, s5;
	[dreg:$0x0] =	wrdreg $0x0  }
0xae: {  	s5 =	sshll.u32 s28, $0x1;
	[dreg:$0x2] =	wrdreg s3  }
0xaf: {  	[dreg:$0x3] =	wrdreg s5  }
0xb0: {  	[dreg:$0x4] =	wrdreg $0xC0  }
0xb1: {  	_ =	task [dreg:s7], $0x5FFFF  }
0xb2: {  	[dreg:$0x1] =	wrdreg $0xFFFFFFFF  }
0xb3: {  	[dreg:$0x0] =	wrdreg $0x60  }
0xb4: {  	[dreg:$0x2] =	wrdreg s24  }
0xb5: {  	[dreg:$0x3] =	wrdreg s16  }
0xb6: {  	[dreg:$0x4] =	wrdreg $0x0  }
0xb7: {  	[dreg:$0x5] =	wrdreg $0xA0000  }
0xb8: {  	[dreg:$0x6] =	wrdreg $0x140000  }
0xb9: {  	[dreg:$0x7] =	wrdreg $0x9  }
0xba: {  	_ =	task.clear_ibuf [dreg:s7], $0x8FFFF;
	_ =	strace $0x90000046  }
0xbb: {  	s29 =	simm.s32 $0x9;
	_ =	strace $0x80000048  }
0xbc: {  	_ =	swait.ge [sflag:s29], $0x1  }
0xbd: {  	[sflag:s29] =	ssyncadd.s32 $0xFFFFFFFF  }
0xbe: {  	_ =	strace $0x90000048  }
0xbf: {  	_ =	sfence  }
0xc0: {  	s30 =	sld [smem:$0x0];
	_ =	sdelay $0x2  }
0xc1: {  	s31 =	sshll.u32 s1, $0xD;
	s1 =	sshrl.u32 s1, $0x2  }
0xc2: {  	s3 =	sand.u32 $0x4000, s31;
	s1 =	sadd.s32 s1, s30  }
0xc3: {  	s0 =	sor.u32 s3, s0;
	s1 =	sshll.u32 s1, $0x11  }
0xc4: {  	s0 =	sor.u32 s1, s0  }
0xc5: {  	s0 =	sadd.s32 $0x8F2B, s0  }
0xc6: {  	[sflag:s0] =	ssyncadd.remote.s32 $0x1  }
0xc7: {  	_ =	sfence.sel $0xFFFF  }
0xc8: {  	[dreg:$0x0] =	wrdreg $0xFFFFFFFF;
	(pc) =	sbr.abs _section_cstart, $3  }
0xc9: {  	[dreg:$0x1] =	wrdreg $0xFFFFFFFF  }
0xca: {  	_ =	task.clear_ibuf [dreg:s7], $0x2FFFF;
	_ =	strace $0x9FFFFFFF  }
0xcb: {  	(tm) =	ssettm $0x7FFFFFFF  }
tec
execute0_lowered:
.L_overlay_start_1:
0x0: {  	(tag) =	ssettag $0x1  }
0x1: {  	s0 =	rddreg [dreg:$0x0]  }
0x2: {  	s1 =	rddreg [dreg:$0x1]  }
0x3: {  	s2 =	rddreg [dreg:$0x2];
	s20 =	stileid.u32  }
0x4: {  	s4 =	rddreg [dreg:$0x3];
	s18 =	smul.u32 $0x14000, s20  }
0x5: {  	s3 =	srdreg.scid;
	s10 =	smul.u32 $0x2800, s20  }
0x6: {  	s5 =	rddreg [dreg:$0x4];
	s7 =	simm.s32 $0x0;
	s11 =	smul.u32 $0xA000, s20  }
0x7: {  	s6 =	sand.u32 $0x1, s3;
	[smem:$0x7FF] =	sst s7;
	s12 =	smul.u32 $0x28000, s20  }
0x8: {  	s14 =	smul.u32 $0x280, s20;
	s22 =	sshll.u32 s20, $0x6;
	s8 =	sshll.u32 s6, $0x6  }
0x9: {  	s19 =	smul.u32 $0x28000, s6;
	_ =	strace $0x80000047;
	s9 =	ssub.s32 $0x2, s6  }
0xa: {  	s3 =	sor.u32 s8, s18;
	s21 =	sshrl.u32 s9, $0x1;
	s15 =	sadd.s32 s11, s2  }
0xb: {  	s12 =	sshrl.u32 s12, $0x2;
	s17 =	sadd.s32 $0x180, s14;
	s3 =	sshrl.u32 s3, $0x3  }
0xc: {  	s13 =	ssub.s32 s9, s21;
	s9 =	sadd.s32 s11, s4;
	s11 =	sadd.s32 s12, s4  }
0xd: {  	s8 =	sadd.s32 s10, s19;
	s12 =	sadd.s32 $0x80, s14;
	s16 =	sadd.s32 $0x800, s11  }
0xe: {  	s19 =	sshll.u32 s17, $0x6;
	s23 =	sadd.s32 $0x1000, s11;
	[dreg:$0x6] =	wrdreg s16  }
0xf: {  	s3 =	sadd.s32 s3, s0;
	s25 =	sadd.s32 s19, s4;
	[dreg:$0x7] =	wrdreg s23  }
0x10: {  	s8 =	sshrl.u32 s8, $0x3;
	s19 =	sadd.s32 $0x1800, s11;
	[dreg:$0xa] =	wrdreg s25  }
0x11: {  	s24 =	sshll.u32 s12, $0x6;
	s21 =	sadd.s32 $0x2800, s11;
	[dreg:$0xc] =	wrdreg s19  }
0x12: {  	s0 =	sadd.s32 s8, s0;
	s16 =	sadd.s32 s24, s4;
	[dreg:$0xd] =	wrdreg s21  }
0x13: {  	s8 =	sor.u32 $0x1C0B, s22;
	s22 =	sadd.s32 $0x3000, s11;
	[dreg:$0x8] =	wrdreg s16  }
0x14: {  	s23 =	sadd.s32 $0x3800, s11;
	[dreg:$0xe] =	wrdreg s22  }
0x15: {  	s28 =	simm.s32 $0x1E800;
	s24 =	sadd.s32 $0x4800, s11;
	[dreg:$0xf] =	wrdreg s23  }
0x16: {  	s31 =	simm.s32 $0x7;
	s25 =	sadd.s32 $0x5000, s11;
	[dreg:$0x10] =	wrdreg s24  }
0x17: {  	p0 =	sgt.u32 s20, $0x3;
	s19 =	sadd.s32 $0x6800, s11;
	[dreg:$0x11] =	wrdreg s25  }
0x18: {  	p1 =	sne.s32 @!p0 s6, $0x0;
	s21 =	sadd.s32 $0x7000, s11;
	[dreg:$0x13] =	wrdreg s19  }
0x19: {  	s30 =	sadd.s32 s10, s5;
	[dreg:$0x14] =	wrdreg s21;
	s22 =	sadd.s32 $0x7800, s11  }
0x1a: {  	p1 =	por p1, p0;
	s23 =	sadd.s32 $0x8800, s11;
	[dreg:$0x15] =	wrdreg s22  }
0x1b: {  	s16 =	sadd.s32 $0x100, s14;
	s24 =	sadd.s32 $0x9000, s11;
	[dreg:$0x16] =	wrdreg s23  }
0x1c: {  	s14 =	sadd.s32 $0x200, s14;
	s0 =	sadd.s32 $0x2BE00, s0;
	[dreg:$0x17] =	wrdreg s24  }
0x1d: {  	s25 =	sshll.u32 s12, $0x4;
	s23 =	sadd.s32 $0x3E00, s3;
	[smem:$0x7FA] =	sst s0  }
0x1e: {  	s12 =	sshll.u32 s17, $0x4;
	s3 =	sadd.s32 $0x35E00, s3;
	[dreg:$0x1f] =	wrdreg s23  }
0x1f: {  	s18 =	sshll.u32 s16, $0x6;
	s24 =	smax.u32 s13, $0x1;
	[smem:$0x7F9] =	sst s3  }
0x20: {  	s26 =	sshll.u32 s14, $0x6;
	s18 =	sadd.s32 s18, s4;
	[smem:$0x7FB] =	sst s24  }
0x21: {  	s17 =	sshll.u32 s14, $0x4;
	[dreg:$0x9] =	wrdreg s18;
	s18 =	sadd.s32 s26, s4  }
0x22: {  	s0 =	simm.s32 $0x4;
	s26 =	sadd.s32 $0x5800, s11;
	[dreg:$0xb] =	wrdreg s18  }
0x23: {  	s13 =	simm.s32 $0x9;
	s11 =	sadd.s32 $0x9800, s11;
	[dreg:$0x12] =	wrdreg s26  }
0x24: {  	s14 =	simm.s32 $0x0;
	s3 =	simm.s32 $0x80;
	[dreg:$0x18] =	wrdreg s11  }
0x25: {  	s26 =	sadd.s32 s25, s5;
	s11 =	sshll.u32 s16, $0x4;
	s16 =	smul.u32 $0x4E00, s20  }
0x26: {  	s18 =	sshll.u32 s20, $0x4;
	s25 =	sshrl.u32 s15, $0x3;
	[dreg:$0x19] =	wrdreg s26  }
0x27: {  	s10 =	sadd.s32 s11, s5;
	[smem:$0x7FC] =	sst s25;
	s25 =	simm.s32 $0xB  }
0x28: {  	[dreg:$0x1a] =	wrdreg s10;
	s10 =	sadd.s32 s12, s5;
	s19 =	sshrl.u32 s16, $0x3  }
0x29: {  	s12 =	sadd.s32 s18, s1;
	s16 =	simm.s32 $0x1;
	s18 =	simm.s32 $0x10  }
0x2a: {  	[dreg:$0x1b] =	wrdreg s10;
	s10 =	sadd.s32 s17, s5;
	s21 =	sadd.s32 $0x9C00, s12  }
.Ltmp0:
0x2b: {  	s22 =	sadd.s32 $0x13840, s12;
	[dreg:$0x1c] =	wrdreg s10;
	(pc) =	sbr.rel .LBB2_1-.Ltmp0, $4  }
0x2c: {  	s17 =	simm.s32 $0x8;
	s12 =	simm.s32 $0x6;
	[dreg:$0x1d] =	wrdreg s21  }
0x2d: {  	s10 =	sadd.s32 s1, s19;
	[dreg:$0x1e] =	wrdreg s22;
	s19 =	smul.u32 $0x9C, s20  }
0x2e: {  	s21 =	sadd.s32 $0x9C40, s1;
	s29 =	smov.u32 s10;
	s26 =	sadd.s32 $0x9C40, s10  }
0x2f: {  	v0 =	vimm.f32 $0.0e+00;
	v1 =	vimm.f32 $1.000000000e+00;
	s10 =	simm.s32 $0x5;
	[smem:$0x7FD] =	sst s26;
	s26 =	simm.s32 $0x1E000  }
.LBB2_15:
0x30: {  	_ =	swait.ge [sflag:s0], $0x2000  }
0x31: {  	[sflag:s0] =	ssyncset.done $0x0  }
0x32: {  	[sflag:s0] =	ssyncadd.s32 $0xFFFFE000  }
0x33: {  	_ =	swait.ge [sflag:s10], $0x2000  }
0x34: {  	[sflag:s10] =	ssyncset.done $0x0  }
0x35: {  	[sflag:s10] =	ssyncadd.s32 $0xFFFFE000  }
0x36: {  	_ =	swait.ge [sflag:s12], $0x2000  }
0x37: {  	[sflag:s12] =	ssyncset.done $0x0  }
0x38: {  	[sflag:s12] =	ssyncadd.s32 $0xFFFFE000  }
0x39: {  	_ =	swait.ge [sflag:s13], $0x800  }
0x3a: {  	s11 =	simm.s32 @!p0 $0x0;
	[sflag:s13] =	ssyncset.done $0x0  }
0x3b: {  	s15 =	simm.s32 @!p0 $0x16800;
	s16 =	rddreg [dreg:$0x1d];
	[sflag:s13] =	ssyncadd.s32 $0xFFFFF800  }
0x3c: {  	[tilespmem:s15], [sflag:$0xB] =	stream.linear.gather @!p0 [hbm4b:s16+s11], $0x80, $0x38;
	[tilespmem:$0x1F800] =	vst v63  }
0x3d: {  	s16 =	simm.s32 @!p0 $0xB  }
0x3e: {  	_ =	swait.ge @!p0 [sflag:s16], $0x80  }
0x3f: {  	[sflag:s16] =	ssyncset.done @!p0 $0x0  }
0x40: {  	s17 =	simm.s32 @!p0 $0x17400;
	s18 =	rddreg [dreg:$0x1e];
	[sflag:s16] =	ssyncadd.s32 @!p0 $0xFFFFFF80  }
0x41: {  	[tilespmem:s17], [sflag:$0xB] =	stream.linear.gather @!p0 [hbm4b:s18+s11], $0x80, $0x38;
	[tilespmem:$0x1F800] =	vst v63  }
0x42: {  	_ =	swait.ge @!p0 [sflag:s16], $0x80  }
0x43: {  	[sflag:s16] =	ssyncset.done @!p0 $0x0  }
0x44: {  	s11 =	simm.s32 @!p0 $0x80;
	s18 =	simm.s32 @!p0 $0x18000;
	[sflag:s16] =	ssyncadd.s32 @!p0 $0xFFFFFF80  }
0x45: {  	[tilespmem:s18], [sflag:$0x1] =	stream.indirect.gather @!p0 [spmem:s2], $0x40, s15, s11, $0xb8;
	[tilespmem:$0x1F800] =	vst v63  }
0x46: {  	s15 =	simm.s32 @!p0 $0x1  }
0x47: {  	_ =	swait.ge @!p0 [sflag:s15], $0x2000  }
0x48: {  	[sflag:s15] =	ssyncset.done @!p0 $0x0  }
0x49: {  	[sflag:s15] =	ssyncadd.s32 @!p0 $0xFFFFE000  }
0x4a: {  	[spmem:s4] =	stream.indirect.scatter.add.f32 @!p0 [tilespmem:s18], [sflag:$0xB], $0x40, s17, s11, $0xb8;
	[tilespmem:$0x1F800] =	vst v63  }
0x4b: {  	_ =	swait.ge @!p0 [sflag:s16], $0x2000  }
0x4c: {  	s15 =	simm.s32 @!p1 $0x17400;
	[sflag:s16] =	ssyncset.done @!p0 $0x0  }
0x4d: {  	s11 =	simm.s32 @!p1 $0x80;
	[sflag:s16] =	ssyncadd.s32 @!p0 $0xFFFFE000;
	s16 =	simm.s32 @!p1 $0x1F000  }
0x4e: {  	[spmem:s5] =	stream.indirect.scatter.add.f32 @!p1 [tilespmem:s16], [sflag:$0xB], $0x10, s15, s11, $0xb8;
	[tilespmem:$0x1F800] =	vst v63  }
0x4f: {  	s11 =	simm.s32 @!p1 $0xB  }
0x50: {  	_ =	swait.ge @!p1 [sflag:s11], $0x800  }
0x51: {  	[sflag:s11] =	ssyncset.done @!p1 $0x0  }
0x52: {  	[sflag:s11] =	ssyncadd.s32 @!p1 $0xFFFFF800  }
0x53: {  	[bflag:$0x0] =	sbarrier.arrive $0xFFFF  }
0x54: {  	s20 =	sld [smem:$0x7F9]  }
0x55: {  	s17 =	simm.s32 $0x8  }
0x56: {  	s18 =	simm.s32 $0x10;
	s15 =	sshrl.u32 s9, $0x3;
	s16 =	simm.s32 $0x1  }
0x57: {  	[hbm:s20@s18], [sflag:s8] =	dma.strided [spmem:s15@s17], $0x1400, s16, $0x8   }
0x58: {  	_ =	swait.ge [sflag:s25], $0x1400  }
0x59: {  	s23 =	sld [smem:$0x7FA]  }
0x5a: {  	[sflag:s25] =	ssyncset.done $0x0  }
0x5b: {  	s22 =	sshrl.u32 s30, $0x3;
	[sflag:s25] =	ssyncadd.s32 $0xFFFFEC00  }
0x5c: {  	[hbm:s23], [sflag:s8] =	dma.local [spmem:s22], $0x500  }
0x5d: {  	_ =	swait.ge [sflag:s25], $0x500  }
0x5e: {  	s24 =	sld [smem:$0x7FB];
	_ =	sdelay $0x1  }
0x5f: {  	s14 =	sadd.s32 $0x1, s14  }
0x60: {  	p2 =	sne.s32 s14, s24  }
.Ltmp1:
0x61: {  	_ = 	snop;
	(pc) =	sbr.rel @!p2 .LBB2_16-.Ltmp1, $3  }
0x62: {  	_ =	sdelay $0x1  }
0x63: {  	[sflag:s25] =	ssyncset.done $0x0  }
0x64: {  	[sflag:s25] =	ssyncadd.s32 $0xFFFFFB00  }
.LBB2_1:
0x65: {  	s15 =	sld [smem:$0x7FC];
	_ =	sdelay $0x1  }
0x66: {  	s11 =	rddreg [dreg:$0x1f]  }
0x67: {  	[spmem:s15@s17], [sflag:s8] =	dma.strided [hbm:s11@s18], $0x1400, s16, $0x8   }
0x68: {  	_ =	swait.ge [sflag:s25], $0x1400  }
0x69: {  	[sflag:s25] =	ssyncset.done $0x0  }
0x6a: {  	s16 =	simm.s32 $0x100;
	s15 =	simm.s32 $0x0;
	[sflag:s25] =	ssyncadd.s32 $0xFFFFEC00  }
.LBB2_2:
0x6b: {  	p2 =	sne.s32 s16, $0x1F00;
	[tilespmem:s15+$0x1E030] =	vst v0;
	s17 =	smov.u32 s16;
	s16 =	sadd.s32 $0x100, s16  }
.Ltmp2:
0x6c: {  	[tilespmem:s15+$0x1E020] =	vst v0;
	(pc) =	sbr.rel @p2 .LBB2_2-.Ltmp2, $3  }
0x6d: {  	[tilespmem:s15+$0x1E000] =	vst v0  }
0x6e: {  	[tilespmem:s15+$0x1E010] =	vst v0;
	_ =	sdelay $0x1  }
0x6f: {  	s15 =	sshra.s32 s17, $0x2  }
0x70: {  	[tilespmem:s15+$0x1E030] =	vst v0  }
0x71: {  	[tilespmem:s15+$0x1E020] =	vst v0  }
0x72: {  	[tilespmem:s15+$0x1E000] =	vst v0  }
0x73: {  	[tilespmem:s15+$0x1E010] =	vst v0  }
0x74: {  	[spmem:s9] =	stream.linear.scatter [tilespmem:s26], [sflag:$0xB], $0x800, $0x38;
	[tilespmem:$0x1F800] =	vst v63  }
0x75: {  	_ =	swait.ge [sflag:s25], $0x800  }
0x76: {  	[sflag:s25] =	ssyncset.done $0x0  }
0x77: {  	s11 =	rddreg [dreg:$0x6];
	[sflag:s25] =	ssyncadd.s32 $0xFFFFF800  }
0x78: {  	[spmem:s11] =	stream.linear.scatter [tilespmem:s26], [sflag:$0xB], $0x800, $0x38;
	[tilespmem:$0x1F800] =	vst v63  }
0x79: {  	_ =	swait.ge [sflag:s25], $0x800  }
0x7a: {  	[sflag:s25] =	ssyncset.done $0x0  }
0x7b: {  	s23 =	rddreg [dreg:$0x7];
	[sflag:s25] =	ssyncadd.s32 $0xFFFFF800  }
0x7c: {  	[spmem:s23] =	stream.linear.scatter [tilespmem:s26], [sflag:$0xB], $0x800, $0x38;
	[tilespmem:$0x1F800] =	vst v63  }
0x7d: {  	_ =	swait.ge [sflag:s25], $0x800  }
0x7e: {  	[sflag:s25] =	ssyncset.done $0x0  }
0x7f: {  	s24 =	rddreg [dreg:$0xc];
	[sflag:s25] =	ssyncadd.s32 $0xFFFFF800  }
0x80: {  	[spmem:s24] =	stream.linear.scatter [tilespmem:s26], [sflag:$0xB], $0x800, $0x38;
	[tilespmem:$0x1F800] =	vst v63  }
0x81: {  	_ =	swait.ge [sflag:s25], $0x800  }
0x82: {  	[sflag:s25] =	ssyncset.done $0x0  }
0x83: {  	s15 =	rddreg [dreg:$0x8];
	[sflag:s25] =	ssyncadd.s32 $0xFFFFF800  }
0x84: {  	[spmem:s15] =	stream.linear.scatter [tilespmem:s26], [sflag:$0xB], $0x800, $0x38;
	[tilespmem:$0x1F800] =	vst v63  }
0x85: {  	_ =	swait.ge [sflag:s25], $0x800  }
0x86: {  	[sflag:s25] =	ssyncset.done $0x0  }
0x87: {  	s16 =	rddreg [dreg:$0xd];
	[sflag:s25] =	ssyncadd.s32 $0xFFFFF800  }
0x88: {  	[spmem:s16] =	stream.linear.scatter [tilespmem:s26], [sflag:$0xB], $0x800, $0x38;
	[tilespmem:$0x1F800] =	vst v63  }
0x89: {  	_ =	swait.ge [sflag:s25], $0x800  }
0x8a: {  	[sflag:s25] =	ssyncset.done $0x0  }
0x8b: {  	s17 =	rddreg [dreg:$0xe];
	[sflag:s25] =	ssyncadd.s32 $0xFFFFF800  }
0x8c: {  	[spmem:s17] =	stream.linear.scatter [tilespmem:s26], [sflag:$0xB], $0x800, $0x38;
	[tilespmem:$0x1F800] =	vst v63  }
0x8d: {  	_ =	swait.ge [sflag:s25], $0x800  }
0x8e: {  	[sflag:s25] =	ssyncset.done $0x0  }
0x8f: {  	s18 =	rddreg [dreg:$0xf];
	[sflag:s25] =	ssyncadd.s32 $0xFFFFF800  }
0x90: {  	[spmem:s18] =	stream.linear.scatter [tilespmem:s26], [sflag:$0xB], $0x800, $0x38;
	[tilespmem:$0x1F800] =	vst v63  }
0x91: {  	_ =	swait.ge [sflag:s25], $0x800  }
0x92: {  	[sflag:s25] =	ssyncset.done $0x0  }
0x93: {  	s20 =	rddreg [dreg:$0x9];
	[sflag:s25] =	ssyncadd.s32 $0xFFFFF800  }
0x94: {  	[spmem:s20] =	stream.linear.scatter [tilespmem:s26], [sflag:$0xB], $0x800, $0x38;
	[tilespmem:$0x1F800] =	vst v63  }
0x95: {  	_ =	swait.ge [sflag:s25], $0x800  }
0x96: {  	[sflag:s25] =	ssyncset.done $0x0  }
0x97: {  	s22 =	rddreg [dreg:$0x10];
	[sflag:s25] =	ssyncadd.s32 $0xFFFFF800  }
0x98: {  	[spmem:s22] =	stream.linear.scatter [tilespmem:s26], [sflag:$0xB], $0x800, $0x38;
	[tilespmem:$0x1F800] =	vst v63  }
0x99: {  	_ =	swait.ge [sflag:s25], $0x800  }
0x9a: {  	[sflag:s25] =	ssyncset.done $0x0  }
0x9b: {  	s23 =	rddreg [dreg:$0x11];
	[sflag:s25] =	ssyncadd.s32 $0xFFFFF800  }
0x9c: {  	[spmem:s23] =	stream.linear.scatter [tilespmem:s26], [sflag:$0xB], $0x800, $0x38;
	[tilespmem:$0x1F800] =	vst v63  }
0x9d: {  	_ =	swait.ge [sflag:s25], $0x800  }
0x9e: {  	[sflag:s25] =	ssyncset.done $0x0  }
0x9f: {  	s24 =	rddreg [dreg:$0x12];
	[sflag:s25] =	ssyncadd.s32 $0xFFFFF800  }
0xa0: {  	[spmem:s24] =	stream.linear.scatter [tilespmem:s26], [sflag:$0xB], $0x800, $0x38;
	[tilespmem:$0x1F800] =	vst v63  }
0xa1: {  	_ =	swait.ge [sflag:s25], $0x800  }
0xa2: {  	[sflag:s25] =	ssyncset.done $0x0  }
0xa3: {  	s15 =	rddreg [dreg:$0xa];
	[sflag:s25] =	ssyncadd.s32 $0xFFFFF800  }
0xa4: {  	[spmem:s15] =	stream.linear.scatter [tilespmem:s26], [sflag:$0xB], $0x800, $0x38;
	[tilespmem:$0x1F800] =	vst v63  }
0xa5: {  	_ =	swait.ge [sflag:s25], $0x800  }
0xa6: {  	[sflag:s25] =	ssyncset.done $0x0  }
0xa7: {  	s16 =	rddreg [dreg:$0x13];
	[sflag:s25] =	ssyncadd.s32 $0xFFFFF800  }
0xa8: {  	[spmem:s16] =	stream.linear.scatter [tilespmem:s26], [sflag:$0xB], $0x800, $0x38;
	[tilespmem:$0x1F800] =	vst v63  }
0xa9: {  	_ =	swait.ge [sflag:s25], $0x800  }
0xaa: {  	[sflag:s25] =	ssyncset.done $0x0  }
0xab: {  	s17 =	rddreg [dreg:$0x14];
	[sflag:s25] =	ssyncadd.s32 $0xFFFFF800  }
0xac: {  	[spmem:s17] =	stream.linear.scatter [tilespmem:s26], [sflag:$0xB], $0x800, $0x38;
	[tilespmem:$0x1F800] =	vst v63  }
0xad: {  	_ =	swait.ge [sflag:s25], $0x800  }
0xae: {  	[sflag:s25] =	ssyncset.done $0x0  }
0xaf: {  	s18 =	rddreg [dreg:$0x15];
	[sflag:s25] =	ssyncadd.s32 $0xFFFFF800  }
0xb0: {  	[spmem:s18] =	stream.linear.scatter [tilespmem:s26], [sflag:$0xB], $0x800, $0x38;
	[tilespmem:$0x1F800] =	vst v63  }
0xb1: {  	_ =	swait.ge [sflag:s25], $0x800  }
0xb2: {  	[sflag:s25] =	ssyncset.done $0x0  }
0xb3: {  	s20 =	rddreg [dreg:$0xb];
	[sflag:s25] =	ssyncadd.s32 $0xFFFFF800  }
0xb4: {  	[spmem:s20] =	stream.linear.scatter [tilespmem:s26], [sflag:$0xB], $0x800, $0x38;
	[tilespmem:$0x1F800] =	vst v63  }
0xb5: {  	_ =	swait.ge [sflag:s25], $0x800  }
0xb6: {  	[sflag:s25] =	ssyncset.done $0x0  }
0xb7: {  	s22 =	rddreg [dreg:$0x16];
	[sflag:s25] =	ssyncadd.s32 $0xFFFFF800  }
0xb8: {  	[spmem:s22] =	stream.linear.scatter [tilespmem:s26], [sflag:$0xB], $0x800, $0x38;
	[tilespmem:$0x1F800] =	vst v63  }
0xb9: {  	_ =	swait.ge [sflag:s25], $0x800  }
0xba: {  	[sflag:s25] =	ssyncset.done $0x0  }
0xbb: {  	s23 =	rddreg [dreg:$0x17];
	[sflag:s25] =	ssyncadd.s32 $0xFFFFF800  }
0xbc: {  	[spmem:s23] =	stream.linear.scatter [tilespmem:s26], [sflag:$0xB], $0x800, $0x38;
	[tilespmem:$0x1F800] =	vst v63  }
0xbd: {  	_ =	swait.ge [sflag:s25], $0x800  }
0xbe: {  	[sflag:s25] =	ssyncset.done $0x0  }
0xbf: {  	s24 =	rddreg [dreg:$0x18];
	[sflag:s25] =	ssyncadd.s32 $0xFFFFF800  }
0xc0: {  	[spmem:s24] =	stream.linear.scatter [tilespmem:s26], [sflag:$0xB], $0x800, $0x38;
	[tilespmem:$0x1F800] =	vst v63  }
0xc1: {  	_ =	swait.ge [sflag:s25], $0x800  }
0xc2: {  	[sflag:s25] =	ssyncset.done $0x0  }
0xc3: {  	s15 =	simm.s32 $0x40;
	s16 =	simm.s32 $0x0;
	[sflag:s25] =	ssyncadd.s32 $0xFFFFF800  }
.LBB2_4:
0xc4: {  	p2 =	sne.s32 s15, $0x1FC0;
	[tilespmem:s16+$0x1E800] =	vst v0;
	s16 =	smov.u32 s15;
	s15 =	sadd.s32 $0x40, s15  }
.Ltmp3:
0xc5: {  	(pc) =	sbr.rel @p2 .LBB2_4-.Ltmp3, $2  }
0xc6: {  	_ =	sdelay $0x2  }
0xc7: {  	s16 =	sshra.s32 s16, $0x2  }
0xc8: {  	[tilespmem:s16+$0x1E800] =	vst v0;
	s15 =	simm.s32 $0x40;
	s16 =	simm.s32 $0x0  }
.LBB2_6:
0xc9: {  	p2 =	sne.s32 s15, $0x1FC0;
	[tilespmem:s16+$0x1F000] =	vst v1;
	s16 =	smov.u32 s15;
	s15 =	sadd.s32 $0x40, s15  }
.Ltmp4:
0xca: {  	(pc) =	sbr.rel @p2 .LBB2_6-.Ltmp4, $2  }
0xcb: {  	_ =	sdelay $0x2  }
0xcc: {  	s16 =	sshra.s32 s16, $0x2  }
0xcd: {  	[tilespmem:s16+$0x1F000] =	vst v1  }
0xce: {  	[spmem:s30] =	stream.linear.scatter [tilespmem:s28], [sflag:$0xB], $0x800, $0x38;
	[tilespmem:$0x1F800] =	vst v63  }
0xcf: {  	_ =	swait.ge [sflag:s25], $0x800  }
0xd0: {  	[sflag:s25] =	ssyncset.done $0x0  }
0xd1: {  	s11 =	rddreg [dreg:$0x19];
	[sflag:s25] =	ssyncadd.s32 $0xFFFFF800  }
0xd2: {  	[spmem:s11] =	stream.linear.scatter [tilespmem:s28], [sflag:$0xB], $0x800, $0x38;
	[tilespmem:$0x1F800] =	vst v63  }
0xd3: {  	_ =	swait.ge [sflag:s25], $0x800  }
0xd4: {  	[sflag:s25] =	ssyncset.done $0x0  }
0xd5: {  	s17 =	rddreg [dreg:$0x1a];
	[sflag:s25] =	ssyncadd.s32 $0xFFFFF800  }
0xd6: {  	[spmem:s17] =	stream.linear.scatter [tilespmem:s28], [sflag:$0xB], $0x800, $0x38;
	[tilespmem:$0x1F800] =	vst v63  }
0xd7: {  	_ =	swait.ge [sflag:s25], $0x800  }
0xd8: {  	[sflag:s25] =	ssyncset.done $0x0  }
0xd9: {  	s18 =	rddreg [dreg:$0x1b];
	[sflag:s25] =	ssyncadd.s32 $0xFFFFF800  }
0xda: {  	[spmem:s18] =	stream.linear.scatter [tilespmem:s28], [sflag:$0xB], $0x800, $0x38;
	[tilespmem:$0x1F800] =	vst v63  }
0xdb: {  	_ =	swait.ge [sflag:s25], $0x800  }
0xdc: {  	[sflag:s25] =	ssyncset.done $0x0  }
0xdd: {  	s20 =	rddreg [dreg:$0x1c];
	[sflag:s25] =	ssyncadd.s32 $0xFFFFF800  }
0xde: {  	[spmem:s20] =	stream.linear.scatter [tilespmem:s28], [sflag:$0xB], $0x800, $0x38;
	[tilespmem:$0x1F800] =	vst v63  }
0xdf: {  	_ =	swait.ge [sflag:s25], $0x800  }
0xe0: {  	[sflag:s25] =	ssyncset.done $0x0  }
0xe1: {  	[sflag:s25] =	ssyncadd.s32 $0xFFFFF800  }
0xe2: {  	[bflag:$0x0] =	sbarrier.arrive $0xFFFF  }
0xe3: {  	s15 =	simm.s32 $0x0;
	s22 =	simm.s32 $0x16800;
	s23 =	sld [smem:$0x7FD]  }
0xe4: {  	[tilespmem:s22], [sflag:$0x7] =	stream.linear.gather [hbm4b:s29+s15], $0x600, $0x38;
	[tilespmem:$0x1F800] =	vst v63  }
0xe5: {  	s17 =	simm.s32 $0x17400  }
0xe6: {  	[tilespmem:s17], [sflag:$0x7] =	stream.linear.gather [hbm4b:s23+s15], $0x600, $0x38;
	[tilespmem:$0x1F800] =	vst v63  }
0xe7: {  	_ =	swait.ge [sflag:s31], $0x600  }
0xe8: {  	[sflag:s31] =	ssyncset.done $0x0  }
.Ltmp5:
0xe9: {  	[sflag:s31] =	ssyncadd.s32 $0xFFFFFA00;
	(pc) =	sbr.rel .LBB2_8-.Ltmp5, $4  }
0xea: {  	_ =	swait.ge [sflag:s31], $0x600  }
0xeb: {  	[sflag:s31] =	ssyncset.done $0x0  }
0xec: {  	s24 =	simm.s32 $0x18000;
	[sflag:s31] =	ssyncadd.s32 $0xFFFFFA00  }
0xed: {  	[tilespmem:s24], [sflag:$0x1] =	stream.indirect.gather [spmem:s2], $0x40, s22, s3, $0xb8;
	[tilespmem:$0x1F800] =	vst v63  }
.LBB2_9:
0xee: {  	s17 =	smul.u32 $0xC, s23  }
0xef: {  	s18 =	sand.u32 $0x1, s23  }
0xf0: {  	s24 =	smul.u32 $0x600, s18;
	s17 =	sadd.s32 s19, s17  }
0xf1: {  	s17 =	sshll.u32 s17, $0x4  }
0xf2: {  	s18 =	sadd.s32 $0x7, s18;
	s20 =	sor.u32 $0x16800, s24;
	s11 =	sadd.s32 s1, s17  }
0xf3: {  	[tilespmem:s20], [sflag:s18] =	stream.linear.gather [hbm4b:s11+s7], $0x600, $0x38;
	[tilespmem:$0x1F800] =	vst v63  }
0xf4: {  	s24 =	sadd.s32 $0x17400, s24;
	s17 =	sadd.s32 s17, s21  }
0xf5: {  	[tilespmem:s24], [sflag:s18] =	stream.linear.gather [hbm4b:s17+s7], $0x600, $0x38;
	[tilespmem:$0x1F800] =	vst v63  }
0xf6: {  	s17 =	sadd.s32 $0x1, s15  }
.LBB2_12:
0xf7: {  	s11 =	sadd.s32 $0xFFFFFFFE, s15  }
0xf8: {  	s18 =	sand.u32 $0xFF, s11  }
0xf9: {  	s18 =	smul.u32 $0xAB, s18;
	_ =	sdelay $0x1  }
0xfa: {  	s18 =	sshrl.u32 s18, $0xB  }
0xfb: {  	s18 =	smul.u32 $0xC, s18;
	_ =	sdelay $0x1  }
0xfc: {  	s11 =	ssub.s32 s11, s18  }
0xfd: {  	s18 =	sand.u32 $0xFF, s11  }
0xfe: {  	s18 =	smul.u32 $0x56, s18;
	_ =	sdelay $0x1  }
0xff: {  	s18 =	sshrl.u32 s18, $0x8  }
0x100: {  	s18 =	smul.u32 $0x3, s18;
	_ =	sdelay $0x1  }
0x101: {  	s11 =	ssub.s32 s11, s18  }
0x102: {  	s11 =	sor.u32 $0x4, s11  }
0x103: {  	s11 =	sand.u32 $0xFF, s11  }
0x104: {  	_ =	swait.ge [sflag:s11], $0x2000  }
0x105: {  	[sflag:s11] =	ssyncset.done $0x0  }
0x106: {  	[sflag:s11] =	ssyncadd.s32 $0xFFFFE000  }
.LBB2_13:
0x107: {  	s11 =	sand.u32 $0xFF, s17  }
0x108: {  	s11 =	smul.u32 $0xAB, s11;
	_ =	sdelay $0x1  }
0x109: {  	s11 =	sshrl.u32 s11, $0xB  }
0x10a: {  	s18 =	smul.u32 $0xC, s11;
	_ =	sdelay $0x1  }
0x10b: {  	s18 =	ssub.s32 s17, s18  }
0x10c: {  	s20 =	sand.u32 $0xFF, s18  }
0x10d: {  	p2 =	sne.s32 s20, $0x0;
	s24 =	smul.u32 $0xAB, s20  }
0x10e: {  	s11 =	sand.u32 $0x1, s11;
	s23 =	sand.u32 @!p2 $0x1, s23  }
0x10f: {  	p3 =	seq.s32 s11, $0x1;
	s23 =	sadd.s32 @!p2 $0x7, s23;
	s24 =	sshrl.u32 s24, $0x9  }
0x110: {  	s11 =	simm.s32 $0x600;
	_ =	swait.ge @!p2 [sflag:s23], $0x600;
	s24 =	smul.u32 $0x3, s24  }
0x111: {  	s11 =	simm.s32 @!p3 $0x0;
	[sflag:s23] =	ssyncset.done @!p2 $0x0  }
0x112: {  	s20 =	sshll.u32 s20, $0x7;
	[sflag:s23] =	ssyncadd.s32 @!p2 $0xFFFFFA00;
	s18 =	ssub.s32 s18, s24  }
0x113: {  	s11 =	sadd.s32 s20, s11;
	_ =	swait.ge @!p2 [sflag:s23], $0x600;
	s18 =	sand.u32 $0xFF, s18  }
0x114: {  	s11 =	sadd.s32 $0x16800, s11;
	[sflag:s23] =	ssyncset.done @!p2 $0x0;
	s24 =	sshll.u32 s18, $0xD  }
0x115: {  	s18 =	sadd.s32 $0x1, s18;
	[sflag:s23] =	ssyncadd.s32 @!p2 $0xFFFFFA00;
	s24 =	sor.u32 $0x18000, s24  }
0x116: {  	[tilespmem:s24], [sflag:s18] =	stream.indirect.gather [spmem:s2], $0x40, s11, s3, $0xb8;
	[tilespmem:$0x1F800] =	vst v63  }
.LBB2_14:
0x117: {  	s11 =	sand.u32 $0xFF, s22  }
0x118: {  	s18 =	smul.u32 $0xAB, s11;
	_ =	sdelay $0x1  }
0x119: {  	s18 =	sshrl.u32 s18, $0x9  }
0x11a: {  	s18 =	smul.u32 $0x3, s18  }
0x11b: {  	s16 =	sand.u32 $0x1, s16  }
0x11c: {  	p2 =	seq.s32 s16, $0x1;
	s16 =	simm.s32 $0x600;
	s18 =	ssub.s32 s22, s18  }
0x11d: {  	s11 =	sshll.u32 s11, $0x7;
	s16 =	simm.s32 @!p2 $0x0;
	s18 =	sand.u32 $0xFF, s18  }
0x11e: {  	s11 =	sadd.s32 s11, s16;
	s24 =	sadd.s32 $0x1, s18  }
0x11f: {  	s11 =	sadd.s32 $0x17400, s11;
	_ =	swait.ge [sflag:s24], $0x2000  }
0x120: {  	s20 =	sshll.u32 s18, $0xD;
	s23 =	sor.u32 $0x4, s18;
	[sflag:s24] =	ssyncset.done $0x0  }
0x121: {  	s20 =	sor.u32 $0x18000, s20;
	[sflag:s24] =	ssyncadd.s32 $0xFFFFE000;
	s24 =	sand.u32 $0x1, s15  }
0x122: {  	[spmem:s4] =	stream.indirect.scatter.add.f32 [tilespmem:s20], [sflag:s23], $0x40, s11, s3, $0xb8;
	[tilespmem:$0x1F800] =	vst v63  }
0x123: {  	p2 =	sne.s32 s24, s6  }
0x124: {  	p3 =	slt.u32 @!p2 s15, $0x2  }
0x125: {  	p3 =	por p3, p2  }
0x126: {  	s15 =	simm.s32 @!p3 $0x9  }
0x127: {  	_ =	swait.ge @!p3 [sflag:s15], $0x800  }
0x128: {  	[sflag:s15] =	ssyncset.done @!p3 $0x0  }
0x129: {  	s16 =	simm.s32 @!p2 $0x1F000;
	[sflag:s15] =	ssyncadd.s32 @!p3 $0xFFFFF800;
	s15 =	simm.s32 @!p2 $0x80  }
0x12a: {  	[spmem:s5] =	stream.indirect.scatter.add.f32 @!p2 [tilespmem:s16], [sflag:$0x9], $0x10, s11, s15, $0xb8;
	[tilespmem:$0x1F800] =	vst v63  }
0x12b: {  	p2 =	slt.u32 s17, $0x9C  }
.Ltmp6:
0x12c: {  	_ = 	snop;
	(pc) =	sbr.rel @!p2 .LBB2_15-.Ltmp6, $2  }
0x12d: {  	_ =	sdelay $0x2  }
0x12e: {  	s15 =	smov.u32 s17  }
.LBB2_8:
0x12f: {  	s16 =	smul.u32 $0xAB, s15;
	_ =	sdelay $0x1  }
0x130: {  	s16 =	sshrl.u32 s16, $0xB  }
0x131: {  	s16 =	sand.u32 $0x1F, s16  }
0x132: {  	s17 =	smul.u32 $0xC, s16;
	_ =	sdelay $0x1  }
0x133: {  	p2 =	sgt.u32 s15, $0x8F;
	s22 =	ssub.s32 s15, s17  }
0x134: {  	s17 =	sand.u32 @!p2 $0xFF, s22  }
0x135: {  	p3 =	sne.s32 @!p2 s17, $0x3  }
0x136: {  	p2 =	por p2, p3  }
.Ltmp7:
0x137: {  	_ = 	snop;
	(pc) =	sbr.rel @!p2 .LBB2_9-.Ltmp7, $2  }
0x138: {  	_ =	sdelay $0x2  }
0x139: {  	s23 =	sadd.s32 $0x1, s16  }
0x13a: {  	p2 =	seq.s32 s15, $0x9B  }
.Ltmp8:
0x13b: {  	_ = 	snop;
	(pc) =	sbr.rel @p2 .LBB2_14-.Ltmp8, $2  }
0x13c: {  	_ =	sdelay $0x2  }
0x13d: {  	s17 =	simm.s32 $0x9C  }
0x13e: {  	p2 =	slt.u32 s15, $0x2  }
.Ltmp9:
0x13f: {  	_ = 	snop;
	(pc) =	sbr.rel @p2 .LBB2_13-.Ltmp9, $4  }
.Ltmp10:
0x140: {  	_ = 	snop;
	(pc) =	sbr.rel @!p2 .LBB2_12-.Ltmp10, $4  }
0x141: {  	_ = 	snop  }
0x142: {  	_ = 	snop  }
0x143: {  	s17 =	sadd.s32 $0x1, s15  }
0x144: {  	_ = 	snop  }
.LBB2_16:
0x145: {  	_ =	sfence.sel $0x180000  }
0x146: {  	[bflag:$0x0] =	sbarrier.arrive $0xFFFF  }
0x147: {  	_ =	strace $0x90000047  }
0x148: {  	s0 =	stileid.u32;
	[bflag:$0x2] =	sbarrier.arrive $0xFFFF  }
0x149: {  	p0 =	sne.s32 s0, $0x0;
	s0 =	rddreg [dreg:$0x5]  }
0x14a: {  	s0 =	sadd.s32 @!p0 $0x100000, s0  }
0x14b: {  	[sflag:s0] =	ssyncadd.tile.s32 @!p0 $0x1;
	_ =	shalt  }
.Lfunc_end2:
_tile_overlayer_lowered:
.L_overlay_start_2:
0x14c: {  	(tag) =	ssettag $0x2  }
0x14d: {  	s0 =	rddreg [dreg:$0x0];
	s2 =	stileid.u32  }
0x14e: {  	s1 =	rddreg [dreg:$0x1];
	p0 =	sne.s32 s2, $0x0  }
0x14f: {  	s3 =	rddreg [dreg:$0x2];
	[bflag:$0x3] =	sbarrier.arrive $0xFFFF;
	s2 =	simm.s32 @!p0 $0x1C0B  }
0x150: {  	[timem:s3], [sflag:s2] =	dma.local @!p0 [hbm:s0], s1  }
0x151: {  	s0 =	simm.s32 @!p0 $0xB  }
0x152: {  	_ =	swait.ge @!p0 [sflag:s0], s1  }
0x153: {  	s1 =	ssub.s32 @!p0 $0x0, s1;
	[sflag:s0] =	ssyncset.done @!p0 $0x0  }
0x154: {  	[sflag:s0] =	ssyncadd.s32 @!p0 s1  }
0x155: {  	[bflag:$0x3] =	sbarrier.arrive $0xFFFF  }
0x156: {  	_ =	shalt  }

</sc_bundles>
